<compile_context>
chip_gen: v7x
topology: tpu7x:2x2x1
jax: 0.10.2.dev20260603
libtpu: 0.0.44.dev20260713+nightly
codegen_flags: <defaults>
</compile_context>

<pallas_src>
import functools

import jax
import jax.numpy as jnp
from jax import lax
from jax.experimental import pallas as pl
from jax.experimental.pallas import tpu as pltpu
from jax.experimental.pallas import tpu_sc as plsc

N = 10000
D = 128
E = 160000
S = 5
NC, NS = 2, 16
NW = NC * NS
NPAD = 10240
NODES_W = NPAD // NW
UNIT = 16
UNITS = NODES_W // UNIT
UF, US = 32, 8
NBUF = 4
ECOLS = E // 128
CB = ECOLS // NS
EMAX = (CB + 1) * 128
ZCH = NPAD // NS


def _sc_body(subtok_hbm, table_hbm, dsta_hbm, dstn_hbm,
             mean_hbm, hasa_hbm, hasn_hbm,
             idx_v, rows0, rows1, rows2, rows3,
             acc0, acc1, acc2, acc3,
             eidx_v, ones_v, zeros_v, shared_v,
             g0, g1, g2, g3, o0, o1, o2, o3, sem2):
    rows = [rows0, rows1, rows2, rows3]
    accs = [acc0, acc1, acc2, acc3]
    gsem = [g0, g1, g2, g3]
    osem = [o0, o1, o2, o3]
    c = lax.axis_index("c")
    s = lax.axis_index("s")
    w = s * NC + c

    def zv(k, ck):
        zeros_v[pl.ds(k * 16, 16)] = jnp.zeros((16,), jnp.float32)
        return ck

    lax.fori_loop(0, ZCH // 16, zv, 0)
    ones_v[...] = jnp.ones((16,), jnp.float32)
    pltpu.sync_copy(zeros_v, shared_v.at[pl.ds(s * ZCH, ZCH)])

    ecol = CB * s + jnp.minimum(s, 2)
    edge_hbm = [dsta_hbm, dstn_hbm]
    for cc in range(NC):
        @pl.when((c == cc) & (s < 2))
        def _():
            pltpu.sync_copy(edge_hbm[cc].at[:, pl.ds(ecol * 128, (CB + 1) * 128)],
                            eidx_v)

        @pl.when((c == cc) & (s >= 2))
        def _():
            pltpu.sync_copy(edge_hbm[cc].at[:, pl.ds(ecol * 128, CB * 128)],
                            eidx_v.at[:, pl.ds(0, CB * 128)])

    plsc.subcore_barrier()
    myevr = jnp.where(s < 2, (CB + 1) * 8, CB * 8)

    def smask(j, cj):
        ev = eidx_v[1, pl.ds(j * 16, 16)]
        pltpu.async_copy(ones_v, shared_v.at[ev], sem2, add=True)
        return cj

    lax.fori_loop(0, myevr, smask, 0)

    myunits = jnp.where(c == 0, UF, US)
    base_n = s * (UF + US) * UNIT + c * UF * UNIT

    @pl.when(c == 0)
    def _():
        pltpu.sync_copy(subtok_hbm.at[pl.ds(base_n * S, UF * UNIT * S)],
                        idx_v.at[pl.ds(0, UF * UNIT * S)])

    @pl.when(c == 1)
    def _():
        pltpu.sync_copy(subtok_hbm.at[pl.ds(base_n * S, US * UNIT * S)],
                        idx_v.at[pl.ds(0, US * UNIT * S)])

    def fire(u, b):
        for j in range(S):
            tok = idx_v[pl.ds(u * (S * UNIT) + j * 16, 16)]
            pltpu.async_copy(table_hbm.at[tok],
                             rows[b].at[pl.ds(j * 16, 16)], gsem[b])

    for b in range(NBUF):
        fire(b, b)

    def drain_gather(b):
        for j in range(S):
            pltpu.make_async_copy(table_hbm.at[idx_v[pl.ds(0, 16)]],
                                  rows[b].at[pl.ds(0, 16)], gsem[b]).wait()

    def group_body(g5, carry):
        g = g5 * NBUF
        for b in range(NBUF):
            u = g + b
            drain_gather(b)
            base = base_n + u * UNIT

            @pl.when(g5 > 0)
            def _():
                pltpu.make_async_copy(accs[b], mean_hbm.at[pl.ds(0, UNIT)],
                                      osem[b]).wait()

            r = rows[b]
            acc = accs[b]

            def node_body(n, _n):
                m = 5 * n
                for v in range(D // 16):
                    col = pl.ds(v * 16, 16)
                    acc[n, col] = (r[m, col] + r[m + 1, col] + r[m + 2, col]
                                   + r[m + 3, col] + r[m + 4, col])
                return _n

            lax.fori_loop(0, UNIT, node_body, 0)

            pltpu.async_copy(accs[b], mean_hbm.at[pl.ds(base, UNIT)], osem[b])
            un = u + NBUF

            @pl.when(un < myunits)
            def _():
                fire(un, b)
        return carry

    lax.fori_loop(0, myunits // NBUF, group_body, 0)

    for b in range(NBUF):
        pltpu.make_async_copy(accs[b], mean_hbm.at[pl.ds(0, UNIT)],
                              osem[b]).wait()

    def drain_mask(j, cj):
        pltpu.make_async_copy(ones_v, shared_v.at[pl.ds(0, 16)], sem2).wait()
        return cj

    lax.fori_loop(0, myevr, drain_mask, 0)
    plsc.subcore_barrier()
    out_slice = pl.ds(s * ZCH, ZCH)

    @pl.when(c == 0)
    def _():
        pltpu.sync_copy(shared_v.at[out_slice], hasa_hbm.at[out_slice])

    @pl.when(c == 1)
    def _():
        pltpu.sync_copy(shared_v.at[out_slice], hasn_hbm.at[out_slice])


@functools.cache
def _make_sc_call():
    return pl.kernel(
        _sc_body,
        out_type=(
            jax.ShapeDtypeStruct((NPAD, D), jnp.float32),
            jax.ShapeDtypeStruct((NPAD,), jnp.float32),
            jax.ShapeDtypeStruct((NPAD,), jnp.float32),
        ),
        mesh=plsc.VectorSubcoreMesh(core_axis_name="c", subcore_axis_name="s",
                                    num_cores=NC, num_subcores=NS),
        scratch_types=(
            [pltpu.VMEM((UF * UNIT * S,), jnp.int32)]
            + [pltpu.VMEM((S * UNIT, D), jnp.float32) for _ in range(NBUF)]
            + [pltpu.VMEM((UNIT, D), jnp.float32) for _ in range(NBUF)]
            + [
                pltpu.VMEM((2, EMAX), jnp.int32),
                pltpu.VMEM((16,), jnp.float32),
                pltpu.VMEM((ZCH,), jnp.float32),
                pltpu.VMEM_SHARED((NPAD,), jnp.float32),
            ]
            + [pltpu.SemaphoreType.DMA for _ in range(2 * NBUF + 1)]
        ),
    )


def _tc_body(sum_ref, sub_ref, ha_ref, hn_ref, wnode_ref, wa1_ref, wn1_ref,
             wa2_ref, wn2_ref, wih1_ref, whh1_ref, wih2_ref, whh2_ref,
             bih1_ref, bhh1_ref, bih2_ref, bhh2_ref, out_ref):
    f32 = jnp.float32

    def dot(x, wt):
        return lax.dot_general(x.astype(jnp.bfloat16), wt.astype(jnp.bfloat16),
                               (((1,), (1,)), ((), ())),
                               preferred_element_type=f32)

    cnt = jnp.sum((sub_ref[...] > 0).astype(f32), axis=1, keepdims=True)
    mean = sum_ref[...] / jnp.maximum(cnt, 1.0)
    h0 = dot(mean, wnode_ref[...])
    ha = ha_ref[...] > 0.0
    hn = hn_ref[...] > 0.0

    def gf_of(state, wa, wn):
        a = jnp.where(ha, dot(state, wa), 0.0)
        b = jnp.where(hn, dot(state, wn), 0.0)
        return jnp.maximum(a, b)

    def gru_steps(gi, h, whh, bhh):
        i_r, i_z, i_n = gi[:, :128], gi[:, 128:256], gi[:, 256:]
        for _ in range(2):
            gh = dot(h, whh) + bhh
            r = jax.nn.sigmoid(i_r + gh[:, :128])
            z = jax.nn.sigmoid(i_z + gh[:, 128:256])
            nn_ = jnp.tanh(i_n + r * gh[:, 256:])
            h = (1.0 - z) * nn_ + z * h
        return h

    gf1 = gf_of(h0, wa1_ref[...], wn1_ref[...])
    gi1 = dot(gf1, wih1_ref[...]) + bih1_ref[...]
    h1 = gru_steps(gi1, h0, whh1_ref[...], bhh1_ref[...])

    gf2 = gf_of(h1, wa2_ref[...], wn2_ref[...])
    gi2 = (dot(h0, wih2_ref[:, :128]) + dot(gf2, wih2_ref[:, 128:])
           + bih2_ref[...])
    out_ref[...] = gru_steps(gi2, h1, whh2_ref[...], bhh2_ref[...])


BN = 2000


def _make_tc_call(interpret=False):
    blk = lambda i: (i, 0)
    fix = lambda i: (0, 0)
    return pl.pallas_call(
        _tc_body,
        grid=(N // BN,),
        in_specs=[
            pl.BlockSpec((BN, D), blk),
            pl.BlockSpec((BN, 8), blk),
            pl.BlockSpec((BN, 1), blk),
            pl.BlockSpec((BN, 1), blk),
            pl.BlockSpec((D, D), fix),
            pl.BlockSpec((D, D), fix),
            pl.BlockSpec((D, D), fix),
            pl.BlockSpec((D, D), fix),
            pl.BlockSpec((D, D), fix),
            pl.BlockSpec((3 * D, D), fix),
            pl.BlockSpec((3 * D, D), fix),
            pl.BlockSpec((3 * D, 2 * D), fix),
            pl.BlockSpec((3 * D, D), fix),
            pl.BlockSpec((1, 3 * D), fix),
            pl.BlockSpec((1, 3 * D), fix),
            pl.BlockSpec((1, 3 * D), fix),
            pl.BlockSpec((1, 3 * D), fix),
        ],
        out_specs=pl.BlockSpec((BN, D), blk),
        out_shape=jax.ShapeDtypeStruct((N, D), jnp.float32),
        interpret=interpret,
    )


_tc_call = _make_tc_call()


def kernel(subtokens, edge_index_ast, edge_index_ncs, emb_table, W_node,
           W_ast1, W_ncs1, W_ast2, W_ncs2,
           w_ih1, w_hh1, b_ih1, b_hh1,
           w_ih2, w_hh2, b_ih2, b_hh2):
    sub = subtokens.astype(jnp.int32)
    sub_p = jnp.pad(sub, ((0, NPAD - N), (0, 0))).reshape(NPAD * S)
    sub8 = jnp.pad(sub, ((0, 0), (0, 8 - S)))
    esum, hasa, hasn = _make_sc_call()(sub_p, emb_table,
                                       edge_index_ast, edge_index_ncs)

    return _tc_call(esum, sub8,
                    hasa.reshape(NPAD, 1), hasn.reshape(NPAD, 1),
                    W_node, W_ast1, W_ncs1, W_ast2, W_ncs2,
                    w_ih1, w_hh1, w_ih2, w_hh2,
                    b_ih1.reshape(1, -1), b_hh1.reshape(1, -1),
                    b_ih2.reshape(1, -1), b_hh2.reshape(1, -1))

# --- scband reference (transcript-rebuilt; emitter-appended) ---
"""Pipeline reference for scband-typilus-15693810499781 (READ-ONLY COPY).

The authoritative reference and input builder live on the scoring server;
editing this copy changes nothing except your own understanding.
"""

import jax, jax.numpy as jnp
import numpy as np

N = 10000
VOCAB = 100000
D = 128
H = 128
E_PER_TYPE = 160000
TIMESTEPS = [2, 2]


def _segment_max_zero(msg, dst, n):
    # DGL builtin max reducer: nodes with no incoming edges get 0, others get true max
    agg = jnp.full((n, msg.shape[1]), -jnp.inf, msg.dtype).at[dst].max(msg)
    has = jnp.zeros((n,), dtype=bool).at[dst].set(True)
    return jnp.where(has[:, None], agg, jnp.zeros_like(agg))


def _gru_cell(x, h, w_ih, w_hh, b_ih, b_hh):
    gi = x @ w_ih.T + b_ih
    gh = h @ w_hh.T + b_hh
    i_r, i_z, i_n = jnp.split(gi, 3, axis=-1)
    h_r, h_z, h_n = jnp.split(gh, 3, axis=-1)
    r = jax.nn.sigmoid(i_r + h_r)
    z = jax.nn.sigmoid(i_z + h_z)
    nn_ = jnp.tanh(i_n + r * h_n)
    return (1.0 - z) * nn_ + z * h


def setup_inputs(seed: int = 0) -> dict:
    key = jax.random.key(seed)
    ks = [jax.random.fold_in(key, i) for i in range(32)]
    subtokens = jax.random.randint(ks[0], (N, 5), 0, VOCAB)
    edge_index_ast = jax.random.randint(ks[1], (2, E_PER_TYPE), 0, N)
    edge_index_ncs = jax.random.randint(ks[2], (2, E_PER_TYPE), 0, N)
    emb_table = jax.random.normal(ks[3], (VOCAB, D), dtype=jnp.float32) * 0.02
    emb_table = emb_table.at[0].set(0.0)  # padding_idx row
    s = 1.0 / np.sqrt(D)
    W_node = jax.random.uniform(ks[4], (D, D), jnp.float32, -s, s)
    W_ast1 = jax.random.uniform(ks[5], (D, D), jnp.float32, -s, s)
    W_ncs1 = jax.random.uniform(ks[6], (D, D), jnp.float32, -s, s)
    W_ast2 = jax.random.uniform(ks[7], (D, D), jnp.float32, -s, s)
    W_ncs2 = jax.random.uniform(ks[8], (D, D), jnp.float32, -s, s)
    sh = 1.0 / np.sqrt(H)
    w_ih1 = jax.random.uniform(ks[9], (3 * H, D), jnp.float32, -sh, sh)
    w_hh1 = jax.random.uniform(ks[10], (3 * H, H), jnp.float32, -sh, sh)
    b_ih1 = jax.random.uniform(ks[11], (3 * H,), jnp.float32, -sh, sh)
    b_hh1 = jax.random.uniform(ks[12], (3 * H,), jnp.float32, -sh, sh)
    w_ih2 = jax.random.uniform(ks[13], (3 * H, D + H), jnp.float32, -sh, sh)
    w_hh2 = jax.random.uniform(ks[14], (3 * H, H), jnp.float32, -sh, sh)
    b_ih2 = jax.random.uniform(ks[15], (3 * H,), jnp.float32, -sh, sh)
    b_hh2 = jax.random.uniform(ks[16], (3 * H,), jnp.float32, -sh, sh)
    return {
        "subtokens": subtokens,
        "edge_index_ast": edge_index_ast,
        "edge_index_ncs": edge_index_ncs,
        "emb_table": emb_table,
        "W_node": W_node,
        "W_ast1": W_ast1,
        "W_ncs1": W_ncs1,
        "W_ast2": W_ast2,
        "W_ncs2": W_ncs2,
        "w_ih1": w_ih1,
        "w_hh1": w_hh1,
        "b_ih1": b_ih1,
        "b_hh1": b_hh1,
        "w_ih2": w_ih2,
        "w_hh2": w_hh2,
        "b_ih2": b_ih2,
        "b_hh2": b_hh2,
    }


def _ggnn(state, Ws, edge_indices, gru, residual, T):
    # NOTE: faithful to the original: edge features are computed from graph.ndata[prev_key],
    # which is NOT updated inside the timestep loop; only the GRU hidden state evolves.
    h = state
    w_ih, w_hh, b_ih, b_hh = gru
    n = state.shape[0]
    for _ in range(T):
        aggs = []
        for W, ei in zip(Ws, edge_indices):
            dst = ei[1]
            # edge_func: Linear(edges.dst[prev_key]) -> message sent along edge, max-reduced at dst
            msg = jnp.take(state, dst, axis=0) @ W.T
            aggs.append(_segment_max_zero(msg, dst, n))
        gf = jnp.stack(aggs, axis=1).max(axis=1)
        if residual is not None:
            gf = jnp.concatenate([residual, gf], axis=-1)
        h = _gru_cell(gf, h, w_ih, w_hh, b_ih, b_hh)
    return h


def reference(subtokens, edge_index_ast, edge_index_ncs, emb_table, W_node,
              W_ast1, W_ncs1, W_ast2, W_ncs2,
              w_ih1, w_hh1, b_ih1, b_hh1,
              w_ih2, w_hh2, b_ih2, b_hh2):
    node_emb = jnp.take(emb_table, subtokens, axis=0)  # [N, 5, D]
    lens = (subtokens > 0).sum(axis=-1, keepdims=True).astype(node_emb.dtype)
    lens = jnp.maximum(lens, 1.0)
    h0 = node_emb.sum(axis=1) / lens
    h0 = h0 @ W_node.T  # node_layer (dropout is identity in eval)
    h1 = _ggnn(h0, (W_ast1, W_ncs1), (edge_index_ast, edge_index_ncs),
               (w_ih1, w_hh1, b_ih1, b_hh1), None, TIMESTEPS[0])
    h2 = _ggnn(h1, (W_ast2, W_ncs2), (edge_index_ast, edge_index_ncs),
               (w_ih2, w_hh2, b_ih2, b_hh2), h0, TIMESTEPS[1])
    return h2

if __name__ == "__main__":
    import jax
    _d = setup_inputs()
    print(jax.jit(kernel)(*tuple(_d.values())))

</pallas_src>

<mosaic_0001>
#map = affine_map<(d0, d1) -> (0)>
#map1 = affine_map<(d0, d1) -> (0, 0)>
module attributes {stable_mosaic.version = 14 : i64} {
  func.func @_sc_body(%arg0: i32, %arg1: i32, %arg2: memref<51200xi32, #tpu.memory_space<hbm>>, %arg3: memref<100000x128xf32, #tpu.memory_space<hbm>>, %arg4: memref<2x160000xi32, #tpu.memory_space<hbm>>, %arg5: memref<2x160000xi32, #tpu.memory_space<hbm>>, %arg6: memref<10240x128xf32, #tpu.memory_space<hbm>>, %arg7: memref<10240xf32, #tpu.memory_space<hbm>>, %arg8: memref<10240xf32, #tpu.memory_space<hbm>>, %arg9: memref<2560xi32, #tpu.memory_space<vmem>>, %arg10: memref<80x128xf32, #tpu.memory_space<vmem>>, %arg11: memref<80x128xf32, #tpu.memory_space<vmem>>, %arg12: memref<80x128xf32, #tpu.memory_space<vmem>>, %arg13: memref<80x128xf32, #tpu.memory_space<vmem>>, %arg14: memref<16x128xf32, #tpu.memory_space<vmem>>, %arg15: memref<16x128xf32, #tpu.memory_space<vmem>>, %arg16: memref<16x128xf32, #tpu.memory_space<vmem>>, %arg17: memref<16x128xf32, #tpu.memory_space<vmem>>, %arg18: memref<2x10112xi32, #tpu.memory_space<vmem>>, %arg19: memref<16xf32, #tpu.memory_space<vmem>>, %arg20: memref<640xf32, #tpu.memory_space<vmem>>, %arg21: memref<10240xf32, #tpu.memory_space<vmem_shared>>, %arg22: memref<!tpu.dma_semaphore, #tpu.memory_space<semaphore_mem>>, %arg23: memref<!tpu.dma_semaphore, #tpu.memory_space<semaphore_mem>>, %arg24: memref<!tpu.dma_semaphore, #tpu.memory_space<semaphore_mem>>, %arg25: memref<!tpu.dma_semaphore, #tpu.memory_space<semaphore_mem>>, %arg26: memref<!tpu.dma_semaphore, #tpu.memory_space<semaphore_mem>>, %arg27: memref<!tpu.dma_semaphore, #tpu.memory_space<semaphore_mem>>, %arg28: memref<!tpu.dma_semaphore, #tpu.memory_space<semaphore_mem>>, %arg29: memref<!tpu.dma_semaphore, #tpu.memory_space<semaphore_mem>>, %arg30: memref<!tpu.dma_semaphore, #tpu.memory_space<semaphore_mem>>) attributes {dimension_semantics = [#tpu.dimension_semantics<core_parallel>, #tpu.dimension_semantics<subcore_parallel>], iteration_bounds = array<i64: 2, 16>, scalar_prefetch = 0 : i64, scratch_operands = 22 : i64, tpu.core_type = #tpu.core_type<sc_vector_subcore>, window_params = [{transform_indices = #map}, {transform_indices = #map1}, {transform_indices = #map1}, {transform_indices = #map1}, {transform_indices = #map1}, {transform_indices = #map}, {transform_indices = #map}]} {
    %mul3A = arith.constant 2 : i32
    %mul3A_0 = arith.muli %arg1, %mul3A : i32
    %add3A = arith.addi %mul3A_0, %arg0 : i32
    %scan3A = arith.constant 0 : i32
    %scan3A_1 = arith.constant 0 : i32
    %scan3A_2 = arith.constant 40 : i32
    %scan3A_3 = arith.addi %scan3A_1, %scan3A_2 : i32
    %scan3A_4 = arith.constant 1 : i32
    scf.for %scan3A_331 = %scan3A_1 to %scan3A_3 step %scan3A_4  : i32 {
      %broadcast_in_dim3A_332 = arith.constant 0.000000e+00 : f32
      %broadcast_in_dim3A_333 = vector.broadcast %broadcast_in_dim3A_332 : f32 to vector<16xf32>
      %mul3A_334 = arith.constant 16 : i32
      %mul3A_335 = arith.muli %scan3A_331, %mul3A_334 : i32
      %swap3A_336 = arith.index_cast %mul3A_335 : i32 to index
      %swap3A_337 = tpu.vector_load %arg20[%swap3A_336] {strides = array<i32>} : memref<640xf32, #tpu.memory_space<vmem>>, vector<16xf32>,
      %swap3A_338 = vector.shape_cast %swap3A_337 : vector<16xf32> to vector<16xf32>
      %swap3A_339 = vector.shape_cast %broadcast_in_dim3A_333 : vector<16xf32> to vector<16xf32>
      tpu.vector_store %arg20[%swap3A_336], %swap3A_339 {strides = array<i32>} : memref<640xf32, #tpu.memory_space<vmem>>, vector<16xf32>,
    }
    %scan3A_5 = arith.constant 40 : i32
    %broadcast_in_dim3A = arith.constant 1.000000e+00 : f32
    %broadcast_in_dim3A_6 = vector.broadcast %broadcast_in_dim3A : f32 to vector<16xf32>
    %swap3A = arith.constant 0 : index
    %swap3A_7 = tpu.vector_load %arg19[%swap3A] {strides = array<i32>} : memref<16xf32, #tpu.memory_space<vmem>>, vector<16xf32>,
    %swap3A_8 = vector.shape_cast %swap3A_7 : vector<16xf32> to vector<16xf32>
    %swap3A_9 = vector.shape_cast %broadcast_in_dim3A_6 : vector<16xf32> to vector<16xf32>
    tpu.vector_store %arg19[%swap3A], %swap3A_9 {strides = array<i32>} : memref<16xf32, #tpu.memory_space<vmem>>, vector<16xf32>,
    %mul3A_10 = arith.constant 640 : i32
    %mul3A_11 = arith.muli %arg1, %mul3A_10 : i32
    "tpu.region"() ({
      %run_scoped3A = tpu.sem_alloc : memref<!tpu.dma_semaphore, #tpu.memory_space<semaphore_mem>>
      %dma_start3A_331 = tpu.memref_slice %arg21[%mul3A_11] : memref<10240xf32, #tpu.memory_space<vmem_shared>> -> memref<640xf32, #tpu.memory_space<vmem_shared>>
      %dma_start3A_332 = tpu.memref_slice %arg21[%mul3A_11] : memref<10240xf32, #tpu.memory_space<vmem_shared>> -> memref<640xf32, #tpu.memory_space<vmem_shared>>
      tpu.enqueue_dma source(%arg20 : memref<640xf32, #tpu.memory_space<vmem>>) target(%dma_start3A_332 : memref<640xf32, #tpu.memory_space<vmem_shared>>) target_semaphore(%run_scoped3A : memref<!tpu.dma_semaphore, #tpu.memory_space<semaphore_mem>>)
      %dma_wait3A_333 = tpu.memref_slice %arg21[%mul3A_11] : memref<10240xf32, #tpu.memory_space<vmem_shared>> -> memref<640xf32, #tpu.memory_space<vmem_shared>>
      %dma_wait3A_334 = tpu.memref_slice %arg21[%mul3A_11] : memref<10240xf32, #tpu.memory_space<vmem_shared>> -> memref<640xf32, #tpu.memory_space<vmem_shared>>
      tpu.wait_dma2 semaphore(%run_scoped3A : memref<!tpu.dma_semaphore, #tpu.memory_space<semaphore_mem>>) src(%arg20 : memref<640xf32, #tpu.memory_space<vmem>>) dst(%dma_wait3A_334 : memref<640xf32, #tpu.memory_space<vmem_shared>>)
      tpu.yield
    }) : () -> ()
    %mul3A_12 = arith.constant 78 : i32
    %mul3A_13 = arith.muli %mul3A_12, %arg1 : i32
    %min3A = arith.constant 2 : i32
    %min3A_14 = arith.minsi %arg1, %min3A : i32
    %add3A_15 = arith.addi %mul3A_13, %min3A_14 : i32
    %eq3A = arith.constant 0 : i32
    %eq3A_16 = arith.cmpi eq, %arg0, %eq3A : i32
    %lt3A = arith.constant 2 : i32
    %lt3A_17 = arith.cmpi slt, %arg1, %lt3A : i32
    %and3A = arith.andi %eq3A_16, %lt3A_17 : i1
    %convert_element_type3A = arith.extui %and3A : i1 to i32
    %cond3A = arith.constant 0 : i32
    %cond3A_18 = arith.cmpi ne, %convert_element_type3A, %cond3A : i32
    scf.if %cond3A_18 {
      %mul3A_331 = arith.constant 128 : i32
      %mul3A_332 = arith.muli %add3A_15, %mul3A_331 : i32
      "tpu.region"() ({
        %run_scoped3A = tpu.sem_alloc : memref<!tpu.dma_semaphore, #tpu.memory_space<semaphore_mem>>
        %dma_start3A_333 = arith.constant 0 : i32
        %dma_start3A_334 = tpu.memref_slice %arg4[%dma_start3A_333, %mul3A_332] : memref<2x160000xi32, #tpu.memory_space<hbm>> -> memref<2x10112xi32, #tpu.memory_space<hbm>>
        %dma_start3A_335 = arith.constant 0 : i32
        %dma_start3A_336 = tpu.memref_slice %arg4[%dma_start3A_335, %mul3A_332] : memref<2x160000xi32, #tpu.memory_space<hbm>> -> memref<2x10112xi32, #tpu.memory_space<hbm>>
        tpu.enqueue_dma source(%dma_start3A_336 : memref<2x10112xi32, #tpu.memory_space<hbm>>) target(%arg18 : memref<2x10112xi32, #tpu.memory_space<vmem>>) target_semaphore(%run_scoped3A : memref<!tpu.dma_semaphore, #tpu.memory_space<semaphore_mem>>)
        %dma_wait3A_337 = arith.constant 0 : i32
        %dma_wait3A_338 = tpu.memref_slice %arg4[%dma_wait3A_337, %mul3A_332] : memref<2x160000xi32, #tpu.memory_space<hbm>> -> memref<2x10112xi32, #tpu.memory_space<hbm>>
        %dma_wait3A_339 = arith.constant 0 : i32
        %dma_wait3A_340 = tpu.memref_slice %arg4[%dma_wait3A_339, %mul3A_332] : memref<2x160000xi32, #tpu.memory_space<hbm>> -> memref<2x10112xi32, #tpu.memory_space<hbm>>
        tpu.wait_dma2 semaphore(%run_scoped3A : memref<!tpu.dma_semaphore, #tpu.memory_space<semaphore_mem>>) src(%dma_wait3A_340 : memref<2x10112xi32, #tpu.memory_space<hbm>>) dst(%arg18 : memref<2x10112xi32, #tpu.memory_space<vmem>>)
        tpu.yield
      }) : () -> ()
    } else {
    }
    %eq3A_19 = arith.constant 0 : i32
    %eq3A_20 = arith.cmpi eq, %arg0, %eq3A_19 : i32
    %ge3A = arith.constant 2 : i32
    %ge3A_21 = arith.cmpi sge, %arg1, %ge3A : i32
    %and3A_22 = arith.andi %eq3A_20, %ge3A_21 : i1
    %convert_element_type3A_23 = arith.extui %and3A_22 : i1 to i32
    %cond3A_24 = arith.constant 0 : i32
    %cond3A_25 = arith.cmpi ne, %convert_element_type3A_23, %cond3A_24 : i32
    scf.if %cond3A_25 {
      %mul3A_331 = arith.constant 128 : i32
      %mul3A_332 = arith.muli %add3A_15, %mul3A_331 : i32
      "tpu.region"() ({
        %run_scoped3A = tpu.sem_alloc : memref<!tpu.dma_semaphore, #tpu.memory_space<semaphore_mem>>
        %dma_start3A_333 = arith.constant 0 : i32
        %dma_start3A_334 = arith.constant 0 : i32
        %dma_start3A_335 = tpu.memref_slice %arg18[%dma_start3A_333, %dma_start3A_334] : memref<2x10112xi32, #tpu.memory_space<vmem>> -> memref<2x9984xi32, #tpu.memory_space<vmem>>
        %dma_start3A_336 = arith.constant 0 : i32
        %dma_start3A_337 = tpu.memref_slice %arg4[%dma_start3A_336, %mul3A_332] : memref<2x160000xi32, #tpu.memory_space<hbm>> -> memref<2x9984xi32, #tpu.memory_space<hbm>>
        %dma_start3A_338 = arith.constant 0 : i32
        %dma_start3A_339 = arith.constant 0 : i32
        %dma_start3A_340 = tpu.memref_slice %arg18[%dma_start3A_338, %dma_start3A_339] : memref<2x10112xi32, #tpu.memory_space<vmem>> -> memref<2x9984xi32, #tpu.memory_space<vmem>>
        %dma_start3A_341 = arith.constant 0 : i32
        %dma_start3A_342 = tpu.memref_slice %arg4[%dma_start3A_341, %mul3A_332] : memref<2x160000xi32, #tpu.memory_space<hbm>> -> memref<2x9984xi32, #tpu.memory_space<hbm>>
        tpu.enqueue_dma source(%dma_start3A_342 : memref<2x9984xi32, #tpu.memory_space<hbm>>) target(%dma_start3A_340 : memref<2x9984xi32, #tpu.memory_space<vmem>>) target_semaphore(%run_scoped3A : memref<!tpu.dma_semaphore, #tpu.memory_space<semaphore_mem>>)
        %dma_wait3A_343 = arith.constant 0 : i32
        %dma_wait3A_344 = arith.constant 0 : i32
        %dma_wait3A_345 = tpu.memref_slice %arg18[%dma_wait3A_343, %dma_wait3A_344] : memref<2x10112xi32, #tpu.memory_space<vmem>> -> memref<2x9984xi32, #tpu.memory_space<vmem>>
        %dma_wait3A_346 = arith.constant 0 : i32
        %dma_wait3A_347 = tpu.memref_slice %arg4[%dma_wait3A_346, %mul3A_332] : memref<2x160000xi32, #tpu.memory_space<hbm>> -> memref<2x9984xi32, #tpu.memory_space<hbm>>
        %dma_wait3A_348 = arith.constant 0 : i32
        %dma_wait3A_349 = arith.constant 0 : i32
        %dma_wait3A_350 = tpu.memref_slice %arg18[%dma_wait3A_348, %dma_wait3A_349] : memref<2x10112xi32, #tpu.memory_space<vmem>> -> memref<2x9984xi32, #tpu.memory_space<vmem>>
        %dma_wait3A_351 = arith.constant 0 : i32
        %dma_wait3A_352 = tpu.memref_slice %arg4[%dma_wait3A_351, %mul3A_332] : memref<2x160000xi32, #tpu.memory_space<hbm>> -> memref<2x9984xi32, #tpu.memory_space<hbm>>
        tpu.wait_dma2 semaphore(%run_scoped3A : memref<!tpu.dma_semaphore, #tpu.memory_space<semaphore_mem>>) src(%dma_wait3A_352 : memref<2x9984xi32, #tpu.memory_space<hbm>>) dst(%dma_wait3A_350 : memref<2x9984xi32, #tpu.memory_space<vmem>>)
        tpu.yield
      }) : () -> ()
    } else {
    }
    %eq3A_26 = arith.constant 1 : i32
    %eq3A_27 = arith.cmpi eq, %arg0, %eq3A_26 : i32
    %lt3A_28 = arith.constant 2 : i32
    %lt3A_29 = arith.cmpi slt, %arg1, %lt3A_28 : i32
    %and3A_30 = arith.andi %eq3A_27, %lt3A_29 : i1
    %convert_element_type3A_31 = arith.extui %and3A_30 : i1 to i32
    %cond3A_32 = arith.constant 0 : i32
    %cond3A_33 = arith.cmpi ne, %convert_element_type3A_31, %cond3A_32 : i32
    scf.if %cond3A_33 {
      %mul3A_331 = arith.constant 128 : i32
      %mul3A_332 = arith.muli %add3A_15, %mul3A_331 : i32
      "tpu.region"() ({
        %run_scoped3A = tpu.sem_alloc : memref<!tpu.dma_semaphore, #tpu.memory_space<semaphore_mem>>
        %dma_start3A_333 = arith.constant 0 : i32
        %dma_start3A_334 = tpu.memref_slice %arg5[%dma_start3A_333, %mul3A_332] : memref<2x160000xi32, #tpu.memory_space<hbm>> -> memref<2x10112xi32, #tpu.memory_space<hbm>>
        %dma_start3A_335 = arith.constant 0 : i32
        %dma_start3A_336 = tpu.memref_slice %arg5[%dma_start3A_335, %mul3A_332] : memref<2x160000xi32, #tpu.memory_space<hbm>> -> memref<2x10112xi32, #tpu.memory_space<hbm>>
        tpu.enqueue_dma source(%dma_start3A_336 : memref<2x10112xi32, #tpu.memory_space<hbm>>) target(%arg18 : memref<2x10112xi32, #tpu.memory_space<vmem>>) target_semaphore(%run_scoped3A : memref<!tpu.dma_semaphore, #tpu.memory_space<semaphore_mem>>)
        %dma_wait3A_337 = arith.constant 0 : i32
        %dma_wait3A_338 = tpu.memref_slice %arg5[%dma_wait3A_337, %mul3A_332] : memref<2x160000xi32, #tpu.memory_space<hbm>> -> memref<2x10112xi32, #tpu.memory_space<hbm>>
        %dma_wait3A_339 = arith.constant 0 : i32
        %dma_wait3A_340 = tpu.memref_slice %arg5[%dma_wait3A_339, %mul3A_332] : memref<2x160000xi32, #tpu.memory_space<hbm>> -> memref<2x10112xi32, #tpu.memory_space<hbm>>
        tpu.wait_dma2 semaphore(%run_scoped3A : memref<!tpu.dma_semaphore, #tpu.memory_space<semaphore_mem>>) src(%dma_wait3A_340 : memref<2x10112xi32, #tpu.memory_space<hbm>>) dst(%arg18 : memref<2x10112xi32, #tpu.memory_space<vmem>>)
        tpu.yield
      }) : () -> ()
    } else {
    }
    %eq3A_34 = arith.constant 1 : i32
    %eq3A_35 = arith.cmpi eq, %arg0, %eq3A_34 : i32
    %ge3A_36 = arith.constant 2 : i32
    %ge3A_37 = arith.cmpi sge, %arg1, %ge3A_36 : i32
    %and3A_38 = arith.andi %eq3A_35, %ge3A_37 : i1
    %convert_element_type3A_39 = arith.extui %and3A_38 : i1 to i32
    %cond3A_40 = arith.constant 0 : i32
    %cond3A_41 = arith.cmpi ne, %convert_element_type3A_39, %cond3A_40 : i32
    scf.if %cond3A_41 {
      %mul3A_331 = arith.constant 128 : i32
      %mul3A_332 = arith.muli %add3A_15, %mul3A_331 : i32
      "tpu.region"() ({
        %run_scoped3A = tpu.sem_alloc : memref<!tpu.dma_semaphore, #tpu.memory_space<semaphore_mem>>
        %dma_start3A_333 = arith.constant 0 : i32
        %dma_start3A_334 = arith.constant 0 : i32
        %dma_start3A_335 = tpu.memref_slice %arg18[%dma_start3A_333, %dma_start3A_334] : memref<2x10112xi32, #tpu.memory_space<vmem>> -> memref<2x9984xi32, #tpu.memory_space<vmem>>
        %dma_start3A_336 = arith.constant 0 : i32
        %dma_start3A_337 = tpu.memref_slice %arg5[%dma_start3A_336, %mul3A_332] : memref<2x160000xi32, #tpu.memory_space<hbm>> -> memref<2x9984xi32, #tpu.memory_space<hbm>>
        %dma_start3A_338 = arith.constant 0 : i32
        %dma_start3A_339 = arith.constant 0 : i32
        %dma_start3A_340 = tpu.memref_slice %arg18[%dma_start3A_338, %dma_start3A_339] : memref<2x10112xi32, #tpu.memory_space<vmem>> -> memref<2x9984xi32, #tpu.memory_space<vmem>>
        %dma_start3A_341 = arith.constant 0 : i32
        %dma_start3A_342 = tpu.memref_slice %arg5[%dma_start3A_341, %mul3A_332] : memref<2x160000xi32, #tpu.memory_space<hbm>> -> memref<2x9984xi32, #tpu.memory_space<hbm>>
        tpu.enqueue_dma source(%dma_start3A_342 : memref<2x9984xi32, #tpu.memory_space<hbm>>) target(%dma_start3A_340 : memref<2x9984xi32, #tpu.memory_space<vmem>>) target_semaphore(%run_scoped3A : memref<!tpu.dma_semaphore, #tpu.memory_space<semaphore_mem>>)
        %dma_wait3A_343 = arith.constant 0 : i32
        %dma_wait3A_344 = arith.constant 0 : i32
        %dma_wait3A_345 = tpu.memref_slice %arg18[%dma_wait3A_343, %dma_wait3A_344] : memref<2x10112xi32, #tpu.memory_space<vmem>> -> memref<2x9984xi32, #tpu.memory_space<vmem>>
        %dma_wait3A_346 = arith.constant 0 : i32
        %dma_wait3A_347 = tpu.memref_slice %arg5[%dma_wait3A_346, %mul3A_332] : memref<2x160000xi32, #tpu.memory_space<hbm>> -> memref<2x9984xi32, #tpu.memory_space<hbm>>
        %dma_wait3A_348 = arith.constant 0 : i32
        %dma_wait3A_349 = arith.constant 0 : i32
        %dma_wait3A_350 = tpu.memref_slice %arg18[%dma_wait3A_348, %dma_wait3A_349] : memref<2x10112xi32, #tpu.memory_space<vmem>> -> memref<2x9984xi32, #tpu.memory_space<vmem>>
        %dma_wait3A_351 = arith.constant 0 : i32
        %dma_wait3A_352 = tpu.memref_slice %arg5[%dma_wait3A_351, %mul3A_332] : memref<2x160000xi32, #tpu.memory_space<hbm>> -> memref<2x9984xi32, #tpu.memory_space<hbm>>
        tpu.wait_dma2 semaphore(%run_scoped3A : memref<!tpu.dma_semaphore, #tpu.memory_space<semaphore_mem>>) src(%dma_wait3A_352 : memref<2x9984xi32, #tpu.memory_space<hbm>>) dst(%dma_wait3A_350 : memref<2x9984xi32, #tpu.memory_space<vmem>>)
        tpu.yield
      }) : () -> ()
    } else {
    }
    %barrier3A = arith.constant 0 : index
    tpu.barrier barrier_id(%barrier3A)
    %lt3A_42 = arith.constant 2 : i32
    %lt3A_43 = arith.cmpi slt, %arg1, %lt3A_42 : i32
    %jit3A = arith.constant 632 : i32
    %jit3A_44 = arith.constant 624 : i32
    %select_n3A = arith.select %lt3A_43, %jit3A, %jit3A_44 : i32
    %while3A = arith.constant 0 : i32
    %while3A_45 = arith.constant 0 : i32
    %while3A_46 = arith.subi %select_n3A, %while3A_45 : i32
    %while3A_47 = arith.addi %while3A_45, %while3A_46 : i32
    %while3A_48 = arith.constant 1 : i32
    %while3A_49 = arith.divsi %while3A_46, %while3A_48 : i32
    %while3A_50 = arith.muli %while3A_49, %while3A_48 : i32
    %while3A_51 = arith.addi %while3A_45, %while3A_50 : i32
    %while3A_52 = arith.constant 1 : i32
    scf.for %while3A_331 = %while3A_45 to %while3A_51 step %while3A_52  : i32 {
      %mul3A_332 = arith.constant 16 : i32
      %mul3A_333 = arith.muli %while3A_331, %mul3A_332 : i32
      %get3A_334 = arith.constant 1 : i32
      %get3A_335 = arith.index_cast %get3A_334 : i32 to index
      %get3A_336 = arith.index_cast %mul3A_333 : i32 to index
      %get3A_337 = tpu.vector_load %arg18[%get3A_335, %get3A_336] {strides = array<i32>} : memref<2x10112xi32, #tpu.memory_space<vmem>>, vector<1x16xi32>,
      %get3A_338 = vector.shape_cast %get3A_337 : vector<1x16xi32> to vector<16xi32>
      %dma_start3A_339 = arith.constant 0 : i32
      %dma_start3A_340 = tpu.memref_slice %arg21[%dma_start3A_339] : memref<10240xf32, #tpu.memory_space<vmem_shared>> -> memref<10240xf32, #tpu.memory_space<vmem_shared>>
      tpu.enqueue_indirect_dma source(%arg19 : memref<16xf32, #tpu.memory_space<vmem>>) target(%dma_start3A_340 : memref<10240xf32, #tpu.memory_space<vmem_shared>>) offsets(%get3A_338 : vector<16xi32>) semaphore(%arg30 : memref<!tpu.dma_semaphore, #tpu.memory_space<semaphore_mem>>) {add = true}
    }
    %while3A_53 = arith.constant 1 : i32
    scf.for %while3A_331 = %while3A_51 to %while3A_47 step %while3A_53  : i32 {
      %mul3A_332 = arith.constant 16 : i32
      %mul3A_333 = arith.muli %while3A_331, %mul3A_332 : i32
      %get3A_334 = arith.constant 1 : i32
      %get3A_335 = arith.index_cast %get3A_334 : i32 to index
      %get3A_336 = arith.index_cast %mul3A_333 : i32 to index
      %get3A_337 = tpu.vector_load %arg18[%get3A_335, %get3A_336] {strides = array<i32>} : memref<2x10112xi32, #tpu.memory_space<vmem>>, vector<1x16xi32>,
      %get3A_338 = vector.shape_cast %get3A_337 : vector<1x16xi32> to vector<16xi32>
      %dma_start3A_339 = arith.constant 0 : i32
      %dma_start3A_340 = tpu.memref_slice %arg21[%dma_start3A_339] : memref<10240xf32, #tpu.memory_space<vmem_shared>> -> memref<10240xf32, #tpu.memory_space<vmem_shared>>
      tpu.enqueue_indirect_dma source(%arg19 : memref<16xf32, #tpu.memory_space<vmem>>) target(%dma_start3A_340 : memref<10240xf32, #tpu.memory_space<vmem_shared>>) offsets(%get3A_338 : vector<16xi32>) semaphore(%arg30 : memref<!tpu.dma_semaphore, #tpu.memory_space<semaphore_mem>>) {add = true}
    }
    %eq3A_54 = arith.constant 0 : i32
    %eq3A_55 = arith.cmpi eq, %arg0, %eq3A_54 : i32
    %jit3A_56 = arith.constant 32 : i32
    %jit3A_57 = arith.constant 8 : i32
    %select_n3A_58 = arith.select %eq3A_55, %jit3A_56, %jit3A_57 : i32
    %mul3A_59 = arith.constant 40 : i32
    %mul3A_60 = arith.muli %arg1, %mul3A_59 : i32
    %mul3A_61 = arith.constant 16 : i32
    %mul3A_62 = arith.muli %mul3A_60, %mul3A_61 : i32
    %mul3A_63 = arith.constant 32 : i32
    %mul3A_64 = arith.muli %arg0, %mul3A_63 : i32
    %mul3A_65 = arith.constant 16 : i32
    %mul3A_66 = arith.muli %mul3A_64, %mul3A_65 : i32
    %add3A_67 = arith.addi %mul3A_62, %mul3A_66 : i32
    %eq3A_68 = arith.constant 0 : i32
    %eq3A_69 = arith.cmpi eq, %arg0, %eq3A_68 : i32
    %convert_element_type3A_70 = arith.extui %eq3A_69 : i1 to i32
    %cond3A_71 = arith.constant 0 : i32
    %cond3A_72 = arith.cmpi ne, %convert_element_type3A_70, %cond3A_71 : i32
    scf.if %cond3A_72 {
      %mul3A_331 = arith.constant 5 : i32
      %mul3A_332 = arith.muli %add3A_67, %mul3A_331 : i32
      "tpu.region"() ({
        %run_scoped3A = tpu.sem_alloc : memref<!tpu.dma_semaphore, #tpu.memory_space<semaphore_mem>>
        %dma_start3A_333 = arith.constant 0 : i32
        %dma_start3A_334 = tpu.memref_slice %arg9[%dma_start3A_333] : memref<2560xi32, #tpu.memory_space<vmem>> -> memref<2560xi32, #tpu.memory_space<vmem>>
        %dma_start3A_335 = tpu.memref_slice %arg2[%mul3A_332] : memref<51200xi32, #tpu.memory_space<hbm>> -> memref<2560xi32, #tpu.memory_space<hbm>>
        %dma_start3A_336 = arith.constant 0 : i32
        %dma_start3A_337 = tpu.memref_slice %arg9[%dma_start3A_336] : memref<2560xi32, #tpu.memory_space<vmem>> -> memref<2560xi32, #tpu.memory_space<vmem>>
        %dma_start3A_338 = tpu.memref_slice %arg2[%mul3A_332] : memref<51200xi32, #tpu.memory_space<hbm>> -> memref<2560xi32, #tpu.memory_space<hbm>>
        tpu.enqueue_dma source(%dma_start3A_338 : memref<2560xi32, #tpu.memory_space<hbm>>) target(%dma_start3A_337 : memref<2560xi32, #tpu.memory_space<vmem>>) target_semaphore(%run_scoped3A : memref<!tpu.dma_semaphore, #tpu.memory_space<semaphore_mem>>)
        %dma_wait3A_339 = arith.constant 0 : i32
        %dma_wait3A_340 = tpu.memref_slice %arg9[%dma_wait3A_339] : memref<2560xi32, #tpu.memory_space<vmem>> -> memref<2560xi32, #tpu.memory_space<vmem>>
        %dma_wait3A_341 = tpu.memref_slice %arg2[%mul3A_332] : memref<51200xi32, #tpu.memory_space<hbm>> -> memref<2560xi32, #tpu.memory_space<hbm>>
        %dma_wait3A_342 = arith.constant 0 : i32
        %dma_wait3A_343 = tpu.memref_slice %arg9[%dma_wait3A_342] : memref<2560xi32, #tpu.memory_space<vmem>> -> memref<2560xi32, #tpu.memory_space<vmem>>
        %dma_wait3A_344 = tpu.memref_slice %arg2[%mul3A_332] : memref<51200xi32, #tpu.memory_space<hbm>> -> memref<2560xi32, #tpu.memory_space<hbm>>
        tpu.wait_dma2 semaphore(%run_scoped3A : memref<!tpu.dma_semaphore, #tpu.memory_space<semaphore_mem>>) src(%dma_wait3A_344 : memref<2560xi32, #tpu.memory_space<hbm>>) dst(%dma_wait3A_343 : memref<2560xi32, #tpu.memory_space<vmem>>)
        tpu.yield
      }) : () -> ()
    } else {
    }
    %eq3A_73 = arith.constant 1 : i32
    %eq3A_74 = arith.cmpi eq, %arg0, %eq3A_73 : i32
    %convert_element_type3A_75 = arith.extui %eq3A_74 : i1 to i32
    %cond3A_76 = arith.constant 0 : i32
    %cond3A_77 = arith.cmpi ne, %convert_element_type3A_75, %cond3A_76 : i32
    scf.if %cond3A_77 {
      %mul3A_331 = arith.constant 5 : i32
      %mul3A_332 = arith.muli %add3A_67, %mul3A_331 : i32
      "tpu.region"() ({
        %run_scoped3A = tpu.sem_alloc : memref<!tpu.dma_semaphore, #tpu.memory_space<semaphore_mem>>
        %dma_start3A_333 = arith.constant 0 : i32
        %dma_start3A_334 = tpu.memref_slice %arg9[%dma_start3A_333] : memref<2560xi32, #tpu.memory_space<vmem>> -> memref<640xi32, #tpu.memory_space<vmem>>
        %dma_start3A_335 = tpu.memref_slice %arg2[%mul3A_332] : memref<51200xi32, #tpu.memory_space<hbm>> -> memref<640xi32, #tpu.memory_space<hbm>>
        %dma_start3A_336 = arith.constant 0 : i32
        %dma_start3A_337 = tpu.memref_slice %arg9[%dma_start3A_336] : memref<2560xi32, #tpu.memory_space<vmem>> -> memref<640xi32, #tpu.memory_space<vmem>>
        %dma_start3A_338 = tpu.memref_slice %arg2[%mul3A_332] : memref<51200xi32, #tpu.memory_space<hbm>> -> memref<640xi32, #tpu.memory_space<hbm>>
        tpu.enqueue_dma source(%dma_start3A_338 : memref<640xi32, #tpu.memory_space<hbm>>) target(%dma_start3A_337 : memref<640xi32, #tpu.memory_space<vmem>>) target_semaphore(%run_scoped3A : memref<!tpu.dma_semaphore, #tpu.memory_space<semaphore_mem>>)
        %dma_wait3A_339 = arith.constant 0 : i32
        %dma_wait3A_340 = tpu.memref_slice %arg9[%dma_wait3A_339] : memref<2560xi32, #tpu.memory_space<vmem>> -> memref<640xi32, #tpu.memory_space<vmem>>
        %dma_wait3A_341 = tpu.memref_slice %arg2[%mul3A_332] : memref<51200xi32, #tpu.memory_space<hbm>> -> memref<640xi32, #tpu.memory_space<hbm>>
        %dma_wait3A_342 = arith.constant 0 : i32
        %dma_wait3A_343 = tpu.memref_slice %arg9[%dma_wait3A_342] : memref<2560xi32, #tpu.memory_space<vmem>> -> memref<640xi32, #tpu.memory_space<vmem>>
        %dma_wait3A_344 = tpu.memref_slice %arg2[%mul3A_332] : memref<51200xi32, #tpu.memory_space<hbm>> -> memref<640xi32, #tpu.memory_space<hbm>>
        tpu.wait_dma2 semaphore(%run_scoped3A : memref<!tpu.dma_semaphore, #tpu.memory_space<semaphore_mem>>) src(%dma_wait3A_344 : memref<640xi32, #tpu.memory_space<hbm>>) dst(%dma_wait3A_343 : memref<640xi32, #tpu.memory_space<vmem>>)
        tpu.yield
      }) : () -> ()
    } else {
    }
    %get3A = arith.constant 0 : index
    %get3A_78 = tpu.vector_load %arg9[%get3A] {strides = array<i32>} : memref<2560xi32, #tpu.memory_space<vmem>>, vector<16xi32>,
    %get3A_79 = vector.shape_cast %get3A_78 : vector<16xi32> to vector<16xi32>
    %dma_start3A = arith.constant 0 : i32
    %dma_start3A_80 = arith.constant 0 : i32
    %dma_start3A_81 = tpu.memref_slice %arg10[%dma_start3A, %dma_start3A_80] : memref<80x128xf32, #tpu.memory_space<vmem>> -> memref<16x128xf32, #tpu.memory_space<vmem>>
    %dma_start3A_82 = arith.constant 0 : i32
    %dma_start3A_83 = arith.constant 0 : i32
    %dma_start3A_84 = tpu.memref_slice %arg3[%dma_start3A_82, %dma_start3A_83] : memref<100000x128xf32, #tpu.memory_space<hbm>> -> memref<100000x128xf32, #tpu.memory_space<hbm>>
    tpu.enqueue_indirect_dma source(%dma_start3A_84 : memref<100000x128xf32, #tpu.memory_space<hbm>>) target(%dma_start3A_81 : memref<16x128xf32, #tpu.memory_space<vmem>>) offsets(%get3A_79 : vector<16xi32>) semaphore(%arg22 : memref<!tpu.dma_semaphore, #tpu.memory_space<semaphore_mem>>)
    %get3A_85 = arith.constant 16 : index
    %get3A_86 = tpu.vector_load %arg9[%get3A_85] {strides = array<i32>} : memref<2560xi32, #tpu.memory_space<vmem>>, vector<16xi32>,
    %get3A_87 = vector.shape_cast %get3A_86 : vector<16xi32> to vector<16xi32>
    %dma_start3A_88 = arith.constant 16 : i32
    %dma_start3A_89 = arith.constant 0 : i32
    %dma_start3A_90 = tpu.memref_slice %arg10[%dma_start3A_88, %dma_start3A_89] : memref<80x128xf32, #tpu.memory_space<vmem>> -> memref<16x128xf32, #tpu.memory_space<vmem>>
    %dma_start3A_91 = arith.constant 0 : i32
    %dma_start3A_92 = arith.constant 0 : i32
    %dma_start3A_93 = tpu.memref_slice %arg3[%dma_start3A_91, %dma_start3A_92] : memref<100000x128xf32, #tpu.memory_space<hbm>> -> memref<100000x128xf32, #tpu.memory_space<hbm>>
    tpu.enqueue_indirect_dma source(%dma_start3A_93 : memref<100000x128xf32, #tpu.memory_space<hbm>>) target(%dma_start3A_90 : memref<16x128xf32, #tpu.memory_space<vmem>>) offsets(%get3A_87 : vector<16xi32>) semaphore(%arg22 : memref<!tpu.dma_semaphore, #tpu.memory_space<semaphore_mem>>)
    %get3A_94 = arith.constant 32 : index
    %get3A_95 = tpu.vector_load %arg9[%get3A_94] {strides = array<i32>} : memref<2560xi32, #tpu.memory_space<vmem>>, vector<16xi32>,
    %get3A_96 = vector.shape_cast %get3A_95 : vector<16xi32> to vector<16xi32>
    %dma_start3A_97 = arith.constant 32 : i32
    %dma_start3A_98 = arith.constant 0 : i32
    %dma_start3A_99 = tpu.memref_slice %arg10[%dma_start3A_97, %dma_start3A_98] : memref<80x128xf32, #tpu.memory_space<vmem>> -> memref<16x128xf32, #tpu.memory_space<vmem>>
    %dma_start3A_100 = arith.constant 0 : i32
    %dma_start3A_101 = arith.constant 0 : i32
    %dma_start3A_102 = tpu.memref_slice %arg3[%dma_start3A_100, %dma_start3A_101] : memref<100000x128xf32, #tpu.memory_space<hbm>> -> memref<100000x128xf32, #tpu.memory_space<hbm>>
    tpu.enqueue_indirect_dma source(%dma_start3A_102 : memref<100000x128xf32, #tpu.memory_space<hbm>>) target(%dma_start3A_99 : memref<16x128xf32, #tpu.memory_space<vmem>>) offsets(%get3A_96 : vector<16xi32>) semaphore(%arg22 : memref<!tpu.dma_semaphore, #tpu.memory_space<semaphore_mem>>)
    %get3A_103 = arith.constant 48 : index
    %get3A_104 = tpu.vector_load %arg9[%get3A_103] {strides = array<i32>} : memref<2560xi32, #tpu.memory_space<vmem>>, vector<16xi32>,
    %get3A_105 = vector.shape_cast %get3A_104 : vector<16xi32> to vector<16xi32>
    %dma_start3A_106 = arith.constant 48 : i32
    %dma_start3A_107 = arith.constant 0 : i32
    %dma_start3A_108 = tpu.memref_slice %arg10[%dma_start3A_106, %dma_start3A_107] : memref<80x128xf32, #tpu.memory_space<vmem>> -> memref<16x128xf32, #tpu.memory_space<vmem>>
    %dma_start3A_109 = arith.constant 0 : i32
    %dma_start3A_110 = arith.constant 0 : i32
    %dma_start3A_111 = tpu.memref_slice %arg3[%dma_start3A_109, %dma_start3A_110] : memref<100000x128xf32, #tpu.memory_space<hbm>> -> memref<100000x128xf32, #tpu.memory_space<hbm>>
    tpu.enqueue_indirect_dma source(%dma_start3A_111 : memref<100000x128xf32, #tpu.memory_space<hbm>>) target(%dma_start3A_108 : memref<16x128xf32, #tpu.memory_space<vmem>>) offsets(%get3A_105 : vector<16xi32>) semaphore(%arg22 : memref<!tpu.dma_semaphore, #tpu.memory_space<semaphore_mem>>)
    %get3A_112 = arith.constant 64 : index
    %get3A_113 = tpu.vector_load %arg9[%get3A_112] {strides = array<i32>} : memref<2560xi32, #tpu.memory_space<vmem>>, vector<16xi32>,
    %get3A_114 = vector.shape_cast %get3A_113 : vector<16xi32> to vector<16xi32>
    %dma_start3A_115 = arith.constant 64 : i32
    %dma_start3A_116 = arith.constant 0 : i32
    %dma_start3A_117 = tpu.memref_slice %arg10[%dma_start3A_115, %dma_start3A_116] : memref<80x128xf32, #tpu.memory_space<vmem>> -> memref<16x128xf32, #tpu.memory_space<vmem>>
    %dma_start3A_118 = arith.constant 0 : i32
    %dma_start3A_119 = arith.constant 0 : i32
    %dma_start3A_120 = tpu.memref_slice %arg3[%dma_start3A_118, %dma_start3A_119] : memref<100000x128xf32, #tpu.memory_space<hbm>> -> memref<100000x128xf32, #tpu.memory_space<hbm>>
    tpu.enqueue_indirect_dma source(%dma_start3A_120 : memref<100000x128xf32, #tpu.memory_space<hbm>>) target(%dma_start3A_117 : memref<16x128xf32, #tpu.memory_space<vmem>>) offsets(%get3A_114 : vector<16xi32>) semaphore(%arg22 : memref<!tpu.dma_semaphore, #tpu.memory_space<semaphore_mem>>)
    %get3A_121 = arith.constant 80 : index
    %get3A_122 = tpu.vector_load %arg9[%get3A_121] {strides = array<i32>} : memref<2560xi32, #tpu.memory_space<vmem>>, vector<16xi32>,
    %get3A_123 = vector.shape_cast %get3A_122 : vector<16xi32> to vector<16xi32>
    %dma_start3A_124 = arith.constant 0 : i32
    %dma_start3A_125 = arith.constant 0 : i32
    %dma_start3A_126 = tpu.memref_slice %arg11[%dma_start3A_124, %dma_start3A_125] : memref<80x128xf32, #tpu.memory_space<vmem>> -> memref<16x128xf32, #tpu.memory_space<vmem>>
    %dma_start3A_127 = arith.constant 0 : i32
    %dma_start3A_128 = arith.constant 0 : i32
    %dma_start3A_129 = tpu.memref_slice %arg3[%dma_start3A_127, %dma_start3A_128] : memref<100000x128xf32, #tpu.memory_space<hbm>> -> memref<100000x128xf32, #tpu.memory_space<hbm>>
    tpu.enqueue_indirect_dma source(%dma_start3A_129 : memref<100000x128xf32, #tpu.memory_space<hbm>>) target(%dma_start3A_126 : memref<16x128xf32, #tpu.memory_space<vmem>>) offsets(%get3A_123 : vector<16xi32>) semaphore(%arg23 : memref<!tpu.dma_semaphore, #tpu.memory_space<semaphore_mem>>)
    %get3A_130 = arith.constant 96 : index
    %get3A_131 = tpu.vector_load %arg9[%get3A_130] {strides = array<i32>} : memref<2560xi32, #tpu.memory_space<vmem>>, vector<16xi32>,
    %get3A_132 = vector.shape_cast %get3A_131 : vector<16xi32> to vector<16xi32>
    %dma_start3A_133 = arith.constant 16 : i32
    %dma_start3A_134 = arith.constant 0 : i32
    %dma_start3A_135 = tpu.memref_slice %arg11[%dma_start3A_133, %dma_start3A_134] : memref<80x128xf32, #tpu.memory_space<vmem>> -> memref<16x128xf32, #tpu.memory_space<vmem>>
    %dma_start3A_136 = arith.constant 0 : i32
    %dma_start3A_137 = arith.constant 0 : i32
    %dma_start3A_138 = tpu.memref_slice %arg3[%dma_start3A_136, %dma_start3A_137] : memref<100000x128xf32, #tpu.memory_space<hbm>> -> memref<100000x128xf32, #tpu.memory_space<hbm>>
    tpu.enqueue_indirect_dma source(%dma_start3A_138 : memref<100000x128xf32, #tpu.memory_space<hbm>>) target(%dma_start3A_135 : memref<16x128xf32, #tpu.memory_space<vmem>>) offsets(%get3A_132 : vector<16xi32>) semaphore(%arg23 : memref<!tpu.dma_semaphore, #tpu.memory_space<semaphore_mem>>)
    %get3A_139 = arith.constant 112 : index
    %get3A_140 = tpu.vector_load %arg9[%get3A_139] {strides = array<i32>} : memref<2560xi32, #tpu.memory_space<vmem>>, vector<16xi32>,
    %get3A_141 = vector.shape_cast %get3A_140 : vector<16xi32> to vector<16xi32>
    %dma_start3A_142 = arith.constant 32 : i32
    %dma_start3A_143 = arith.constant 0 : i32
    %dma_start3A_144 = tpu.memref_slice %arg11[%dma_start3A_142, %dma_start3A_143] : memref<80x128xf32, #tpu.memory_space<vmem>> -> memref<16x128xf32, #tpu.memory_space<vmem>>
    %dma_start3A_145 = arith.constant 0 : i32
    %dma_start3A_146 = arith.constant 0 : i32
    %dma_start3A_147 = tpu.memref_slice %arg3[%dma_start3A_145, %dma_start3A_146] : memref<100000x128xf32, #tpu.memory_space<hbm>> -> memref<100000x128xf32, #tpu.memory_space<hbm>>
    tpu.enqueue_indirect_dma source(%dma_start3A_147 : memref<100000x128xf32, #tpu.memory_space<hbm>>) target(%dma_start3A_144 : memref<16x128xf32, #tpu.memory_space<vmem>>) offsets(%get3A_141 : vector<16xi32>) semaphore(%arg23 : memref<!tpu.dma_semaphore, #tpu.memory_space<semaphore_mem>>)
    %get3A_148 = arith.constant 128 : index
    %get3A_149 = tpu.vector_load %arg9[%get3A_148] {strides = array<i32>} : memref<2560xi32, #tpu.memory_space<vmem>>, vector<16xi32>,
    %get3A_150 = vector.shape_cast %get3A_149 : vector<16xi32> to vector<16xi32>
    %dma_start3A_151 = arith.constant 48 : i32
    %dma_start3A_152 = arith.constant 0 : i32
    %dma_start3A_153 = tpu.memref_slice %arg11[%dma_start3A_151, %dma_start3A_152] : memref<80x128xf32, #tpu.memory_space<vmem>> -> memref<16x128xf32, #tpu.memory_space<vmem>>
    %dma_start3A_154 = arith.constant 0 : i32
    %dma_start3A_155 = arith.constant 0 : i32
    %dma_start3A_156 = tpu.memref_slice %arg3[%dma_start3A_154, %dma_start3A_155] : memref<100000x128xf32, #tpu.memory_space<hbm>> -> memref<100000x128xf32, #tpu.memory_space<hbm>>
    tpu.enqueue_indirect_dma source(%dma_start3A_156 : memref<100000x128xf32, #tpu.memory_space<hbm>>) target(%dma_start3A_153 : memref<16x128xf32, #tpu.memory_space<vmem>>) offsets(%get3A_150 : vector<16xi32>) semaphore(%arg23 : memref<!tpu.dma_semaphore, #tpu.memory_space<semaphore_mem>>)
    %get3A_157 = arith.constant 144 : index
    %get3A_158 = tpu.vector_load %arg9[%get3A_157] {strides = array<i32>} : memref<2560xi32, #tpu.memory_space<vmem>>, vector<16xi32>,
    %get3A_159 = vector.shape_cast %get3A_158 : vector<16xi32> to vector<16xi32>
    %dma_start3A_160 = arith.constant 64 : i32
    %dma_start3A_161 = arith.constant 0 : i32
    %dma_start3A_162 = tpu.memref_slice %arg11[%dma_start3A_160, %dma_start3A_161] : memref<80x128xf32, #tpu.memory_space<vmem>> -> memref<16x128xf32, #tpu.memory_space<vmem>>
    %dma_start3A_163 = arith.constant 0 : i32
    %dma_start3A_164 = arith.constant 0 : i32
    %dma_start3A_165 = tpu.memref_slice %arg3[%dma_start3A_163, %dma_start3A_164] : memref<100000x128xf32, #tpu.memory_space<hbm>> -> memref<100000x128xf32, #tpu.memory_space<hbm>>
    tpu.enqueue_indirect_dma source(%dma_start3A_165 : memref<100000x128xf32, #tpu.memory_space<hbm>>) target(%dma_start3A_162 : memref<16x128xf32, #tpu.memory_space<vmem>>) offsets(%get3A_159 : vector<16xi32>) semaphore(%arg23 : memref<!tpu.dma_semaphore, #tpu.memory_space<semaphore_mem>>)
    %get3A_166 = arith.constant 160 : index
    %get3A_167 = tpu.vector_load %arg9[%get3A_166] {strides = array<i32>} : memref<2560xi32, #tpu.memory_space<vmem>>, vector<16xi32>,
    %get3A_168 = vector.shape_cast %get3A_167 : vector<16xi32> to vector<16xi32>
    %dma_start3A_169 = arith.constant 0 : i32
    %dma_start3A_170 = arith.constant 0 : i32
    %dma_start3A_171 = tpu.memref_slice %arg12[%dma_start3A_169, %dma_start3A_170] : memref<80x128xf32, #tpu.memory_space<vmem>> -> memref<16x128xf32, #tpu.memory_space<vmem>>
    %dma_start3A_172 = arith.constant 0 : i32
    %dma_start3A_173 = arith.constant 0 : i32
    %dma_start3A_174 = tpu.memref_slice %arg3[%dma_start3A_172, %dma_start3A_173] : memref<100000x128xf32, #tpu.memory_space<hbm>> -> memref<100000x128xf32, #tpu.memory_space<hbm>>
    tpu.enqueue_indirect_dma source(%dma_start3A_174 : memref<100000x128xf32, #tpu.memory_space<hbm>>) target(%dma_start3A_171 : memref<16x128xf32, #tpu.memory_space<vmem>>) offsets(%get3A_168 : vector<16xi32>) semaphore(%arg24 : memref<!tpu.dma_semaphore, #tpu.memory_space<semaphore_mem>>)
    %get3A_175 = arith.constant 176 : index
    %get3A_176 = tpu.vector_load %arg9[%get3A_175] {strides = array<i32>} : memref<2560xi32, #tpu.memory_space<vmem>>, vector<16xi32>,
    %get3A_177 = vector.shape_cast %get3A_176 : vector<16xi32> to vector<16xi32>
    %dma_start3A_178 = arith.constant 16 : i32
    %dma_start3A_179 = arith.constant 0 : i32
    %dma_start3A_180 = tpu.memref_slice %arg12[%dma_start3A_178, %dma_start3A_179] : memref<80x128xf32, #tpu.memory_space<vmem>> -> memref<16x128xf32, #tpu.memory_space<vmem>>
    %dma_start3A_181 = arith.constant 0 : i32
    %dma_start3A_182 = arith.constant 0 : i32
    %dma_start3A_183 = tpu.memref_slice %arg3[%dma_start3A_181, %dma_start3A_182] : memref<100000x128xf32, #tpu.memory_space<hbm>> -> memref<100000x128xf32, #tpu.memory_space<hbm>>
    tpu.enqueue_indirect_dma source(%dma_start3A_183 : memref<100000x128xf32, #tpu.memory_space<hbm>>) target(%dma_start3A_180 : memref<16x128xf32, #tpu.memory_space<vmem>>) offsets(%get3A_177 : vector<16xi32>) semaphore(%arg24 : memref<!tpu.dma_semaphore, #tpu.memory_space<semaphore_mem>>)
    %get3A_184 = arith.constant 192 : index
    %get3A_185 = tpu.vector_load %arg9[%get3A_184] {strides = array<i32>} : memref<2560xi32, #tpu.memory_space<vmem>>, vector<16xi32>,
    %get3A_186 = vector.shape_cast %get3A_185 : vector<16xi32> to vector<16xi32>
    %dma_start3A_187 = arith.constant 32 : i32
    %dma_start3A_188 = arith.constant 0 : i32
    %dma_start3A_189 = tpu.memref_slice %arg12[%dma_start3A_187, %dma_start3A_188] : memref<80x128xf32, #tpu.memory_space<vmem>> -> memref<16x128xf32, #tpu.memory_space<vmem>>
    %dma_start3A_190 = arith.constant 0 : i32
    %dma_start3A_191 = arith.constant 0 : i32
    %dma_start3A_192 = tpu.memref_slice %arg3[%dma_start3A_190, %dma_start3A_191] : memref<100000x128xf32, #tpu.memory_space<hbm>> -> memref<100000x128xf32, #tpu.memory_space<hbm>>
    tpu.enqueue_indirect_dma source(%dma_start3A_192 : memref<100000x128xf32, #tpu.memory_space<hbm>>) target(%dma_start3A_189 : memref<16x128xf32, #tpu.memory_space<vmem>>) offsets(%get3A_186 : vector<16xi32>) semaphore(%arg24 : memref<!tpu.dma_semaphore, #tpu.memory_space<semaphore_mem>>)
    %get3A_193 = arith.constant 208 : index
    %get3A_194 = tpu.vector_load %arg9[%get3A_193] {strides = array<i32>} : memref<2560xi32, #tpu.memory_space<vmem>>, vector<16xi32>,
    %get3A_195 = vector.shape_cast %get3A_194 : vector<16xi32> to vector<16xi32>
    %dma_start3A_196 = arith.constant 48 : i32
    %dma_start3A_197 = arith.constant 0 : i32
    %dma_start3A_198 = tpu.memref_slice %arg12[%dma_start3A_196, %dma_start3A_197] : memref<80x128xf32, #tpu.memory_space<vmem>> -> memref<16x128xf32, #tpu.memory_space<vmem>>
    %dma_start3A_199 = arith.constant 0 : i32
    %dma_start3A_200 = arith.constant 0 : i32
    %dma_start3A_201 = tpu.memref_slice %arg3[%dma_start3A_199, %dma_start3A_200] : memref<100000x128xf32, #tpu.memory_space<hbm>> -> memref<100000x128xf32, #tpu.memory_space<hbm>>
    tpu.enqueue_indirect_dma source(%dma_start3A_201 : memref<100000x128xf32, #tpu.memory_space<hbm>>) target(%dma_start3A_198 : memref<16x128xf32, #tpu.memory_space<vmem>>) offsets(%get3A_195 : vector<16xi32>) semaphore(%arg24 : memref<!tpu.dma_semaphore, #tpu.memory_space<semaphore_mem>>)
    %get3A_202 = arith.constant 224 : index
    %get3A_203 = tpu.vector_load %arg9[%get3A_202] {strides = array<i32>} : memref<2560xi32, #tpu.memory_space<vmem>>, vector<16xi32>,
    %get3A_204 = vector.shape_cast %get3A_203 : vector<16xi32> to vector<16xi32>
    %dma_start3A_205 = arith.constant 64 : i32
    %dma_start3A_206 = arith.constant 0 : i32
    %dma_start3A_207 = tpu.memref_slice %arg12[%dma_start3A_205, %dma_start3A_206] : memref<80x128xf32, #tpu.memory_space<vmem>> -> memref<16x128xf32, #tpu.memory_space<vmem>>
    %dma_start3A_208 = arith.constant 0 : i32
    %dma_start3A_209 = arith.constant 0 : i32
    %dma_start3A_210 = tpu.memref_slice %arg3[%dma_start3A_208, %dma_start3A_209] : memref<100000x128xf32, #tpu.memory_space<hbm>> -> memref<100000x128xf32, #tpu.memory_space<hbm>>
    tpu.enqueue_indirect_dma source(%dma_start3A_210 : memref<100000x128xf32, #tpu.memory_space<hbm>>) target(%dma_start3A_207 : memref<16x128xf32, #tpu.memory_space<vmem>>) offsets(%get3A_204 : vector<16xi32>) semaphore(%arg24 : memref<!tpu.dma_semaphore, #tpu.memory_space<semaphore_mem>>)
    %get3A_211 = arith.constant 240 : index
    %get3A_212 = tpu.vector_load %arg9[%get3A_211] {strides = array<i32>} : memref<2560xi32, #tpu.memory_space<vmem>>, vector<16xi32>,
    %get3A_213 = vector.shape_cast %get3A_212 : vector<16xi32> to vector<16xi32>
    %dma_start3A_214 = arith.constant 0 : i32
    %dma_start3A_215 = arith.constant 0 : i32
    %dma_start3A_216 = tpu.memref_slice %arg13[%dma_start3A_214, %dma_start3A_215] : memref<80x128xf32, #tpu.memory_space<vmem>> -> memref<16x128xf32, #tpu.memory_space<vmem>>
    %dma_start3A_217 = arith.constant 0 : i32
    %dma_start3A_218 = arith.constant 0 : i32
    %dma_start3A_219 = tpu.memref_slice %arg3[%dma_start3A_217, %dma_start3A_218] : memref<100000x128xf32, #tpu.memory_space<hbm>> -> memref<100000x128xf32, #tpu.memory_space<hbm>>
    tpu.enqueue_indirect_dma source(%dma_start3A_219 : memref<100000x128xf32, #tpu.memory_space<hbm>>) target(%dma_start3A_216 : memref<16x128xf32, #tpu.memory_space<vmem>>) offsets(%get3A_213 : vector<16xi32>) semaphore(%arg25 : memref<!tpu.dma_semaphore, #tpu.memory_space<semaphore_mem>>)
    %get3A_220 = arith.constant 256 : index
    %get3A_221 = tpu.vector_load %arg9[%get3A_220] {strides = array<i32>} : memref<2560xi32, #tpu.memory_space<vmem>>, vector<16xi32>,
    %get3A_222 = vector.shape_cast %get3A_221 : vector<16xi32> to vector<16xi32>
    %dma_start3A_223 = arith.constant 16 : i32
    %dma_start3A_224 = arith.constant 0 : i32
    %dma_start3A_225 = tpu.memref_slice %arg13[%dma_start3A_223, %dma_start3A_224] : memref<80x128xf32, #tpu.memory_space<vmem>> -> memref<16x128xf32, #tpu.memory_space<vmem>>
    %dma_start3A_226 = arith.constant 0 : i32
    %dma_start3A_227 = arith.constant 0 : i32
    %dma_start3A_228 = tpu.memref_slice %arg3[%dma_start3A_226, %dma_start3A_227] : memref<100000x128xf32, #tpu.memory_space<hbm>> -> memref<100000x128xf32, #tpu.memory_space<hbm>>
    tpu.enqueue_indirect_dma source(%dma_start3A_228 : memref<100000x128xf32, #tpu.memory_space<hbm>>) target(%dma_start3A_225 : memref<16x128xf32, #tpu.memory_space<vmem>>) offsets(%get3A_222 : vector<16xi32>) semaphore(%arg25 : memref<!tpu.dma_semaphore, #tpu.memory_space<semaphore_mem>>)
    %get3A_229 = arith.constant 272 : index
    %get3A_230 = tpu.vector_load %arg9[%get3A_229] {strides = array<i32>} : memref<2560xi32, #tpu.memory_space<vmem>>, vector<16xi32>,
    %get3A_231 = vector.shape_cast %get3A_230 : vector<16xi32> to vector<16xi32>
    %dma_start3A_232 = arith.constant 32 : i32
    %dma_start3A_233 = arith.constant 0 : i32
    %dma_start3A_234 = tpu.memref_slice %arg13[%dma_start3A_232, %dma_start3A_233] : memref<80x128xf32, #tpu.memory_space<vmem>> -> memref<16x128xf32, #tpu.memory_space<vmem>>
    %dma_start3A_235 = arith.constant 0 : i32
    %dma_start3A_236 = arith.constant 0 : i32
    %dma_start3A_237 = tpu.memref_slice %arg3[%dma_start3A_235, %dma_start3A_236] : memref<100000x128xf32, #tpu.memory_space<hbm>> -> memref<100000x128xf32, #tpu.memory_space<hbm>>
    tpu.enqueue_indirect_dma source(%dma_start3A_237 : memref<100000x128xf32, #tpu.memory_space<hbm>>) target(%dma_start3A_234 : memref<16x128xf32, #tpu.memory_space<vmem>>) offsets(%get3A_231 : vector<16xi32>) semaphore(%arg25 : memref<!tpu.dma_semaphore, #tpu.memory_space<semaphore_mem>>)
    %get3A_238 = arith.constant 288 : index
    %get3A_239 = tpu.vector_load %arg9[%get3A_238] {strides = array<i32>} : memref<2560xi32, #tpu.memory_space<vmem>>, vector<16xi32>,
    %get3A_240 = vector.shape_cast %get3A_239 : vector<16xi32> to vector<16xi32>
    %dma_start3A_241 = arith.constant 48 : i32
    %dma_start3A_242 = arith.constant 0 : i32
    %dma_start3A_243 = tpu.memref_slice %arg13[%dma_start3A_241, %dma_start3A_242] : memref<80x128xf32, #tpu.memory_space<vmem>> -> memref<16x128xf32, #tpu.memory_space<vmem>>
    %dma_start3A_244 = arith.constant 0 : i32
    %dma_start3A_245 = arith.constant 0 : i32
    %dma_start3A_246 = tpu.memref_slice %arg3[%dma_start3A_244, %dma_start3A_245] : memref<100000x128xf32, #tpu.memory_space<hbm>> -> memref<100000x128xf32, #tpu.memory_space<hbm>>
    tpu.enqueue_indirect_dma source(%dma_start3A_246 : memref<100000x128xf32, #tpu.memory_space<hbm>>) target(%dma_start3A_243 : memref<16x128xf32, #tpu.memory_space<vmem>>) offsets(%get3A_240 : vector<16xi32>) semaphore(%arg25 : memref<!tpu.dma_semaphore, #tpu.memory_space<semaphore_mem>>)
    %get3A_247 = arith.constant 304 : index
    %get3A_248 = tpu.vector_load %arg9[%get3A_247] {strides = array<i32>} : memref<2560xi32, #tpu.memory_space<vmem>>, vector<16xi32>,
    %get3A_249 = vector.shape_cast %get3A_248 : vector<16xi32> to vector<16xi32>
    %dma_start3A_250 = arith.constant 64 : i32
    %dma_start3A_251 = arith.constant 0 : i32
    %dma_start3A_252 = tpu.memref_slice %arg13[%dma_start3A_250, %dma_start3A_251] : memref<80x128xf32, #tpu.memory_space<vmem>> -> memref<16x128xf32, #tpu.memory_space<vmem>>
    %dma_start3A_253 = arith.constant 0 : i32
    %dma_start3A_254 = arith.constant 0 : i32
    %dma_start3A_255 = tpu.memref_slice %arg3[%dma_start3A_253, %dma_start3A_254] : memref<100000x128xf32, #tpu.memory_space<hbm>> -> memref<100000x128xf32, #tpu.memory_space<hbm>>
    tpu.enqueue_indirect_dma source(%dma_start3A_255 : memref<100000x128xf32, #tpu.memory_space<hbm>>) target(%dma_start3A_252 : memref<16x128xf32, #tpu.memory_space<vmem>>) offsets(%get3A_249 : vector<16xi32>) semaphore(%arg25 : memref<!tpu.dma_semaphore, #tpu.memory_space<semaphore_mem>>)
    %jit3A_256 = arith.constant 4 : i32
    %div3A = arith.divsi %select_n3A_58, %jit3A_256 : i32
    %sign3A = arith.constant 0 : i32
    %sign3A_257 = arith.cmpi sgt, %select_n3A_58, %sign3A : i32
    %sign3A_258 = arith.extui %sign3A_257 : i1 to i32
    %sign3A_259 = arith.constant 0 : i32
    %sign3A_260 = arith.cmpi slt, %select_n3A_58, %sign3A_259 : i32
    %sign3A_261 = arith.extui %sign3A_260 : i1 to i32
    %sign3A_262 = arith.subi %sign3A_258, %sign3A_261 : i32
    %sign3A_263 = arith.constant 0 : i32
    %sign3A_264 = arith.cmpi sgt, %jit3A_256, %sign3A_263 : i32
    %sign3A_265 = arith.extui %sign3A_264 : i1 to i32
    %sign3A_266 = arith.constant 0 : i32
    %sign3A_267 = arith.cmpi slt, %jit3A_256, %sign3A_266 : i32
    %sign3A_268 = arith.extui %sign3A_267 : i1 to i32
    %sign3A_269 = arith.subi %sign3A_265, %sign3A_268 : i32
    %ne3A = arith.cmpi ne, %sign3A_262, %sign3A_269 : i32
    %rem3A = arith.remsi %select_n3A_58, %jit3A_256 : i32
    %ne3A_270 = arith.constant 0 : i32
    %ne3A_271 = arith.cmpi ne, %rem3A, %ne3A_270 : i32
    %and3A_272 = arith.andi %ne3A, %ne3A_271 : i1
    %sub3A = arith.constant 1 : i32
    %sub3A_273 = arith.subi %div3A, %sub3A : i32
    %select_n3A_274 = arith.select %and3A_272, %sub3A_273, %div3A : i32
    %while3A_275 = arith.constant 0 : i32
    %while3A_276 = arith.constant 0 : i32
    %while3A_277 = arith.subi %select_n3A_274, %while3A_276 : i32
    %while3A_278 = arith.addi %while3A_276, %while3A_277 : i32
    %while3A_279 = arith.constant 1 : i32
    %while3A_280 = arith.divsi %while3A_277, %while3A_279 : i32
    %while3A_281 = arith.muli %while3A_280, %while3A_279 : i32
    %while3A_282 = arith.addi %while3A_276, %while3A_281 : i32
    %while3A_283 = arith.constant 1 : i32
    scf.for %while3A_331 = %while3A_276 to %while3A_282 step %while3A_283  : i32 {
      %mul3A_332 = arith.constant 4 : i32
      %mul3A_333 = arith.muli %while3A_331, %mul3A_332 : i32
      %add3A_334 = arith.constant 0 : i32
      %add3A_335 = arith.addi %mul3A_333, %add3A_334 : i32
      %get3A_336 = arith.constant 0 : index
      %get3A_337 = tpu.vector_load %arg9[%get3A_336] {strides = array<i32>} : memref<2560xi32, #tpu.memory_space<vmem>>, vector<16xi32>,
      %get3A_338 = vector.shape_cast %get3A_337 : vector<16xi32> to vector<16xi32>
      %dma_wait3A_339 = arith.constant 0 : i32
      %dma_wait3A_340 = arith.constant 0 : i32
      %dma_wait3A_341 = tpu.memref_slice %arg10[%dma_wait3A_339, %dma_wait3A_340] : memref<80x128xf32, #tpu.memory_space<vmem>> -> memref<16x128xf32, #tpu.memory_space<vmem>>
      %dma_wait3A_342 = arith.constant 0 : i32
      %dma_wait3A_343 = arith.constant 0 : i32
      %dma_wait3A_344 = tpu.memref_slice %arg3[%dma_wait3A_342, %dma_wait3A_343] : memref<100000x128xf32, #tpu.memory_space<hbm>> -> memref<100000x128xf32, #tpu.memory_space<hbm>>
      tpu.wait_indirect_dma semaphore(%arg22 : memref<!tpu.dma_semaphore, #tpu.memory_space<semaphore_mem>>) src(%dma_wait3A_344 : memref<100000x128xf32, #tpu.memory_space<hbm>>) dst(%dma_wait3A_341 : memref<16x128xf32, #tpu.memory_space<vmem>>)
      %get3A_345 = arith.constant 0 : index
      %get3A_346 = tpu.vector_load %arg9[%get3A_345] {strides = array<i32>} : memref<2560xi32, #tpu.memory_space<vmem>>, vector<16xi32>,
      %get3A_347 = vector.shape_cast %get3A_346 : vector<16xi32> to vector<16xi32>
      %dma_wait3A_348 = arith.constant 0 : i32
      %dma_wait3A_349 = arith.constant 0 : i32
      %dma_wait3A_350 = tpu.memref_slice %arg10[%dma_wait3A_348, %dma_wait3A_349] : memref<80x128xf32, #tpu.memory_space<vmem>> -> memref<16x128xf32, #tpu.memory_space<vmem>>
      %dma_wait3A_351 = arith.constant 0 : i32
      %dma_wait3A_352 = arith.constant 0 : i32
      %dma_wait3A_353 = tpu.memref_slice %arg3[%dma_wait3A_351, %dma_wait3A_352] : memref<100000x128xf32, #tpu.memory_space<hbm>> -> memref<100000x128xf32, #tpu.memory_space<hbm>>
      tpu.wait_indirect_dma semaphore(%arg22 : memref<!tpu.dma_semaphore, #tpu.memory_space<semaphore_mem>>) src(%dma_wait3A_353 : memref<100000x128xf32, #tpu.memory_space<hbm>>) dst(%dma_wait3A_350 : memref<16x128xf32, #tpu.memory_space<vmem>>)
      %get3A_354 = arith.constant 0 : index
      %get3A_355 = tpu.vector_load %arg9[%get3A_354] {strides = array<i32>} : memref<2560xi32, #tpu.memory_space<vmem>>, vector<16xi32>,
      %get3A_356 = vector.shape_cast %get3A_355 : vector<16xi32> to vector<16xi32>
      %dma_wait3A_357 = arith.constant 0 : i32
      %dma_wait3A_358 = arith.constant 0 : i32
      %dma_wait3A_359 = tpu.memref_slice %arg10[%dma_wait3A_357, %dma_wait3A_358] : memref<80x128xf32, #tpu.memory_space<vmem>> -> memref<16x128xf32, #tpu.memory_space<vmem>>
      %dma_wait3A_360 = arith.constant 0 : i32
      %dma_wait3A_361 = arith.constant 0 : i32
      %dma_wait3A_362 = tpu.memref_slice %arg3[%dma_wait3A_360, %dma_wait3A_361] : memref<100000x128xf32, #tpu.memory_space<hbm>> -> memref<100000x128xf32, #tpu.memory_space<hbm>>
      tpu.wait_indirect_dma semaphore(%arg22 : memref<!tpu.dma_semaphore, #tpu.memory_space<semaphore_mem>>) src(%dma_wait3A_362 : memref<100000x128xf32, #tpu.memory_space<hbm>>) dst(%dma_wait3A_359 : memref<16x128xf32, #tpu.memory_space<vmem>>)
      %get3A_363 = arith.constant 0 : index
      %get3A_364 = tpu.vector_load %arg9[%get3A_363] {strides = array<i32>} : memref<2560xi32, #tpu.memory_space<vmem>>, vector<16xi32>,
      %get3A_365 = vector.shape_cast %get3A_364 : vector<16xi32> to vector<16xi32>
      %dma_wait3A_366 = arith.constant 0 : i32
      %dma_wait3A_367 = arith.constant 0 : i32
      %dma_wait3A_368 = tpu.memref_slice %arg10[%dma_wait3A_366, %dma_wait3A_367] : memref<80x128xf32, #tpu.memory_space<vmem>> -> memref<16x128xf32, #tpu.memory_space<vmem>>
      %dma_wait3A_369 = arith.constant 0 : i32
      %dma_wait3A_370 = arith.constant 0 : i32
      %dma_wait3A_371 = tpu.memref_slice %arg3[%dma_wait3A_369, %dma_wait3A_370] : memref<100000x128xf32, #tpu.memory_space<hbm>> -> memref<100000x128xf32, #tpu.memory_space<hbm>>
      tpu.wait_indirect_dma semaphore(%arg22 : memref<!tpu.dma_semaphore, #tpu.memory_space<semaphore_mem>>) src(%dma_wait3A_371 : memref<100000x128xf32, #tpu.memory_space<hbm>>) dst(%dma_wait3A_368 : memref<16x128xf32, #tpu.memory_space<vmem>>)
      %get3A_372 = arith.constant 0 : index
      %get3A_373 = tpu.vector_load %arg9[%get3A_372] {strides = array<i32>} : memref<2560xi32, #tpu.memory_space<vmem>>, vector<16xi32>,
      %get3A_374 = vector.shape_cast %get3A_373 : vector<16xi32> to vector<16xi32>
      %dma_wait3A_375 = arith.constant 0 : i32
      %dma_wait3A_376 = arith.constant 0 : i32
      %dma_wait3A_377 = tpu.memref_slice %arg10[%dma_wait3A_375, %dma_wait3A_376] : memref<80x128xf32, #tpu.memory_space<vmem>> -> memref<16x128xf32, #tpu.memory_space<vmem>>
      %dma_wait3A_378 = arith.constant 0 : i32
      %dma_wait3A_379 = arith.constant 0 : i32
      %dma_wait3A_380 = tpu.memref_slice %arg3[%dma_wait3A_378, %dma_wait3A_379] : memref<100000x128xf32, #tpu.memory_space<hbm>> -> memref<100000x128xf32, #tpu.memory_space<hbm>>
      tpu.wait_indirect_dma semaphore(%arg22 : memref<!tpu.dma_semaphore, #tpu.memory_space<semaphore_mem>>) src(%dma_wait3A_380 : memref<100000x128xf32, #tpu.memory_space<hbm>>) dst(%dma_wait3A_377 : memref<16x128xf32, #tpu.memory_space<vmem>>)
      %mul3A_381 = arith.constant 16 : i32
      %mul3A_382 = arith.muli %add3A_335, %mul3A_381 : i32
      %add3A_383 = arith.addi %add3A_67, %mul3A_382 : i32
      %gt3A = arith.constant 0 : i32
      %gt3A_384 = arith.cmpi sgt, %while3A_331, %gt3A : i32
      %convert_element_type3A_385 = arith.extui %gt3A_384 : i1 to i32
      %cond3A_386 = arith.constant 0 : i32
      %cond3A_387 = arith.cmpi ne, %convert_element_type3A_385, %cond3A_386 : i32
      scf.if %cond3A_387 {
        %dma_wait3A_617 = arith.constant 0 : i32
        %dma_wait3A_618 = arith.constant 0 : i32
        %dma_wait3A_619 = tpu.memref_slice %arg6[%dma_wait3A_617, %dma_wait3A_618] : memref<10240x128xf32, #tpu.memory_space<hbm>> -> memref<16x128xf32, #tpu.memory_space<hbm>>
        %dma_wait3A_620 = arith.constant 0 : i32
        %dma_wait3A_621 = arith.constant 0 : i32
        %dma_wait3A_622 = tpu.memref_slice %arg6[%dma_wait3A_620, %dma_wait3A_621] : memref<10240x128xf32, #tpu.memory_space<hbm>> -> memref<16x128xf32, #tpu.memory_space<hbm>>
        tpu.wait_dma2 semaphore(%arg26 : memref<!tpu.dma_semaphore, #tpu.memory_space<semaphore_mem>>) src(%arg14 : memref<16x128xf32, #tpu.memory_space<vmem>>) dst(%dma_wait3A_622 : memref<16x128xf32, #tpu.memory_space<hbm>>)
      } else {
      }
      %scan3A_388 = arith.constant 0 : i32
      %scan3A_389 = arith.constant 0 : i32
      %scan3A_390 = arith.constant 16 : i32
      %scan3A_391 = arith.addi %scan3A_389, %scan3A_390 : i32
      %scan3A_392 = arith.constant 1 : i32
      scf.for %scan3A_617 = %scan3A_389 to %scan3A_391 step %scan3A_392  : i32 {
        %mul3A_618 = arith.constant 5 : i32
        %mul3A_619 = arith.muli %mul3A_618, %scan3A_617 : i32
        %get3A_620 = arith.index_cast %mul3A_619 : i32 to index
        %get3A_621 = arith.constant 0 : index
        %get3A_622 = tpu.vector_load %arg10[%get3A_620, %get3A_621] {strides = array<i32>} : memref<80x128xf32, #tpu.memory_space<vmem>>, vector<1x16xf32>,
        %get3A_623 = vector.shape_cast %get3A_622 : vector<1x16xf32> to vector<16xf32>
        %add3A_624 = arith.constant 1 : i32
        %add3A_625 = arith.addi %mul3A_619, %add3A_624 : i32
        %get3A_626 = arith.index_cast %add3A_625 : i32 to index
        %get3A_627 = arith.constant 0 : index
        %get3A_628 = tpu.vector_load %arg10[%get3A_626, %get3A_627] {strides = array<i32>} : memref<80x128xf32, #tpu.memory_space<vmem>>, vector<1x16xf32>,
        %get3A_629 = vector.shape_cast %get3A_628 : vector<1x16xf32> to vector<16xf32>
        %add3A_630 = arith.addf %get3A_623, %get3A_629 : vector<16xf32>
        %add3A_631 = arith.constant 2 : i32
        %add3A_632 = arith.addi %mul3A_619, %add3A_631 : i32
        %get3A_633 = arith.index_cast %add3A_632 : i32 to index
        %get3A_634 = arith.constant 0 : index
        %get3A_635 = tpu.vector_load %arg10[%get3A_633, %get3A_634] {strides = array<i32>} : memref<80x128xf32, #tpu.memory_space<vmem>>, vector<1x16xf32>,
        %get3A_636 = vector.shape_cast %get3A_635 : vector<1x16xf32> to vector<16xf32>
        %add3A_637 = arith.addf %add3A_630, %get3A_636 : vector<16xf32>
        %add3A_638 = arith.constant 3 : i32
        %add3A_639 = arith.addi %mul3A_619, %add3A_638 : i32
        %get3A_640 = arith.index_cast %add3A_639 : i32 to index
        %get3A_641 = arith.constant 0 : index
        %get3A_642 = tpu.vector_load %arg10[%get3A_640, %get3A_641] {strides = array<i32>} : memref<80x128xf32, #tpu.memory_space<vmem>>, vector<1x16xf32>,
        %get3A_643 = vector.shape_cast %get3A_642 : vector<1x16xf32> to vector<16xf32>
        %add3A_644 = arith.addf %add3A_637, %get3A_643 : vector<16xf32>
        %add3A_645 = arith.constant 4 : i32
        %add3A_646 = arith.addi %mul3A_619, %add3A_645 : i32
        %get3A_647 = arith.index_cast %add3A_646 : i32 to index
        %get3A_648 = arith.constant 0 : index
        %get3A_649 = tpu.vector_load %arg10[%get3A_647, %get3A_648] {strides = array<i32>} : memref<80x128xf32, #tpu.memory_space<vmem>>, vector<1x16xf32>,
        %get3A_650 = vector.shape_cast %get3A_649 : vector<1x16xf32> to vector<16xf32>
        %add3A_651 = arith.addf %add3A_644, %get3A_650 : vector<16xf32>
        %swap3A_652 = arith.index_cast %scan3A_617 : i32 to index
        %swap3A_653 = arith.constant 0 : index
        %swap3A_654 = tpu.vector_load %arg14[%swap3A_652, %swap3A_653] {strides = array<i32>} : memref<16x128xf32, #tpu.memory_space<vmem>>, vector<1x16xf32>,
        %swap3A_655 = vector.shape_cast %swap3A_654 : vector<1x16xf32> to vector<16xf32>
        %swap3A_656 = vector.shape_cast %add3A_651 : vector<16xf32> to vector<1x16xf32>
        tpu.vector_store %arg14[%swap3A_652, %swap3A_653], %swap3A_656 {strides = array<i32>} : memref<16x128xf32, #tpu.memory_space<vmem>>, vector<1x16xf32>,
        %get3A_657 = arith.index_cast %mul3A_619 : i32 to index
        %get3A_658 = arith.constant 16 : index
        %get3A_659 = tpu.vector_load %arg10[%get3A_657, %get3A_658] {strides = array<i32>} : memref<80x128xf32, #tpu.memory_space<vmem>>, vector<1x16xf32>,
        %get3A_660 = vector.shape_cast %get3A_659 : vector<1x16xf32> to vector<16xf32>
        %add3A_661 = arith.constant 1 : i32
        %add3A_662 = arith.addi %mul3A_619, %add3A_661 : i32
        %get3A_663 = arith.index_cast %add3A_662 : i32 to index
        %get3A_664 = arith.constant 16 : index
        %get3A_665 = tpu.vector_load %arg10[%get3A_663, %get3A_664] {strides = array<i32>} : memref<80x128xf32, #tpu.memory_space<vmem>>, vector<1x16xf32>,
        %get3A_666 = vector.shape_cast %get3A_665 : vector<1x16xf32> to vector<16xf32>
        %add3A_667 = arith.addf %get3A_660, %get3A_666 : vector<16xf32>
        %add3A_668 = arith.constant 2 : i32
        %add3A_669 = arith.addi %mul3A_619, %add3A_668 : i32
        %get3A_670 = arith.index_cast %add3A_669 : i32 to index
        %get3A_671 = arith.constant 16 : index
        %get3A_672 = tpu.vector_load %arg10[%get3A_670, %get3A_671] {strides = array<i32>} : memref<80x128xf32, #tpu.memory_space<vmem>>, vector<1x16xf32>,
        %get3A_673 = vector.shape_cast %get3A_672 : vector<1x16xf32> to vector<16xf32>
        %add3A_674 = arith.addf %add3A_667, %get3A_673 : vector<16xf32>
        %add3A_675 = arith.constant 3 : i32
        %add3A_676 = arith.addi %mul3A_619, %add3A_675 : i32
        %get3A_677 = arith.index_cast %add3A_676 : i32 to index
        %get3A_678 = arith.constant 16 : index
        %get3A_679 = tpu.vector_load %arg10[%get3A_677, %get3A_678] {strides = array<i32>} : memref<80x128xf32, #tpu.memory_space<vmem>>, vector<1x16xf32>,
        %get3A_680 = vector.shape_cast %get3A_679 : vector<1x16xf32> to vector<16xf32>
        %add3A_681 = arith.addf %add3A_674, %get3A_680 : vector<16xf32>
        %add3A_682 = arith.constant 4 : i32
        %add3A_683 = arith.addi %mul3A_619, %add3A_682 : i32
        %get3A_684 = arith.index_cast %add3A_683 : i32 to index
        %get3A_685 = arith.constant 16 : index
        %get3A_686 = tpu.vector_load %arg10[%get3A_684, %get3A_685] {strides = array<i32>} : memref<80x128xf32, #tpu.memory_space<vmem>>, vector<1x16xf32>,
        %get3A_687 = vector.shape_cast %get3A_686 : vector<1x16xf32> to vector<16xf32>
        %add3A_688 = arith.addf %add3A_681, %get3A_687 : vector<16xf32>
        %swap3A_689 = arith.index_cast %scan3A_617 : i32 to index
        %swap3A_690 = arith.constant 16 : index
        %swap3A_691 = tpu.vector_load %arg14[%swap3A_689, %swap3A_690] {strides = array<i32>} : memref<16x128xf32, #tpu.memory_space<vmem>>, vector<1x16xf32>,
        %swap3A_692 = vector.shape_cast %swap3A_691 : vector<1x16xf32> to vector<16xf32>
        %swap3A_693 = vector.shape_cast %add3A_688 : vector<16xf32> to vector<1x16xf32>
        tpu.vector_store %arg14[%swap3A_689, %swap3A_690], %swap3A_693 {strides = array<i32>} : memref<16x128xf32, #tpu.memory_space<vmem>>, vector<1x16xf32>,
        %get3A_694 = arith.index_cast %mul3A_619 : i32 to index
        %get3A_695 = arith.constant 32 : index
        %get3A_696 = tpu.vector_load %arg10[%get3A_694, %get3A_695] {strides = array<i32>} : memref<80x128xf32, #tpu.memory_space<vmem>>, vector<1x16xf32>,
        %get3A_697 = vector.shape_cast %get3A_696 : vector<1x16xf32> to vector<16xf32>
        %add3A_698 = arith.constant 1 : i32
        %add3A_699 = arith.addi %mul3A_619, %add3A_698 : i32
        %get3A_700 = arith.index_cast %add3A_699 : i32 to index
        %get3A_701 = arith.constant 32 : index
        %get3A_702 = tpu.vector_load %arg10[%get3A_700, %get3A_701] {strides = array<i32>} : memref<80x128xf32, #tpu.memory_space<vmem>>, vector<1x16xf32>,
        %get3A_703 = vector.shape_cast %get3A_702 : vector<1x16xf32> to vector<16xf32>
        %add3A_704 = arith.addf %get3A_697, %get3A_703 : vector<16xf32>
        %add3A_705 = arith.constant 2 : i32
        %add3A_706 = arith.addi %mul3A_619, %add3A_705 : i32
        %get3A_707 = arith.index_cast %add3A_706 : i32 to index
        %get3A_708 = arith.constant 32 : index
        %get3A_709 = tpu.vector_load %arg10[%get3A_707, %get3A_708] {strides = array<i32>} : memref<80x128xf32, #tpu.memory_space<vmem>>, vector<1x16xf32>,
        %get3A_710 = vector.shape_cast %get3A_709 : vector<1x16xf32> to vector<16xf32>
        %add3A_711 = arith.addf %add3A_704, %get3A_710 : vector<16xf32>
        %add3A_712 = arith.constant 3 : i32
        %add3A_713 = arith.addi %mul3A_619, %add3A_712 : i32
        %get3A_714 = arith.index_cast %add3A_713 : i32 to index
        %get3A_715 = arith.constant 32 : index
        %get3A_716 = tpu.vector_load %arg10[%get3A_714, %get3A_715] {strides = array<i32>} : memref<80x128xf32, #tpu.memory_space<vmem>>, vector<1x16xf32>,
        %get3A_717 = vector.shape_cast %get3A_716 : vector<1x16xf32> to vector<16xf32>
        %add3A_718 = arith.addf %add3A_711, %get3A_717 : vector<16xf32>
        %add3A_719 = arith.constant 4 : i32
        %add3A_720 = arith.addi %mul3A_619, %add3A_719 : i32
        %get3A_721 = arith.index_cast %add3A_720 : i32 to index
        %get3A_722 = arith.constant 32 : index
        %get3A_723 = tpu.vector_load %arg10[%get3A_721, %get3A_722] {strides = array<i32>} : memref<80x128xf32, #tpu.memory_space<vmem>>, vector<1x16xf32>,
        %get3A_724 = vector.shape_cast %get3A_723 : vector<1x16xf32> to vector<16xf32>
        %add3A_725 = arith.addf %add3A_718, %get3A_724 : vector<16xf32>
        %swap3A_726 = arith.index_cast %scan3A_617 : i32 to index
        %swap3A_727 = arith.constant 32 : index
        %swap3A_728 = tpu.vector_load %arg14[%swap3A_726, %swap3A_727] {strides = array<i32>} : memref<16x128xf32, #tpu.memory_space<vmem>>, vector<1x16xf32>,
        %swap3A_729 = vector.shape_cast %swap3A_728 : vector<1x16xf32> to vector<16xf32>
        %swap3A_730 = vector.shape_cast %add3A_725 : vector<16xf32> to vector<1x16xf32>
        tpu.vector_store %arg14[%swap3A_726, %swap3A_727], %swap3A_730 {strides = array<i32>} : memref<16x128xf32, #tpu.memory_space<vmem>>, vector<1x16xf32>,
        %get3A_731 = arith.index_cast %mul3A_619 : i32 to index
        %get3A_732 = arith.constant 48 : index
        %get3A_733 = tpu.vector_load %arg10[%get3A_731, %get3A_732] {strides = array<i32>} : memref<80x128xf32, #tpu.memory_space<vmem>>, vector<1x16xf32>,
        %get3A_734 = vector.shape_cast %get3A_733 : vector<1x16xf32> to vector<16xf32>
        %add3A_735 = arith.constant 1 : i32
        %add3A_736 = arith.addi %mul3A_619, %add3A_735 : i32
        %get3A_737 = arith.index_cast %add3A_736 : i32 to index
        %get3A_738 = arith.constant 48 : index
        %get3A_739 = tpu.vector_load %arg10[%get3A_737, %get3A_738] {strides = array<i32>} : memref<80x128xf32, #tpu.memory_space<vmem>>, vector<1x16xf32>,
        %get3A_740 = vector.shape_cast %get3A_739 : vector<1x16xf32> to vector<16xf32>
        %add3A_741 = arith.addf %get3A_734, %get3A_740 : vector<16xf32>
        %add3A_742 = arith.constant 2 : i32
        %add3A_743 = arith.addi %mul3A_619, %add3A_742 : i32
        %get3A_744 = arith.index_cast %add3A_743 : i32 to index
        %get3A_745 = arith.constant 48 : index
        %get3A_746 = tpu.vector_load %arg10[%get3A_744, %get3A_745] {strides = array<i32>} : memref<80x128xf32, #tpu.memory_space<vmem>>, vector<1x16xf32>,
        %get3A_747 = vector.shape_cast %get3A_746 : vector<1x16xf32> to vector<16xf32>
        %add3A_748 = arith.addf %add3A_741, %get3A_747 : vector<16xf32>
        %add3A_749 = arith.constant 3 : i32
        %add3A_750 = arith.addi %mul3A_619, %add3A_749 : i32
        %get3A_751 = arith.index_cast %add3A_750 : i32 to index
        %get3A_752 = arith.constant 48 : index
        %get3A_753 = tpu.vector_load %arg10[%get3A_751, %get3A_752] {strides = array<i32>} : memref<80x128xf32, #tpu.memory_space<vmem>>, vector<1x16xf32>,
        %get3A_754 = vector.shape_cast %get3A_753 : vector<1x16xf32> to vector<16xf32>
        %add3A_755 = arith.addf %add3A_748, %get3A_754 : vector<16xf32>
        %add3A_756 = arith.constant 4 : i32
        %add3A_757 = arith.addi %mul3A_619, %add3A_756 : i32
        %get3A_758 = arith.index_cast %add3A_757 : i32 to index
        %get3A_759 = arith.constant 48 : index
        %get3A_760 = tpu.vector_load %arg10[%get3A_758, %get3A_759] {strides = array<i32>} : memref<80x128xf32, #tpu.memory_space<vmem>>, vector<1x16xf32>,
        %get3A_761 = vector.shape_cast %get3A_760 : vector<1x16xf32> to vector<16xf32>
        %add3A_762 = arith.addf %add3A_755, %get3A_761 : vector<16xf32>
        %swap3A_763 = arith.index_cast %scan3A_617 : i32 to index
        %swap3A_764 = arith.constant 48 : index
        %swap3A_765 = tpu.vector_load %arg14[%swap3A_763, %swap3A_764] {strides = array<i32>} : memref<16x128xf32, #tpu.memory_space<vmem>>, vector<1x16xf32>,
        %swap3A_766 = vector.shape_cast %swap3A_765 : vector<1x16xf32> to vector<16xf32>
        %swap3A_767 = vector.shape_cast %add3A_762 : vector<16xf32> to vector<1x16xf32>
        tpu.vector_store %arg14[%swap3A_763, %swap3A_764], %swap3A_767 {strides = array<i32>} : memref<16x128xf32, #tpu.memory_space<vmem>>, vector<1x16xf32>,
        %get3A_768 = arith.index_cast %mul3A_619 : i32 to index
        %get3A_769 = arith.constant 64 : index
        %get3A_770 = tpu.vector_load %arg10[%get3A_768, %get3A_769] {strides = array<i32>} : memref<80x128xf32, #tpu.memory_space<vmem>>, vector<1x16xf32>,
        %get3A_771 = vector.shape_cast %get3A_770 : vector<1x16xf32> to vector<16xf32>
        %add3A_772 = arith.constant 1 : i32
        %add3A_773 = arith.addi %mul3A_619, %add3A_772 : i32
        %get3A_774 = arith.index_cast %add3A_773 : i32 to index
        %get3A_775 = arith.constant 64 : index
        %get3A_776 = tpu.vector_load %arg10[%get3A_774, %get3A_775] {strides = array<i32>} : memref<80x128xf32, #tpu.memory_space<vmem>>, vector<1x16xf32>,
        %get3A_777 = vector.shape_cast %get3A_776 : vector<1x16xf32> to vector<16xf32>
        %add3A_778 = arith.addf %get3A_771, %get3A_777 : vector<16xf32>
        %add3A_779 = arith.constant 2 : i32
        %add3A_780 = arith.addi %mul3A_619, %add3A_779 : i32
        %get3A_781 = arith.index_cast %add3A_780 : i32 to index
        %get3A_782 = arith.constant 64 : index
        %get3A_783 = tpu.vector_load %arg10[%get3A_781, %get3A_782] {strides = array<i32>} : memref<80x128xf32, #tpu.memory_space<vmem>>, vector<1x16xf32>,
        %get3A_784 = vector.shape_cast %get3A_783 : vector<1x16xf32> to vector<16xf32>
        %add3A_785 = arith.addf %add3A_778, %get3A_784 : vector<16xf32>
        %add3A_786 = arith.constant 3 : i32
        %add3A_787 = arith.addi %mul3A_619, %add3A_786 : i32
        %get3A_788 = arith.index_cast %add3A_787 : i32 to index
        %get3A_789 = arith.constant 64 : index
        %get3A_790 = tpu.vector_load %arg10[%get3A_788, %get3A_789] {strides = array<i32>} : memref<80x128xf32, #tpu.memory_space<vmem>>, vector<1x16xf32>,
        %get3A_791 = vector.shape_cast %get3A_790 : vector<1x16xf32> to vector<16xf32>
        %add3A_792 = arith.addf %add3A_785, %get3A_791 : vector<16xf32>
        %add3A_793 = arith.constant 4 : i32
        %add3A_794 = arith.addi %mul3A_619, %add3A_793 : i32
        %get3A_795 = arith.index_cast %add3A_794 : i32 to index
        %get3A_796 = arith.constant 64 : index
        %get3A_797 = tpu.vector_load %arg10[%get3A_795, %get3A_796] {strides = array<i32>} : memref<80x128xf32, #tpu.memory_space<vmem>>, vector<1x16xf32>,
        %get3A_798 = vector.shape_cast %get3A_797 : vector<1x16xf32> to vector<16xf32>
        %add3A_799 = arith.addf %add3A_792, %get3A_798 : vector<16xf32>
        %swap3A_800 = arith.index_cast %scan3A_617 : i32 to index
        %swap3A_801 = arith.constant 64 : index
        %swap3A_802 = tpu.vector_load %arg14[%swap3A_800, %swap3A_801] {strides = array<i32>} : memref<16x128xf32, #tpu.memory_space<vmem>>, vector<1x16xf32>,
        %swap3A_803 = vector.shape_cast %swap3A_802 : vector<1x16xf32> to vector<16xf32>
        %swap3A_804 = vector.shape_cast %add3A_799 : vector<16xf32> to vector<1x16xf32>
        tpu.vector_store %arg14[%swap3A_800, %swap3A_801], %swap3A_804 {strides = array<i32>} : memref<16x128xf32, #tpu.memory_space<vmem>>, vector<1x16xf32>,
        %get3A_805 = arith.index_cast %mul3A_619 : i32 to index
        %get3A_806 = arith.constant 80 : index
        %get3A_807 = tpu.vector_load %arg10[%get3A_805, %get3A_806] {strides = array<i32>} : memref<80x128xf32, #tpu.memory_space<vmem>>, vector<1x16xf32>,
        %get3A_808 = vector.shape_cast %get3A_807 : vector<1x16xf32> to vector<16xf32>
        %add3A_809 = arith.constant 1 : i32
        %add3A_810 = arith.addi %mul3A_619, %add3A_809 : i32
        %get3A_811 = arith.index_cast %add3A_810 : i32 to index
        %get3A_812 = arith.constant 80 : index
        %get3A_813 = tpu.vector_load %arg10[%get3A_811, %get3A_812] {strides = array<i32>} : memref<80x128xf32, #tpu.memory_space<vmem>>, vector<1x16xf32>,
        %get3A_814 = vector.shape_cast %get3A_813 : vector<1x16xf32> to vector<16xf32>
        %add3A_815 = arith.addf %get3A_808, %get3A_814 : vector<16xf32>
        %add3A_816 = arith.constant 2 : i32
        %add3A_817 = arith.addi %mul3A_619, %add3A_816 : i32
        %get3A_818 = arith.index_cast %add3A_817 : i32 to index
        %get3A_819 = arith.constant 80 : index
        %get3A_820 = tpu.vector_load %arg10[%get3A_818, %get3A_819] {strides = array<i32>} : memref<80x128xf32, #tpu.memory_space<vmem>>, vector<1x16xf32>,
        %get3A_821 = vector.shape_cast %get3A_820 : vector<1x16xf32> to vector<16xf32>
        %add3A_822 = arith.addf %add3A_815, %get3A_821 : vector<16xf32>
        %add3A_823 = arith.constant 3 : i32
        %add3A_824 = arith.addi %mul3A_619, %add3A_823 : i32
        %get3A_825 = arith.index_cast %add3A_824 : i32 to index
        %get3A_826 = arith.constant 80 : index
        %get3A_827 = tpu.vector_load %arg10[%get3A_825, %get3A_826] {strides = array<i32>} : memref<80x128xf32, #tpu.memory_space<vmem>>, vector<1x16xf32>,
        %get3A_828 = vector.shape_cast %get3A_827 : vector<1x16xf32> to vector<16xf32>
        %add3A_829 = arith.addf %add3A_822, %get3A_828 : vector<16xf32>
        %add3A_830 = arith.constant 4 : i32
        %add3A_831 = arith.addi %mul3A_619, %add3A_830 : i32
        %get3A_832 = arith.index_cast %add3A_831 : i32 to index
        %get3A_833 = arith.constant 80 : index
        %get3A_834 = tpu.vector_load %arg10[%get3A_832, %get3A_833] {strides = array<i32>} : memref<80x128xf32, #tpu.memory_space<vmem>>, vector<1x16xf32>,
        %get3A_835 = vector.shape_cast %get3A_834 : vector<1x16xf32> to vector<16xf32>
        %add3A_836 = arith.addf %add3A_829, %get3A_835 : vector<16xf32>
        %swap3A_837 = arith.index_cast %scan3A_617 : i32 to index
        %swap3A_838 = arith.constant 80 : index
        %swap3A_839 = tpu.vector_load %arg14[%swap3A_837, %swap3A_838] {strides = array<i32>} : memref<16x128xf32, #tpu.memory_space<vmem>>, vector<1x16xf32>,
        %swap3A_840 = vector.shape_cast %swap3A_839 : vector<1x16xf32> to vector<16xf32>
        %swap3A_841 = vector.shape_cast %add3A_836 : vector<16xf32> to vector<1x16xf32>
        tpu.vector_store %arg14[%swap3A_837, %swap3A_838], %swap3A_841 {strides = array<i32>} : memref<16x128xf32, #tpu.memory_space<vmem>>, vector<1x16xf32>,
        %get3A_842 = arith.index_cast %mul3A_619 : i32 to index
        %get3A_843 = arith.constant 96 : index
        %get3A_844 = tpu.vector_load %arg10[%get3A_842, %get3A_843] {strides = array<i32>} : memref<80x128xf32, #tpu.memory_space<vmem>>, vector<1x16xf32>,
        %get3A_845 = vector.shape_cast %get3A_844 : vector<1x16xf32> to vector<16xf32>
        %add3A_846 = arith.constant 1 : i32
        %add3A_847 = arith.addi %mul3A_619, %add3A_846 : i32
        %get3A_848 = arith.index_cast %add3A_847 : i32 to index
        %get3A_849 = arith.constant 96 : index
        %get3A_850 = tpu.vector_load %arg10[%get3A_848, %get3A_849] {strides = array<i32>} : memref<80x128xf32, #tpu.memory_space<vmem>>, vector<1x16xf32>,
        %get3A_851 = vector.shape_cast %get3A_850 : vector<1x16xf32> to vector<16xf32>
        %add3A_852 = arith.addf %get3A_845, %get3A_851 : vector<16xf32>
        %add3A_853 = arith.constant 2 : i32
        %add3A_854 = arith.addi %mul3A_619, %add3A_853 : i32
        %get3A_855 = arith.index_cast %add3A_854 : i32 to index
        %get3A_856 = arith.constant 96 : index
        %get3A_857 = tpu.vector_load %arg10[%get3A_855, %get3A_856] {strides = array<i32>} : memref<80x128xf32, #tpu.memory_space<vmem>>, vector<1x16xf32>,
        %get3A_858 = vector.shape_cast %get3A_857 : vector<1x16xf32> to vector<16xf32>
        %add3A_859 = arith.addf %add3A_852, %get3A_858 : vector<16xf32>
        %add3A_860 = arith.constant 3 : i32
        %add3A_861 = arith.addi %mul3A_619, %add3A_860 : i32
        %get3A_862 = arith.index_cast %add3A_861 : i32 to index
        %get3A_863 = arith.constant 96 : index
        %get3A_864 = tpu.vector_load %arg10[%get3A_862, %get3A_863] {strides = array<i32>} : memref<80x128xf32, #tpu.memory_space<vmem>>, vector<1x16xf32>,
        %get3A_865 = vector.shape_cast %get3A_864 : vector<1x16xf32> to vector<16xf32>
        %add3A_866 = arith.addf %add3A_859, %get3A_865 : vector<16xf32>
        %add3A_867 = arith.constant 4 : i32
        %add3A_868 = arith.addi %mul3A_619, %add3A_867 : i32
        %get3A_869 = arith.index_cast %add3A_868 : i32 to index
        %get3A_870 = arith.constant 96 : index
        %get3A_871 = tpu.vector_load %arg10[%get3A_869, %get3A_870] {strides = array<i32>} : memref<80x128xf32, #tpu.memory_space<vmem>>, vector<1x16xf32>,
        %get3A_872 = vector.shape_cast %get3A_871 : vector<1x16xf32> to vector<16xf32>
        %add3A_873 = arith.addf %add3A_866, %get3A_872 : vector<16xf32>
        %swap3A_874 = arith.index_cast %scan3A_617 : i32 to index
        %swap3A_875 = arith.constant 96 : index
        %swap3A_876 = tpu.vector_load %arg14[%swap3A_874, %swap3A_875] {strides = array<i32>} : memref<16x128xf32, #tpu.memory_space<vmem>>, vector<1x16xf32>,
        %swap3A_877 = vector.shape_cast %swap3A_876 : vector<1x16xf32> to vector<16xf32>
        %swap3A_878 = vector.shape_cast %add3A_873 : vector<16xf32> to vector<1x16xf32>
        tpu.vector_store %arg14[%swap3A_874, %swap3A_875], %swap3A_878 {strides = array<i32>} : memref<16x128xf32, #tpu.memory_space<vmem>>, vector<1x16xf32>,
        %get3A_879 = arith.index_cast %mul3A_619 : i32 to index
        %get3A_880 = arith.constant 112 : index
        %get3A_881 = tpu.vector_load %arg10[%get3A_879, %get3A_880] {strides = array<i32>} : memref<80x128xf32, #tpu.memory_space<vmem>>, vector<1x16xf32>,
        %get3A_882 = vector.shape_cast %get3A_881 : vector<1x16xf32> to vector<16xf32>
        %add3A_883 = arith.constant 1 : i32
        %add3A_884 = arith.addi %mul3A_619, %add3A_883 : i32
        %get3A_885 = arith.index_cast %add3A_884 : i32 to index
        %get3A_886 = arith.constant 112 : index
        %get3A_887 = tpu.vector_load %arg10[%get3A_885, %get3A_886] {strides = array<i32>} : memref<80x128xf32, #tpu.memory_space<vmem>>, vector<1x16xf32>,
        %get3A_888 = vector.shape_cast %get3A_887 : vector<1x16xf32> to vector<16xf32>
        %add3A_889 = arith.addf %get3A_882, %get3A_888 : vector<16xf32>
        %add3A_890 = arith.constant 2 : i32
        %add3A_891 = arith.addi %mul3A_619, %add3A_890 : i32
        %get3A_892 = arith.index_cast %add3A_891 : i32 to index
        %get3A_893 = arith.constant 112 : index
        %get3A_894 = tpu.vector_load %arg10[%get3A_892, %get3A_893] {strides = array<i32>} : memref<80x128xf32, #tpu.memory_space<vmem>>, vector<1x16xf32>,
        %get3A_895 = vector.shape_cast %get3A_894 : vector<1x16xf32> to vector<16xf32>
        %add3A_896 = arith.addf %add3A_889, %get3A_895 : vector<16xf32>
        %add3A_897 = arith.constant 3 : i32
        %add3A_898 = arith.addi %mul3A_619, %add3A_897 : i32
        %get3A_899 = arith.index_cast %add3A_898 : i32 to index
        %get3A_900 = arith.constant 112 : index
        %get3A_901 = tpu.vector_load %arg10[%get3A_899, %get3A_900] {strides = array<i32>} : memref<80x128xf32, #tpu.memory_space<vmem>>, vector<1x16xf32>,
        %get3A_902 = vector.shape_cast %get3A_901 : vector<1x16xf32> to vector<16xf32>
        %add3A_903 = arith.addf %add3A_896, %get3A_902 : vector<16xf32>
        %add3A_904 = arith.constant 4 : i32
        %add3A_905 = arith.addi %mul3A_619, %add3A_904 : i32
        %get3A_906 = arith.index_cast %add3A_905 : i32 to index
        %get3A_907 = arith.constant 112 : index
        %get3A_908 = tpu.vector_load %arg10[%get3A_906, %get3A_907] {strides = array<i32>} : memref<80x128xf32, #tpu.memory_space<vmem>>, vector<1x16xf32>,
        %get3A_909 = vector.shape_cast %get3A_908 : vector<1x16xf32> to vector<16xf32>
        %add3A_910 = arith.addf %add3A_903, %get3A_909 : vector<16xf32>
        %swap3A_911 = arith.index_cast %scan3A_617 : i32 to index
        %swap3A_912 = arith.constant 112 : index
        %swap3A_913 = tpu.vector_load %arg14[%swap3A_911, %swap3A_912] {strides = array<i32>} : memref<16x128xf32, #tpu.memory_space<vmem>>, vector<1x16xf32>,
        %swap3A_914 = vector.shape_cast %swap3A_913 : vector<1x16xf32> to vector<16xf32>
        %swap3A_915 = vector.shape_cast %add3A_910 : vector<16xf32> to vector<1x16xf32>
        tpu.vector_store %arg14[%swap3A_911, %swap3A_912], %swap3A_915 {strides = array<i32>} : memref<16x128xf32, #tpu.memory_space<vmem>>, vector<1x16xf32>,
      }
      %scan3A_393 = arith.constant 16 : i32
      %dma_start3A_394 = arith.constant 0 : i32
      %dma_start3A_395 = tpu.memref_slice %arg6[%add3A_383, %dma_start3A_394] : memref<10240x128xf32, #tpu.memory_space<hbm>> -> memref<16x128xf32, #tpu.memory_space<hbm>>
      %dma_start3A_396 = arith.constant 0 : i32
      %dma_start3A_397 = tpu.memref_slice %arg6[%add3A_383, %dma_start3A_396] : memref<10240x128xf32, #tpu.memory_space<hbm>> -> memref<16x128xf32, #tpu.memory_space<hbm>>
      tpu.enqueue_dma source(%arg14 : memref<16x128xf32, #tpu.memory_space<vmem>>) target(%dma_start3A_397 : memref<16x128xf32, #tpu.memory_space<hbm>>) target_semaphore(%arg26 : memref<!tpu.dma_semaphore, #tpu.memory_space<semaphore_mem>>)
      %add3A_398 = arith.constant 4 : i32
      %add3A_399 = arith.addi %add3A_335, %add3A_398 : i32
      %lt3A_400 = arith.cmpi slt, %add3A_399, %select_n3A_58 : i32
      %convert_element_type3A_401 = arith.extui %lt3A_400 : i1 to i32
      %cond3A_402 = arith.constant 0 : i32
      %cond3A_403 = arith.cmpi ne, %convert_element_type3A_401, %cond3A_402 : i32
      scf.if %cond3A_403 {
        %mul3A_617 = arith.constant 80 : i32
        %mul3A_618 = arith.muli %add3A_399, %mul3A_617 : i32
        %add3A_619 = arith.constant 0 : i32
        %add3A_620 = arith.addi %mul3A_618, %add3A_619 : i32
        %get3A_621 = arith.index_cast %add3A_620 : i32 to index
        %get3A_622 = tpu.vector_load %arg9[%get3A_621] {strides = array<i32>} : memref<2560xi32, #tpu.memory_space<vmem>>, vector<16xi32>,
        %get3A_623 = vector.shape_cast %get3A_622 : vector<16xi32> to vector<16xi32>
        %dma_start3A_624 = arith.constant 0 : i32
        %dma_start3A_625 = arith.constant 0 : i32
        %dma_start3A_626 = tpu.memref_slice %arg10[%dma_start3A_624, %dma_start3A_625] : memref<80x128xf32, #tpu.memory_space<vmem>> -> memref<16x128xf32, #tpu.memory_space<vmem>>
        %dma_start3A_627 = arith.constant 0 : i32
        %dma_start3A_628 = arith.constant 0 : i32
        %dma_start3A_629 = tpu.memref_slice %arg3[%dma_start3A_627, %dma_start3A_628] : memref<100000x128xf32, #tpu.memory_space<hbm>> -> memref<100000x128xf32, #tpu.memory_space<hbm>>
        tpu.enqueue_indirect_dma source(%dma_start3A_629 : memref<100000x128xf32, #tpu.memory_space<hbm>>) target(%dma_start3A_626 : memref<16x128xf32, #tpu.memory_space<vmem>>) offsets(%get3A_623 : vector<16xi32>) semaphore(%arg22 : memref<!tpu.dma_semaphore, #tpu.memory_space<semaphore_mem>>)
        %mul3A_630 = arith.constant 80 : i32
        %mul3A_631 = arith.muli %add3A_399, %mul3A_630 : i32
        %add3A_632 = arith.constant 16 : i32
        %add3A_633 = arith.addi %mul3A_631, %add3A_632 : i32
        %get3A_634 = arith.index_cast %add3A_633 : i32 to index
        %get3A_635 = tpu.vector_load %arg9[%get3A_634] {strides = array<i32>} : memref<2560xi32, #tpu.memory_space<vmem>>, vector<16xi32>,
        %get3A_636 = vector.shape_cast %get3A_635 : vector<16xi32> to vector<16xi32>
        %dma_start3A_637 = arith.constant 16 : i32
        %dma_start3A_638 = arith.constant 0 : i32
        %dma_start3A_639 = tpu.memref_slice %arg10[%dma_start3A_637, %dma_start3A_638] : memref<80x128xf32, #tpu.memory_space<vmem>> -> memref<16x128xf32, #tpu.memory_space<vmem>>
        %dma_start3A_640 = arith.constant 0 : i32
        %dma_start3A_641 = arith.constant 0 : i32
        %dma_start3A_642 = tpu.memref_slice %arg3[%dma_start3A_640, %dma_start3A_641] : memref<100000x128xf32, #tpu.memory_space<hbm>> -> memref<100000x128xf32, #tpu.memory_space<hbm>>
        tpu.enqueue_indirect_dma source(%dma_start3A_642 : memref<100000x128xf32, #tpu.memory_space<hbm>>) target(%dma_start3A_639 : memref<16x128xf32, #tpu.memory_space<vmem>>) offsets(%get3A_636 : vector<16xi32>) semaphore(%arg22 : memref<!tpu.dma_semaphore, #tpu.memory_space<semaphore_mem>>)
        %mul3A_643 = arith.constant 80 : i32
        %mul3A_644 = arith.muli %add3A_399, %mul3A_643 : i32
        %add3A_645 = arith.constant 32 : i32
        %add3A_646 = arith.addi %mul3A_644, %add3A_645 : i32
        %get3A_647 = arith.index_cast %add3A_646 : i32 to index
        %get3A_648 = tpu.vector_load %arg9[%get3A_647] {strides = array<i32>} : memref<2560xi32, #tpu.memory_space<vmem>>, vector<16xi32>,
        %get3A_649 = vector.shape_cast %get3A_648 : vector<16xi32> to vector<16xi32>
        %dma_start3A_650 = arith.constant 32 : i32
        %dma_start3A_651 = arith.constant 0 : i32
        %dma_start3A_652 = tpu.memref_slice %arg10[%dma_start3A_650, %dma_start3A_651] : memref<80x128xf32, #tpu.memory_space<vmem>> -> memref<16x128xf32, #tpu.memory_space<vmem>>
        %dma_start3A_653 = arith.constant 0 : i32
        %dma_start3A_654 = arith.constant 0 : i32
        %dma_start3A_655 = tpu.memref_slice %arg3[%dma_start3A_653, %dma_start3A_654] : memref<100000x128xf32, #tpu.memory_space<hbm>> -> memref<100000x128xf32, #tpu.memory_space<hbm>>
        tpu.enqueue_indirect_dma source(%dma_start3A_655 : memref<100000x128xf32, #tpu.memory_space<hbm>>) target(%dma_start3A_652 : memref<16x128xf32, #tpu.memory_space<vmem>>) offsets(%get3A_649 : vector<16xi32>) semaphore(%arg22 : memref<!tpu.dma_semaphore, #tpu.memory_space<semaphore_mem>>)
        %mul3A_656 = arith.constant 80 : i32
        %mul3A_657 = arith.muli %add3A_399, %mul3A_656 : i32
        %add3A_658 = arith.constant 48 : i32
        %add3A_659 = arith.addi %mul3A_657, %add3A_658 : i32
        %get3A_660 = arith.index_cast %add3A_659 : i32 to index
        %get3A_661 = tpu.vector_load %arg9[%get3A_660] {strides = array<i32>} : memref<2560xi32, #tpu.memory_space<vmem>>, vector<16xi32>,
        %get3A_662 = vector.shape_cast %get3A_661 : vector<16xi32> to vector<16xi32>
        %dma_start3A_663 = arith.constant 48 : i32
        %dma_start3A_664 = arith.constant 0 : i32
        %dma_start3A_665 = tpu.memref_slice %arg10[%dma_start3A_663, %dma_start3A_664] : memref<80x128xf32, #tpu.memory_space<vmem>> -> memref<16x128xf32, #tpu.memory_space<vmem>>
        %dma_start3A_666 = arith.constant 0 : i32
        %dma_start3A_667 = arith.constant 0 : i32
        %dma_start3A_668 = tpu.memref_slice %arg3[%dma_start3A_666, %dma_start3A_667] : memref<100000x128xf32, #tpu.memory_space<hbm>> -> memref<100000x128xf32, #tpu.memory_space<hbm>>
        tpu.enqueue_indirect_dma source(%dma_start3A_668 : memref<100000x128xf32, #tpu.memory_space<hbm>>) target(%dma_start3A_665 : memref<16x128xf32, #tpu.memory_space<vmem>>) offsets(%get3A_662 : vector<16xi32>) semaphore(%arg22 : memref<!tpu.dma_semaphore, #tpu.memory_space<semaphore_mem>>)
        %mul3A_669 = arith.constant 80 : i32
        %mul3A_670 = arith.muli %add3A_399, %mul3A_669 : i32
        %add3A_671 = arith.constant 64 : i32
        %add3A_672 = arith.addi %mul3A_670, %add3A_671 : i32
        %get3A_673 = arith.index_cast %add3A_672 : i32 to index
        %get3A_674 = tpu.vector_load %arg9[%get3A_673] {strides = array<i32>} : memref<2560xi32, #tpu.memory_space<vmem>>, vector<16xi32>,
        %get3A_675 = vector.shape_cast %get3A_674 : vector<16xi32> to vector<16xi32>
        %dma_start3A_676 = arith.constant 64 : i32
        %dma_start3A_677 = arith.constant 0 : i32
        %dma_start3A_678 = tpu.memref_slice %arg10[%dma_start3A_676, %dma_start3A_677] : memref<80x128xf32, #tpu.memory_space<vmem>> -> memref<16x128xf32, #tpu.memory_space<vmem>>
        %dma_start3A_679 = arith.constant 0 : i32
        %dma_start3A_680 = arith.constant 0 : i32
        %dma_start3A_681 = tpu.memref_slice %arg3[%dma_start3A_679, %dma_start3A_680] : memref<100000x128xf32, #tpu.memory_space<hbm>> -> memref<100000x128xf32, #tpu.memory_space<hbm>>
        tpu.enqueue_indirect_dma source(%dma_start3A_681 : memref<100000x128xf32, #tpu.memory_space<hbm>>) target(%dma_start3A_678 : memref<16x128xf32, #tpu.memory_space<vmem>>) offsets(%get3A_675 : vector<16xi32>) semaphore(%arg22 : memref<!tpu.dma_semaphore, #tpu.memory_space<semaphore_mem>>)
      } else {
      }
      %add3A_404 = arith.constant 1 : i32
      %add3A_405 = arith.addi %mul3A_333, %add3A_404 : i32
      %get3A_406 = arith.constant 0 : index
      %get3A_407 = tpu.vector_load %arg9[%get3A_406] {strides = array<i32>} : memref<2560xi32, #tpu.memory_space<vmem>>, vector<16xi32>,
      %get3A_408 = vector.shape_cast %get3A_407 : vector<16xi32> to vector<16xi32>
      %dma_wait3A_409 = arith.constant 0 : i32
      %dma_wait3A_410 = arith.constant 0 : i32
      %dma_wait3A_411 = tpu.memref_slice %arg11[%dma_wait3A_409, %dma_wait3A_410] : memref<80x128xf32, #tpu.memory_space<vmem>> -> memref<16x128xf32, #tpu.memory_space<vmem>>
      %dma_wait3A_412 = arith.constant 0 : i32
      %dma_wait3A_413 = arith.constant 0 : i32
      %dma_wait3A_414 = tpu.memref_slice %arg3[%dma_wait3A_412, %dma_wait3A_413] : memref<100000x128xf32, #tpu.memory_space<hbm>> -> memref<100000x128xf32, #tpu.memory_space<hbm>>
      tpu.wait_indirect_dma semaphore(%arg23 : memref<!tpu.dma_semaphore, #tpu.memory_space<semaphore_mem>>) src(%dma_wait3A_414 : memref<100000x128xf32, #tpu.memory_space<hbm>>) dst(%dma_wait3A_411 : memref<16x128xf32, #tpu.memory_space<vmem>>)
      %get3A_415 = arith.constant 0 : index
      %get3A_416 = tpu.vector_load %arg9[%get3A_415] {strides = array<i32>} : memref<2560xi32, #tpu.memory_space<vmem>>, vector<16xi32>,
      %get3A_417 = vector.shape_cast %get3A_416 : vector<16xi32> to vector<16xi32>
      %dma_wait3A_418 = arith.constant 0 : i32
      %dma_wait3A_419 = arith.constant 0 : i32
      %dma_wait3A_420 = tpu.memref_slice %arg11[%dma_wait3A_418, %dma_wait3A_419] : memref<80x128xf32, #tpu.memory_space<vmem>> -> memref<16x128xf32, #tpu.memory_space<vmem>>
      %dma_wait3A_421 = arith.constant 0 : i32
      %dma_wait3A_422 = arith.constant 0 : i32
      %dma_wait3A_423 = tpu.memref_slice %arg3[%dma_wait3A_421, %dma_wait3A_422] : memref<100000x128xf32, #tpu.memory_space<hbm>> -> memref<100000x128xf32, #tpu.memory_space<hbm>>
      tpu.wait_indirect_dma semaphore(%arg23 : memref<!tpu.dma_semaphore, #tpu.memory_space<semaphore_mem>>) src(%dma_wait3A_423 : memref<100000x128xf32, #tpu.memory_space<hbm>>) dst(%dma_wait3A_420 : memref<16x128xf32, #tpu.memory_space<vmem>>)
      %get3A_424 = arith.constant 0 : index
      %get3A_425 = tpu.vector_load %arg9[%get3A_424] {strides = array<i32>} : memref<2560xi32, #tpu.memory_space<vmem>>, vector<16xi32>,
      %get3A_426 = vector.shape_cast %get3A_425 : vector<16xi32> to vector<16xi32>
      %dma_wait3A_427 = arith.constant 0 : i32
      %dma_wait3A_428 = arith.constant 0 : i32
      %dma_wait3A_429 = tpu.memref_slice %arg11[%dma_wait3A_427, %dma_wait3A_428] : memref<80x128xf32, #tpu.memory_space<vmem>> -> memref<16x128xf32, #tpu.memory_space<vmem>>
      %dma_wait3A_430 = arith.constant 0 : i32
      %dma_wait3A_431 = arith.constant 0 : i32
      %dma_wait3A_432 = tpu.memref_slice %arg3[%dma_wait3A_430, %dma_wait3A_431] : memref<100000x128xf32, #tpu.memory_space<hbm>> -> memref<100000x128xf32, #tpu.memory_space<hbm>>
      tpu.wait_indirect_dma semaphore(%arg23 : memref<!tpu.dma_semaphore, #tpu.memory_space<semaphore_mem>>) src(%dma_wait3A_432 : memref<100000x128xf32, #tpu.memory_space<hbm>>) dst(%dma_wait3A_429 : memref<16x128xf32, #tpu.memory_space<vmem>>)
      %get3A_433 = arith.constant 0 : index
      %get3A_434 = tpu.vector_load %arg9[%get3A_433] {strides = array<i32>} : memref<2560xi32, #tpu.memory_space<vmem>>, vector<16xi32>,
      %get3A_435 = vector.shape_cast %get3A_434 : vector<16xi32> to vector<16xi32>
      %dma_wait3A_436 = arith.constant 0 : i32
      %dma_wait3A_437 = arith.constant 0 : i32
      %dma_wait3A_438 = tpu.memref_slice %arg11[%dma_wait3A_436, %dma_wait3A_437] : memref<80x128xf32, #tpu.memory_space<vmem>> -> memref<16x128xf32, #tpu.memory_space<vmem>>
      %dma_wait3A_439 = arith.constant 0 : i32
      %dma_wait3A_440 = arith.constant 0 : i32
      %dma_wait3A_441 = tpu.memref_slice %arg3[%dma_wait3A_439, %dma_wait3A_440] : memref<100000x128xf32, #tpu.memory_space<hbm>> -> memref<100000x128xf32, #tpu.memory_space<hbm>>
      tpu.wait_indirect_dma semaphore(%arg23 : memref<!tpu.dma_semaphore, #tpu.memory_space<semaphore_mem>>) src(%dma_wait3A_441 : memref<100000x128xf32, #tpu.memory_space<hbm>>) dst(%dma_wait3A_438 : memref<16x128xf32, #tpu.memory_space<vmem>>)
      %get3A_442 = arith.constant 0 : index
      %get3A_443 = tpu.vector_load %arg9[%get3A_442] {strides = array<i32>} : memref<2560xi32, #tpu.memory_space<vmem>>, vector<16xi32>,
      %get3A_444 = vector.shape_cast %get3A_443 : vector<16xi32> to vector<16xi32>
      %dma_wait3A_445 = arith.constant 0 : i32
      %dma_wait3A_446 = arith.constant 0 : i32
      %dma_wait3A_447 = tpu.memref_slice %arg11[%dma_wait3A_445, %dma_wait3A_446] : memref<80x128xf32, #tpu.memory_space<vmem>> -> memref<16x128xf32, #tpu.memory_space<vmem>>
      %dma_wait3A_448 = arith.constant 0 : i32
      %dma_wait3A_449 = arith.constant 0 : i32
      %dma_wait3A_450 = tpu.memref_slice %arg3[%dma_wait3A_448, %dma_wait3A_449] : memref<100000x128xf32, #tpu.memory_space<hbm>> -> memref<100000x128xf32, #tpu.memory_space<hbm>>
      tpu.wait_indirect_dma semaphore(%arg23 : memref<!tpu.dma_semaphore, #tpu.memory_space<semaphore_mem>>) src(%dma_wait3A_450 : memref<100000x128xf32, #tpu.memory_space<hbm>>) dst(%dma_wait3A_447 : memref<16x128xf32, #tpu.memory_space<vmem>>)
      %mul3A_451 = arith.constant 16 : i32
      %mul3A_452 = arith.muli %add3A_405, %mul3A_451 : i32
      %add3A_453 = arith.addi %add3A_67, %mul3A_452 : i32
      %gt3A_454 = arith.constant 0 : i32
      %gt3A_455 = arith.cmpi sgt, %while3A_331, %gt3A_454 : i32
      %convert_element_type3A_456 = arith.extui %gt3A_455 : i1 to i32
      %cond3A_457 = arith.constant 0 : i32
      %cond3A_458 = arith.cmpi ne, %convert_element_type3A_456, %cond3A_457 : i32
      scf.if %cond3A_458 {
        %dma_wait3A_617 = arith.constant 0 : i32
        %dma_wait3A_618 = arith.constant 0 : i32
        %dma_wait3A_619 = tpu.memref_slice %arg6[%dma_wait3A_617, %dma_wait3A_618] : memref<10240x128xf32, #tpu.memory_space<hbm>> -> memref<16x128xf32, #tpu.memory_space<hbm>>
        %dma_wait3A_620 = arith.constant 0 : i32
        %dma_wait3A_621 = arith.constant 0 : i32
        %dma_wait3A_622 = tpu.memref_slice %arg6[%dma_wait3A_620, %dma_wait3A_621] : memref<10240x128xf32, #tpu.memory_space<hbm>> -> memref<16x128xf32, #tpu.memory_space<hbm>>
        tpu.wait_dma2 semaphore(%arg27 : memref<!tpu.dma_semaphore, #tpu.memory_space<semaphore_mem>>) src(%arg15 : memref<16x128xf32, #tpu.memory_space<vmem>>) dst(%dma_wait3A_622 : memref<16x128xf32, #tpu.memory_space<hbm>>)
      } else {
      }
      %scan3A_459 = arith.constant 0 : i32
      %scan3A_460 = arith.constant 0 : i32
      %scan3A_461 = arith.constant 16 : i32
      %scan3A_462 = arith.addi %scan3A_460, %scan3A_461 : i32
      %scan3A_463 = arith.constant 1 : i32
      scf.for %scan3A_617 = %scan3A_460 to %scan3A_462 step %scan3A_463  : i32 {
        %mul3A_618 = arith.constant 5 : i32
        %mul3A_619 = arith.muli %mul3A_618, %scan3A_617 : i32
        %get3A_620 = arith.index_cast %mul3A_619 : i32 to index
        %get3A_621 = arith.constant 0 : index
        %get3A_622 = tpu.vector_load %arg11[%get3A_620, %get3A_621] {strides = array<i32>} : memref<80x128xf32, #tpu.memory_space<vmem>>, vector<1x16xf32>,
        %get3A_623 = vector.shape_cast %get3A_622 : vector<1x16xf32> to vector<16xf32>
        %add3A_624 = arith.constant 1 : i32
        %add3A_625 = arith.addi %mul3A_619, %add3A_624 : i32
        %get3A_626 = arith.index_cast %add3A_625 : i32 to index
        %get3A_627 = arith.constant 0 : index
        %get3A_628 = tpu.vector_load %arg11[%get3A_626, %get3A_627] {strides = array<i32>} : memref<80x128xf32, #tpu.memory_space<vmem>>, vector<1x16xf32>,
        %get3A_629 = vector.shape_cast %get3A_628 : vector<1x16xf32> to vector<16xf32>
        %add3A_630 = arith.addf %get3A_623, %get3A_629 : vector<16xf32>
        %add3A_631 = arith.constant 2 : i32
        %add3A_632 = arith.addi %mul3A_619, %add3A_631 : i32
        %get3A_633 = arith.index_cast %add3A_632 : i32 to index
        %get3A_634 = arith.constant 0 : index
        %get3A_635 = tpu.vector_load %arg11[%get3A_633, %get3A_634] {strides = array<i32>} : memref<80x128xf32, #tpu.memory_space<vmem>>, vector<1x16xf32>,
        %get3A_636 = vector.shape_cast %get3A_635 : vector<1x16xf32> to vector<16xf32>
        %add3A_637 = arith.addf %add3A_630, %get3A_636 : vector<16xf32>
        %add3A_638 = arith.constant 3 : i32
        %add3A_639 = arith.addi %mul3A_619, %add3A_638 : i32
        %get3A_640 = arith.index_cast %add3A_639 : i32 to index
        %get3A_641 = arith.constant 0 : index
        %get3A_642 = tpu.vector_load %arg11[%get3A_640, %get3A_641] {strides = array<i32>} : memref<80x128xf32, #tpu.memory_space<vmem>>, vector<1x16xf32>,
        %get3A_643 = vector.shape_cast %get3A_642 : vector<1x16xf32> to vector<16xf32>
        %add3A_644 = arith.addf %add3A_637, %get3A_643 : vector<16xf32>
        %add3A_645 = arith.constant 4 : i32
        %add3A_646 = arith.addi %mul3A_619, %add3A_645 : i32
        %get3A_647 = arith.index_cast %add3A_646 : i32 to index
        %get3A_648 = arith.constant 0 : index
        %get3A_649 = tpu.vector_load %arg11[%get3A_647, %get3A_648] {strides = array<i32>} : memref<80x128xf32, #tpu.memory_space<vmem>>, vector<1x16xf32>,
        %get3A_650 = vector.shape_cast %get3A_649 : vector<1x16xf32> to vector<16xf32>
        %add3A_651 = arith.addf %add3A_644, %get3A_650 : vector<16xf32>
        %swap3A_652 = arith.index_cast %scan3A_617 : i32 to index
        %swap3A_653 = arith.constant 0 : index
        %swap3A_654 = tpu.vector_load %arg15[%swap3A_652, %swap3A_653] {strides = array<i32>} : memref<16x128xf32, #tpu.memory_space<vmem>>, vector<1x16xf32>,
        %swap3A_655 = vector.shape_cast %swap3A_654 : vector<1x16xf32> to vector<16xf32>
        %swap3A_656 = vector.shape_cast %add3A_651 : vector<16xf32> to vector<1x16xf32>
        tpu.vector_store %arg15[%swap3A_652, %swap3A_653], %swap3A_656 {strides = array<i32>} : memref<16x128xf32, #tpu.memory_space<vmem>>, vector<1x16xf32>,
        %get3A_657 = arith.index_cast %mul3A_619 : i32 to index
        %get3A_658 = arith.constant 16 : index
        %get3A_659 = tpu.vector_load %arg11[%get3A_657, %get3A_658] {strides = array<i32>} : memref<80x128xf32, #tpu.memory_space<vmem>>, vector<1x16xf32>,
        %get3A_660 = vector.shape_cast %get3A_659 : vector<1x16xf32> to vector<16xf32>
        %add3A_661 = arith.constant 1 : i32
        %add3A_662 = arith.addi %mul3A_619, %add3A_661 : i32
        %get3A_663 = arith.index_cast %add3A_662 : i32 to index
        %get3A_664 = arith.constant 16 : index
        %get3A_665 = tpu.vector_load %arg11[%get3A_663, %get3A_664] {strides = array<i32>} : memref<80x128xf32, #tpu.memory_space<vmem>>, vector<1x16xf32>,
        %get3A_666 = vector.shape_cast %get3A_665 : vector<1x16xf32> to vector<16xf32>
        %add3A_667 = arith.addf %get3A_660, %get3A_666 : vector<16xf32>
        %add3A_668 = arith.constant 2 : i32
        %add3A_669 = arith.addi %mul3A_619, %add3A_668 : i32
        %get3A_670 = arith.index_cast %add3A_669 : i32 to index
        %get3A_671 = arith.constant 16 : index
        %get3A_672 = tpu.vector_load %arg11[%get3A_670, %get3A_671] {strides = array<i32>} : memref<80x128xf32, #tpu.memory_space<vmem>>, vector<1x16xf32>,
        %get3A_673 = vector.shape_cast %get3A_672 : vector<1x16xf32> to vector<16xf32>
        %add3A_674 = arith.addf %add3A_667, %get3A_673 : vector<16xf32>
        %add3A_675 = arith.constant 3 : i32
        %add3A_676 = arith.addi %mul3A_619, %add3A_675 : i32
        %get3A_677 = arith.index_cast %add3A_676 : i32 to index
        %get3A_678 = arith.constant 16 : index
        %get3A_679 = tpu.vector_load %arg11[%get3A_677, %get3A_678] {strides = array<i32>} : memref<80x128xf32, #tpu.memory_space<vmem>>, vector<1x16xf32>,
        %get3A_680 = vector.shape_cast %get3A_679 : vector<1x16xf32> to vector<16xf32>
        %add3A_681 = arith.addf %add3A_674, %get3A_680 : vector<16xf32>
        %add3A_682 = arith.constant 4 : i32
        %add3A_683 = arith.addi %mul3A_619, %add3A_682 : i32
        %get3A_684 = arith.index_cast %add3A_683 : i32 to index
        %get3A_685 = arith.constant 16 : index
        %get3A_686 = tpu.vector_load %arg11[%get3A_684, %get3A_685] {strides = array<i32>} : memref<80x128xf32, #tpu.memory_space<vmem>>, vector<1x16xf32>,
        %get3A_687 = vector.shape_cast %get3A_686 : vector<1x16xf32> to vector<16xf32>
        %add3A_688 = arith.addf %add3A_681, %get3A_687 : vector<16xf32>
        %swap3A_689 = arith.index_cast %scan3A_617 : i32 to index
        %swap3A_690 = arith.constant 16 : index
        %swap3A_691 = tpu.vector_load %arg15[%swap3A_689, %swap3A_690] {strides = array<i32>} : memref<16x128xf32, #tpu.memory_space<vmem>>, vector<1x16xf32>,
        %swap3A_692 = vector.shape_cast %swap3A_691 : vector<1x16xf32> to vector<16xf32>
        %swap3A_693 = vector.shape_cast %add3A_688 : vector<16xf32> to vector<1x16xf32>
        tpu.vector_store %arg15[%swap3A_689, %swap3A_690], %swap3A_693 {strides = array<i32>} : memref<16x128xf32, #tpu.memory_space<vmem>>, vector<1x16xf32>,
        %get3A_694 = arith.index_cast %mul3A_619 : i32 to index
        %get3A_695 = arith.constant 32 : index
        %get3A_696 = tpu.vector_load %arg11[%get3A_694, %get3A_695] {strides = array<i32>} : memref<80x128xf32, #tpu.memory_space<vmem>>, vector<1x16xf32>,
        %get3A_697 = vector.shape_cast %get3A_696 : vector<1x16xf32> to vector<16xf32>
        %add3A_698 = arith.constant 1 : i32
        %add3A_699 = arith.addi %mul3A_619, %add3A_698 : i32
        %get3A_700 = arith.index_cast %add3A_699 : i32 to index
        %get3A_701 = arith.constant 32 : index
        %get3A_702 = tpu.vector_load %arg11[%get3A_700, %get3A_701] {strides = array<i32>} : memref<80x128xf32, #tpu.memory_space<vmem>>, vector<1x16xf32>,
        %get3A_703 = vector.shape_cast %get3A_702 : vector<1x16xf32> to vector<16xf32>
        %add3A_704 = arith.addf %get3A_697, %get3A_703 : vector<16xf32>
        %add3A_705 = arith.constant 2 : i32
        %add3A_706 = arith.addi %mul3A_619, %add3A_705 : i32
        %get3A_707 = arith.index_cast %add3A_706 : i32 to index
        %get3A_708 = arith.constant 32 : index
        %get3A_709 = tpu.vector_load %arg11[%get3A_707, %get3A_708] {strides = array<i32>} : memref<80x128xf32, #tpu.memory_space<vmem>>, vector<1x16xf32>,
        %get3A_710 = vector.shape_cast %get3A_709 : vector<1x16xf32> to vector<16xf32>
        %add3A_711 = arith.addf %add3A_704, %get3A_710 : vector<16xf32>
        %add3A_712 = arith.constant 3 : i32
        %add3A_713 = arith.addi %mul3A_619, %add3A_712 : i32
        %get3A_714 = arith.index_cast %add3A_713 : i32 to index
        %get3A_715 = arith.constant 32 : index
        %get3A_716 = tpu.vector_load %arg11[%get3A_714, %get3A_715] {strides = array<i32>} : memref<80x128xf32, #tpu.memory_space<vmem>>, vector<1x16xf32>,
        %get3A_717 = vector.shape_cast %get3A_716 : vector<1x16xf32> to vector<16xf32>
        %add3A_718 = arith.addf %add3A_711, %get3A_717 : vector<16xf32>
        %add3A_719 = arith.constant 4 : i32
        %add3A_720 = arith.addi %mul3A_619, %add3A_719 : i32
        %get3A_721 = arith.index_cast %add3A_720 : i32 to index
        %get3A_722 = arith.constant 32 : index
        %get3A_723 = tpu.vector_load %arg11[%get3A_721, %get3A_722] {strides = array<i32>} : memref<80x128xf32, #tpu.memory_space<vmem>>, vector<1x16xf32>,
        %get3A_724 = vector.shape_cast %get3A_723 : vector<1x16xf32> to vector<16xf32>
        %add3A_725 = arith.addf %add3A_718, %get3A_724 : vector<16xf32>
        %swap3A_726 = arith.index_cast %scan3A_617 : i32 to index
        %swap3A_727 = arith.constant 32 : index
        %swap3A_728 = tpu.vector_load %arg15[%swap3A_726, %swap3A_727] {strides = array<i32>} : memref<16x128xf32, #tpu.memory_space<vmem>>, vector<1x16xf32>,
        %swap3A_729 = vector.shape_cast %swap3A_728 : vector<1x16xf32> to vector<16xf32>
        %swap3A_730 = vector.shape_cast %add3A_725 : vector<16xf32> to vector<1x16xf32>
        tpu.vector_store %arg15[%swap3A_726, %swap3A_727], %swap3A_730 {strides = array<i32>} : memref<16x128xf32, #tpu.memory_space<vmem>>, vector<1x16xf32>,
        %get3A_731 = arith.index_cast %mul3A_619 : i32 to index
        %get3A_732 = arith.constant 48 : index
        %get3A_733 = tpu.vector_load %arg11[%get3A_731, %get3A_732] {strides = array<i32>} : memref<80x128xf32, #tpu.memory_space<vmem>>, vector<1x16xf32>,
        %get3A_734 = vector.shape_cast %get3A_733 : vector<1x16xf32> to vector<16xf32>
        %add3A_735 = arith.constant 1 : i32
        %add3A_736 = arith.addi %mul3A_619, %add3A_735 : i32
        %get3A_737 = arith.index_cast %add3A_736 : i32 to index
        %get3A_738 = arith.constant 48 : index
        %get3A_739 = tpu.vector_load %arg11[%get3A_737, %get3A_738] {strides = array<i32>} : memref<80x128xf32, #tpu.memory_space<vmem>>, vector<1x16xf32>,
        %get3A_740 = vector.shape_cast %get3A_739 : vector<1x16xf32> to vector<16xf32>
        %add3A_741 = arith.addf %get3A_734, %get3A_740 : vector<16xf32>
        %add3A_742 = arith.constant 2 : i32
        %add3A_743 = arith.addi %mul3A_619, %add3A_742 : i32
        %get3A_744 = arith.index_cast %add3A_743 : i32 to index
        %get3A_745 = arith.constant 48 : index
        %get3A_746 = tpu.vector_load %arg11[%get3A_744, %get3A_745] {strides = array<i32>} : memref<80x128xf32, #tpu.memory_space<vmem>>, vector<1x16xf32>,
        %get3A_747 = vector.shape_cast %get3A_746 : vector<1x16xf32> to vector<16xf32>
        %add3A_748 = arith.addf %add3A_741, %get3A_747 : vector<16xf32>
        %add3A_749 = arith.constant 3 : i32
        %add3A_750 = arith.addi %mul3A_619, %add3A_749 : i32
        %get3A_751 = arith.index_cast %add3A_750 : i32 to index
        %get3A_752 = arith.constant 48 : index
        %get3A_753 = tpu.vector_load %arg11[%get3A_751, %get3A_752] {strides = array<i32>} : memref<80x128xf32, #tpu.memory_space<vmem>>, vector<1x16xf32>,
        %get3A_754 = vector.shape_cast %get3A_753 : vector<1x16xf32> to vector<16xf32>
        %add3A_755 = arith.addf %add3A_748, %get3A_754 : vector<16xf32>
        %add3A_756 = arith.constant 4 : i32
        %add3A_757 = arith.addi %mul3A_619, %add3A_756 : i32
        %get3A_758 = arith.index_cast %add3A_757 : i32 to index
        %get3A_759 = arith.constant 48 : index
        %get3A_760 = tpu.vector_load %arg11[%get3A_758, %get3A_759] {strides = array<i32>} : memref<80x128xf32, #tpu.memory_space<vmem>>, vector<1x16xf32>,
        %get3A_761 = vector.shape_cast %get3A_760 : vector<1x16xf32> to vector<16xf32>
        %add3A_762 = arith.addf %add3A_755, %get3A_761 : vector<16xf32>
        %swap3A_763 = arith.index_cast %scan3A_617 : i32 to index
        %swap3A_764 = arith.constant 48 : index
        %swap3A_765 = tpu.vector_load %arg15[%swap3A_763, %swap3A_764] {strides = array<i32>} : memref<16x128xf32, #tpu.memory_space<vmem>>, vector<1x16xf32>,
        %swap3A_766 = vector.shape_cast %swap3A_765 : vector<1x16xf32> to vector<16xf32>
        %swap3A_767 = vector.shape_cast %add3A_762 : vector<16xf32> to vector<1x16xf32>
        tpu.vector_store %arg15[%swap3A_763, %swap3A_764], %swap3A_767 {strides = array<i32>} : memref<16x128xf32, #tpu.memory_space<vmem>>, vector<1x16xf32>,
        %get3A_768 = arith.index_cast %mul3A_619 : i32 to index
        %get3A_769 = arith.constant 64 : index
        %get3A_770 = tpu.vector_load %arg11[%get3A_768, %get3A_769] {strides = array<i32>} : memref<80x128xf32, #tpu.memory_space<vmem>>, vector<1x16xf32>,
        %get3A_771 = vector.shape_cast %get3A_770 : vector<1x16xf32> to vector<16xf32>
        %add3A_772 = arith.constant 1 : i32
        %add3A_773 = arith.addi %mul3A_619, %add3A_772 : i32
        %get3A_774 = arith.index_cast %add3A_773 : i32 to index
        %get3A_775 = arith.constant 64 : index
        %get3A_776 = tpu.vector_load %arg11[%get3A_774, %get3A_775] {strides = array<i32>} : memref<80x128xf32, #tpu.memory_space<vmem>>, vector<1x16xf32>,
        %get3A_777 = vector.shape_cast %get3A_776 : vector<1x16xf32> to vector<16xf32>
        %add3A_778 = arith.addf %get3A_771, %get3A_777 : vector<16xf32>
        %add3A_779 = arith.constant 2 : i32
        %add3A_780 = arith.addi %mul3A_619, %add3A_779 : i32
        %get3A_781 = arith.index_cast %add3A_780 : i32 to index
        %get3A_782 = arith.constant 64 : index
        %get3A_783 = tpu.vector_load %arg11[%get3A_781, %get3A_782] {strides = array<i32>} : memref<80x128xf32, #tpu.memory_space<vmem>>, vector<1x16xf32>,
        %get3A_784 = vector.shape_cast %get3A_783 : vector<1x16xf32> to vector<16xf32>
        %add3A_785 = arith.addf %add3A_778, %get3A_784 : vector<16xf32>
        %add3A_786 = arith.constant 3 : i32
        %add3A_787 = arith.addi %mul3A_619, %add3A_786 : i32
        %get3A_788 = arith.index_cast %add3A_787 : i32 to index
        %get3A_789 = arith.constant 64 : index
        %get3A_790 = tpu.vector_load %arg11[%get3A_788, %get3A_789] {strides = array<i32>} : memref<80x128xf32, #tpu.memory_space<vmem>>, vector<1x16xf32>,
        %get3A_791 = vector.shape_cast %get3A_790 : vector<1x16xf32> to vector<16xf32>
        %add3A_792 = arith.addf %add3A_785, %get3A_791 : vector<16xf32>
        %add3A_793 = arith.constant 4 : i32
        %add3A_794 = arith.addi %mul3A_619, %add3A_793 : i32
        %get3A_795 = arith.index_cast %add3A_794 : i32 to index
        %get3A_796 = arith.constant 64 : index
        %get3A_797 = tpu.vector_load %arg11[%get3A_795, %get3A_796] {strides = array<i32>} : memref<80x128xf32, #tpu.memory_space<vmem>>, vector<1x16xf32>,
        %get3A_798 = vector.shape_cast %get3A_797 : vector<1x16xf32> to vector<16xf32>
        %add3A_799 = arith.addf %add3A_792, %get3A_798 : vector<16xf32>
        %swap3A_800 = arith.index_cast %scan3A_617 : i32 to index
        %swap3A_801 = arith.constant 64 : index
        %swap3A_802 = tpu.vector_load %arg15[%swap3A_800, %swap3A_801] {strides = array<i32>} : memref<16x128xf32, #tpu.memory_space<vmem>>, vector<1x16xf32>,
        %swap3A_803 = vector.shape_cast %swap3A_802 : vector<1x16xf32> to vector<16xf32>
        %swap3A_804 = vector.shape_cast %add3A_799 : vector<16xf32> to vector<1x16xf32>
        tpu.vector_store %arg15[%swap3A_800, %swap3A_801], %swap3A_804 {strides = array<i32>} : memref<16x128xf32, #tpu.memory_space<vmem>>, vector<1x16xf32>,
        %get3A_805 = arith.index_cast %mul3A_619 : i32 to index
        %get3A_806 = arith.constant 80 : index
        %get3A_807 = tpu.vector_load %arg11[%get3A_805, %get3A_806] {strides = array<i32>} : memref<80x128xf32, #tpu.memory_space<vmem>>, vector<1x16xf32>,
        %get3A_808 = vector.shape_cast %get3A_807 : vector<1x16xf32> to vector<16xf32>
        %add3A_809 = arith.constant 1 : i32
        %add3A_810 = arith.addi %mul3A_619, %add3A_809 : i32
        %get3A_811 = arith.index_cast %add3A_810 : i32 to index
        %get3A_812 = arith.constant 80 : index
        %get3A_813 = tpu.vector_load %arg11[%get3A_811, %get3A_812] {strides = array<i32>} : memref<80x128xf32, #tpu.memory_space<vmem>>, vector<1x16xf32>,
        %get3A_814 = vector.shape_cast %get3A_813 : vector<1x16xf32> to vector<16xf32>
        %add3A_815 = arith.addf %get3A_808, %get3A_814 : vector<16xf32>
        %add3A_816 = arith.constant 2 : i32
        %add3A_817 = arith.addi %mul3A_619, %add3A_816 : i32
        %get3A_818 = arith.index_cast %add3A_817 : i32 to index
        %get3A_819 = arith.constant 80 : index
        %get3A_820 = tpu.vector_load %arg11[%get3A_818, %get3A_819] {strides = array<i32>} : memref<80x128xf32, #tpu.memory_space<vmem>>, vector<1x16xf32>,
        %get3A_821 = vector.shape_cast %get3A_820 : vector<1x16xf32> to vector<16xf32>
        %add3A_822 = arith.addf %add3A_815, %get3A_821 : vector<16xf32>
        %add3A_823 = arith.constant 3 : i32
        %add3A_824 = arith.addi %mul3A_619, %add3A_823 : i32
        %get3A_825 = arith.index_cast %add3A_824 : i32 to index
        %get3A_826 = arith.constant 80 : index
        %get3A_827 = tpu.vector_load %arg11[%get3A_825, %get3A_826] {strides = array<i32>} : memref<80x128xf32, #tpu.memory_space<vmem>>, vector<1x16xf32>,
        %get3A_828 = vector.shape_cast %get3A_827 : vector<1x16xf32> to vector<16xf32>
        %add3A_829 = arith.addf %add3A_822, %get3A_828 : vector<16xf32>
        %add3A_830 = arith.constant 4 : i32
        %add3A_831 = arith.addi %mul3A_619, %add3A_830 : i32
        %get3A_832 = arith.index_cast %add3A_831 : i32 to index
        %get3A_833 = arith.constant 80 : index
        %get3A_834 = tpu.vector_load %arg11[%get3A_832, %get3A_833] {strides = array<i32>} : memref<80x128xf32, #tpu.memory_space<vmem>>, vector<1x16xf32>,
        %get3A_835 = vector.shape_cast %get3A_834 : vector<1x16xf32> to vector<16xf32>
        %add3A_836 = arith.addf %add3A_829, %get3A_835 : vector<16xf32>
        %swap3A_837 = arith.index_cast %scan3A_617 : i32 to index
        %swap3A_838 = arith.constant 80 : index
        %swap3A_839 = tpu.vector_load %arg15[%swap3A_837, %swap3A_838] {strides = array<i32>} : memref<16x128xf32, #tpu.memory_space<vmem>>, vector<1x16xf32>,
        %swap3A_840 = vector.shape_cast %swap3A_839 : vector<1x16xf32> to vector<16xf32>
        %swap3A_841 = vector.shape_cast %add3A_836 : vector<16xf32> to vector<1x16xf32>
        tpu.vector_store %arg15[%swap3A_837, %swap3A_838], %swap3A_841 {strides = array<i32>} : memref<16x128xf32, #tpu.memory_space<vmem>>, vector<1x16xf32>,
        %get3A_842 = arith.index_cast %mul3A_619 : i32 to index
        %get3A_843 = arith.constant 96 : index
        %get3A_844 = tpu.vector_load %arg11[%get3A_842, %get3A_843] {strides = array<i32>} : memref<80x128xf32, #tpu.memory_space<vmem>>, vector<1x16xf32>,
        %get3A_845 = vector.shape_cast %get3A_844 : vector<1x16xf32> to vector<16xf32>
        %add3A_846 = arith.constant 1 : i32
        %add3A_847 = arith.addi %mul3A_619, %add3A_846 : i32
        %get3A_848 = arith.index_cast %add3A_847 : i32 to index
        %get3A_849 = arith.constant 96 : index
        %get3A_850 = tpu.vector_load %arg11[%get3A_848, %get3A_849] {strides = array<i32>} : memref<80x128xf32, #tpu.memory_space<vmem>>, vector<1x16xf32>,
        %get3A_851 = vector.shape_cast %get3A_850 : vector<1x16xf32> to vector<16xf32>
        %add3A_852 = arith.addf %get3A_845, %get3A_851 : vector<16xf32>
        %add3A_853 = arith.constant 2 : i32
        %add3A_854 = arith.addi %mul3A_619, %add3A_853 : i32
        %get3A_855 = arith.index_cast %add3A_854 : i32 to index
        %get3A_856 = arith.constant 96 : index
        %get3A_857 = tpu.vector_load %arg11[%get3A_855, %get3A_856] {strides = array<i32>} : memref<80x128xf32, #tpu.memory_space<vmem>>, vector<1x16xf32>,
        %get3A_858 = vector.shape_cast %get3A_857 : vector<1x16xf32> to vector<16xf32>
        %add3A_859 = arith.addf %add3A_852, %get3A_858 : vector<16xf32>
        %add3A_860 = arith.constant 3 : i32
        %add3A_861 = arith.addi %mul3A_619, %add3A_860 : i32
        %get3A_862 = arith.index_cast %add3A_861 : i32 to index
        %get3A_863 = arith.constant 96 : index
        %get3A_864 = tpu.vector_load %arg11[%get3A_862, %get3A_863] {strides = array<i32>} : memref<80x128xf32, #tpu.memory_space<vmem>>, vector<1x16xf32>,
        %get3A_865 = vector.shape_cast %get3A_864 : vector<1x16xf32> to vector<16xf32>
        %add3A_866 = arith.addf %add3A_859, %get3A_865 : vector<16xf32>
        %add3A_867 = arith.constant 4 : i32
        %add3A_868 = arith.addi %mul3A_619, %add3A_867 : i32
        %get3A_869 = arith.index_cast %add3A_868 : i32 to index
        %get3A_870 = arith.constant 96 : index
        %get3A_871 = tpu.vector_load %arg11[%get3A_869, %get3A_870] {strides = array<i32>} : memref<80x128xf32, #tpu.memory_space<vmem>>, vector<1x16xf32>,
        %get3A_872 = vector.shape_cast %get3A_871 : vector<1x16xf32> to vector<16xf32>
        %add3A_873 = arith.addf %add3A_866, %get3A_872 : vector<16xf32>
        %swap3A_874 = arith.index_cast %scan3A_617 : i32 to index
        %swap3A_875 = arith.constant 96 : index
        %swap3A_876 = tpu.vector_load %arg15[%swap3A_874, %swap3A_875] {strides = array<i32>} : memref<16x128xf32, #tpu.memory_space<vmem>>, vector<1x16xf32>,
        %swap3A_877 = vector.shape_cast %swap3A_876 : vector<1x16xf32> to vector<16xf32>
        %swap3A_878 = vector.shape_cast %add3A_873 : vector<16xf32> to vector<1x16xf32>
        tpu.vector_store %arg15[%swap3A_874, %swap3A_875], %swap3A_878 {strides = array<i32>} : memref<16x128xf32, #tpu.memory_space<vmem>>, vector<1x16xf32>,
        %get3A_879 = arith.index_cast %mul3A_619 : i32 to index
        %get3A_880 = arith.constant 112 : index
        %get3A_881 = tpu.vector_load %arg11[%get3A_879, %get3A_880] {strides = array<i32>} : memref<80x128xf32, #tpu.memory_space<vmem>>, vector<1x16xf32>,
        %get3A_882 = vector.shape_cast %get3A_881 : vector<1x16xf32> to vector<16xf32>
        %add3A_883 = arith.constant 1 : i32
        %add3A_884 = arith.addi %mul3A_619, %add3A_883 : i32
        %get3A_885 = arith.index_cast %add3A_884 : i32 to index
        %get3A_886 = arith.constant 112 : index
        %get3A_887 = tpu.vector_load %arg11[%get3A_885, %get3A_886] {strides = array<i32>} : memref<80x128xf32, #tpu.memory_space<vmem>>, vector<1x16xf32>,
        %get3A_888 = vector.shape_cast %get3A_887 : vector<1x16xf32> to vector<16xf32>
        %add3A_889 = arith.addf %get3A_882, %get3A_888 : vector<16xf32>
        %add3A_890 = arith.constant 2 : i32
        %add3A_891 = arith.addi %mul3A_619, %add3A_890 : i32
        %get3A_892 = arith.index_cast %add3A_891 : i32 to index
        %get3A_893 = arith.constant 112 : index
        %get3A_894 = tpu.vector_load %arg11[%get3A_892, %get3A_893] {strides = array<i32>} : memref<80x128xf32, #tpu.memory_space<vmem>>, vector<1x16xf32>,
        %get3A_895 = vector.shape_cast %get3A_894 : vector<1x16xf32> to vector<16xf32>
        %add3A_896 = arith.addf %add3A_889, %get3A_895 : vector<16xf32>
        %add3A_897 = arith.constant 3 : i32
        %add3A_898 = arith.addi %mul3A_619, %add3A_897 : i32
        %get3A_899 = arith.index_cast %add3A_898 : i32 to index
        %get3A_900 = arith.constant 112 : index
        %get3A_901 = tpu.vector_load %arg11[%get3A_899, %get3A_900] {strides = array<i32>} : memref<80x128xf32, #tpu.memory_space<vmem>>, vector<1x16xf32>,
        %get3A_902 = vector.shape_cast %get3A_901 : vector<1x16xf32> to vector<16xf32>
        %add3A_903 = arith.addf %add3A_896, %get3A_902 : vector<16xf32>
        %add3A_904 = arith.constant 4 : i32
        %add3A_905 = arith.addi %mul3A_619, %add3A_904 : i32
        %get3A_906 = arith.index_cast %add3A_905 : i32 to index
        %get3A_907 = arith.constant 112 : index
        %get3A_908 = tpu.vector_load %arg11[%get3A_906, %get3A_907] {strides = array<i32>} : memref<80x128xf32, #tpu.memory_space<vmem>>, vector<1x16xf32>,
        %get3A_909 = vector.shape_cast %get3A_908 : vector<1x16xf32> to vector<16xf32>
        %add3A_910 = arith.addf %add3A_903, %get3A_909 : vector<16xf32>
        %swap3A_911 = arith.index_cast %scan3A_617 : i32 to index
        %swap3A_912 = arith.constant 112 : index
        %swap3A_913 = tpu.vector_load %arg15[%swap3A_911, %swap3A_912] {strides = array<i32>} : memref<16x128xf32, #tpu.memory_space<vmem>>, vector<1x16xf32>,
        %swap3A_914 = vector.shape_cast %swap3A_913 : vector<1x16xf32> to vector<16xf32>
        %swap3A_915 = vector.shape_cast %add3A_910 : vector<16xf32> to vector<1x16xf32>
        tpu.vector_store %arg15[%swap3A_911, %swap3A_912], %swap3A_915 {strides = array<i32>} : memref<16x128xf32, #tpu.memory_space<vmem>>, vector<1x16xf32>,
      }
      %scan3A_464 = arith.constant 16 : i32
      %dma_start3A_465 = arith.constant 0 : i32
      %dma_start3A_466 = tpu.memref_slice %arg6[%add3A_453, %dma_start3A_465] : memref<10240x128xf32, #tpu.memory_space<hbm>> -> memref<16x128xf32, #tpu.memory_space<hbm>>
      %dma_start3A_467 = arith.constant 0 : i32
      %dma_start3A_468 = tpu.memref_slice %arg6[%add3A_453, %dma_start3A_467] : memref<10240x128xf32, #tpu.memory_space<hbm>> -> memref<16x128xf32, #tpu.memory_space<hbm>>
      tpu.enqueue_dma source(%arg15 : memref<16x128xf32, #tpu.memory_space<vmem>>) target(%dma_start3A_468 : memref<16x128xf32, #tpu.memory_space<hbm>>) target_semaphore(%arg27 : memref<!tpu.dma_semaphore, #tpu.memory_space<semaphore_mem>>)
      %add3A_469 = arith.constant 4 : i32
      %add3A_470 = arith.addi %add3A_405, %add3A_469 : i32
      %lt3A_471 = arith.cmpi slt, %add3A_470, %select_n3A_58 : i32
      %convert_element_type3A_472 = arith.extui %lt3A_471 : i1 to i32
      %cond3A_473 = arith.constant 0 : i32
      %cond3A_474 = arith.cmpi ne, %convert_element_type3A_472, %cond3A_473 : i32
      scf.if %cond3A_474 {
        %mul3A_617 = arith.constant 80 : i32
        %mul3A_618 = arith.muli %add3A_470, %mul3A_617 : i32
        %add3A_619 = arith.constant 0 : i32
        %add3A_620 = arith.addi %mul3A_618, %add3A_619 : i32
        %get3A_621 = arith.index_cast %add3A_620 : i32 to index
        %get3A_622 = tpu.vector_load %arg9[%get3A_621] {strides = array<i32>} : memref<2560xi32, #tpu.memory_space<vmem>>, vector<16xi32>,
        %get3A_623 = vector.shape_cast %get3A_622 : vector<16xi32> to vector<16xi32>
        %dma_start3A_624 = arith.constant 0 : i32
        %dma_start3A_625 = arith.constant 0 : i32
        %dma_start3A_626 = tpu.memref_slice %arg11[%dma_start3A_624, %dma_start3A_625] : memref<80x128xf32, #tpu.memory_space<vmem>> -> memref<16x128xf32, #tpu.memory_space<vmem>>
        %dma_start3A_627 = arith.constant 0 : i32
        %dma_start3A_628 = arith.constant 0 : i32
        %dma_start3A_629 = tpu.memref_slice %arg3[%dma_start3A_627, %dma_start3A_628] : memref<100000x128xf32, #tpu.memory_space<hbm>> -> memref<100000x128xf32, #tpu.memory_space<hbm>>
        tpu.enqueue_indirect_dma source(%dma_start3A_629 : memref<100000x128xf32, #tpu.memory_space<hbm>>) target(%dma_start3A_626 : memref<16x128xf32, #tpu.memory_space<vmem>>) offsets(%get3A_623 : vector<16xi32>) semaphore(%arg23 : memref<!tpu.dma_semaphore, #tpu.memory_space<semaphore_mem>>)
        %mul3A_630 = arith.constant 80 : i32
        %mul3A_631 = arith.muli %add3A_470, %mul3A_630 : i32
        %add3A_632 = arith.constant 16 : i32
        %add3A_633 = arith.addi %mul3A_631, %add3A_632 : i32
        %get3A_634 = arith.index_cast %add3A_633 : i32 to index
        %get3A_635 = tpu.vector_load %arg9[%get3A_634] {strides = array<i32>} : memref<2560xi32, #tpu.memory_space<vmem>>, vector<16xi32>,
        %get3A_636 = vector.shape_cast %get3A_635 : vector<16xi32> to vector<16xi32>
        %dma_start3A_637 = arith.constant 16 : i32
        %dma_start3A_638 = arith.constant 0 : i32
        %dma_start3A_639 = tpu.memref_slice %arg11[%dma_start3A_637, %dma_start3A_638] : memref<80x128xf32, #tpu.memory_space<vmem>> -> memref<16x128xf32, #tpu.memory_space<vmem>>
        %dma_start3A_640 = arith.constant 0 : i32
        %dma_start3A_641 = arith.constant 0 : i32
        %dma_start3A_642 = tpu.memref_slice %arg3[%dma_start3A_640, %dma_start3A_641] : memref<100000x128xf32, #tpu.memory_space<hbm>> -> memref<100000x128xf32, #tpu.memory_space<hbm>>
        tpu.enqueue_indirect_dma source(%dma_start3A_642 : memref<100000x128xf32, #tpu.memory_space<hbm>>) target(%dma_start3A_639 : memref<16x128xf32, #tpu.memory_space<vmem>>) offsets(%get3A_636 : vector<16xi32>) semaphore(%arg23 : memref<!tpu.dma_semaphore, #tpu.memory_space<semaphore_mem>>)
        %mul3A_643 = arith.constant 80 : i32
        %mul3A_644 = arith.muli %add3A_470, %mul3A_643 : i32
        %add3A_645 = arith.constant 32 : i32
        %add3A_646 = arith.addi %mul3A_644, %add3A_645 : i32
        %get3A_647 = arith.index_cast %add3A_646 : i32 to index
        %get3A_648 = tpu.vector_load %arg9[%get3A_647] {strides = array<i32>} : memref<2560xi32, #tpu.memory_space<vmem>>, vector<16xi32>,
        %get3A_649 = vector.shape_cast %get3A_648 : vector<16xi32> to vector<16xi32>
        %dma_start3A_650 = arith.constant 32 : i32
        %dma_start3A_651 = arith.constant 0 : i32
        %dma_start3A_652 = tpu.memref_slice %arg11[%dma_start3A_650, %dma_start3A_651] : memref<80x128xf32, #tpu.memory_space<vmem>> -> memref<16x128xf32, #tpu.memory_space<vmem>>
        %dma_start3A_653 = arith.constant 0 : i32
        %dma_start3A_654 = arith.constant 0 : i32
        %dma_start3A_655 = tpu.memref_slice %arg3[%dma_start3A_653, %dma_start3A_654] : memref<100000x128xf32, #tpu.memory_space<hbm>> -> memref<100000x128xf32, #tpu.memory_space<hbm>>
        tpu.enqueue_indirect_dma source(%dma_start3A_655 : memref<100000x128xf32, #tpu.memory_space<hbm>>) target(%dma_start3A_652 : memref<16x128xf32, #tpu.memory_space<vmem>>) offsets(%get3A_649 : vector<16xi32>) semaphore(%arg23 : memref<!tpu.dma_semaphore, #tpu.memory_space<semaphore_mem>>)
        %mul3A_656 = arith.constant 80 : i32
        %mul3A_657 = arith.muli %add3A_470, %mul3A_656 : i32
        %add3A_658 = arith.constant 48 : i32
        %add3A_659 = arith.addi %mul3A_657, %add3A_658 : i32
        %get3A_660 = arith.index_cast %add3A_659 : i32 to index
        %get3A_661 = tpu.vector_load %arg9[%get3A_660] {strides = array<i32>} : memref<2560xi32, #tpu.memory_space<vmem>>, vector<16xi32>,
        %get3A_662 = vector.shape_cast %get3A_661 : vector<16xi32> to vector<16xi32>
        %dma_start3A_663 = arith.constant 48 : i32
        %dma_start3A_664 = arith.constant 0 : i32
        %dma_start3A_665 = tpu.memref_slice %arg11[%dma_start3A_663, %dma_start3A_664] : memref<80x128xf32, #tpu.memory_space<vmem>> -> memref<16x128xf32, #tpu.memory_space<vmem>>
        %dma_start3A_666 = arith.constant 0 : i32
        %dma_start3A_667 = arith.constant 0 : i32
        %dma_start3A_668 = tpu.memref_slice %arg3[%dma_start3A_666, %dma_start3A_667] : memref<100000x128xf32, #tpu.memory_space<hbm>> -> memref<100000x128xf32, #tpu.memory_space<hbm>>
        tpu.enqueue_indirect_dma source(%dma_start3A_668 : memref<100000x128xf32, #tpu.memory_space<hbm>>) target(%dma_start3A_665 : memref<16x128xf32, #tpu.memory_space<vmem>>) offsets(%get3A_662 : vector<16xi32>) semaphore(%arg23 : memref<!tpu.dma_semaphore, #tpu.memory_space<semaphore_mem>>)
        %mul3A_669 = arith.constant 80 : i32
        %mul3A_670 = arith.muli %add3A_470, %mul3A_669 : i32
        %add3A_671 = arith.constant 64 : i32
        %add3A_672 = arith.addi %mul3A_670, %add3A_671 : i32
        %get3A_673 = arith.index_cast %add3A_672 : i32 to index
        %get3A_674 = tpu.vector_load %arg9[%get3A_673] {strides = array<i32>} : memref<2560xi32, #tpu.memory_space<vmem>>, vector<16xi32>,
        %get3A_675 = vector.shape_cast %get3A_674 : vector<16xi32> to vector<16xi32>
        %dma_start3A_676 = arith.constant 64 : i32
        %dma_start3A_677 = arith.constant 0 : i32
        %dma_start3A_678 = tpu.memref_slice %arg11[%dma_start3A_676, %dma_start3A_677] : memref<80x128xf32, #tpu.memory_space<vmem>> -> memref<16x128xf32, #tpu.memory_space<vmem>>
        %dma_start3A_679 = arith.constant 0 : i32
        %dma_start3A_680 = arith.constant 0 : i32
        %dma_start3A_681 = tpu.memref_slice %arg3[%dma_start3A_679, %dma_start3A_680] : memref<100000x128xf32, #tpu.memory_space<hbm>> -> memref<100000x128xf32, #tpu.memory_space<hbm>>
        tpu.enqueue_indirect_dma source(%dma_start3A_681 : memref<100000x128xf32, #tpu.memory_space<hbm>>) target(%dma_start3A_678 : memref<16x128xf32, #tpu.memory_space<vmem>>) offsets(%get3A_675 : vector<16xi32>) semaphore(%arg23 : memref<!tpu.dma_semaphore, #tpu.memory_space<semaphore_mem>>)
      } else {
      }
      %add3A_475 = arith.constant 2 : i32
      %add3A_476 = arith.addi %mul3A_333, %add3A_475 : i32
      %get3A_477 = arith.constant 0 : index
      %get3A_478 = tpu.vector_load %arg9[%get3A_477] {strides = array<i32>} : memref<2560xi32, #tpu.memory_space<vmem>>, vector<16xi32>,
      %get3A_479 = vector.shape_cast %get3A_478 : vector<16xi32> to vector<16xi32>
      %dma_wait3A_480 = arith.constant 0 : i32
      %dma_wait3A_481 = arith.constant 0 : i32
      %dma_wait3A_482 = tpu.memref_slice %arg12[%dma_wait3A_480, %dma_wait3A_481] : memref<80x128xf32, #tpu.memory_space<vmem>> -> memref<16x128xf32, #tpu.memory_space<vmem>>
      %dma_wait3A_483 = arith.constant 0 : i32
      %dma_wait3A_484 = arith.constant 0 : i32
      %dma_wait3A_485 = tpu.memref_slice %arg3[%dma_wait3A_483, %dma_wait3A_484] : memref<100000x128xf32, #tpu.memory_space<hbm>> -> memref<100000x128xf32, #tpu.memory_space<hbm>>
      tpu.wait_indirect_dma semaphore(%arg24 : memref<!tpu.dma_semaphore, #tpu.memory_space<semaphore_mem>>) src(%dma_wait3A_485 : memref<100000x128xf32, #tpu.memory_space<hbm>>) dst(%dma_wait3A_482 : memref<16x128xf32, #tpu.memory_space<vmem>>)
      %get3A_486 = arith.constant 0 : index
      %get3A_487 = tpu.vector_load %arg9[%get3A_486] {strides = array<i32>} : memref<2560xi32, #tpu.memory_space<vmem>>, vector<16xi32>,
      %get3A_488 = vector.shape_cast %get3A_487 : vector<16xi32> to vector<16xi32>
      %dma_wait3A_489 = arith.constant 0 : i32
      %dma_wait3A_490 = arith.constant 0 : i32
      %dma_wait3A_491 = tpu.memref_slice %arg12[%dma_wait3A_489, %dma_wait3A_490] : memref<80x128xf32, #tpu.memory_space<vmem>> -> memref<16x128xf32, #tpu.memory_space<vmem>>
      %dma_wait3A_492 = arith.constant 0 : i32
      %dma_wait3A_493 = arith.constant 0 : i32
      %dma_wait3A_494 = tpu.memref_slice %arg3[%dma_wait3A_492, %dma_wait3A_493] : memref<100000x128xf32, #tpu.memory_space<hbm>> -> memref<100000x128xf32, #tpu.memory_space<hbm>>
      tpu.wait_indirect_dma semaphore(%arg24 : memref<!tpu.dma_semaphore, #tpu.memory_space<semaphore_mem>>) src(%dma_wait3A_494 : memref<100000x128xf32, #tpu.memory_space<hbm>>) dst(%dma_wait3A_491 : memref<16x128xf32, #tpu.memory_space<vmem>>)
      %get3A_495 = arith.constant 0 : index
      %get3A_496 = tpu.vector_load %arg9[%get3A_495] {strides = array<i32>} : memref<2560xi32, #tpu.memory_space<vmem>>, vector<16xi32>,
      %get3A_497 = vector.shape_cast %get3A_496 : vector<16xi32> to vector<16xi32>
      %dma_wait3A_498 = arith.constant 0 : i32
      %dma_wait3A_499 = arith.constant 0 : i32
      %dma_wait3A_500 = tpu.memref_slice %arg12[%dma_wait3A_498, %dma_wait3A_499] : memref<80x128xf32, #tpu.memory_space<vmem>> -> memref<16x128xf32, #tpu.memory_space<vmem>>
      %dma_wait3A_501 = arith.constant 0 : i32
      %dma_wait3A_502 = arith.constant 0 : i32
      %dma_wait3A_503 = tpu.memref_slice %arg3[%dma_wait3A_501, %dma_wait3A_502] : memref<100000x128xf32, #tpu.memory_space<hbm>> -> memref<100000x128xf32, #tpu.memory_space<hbm>>
      tpu.wait_indirect_dma semaphore(%arg24 : memref<!tpu.dma_semaphore, #tpu.memory_space<semaphore_mem>>) src(%dma_wait3A_503 : memref<100000x128xf32, #tpu.memory_space<hbm>>) dst(%dma_wait3A_500 : memref<16x128xf32, #tpu.memory_space<vmem>>)
      %get3A_504 = arith.constant 0 : index
      %get3A_505 = tpu.vector_load %arg9[%get3A_504] {strides = array<i32>} : memref<2560xi32, #tpu.memory_space<vmem>>, vector<16xi32>,
      %get3A_506 = vector.shape_cast %get3A_505 : vector<16xi32> to vector<16xi32>
      %dma_wait3A_507 = arith.constant 0 : i32
      %dma_wait3A_508 = arith.constant 0 : i32
      %dma_wait3A_509 = tpu.memref_slice %arg12[%dma_wait3A_507, %dma_wait3A_508] : memref<80x128xf32, #tpu.memory_space<vmem>> -> memref<16x128xf32, #tpu.memory_space<vmem>>
      %dma_wait3A_510 = arith.constant 0 : i32
      %dma_wait3A_511 = arith.constant 0 : i32
      %dma_wait3A_512 = tpu.memref_slice %arg3[%dma_wait3A_510, %dma_wait3A_511] : memref<100000x128xf32, #tpu.memory_space<hbm>> -> memref<100000x128xf32, #tpu.memory_space<hbm>>
      tpu.wait_indirect_dma semaphore(%arg24 : memref<!tpu.dma_semaphore, #tpu.memory_space<semaphore_mem>>) src(%dma_wait3A_512 : memref<100000x128xf32, #tpu.memory_space<hbm>>) dst(%dma_wait3A_509 : memref<16x128xf32, #tpu.memory_space<vmem>>)
      %get3A_513 = arith.constant 0 : index
      %get3A_514 = tpu.vector_load %arg9[%get3A_513] {strides = array<i32>} : memref<2560xi32, #tpu.memory_space<vmem>>, vector<16xi32>,
      %get3A_515 = vector.shape_cast %get3A_514 : vector<16xi32> to vector<16xi32>
      %dma_wait3A_516 = arith.constant 0 : i32
      %dma_wait3A_517 = arith.constant 0 : i32
      %dma_wait3A_518 = tpu.memref_slice %arg12[%dma_wait3A_516, %dma_wait3A_517] : memref<80x128xf32, #tpu.memory_space<vmem>> -> memref<16x128xf32, #tpu.memory_space<vmem>>
      %dma_wait3A_519 = arith.constant 0 : i32
      %dma_wait3A_520 = arith.constant 0 : i32
      %dma_wait3A_521 = tpu.memref_slice %arg3[%dma_wait3A_519, %dma_wait3A_520] : memref<100000x128xf32, #tpu.memory_space<hbm>> -> memref<100000x128xf32, #tpu.memory_space<hbm>>
      tpu.wait_indirect_dma semaphore(%arg24 : memref<!tpu.dma_semaphore, #tpu.memory_space<semaphore_mem>>) src(%dma_wait3A_521 : memref<100000x128xf32, #tpu.memory_space<hbm>>) dst(%dma_wait3A_518 : memref<16x128xf32, #tpu.memory_space<vmem>>)
      %mul3A_522 = arith.constant 16 : i32
      %mul3A_523 = arith.muli %add3A_476, %mul3A_522 : i32
      %add3A_524 = arith.addi %add3A_67, %mul3A_523 : i32
      %gt3A_525 = arith.constant 0 : i32
      %gt3A_526 = arith.cmpi sgt, %while3A_331, %gt3A_525 : i32
      %convert_element_type3A_527 = arith.extui %gt3A_526 : i1 to i32
      %cond3A_528 = arith.constant 0 : i32
      %cond3A_529 = arith.cmpi ne, %convert_element_type3A_527, %cond3A_528 : i32
      scf.if %cond3A_529 {
        %dma_wait3A_617 = arith.constant 0 : i32
        %dma_wait3A_618 = arith.constant 0 : i32
        %dma_wait3A_619 = tpu.memref_slice %arg6[%dma_wait3A_617, %dma_wait3A_618] : memref<10240x128xf32, #tpu.memory_space<hbm>> -> memref<16x128xf32, #tpu.memory_space<hbm>>
        %dma_wait3A_620 = arith.constant 0 : i32
        %dma_wait3A_621 = arith.constant 0 : i32
        %dma_wait3A_622 = tpu.memref_slice %arg6[%dma_wait3A_620, %dma_wait3A_621] : memref<10240x128xf32, #tpu.memory_space<hbm>> -> memref<16x128xf32, #tpu.memory_space<hbm>>
        tpu.wait_dma2 semaphore(%arg28 : memref<!tpu.dma_semaphore, #tpu.memory_space<semaphore_mem>>) src(%arg16 : memref<16x128xf32, #tpu.memory_space<vmem>>) dst(%dma_wait3A_622 : memref<16x128xf32, #tpu.memory_space<hbm>>)
      } else {
      }
      %scan3A_530 = arith.constant 0 : i32
      %scan3A_531 = arith.constant 0 : i32
      %scan3A_532 = arith.constant 16 : i32
      %scan3A_533 = arith.addi %scan3A_531, %scan3A_532 : i32
      %scan3A_534 = arith.constant 1 : i32
      scf.for %scan3A_617 = %scan3A_531 to %scan3A_533 step %scan3A_534  : i32 {
        %mul3A_618 = arith.constant 5 : i32
        %mul3A_619 = arith.muli %mul3A_618, %scan3A_617 : i32
        %get3A_620 = arith.index_cast %mul3A_619 : i32 to index
        %get3A_621 = arith.constant 0 : index
        %get3A_622 = tpu.vector_load %arg12[%get3A_620, %get3A_621] {strides = array<i32>} : memref<80x128xf32, #tpu.memory_space<vmem>>, vector<1x16xf32>,
        %get3A_623 = vector.shape_cast %get3A_622 : vector<1x16xf32> to vector<16xf32>
        %add3A_624 = arith.constant 1 : i32
        %add3A_625 = arith.addi %mul3A_619, %add3A_624 : i32
        %get3A_626 = arith.index_cast %add3A_625 : i32 to index
        %get3A_627 = arith.constant 0 : index
        %get3A_628 = tpu.vector_load %arg12[%get3A_626, %get3A_627] {strides = array<i32>} : memref<80x128xf32, #tpu.memory_space<vmem>>, vector<1x16xf32>,
        %get3A_629 = vector.shape_cast %get3A_628 : vector<1x16xf32> to vector<16xf32>
        %add3A_630 = arith.addf %get3A_623, %get3A_629 : vector<16xf32>
        %add3A_631 = arith.constant 2 : i32
        %add3A_632 = arith.addi %mul3A_619, %add3A_631 : i32
        %get3A_633 = arith.index_cast %add3A_632 : i32 to index
        %get3A_634 = arith.constant 0 : index
        %get3A_635 = tpu.vector_load %arg12[%get3A_633, %get3A_634] {strides = array<i32>} : memref<80x128xf32, #tpu.memory_space<vmem>>, vector<1x16xf32>,
        %get3A_636 = vector.shape_cast %get3A_635 : vector<1x16xf32> to vector<16xf32>
        %add3A_637 = arith.addf %add3A_630, %get3A_636 : vector<16xf32>
        %add3A_638 = arith.constant 3 : i32
        %add3A_639 = arith.addi %mul3A_619, %add3A_638 : i32
        %get3A_640 = arith.index_cast %add3A_639 : i32 to index
        %get3A_641 = arith.constant 0 : index
        %get3A_642 = tpu.vector_load %arg12[%get3A_640, %get3A_641] {strides = array<i32>} : memref<80x128xf32, #tpu.memory_space<vmem>>, vector<1x16xf32>,
        %get3A_643 = vector.shape_cast %get3A_642 : vector<1x16xf32> to vector<16xf32>
        %add3A_644 = arith.addf %add3A_637, %get3A_643 : vector<16xf32>
        %add3A_645 = arith.constant 4 : i32
        %add3A_646 = arith.addi %mul3A_619, %add3A_645 : i32
        %get3A_647 = arith.index_cast %add3A_646 : i32 to index
        %get3A_648 = arith.constant 0 : index
        %get3A_649 = tpu.vector_load %arg12[%get3A_647, %get3A_648] {strides = array<i32>} : memref<80x128xf32, #tpu.memory_space<vmem>>, vector<1x16xf32>,
        %get3A_650 = vector.shape_cast %get3A_649 : vector<1x16xf32> to vector<16xf32>
        %add3A_651 = arith.addf %add3A_644, %get3A_650 : vector<16xf32>
        %swap3A_652 = arith.index_cast %scan3A_617 : i32 to index
        %swap3A_653 = arith.constant 0 : index
        %swap3A_654 = tpu.vector_load %arg16[%swap3A_652, %swap3A_653] {strides = array<i32>} : memref<16x128xf32, #tpu.memory_space<vmem>>, vector<1x16xf32>,
        %swap3A_655 = vector.shape_cast %swap3A_654 : vector<1x16xf32> to vector<16xf32>
        %swap3A_656 = vector.shape_cast %add3A_651 : vector<16xf32> to vector<1x16xf32>
        tpu.vector_store %arg16[%swap3A_652, %swap3A_653], %swap3A_656 {strides = array<i32>} : memref<16x128xf32, #tpu.memory_space<vmem>>, vector<1x16xf32>,
        %get3A_657 = arith.index_cast %mul3A_619 : i32 to index
        %get3A_658 = arith.constant 16 : index
        %get3A_659 = tpu.vector_load %arg12[%get3A_657, %get3A_658] {strides = array<i32>} : memref<80x128xf32, #tpu.memory_space<vmem>>, vector<1x16xf32>,
        %get3A_660 = vector.shape_cast %get3A_659 : vector<1x16xf32> to vector<16xf32>
        %add3A_661 = arith.constant 1 : i32
        %add3A_662 = arith.addi %mul3A_619, %add3A_661 : i32
        %get3A_663 = arith.index_cast %add3A_662 : i32 to index
        %get3A_664 = arith.constant 16 : index
        %get3A_665 = tpu.vector_load %arg12[%get3A_663, %get3A_664] {strides = array<i32>} : memref<80x128xf32, #tpu.memory_space<vmem>>, vector<1x16xf32>,
        %get3A_666 = vector.shape_cast %get3A_665 : vector<1x16xf32> to vector<16xf32>
        %add3A_667 = arith.addf %get3A_660, %get3A_666 : vector<16xf32>
        %add3A_668 = arith.constant 2 : i32
        %add3A_669 = arith.addi %mul3A_619, %add3A_668 : i32
        %get3A_670 = arith.index_cast %add3A_669 : i32 to index
        %get3A_671 = arith.constant 16 : index
        %get3A_672 = tpu.vector_load %arg12[%get3A_670, %get3A_671] {strides = array<i32>} : memref<80x128xf32, #tpu.memory_space<vmem>>, vector<1x16xf32>,
        %get3A_673 = vector.shape_cast %get3A_672 : vector<1x16xf32> to vector<16xf32>
        %add3A_674 = arith.addf %add3A_667, %get3A_673 : vector<16xf32>
        %add3A_675 = arith.constant 3 : i32
        %add3A_676 = arith.addi %mul3A_619, %add3A_675 : i32
        %get3A_677 = arith.index_cast %add3A_676 : i32 to index
        %get3A_678 = arith.constant 16 : index
        %get3A_679 = tpu.vector_load %arg12[%get3A_677, %get3A_678] {strides = array<i32>} : memref<80x128xf32, #tpu.memory_space<vmem>>, vector<1x16xf32>,
        %get3A_680 = vector.shape_cast %get3A_679 : vector<1x16xf32> to vector<16xf32>
        %add3A_681 = arith.addf %add3A_674, %get3A_680 : vector<16xf32>
        %add3A_682 = arith.constant 4 : i32
        %add3A_683 = arith.addi %mul3A_619, %add3A_682 : i32
        %get3A_684 = arith.index_cast %add3A_683 : i32 to index
        %get3A_685 = arith.constant 16 : index
        %get3A_686 = tpu.vector_load %arg12[%get3A_684, %get3A_685] {strides = array<i32>} : memref<80x128xf32, #tpu.memory_space<vmem>>, vector<1x16xf32>,
        %get3A_687 = vector.shape_cast %get3A_686 : vector<1x16xf32> to vector<16xf32>
        %add3A_688 = arith.addf %add3A_681, %get3A_687 : vector<16xf32>
        %swap3A_689 = arith.index_cast %scan3A_617 : i32 to index
        %swap3A_690 = arith.constant 16 : index
        %swap3A_691 = tpu.vector_load %arg16[%swap3A_689, %swap3A_690] {strides = array<i32>} : memref<16x128xf32, #tpu.memory_space<vmem>>, vector<1x16xf32>,
        %swap3A_692 = vector.shape_cast %swap3A_691 : vector<1x16xf32> to vector<16xf32>
        %swap3A_693 = vector.shape_cast %add3A_688 : vector<16xf32> to vector<1x16xf32>
        tpu.vector_store %arg16[%swap3A_689, %swap3A_690], %swap3A_693 {strides = array<i32>} : memref<16x128xf32, #tpu.memory_space<vmem>>, vector<1x16xf32>,
        %get3A_694 = arith.index_cast %mul3A_619 : i32 to index
        %get3A_695 = arith.constant 32 : index
        %get3A_696 = tpu.vector_load %arg12[%get3A_694, %get3A_695] {strides = array<i32>} : memref<80x128xf32, #tpu.memory_space<vmem>>, vector<1x16xf32>,
        %get3A_697 = vector.shape_cast %get3A_696 : vector<1x16xf32> to vector<16xf32>
        %add3A_698 = arith.constant 1 : i32
        %add3A_699 = arith.addi %mul3A_619, %add3A_698 : i32
        %get3A_700 = arith.index_cast %add3A_699 : i32 to index
        %get3A_701 = arith.constant 32 : index
        %get3A_702 = tpu.vector_load %arg12[%get3A_700, %get3A_701] {strides = array<i32>} : memref<80x128xf32, #tpu.memory_space<vmem>>, vector<1x16xf32>,
        %get3A_703 = vector.shape_cast %get3A_702 : vector<1x16xf32> to vector<16xf32>
        %add3A_704 = arith.addf %get3A_697, %get3A_703 : vector<16xf32>
        %add3A_705 = arith.constant 2 : i32
        %add3A_706 = arith.addi %mul3A_619, %add3A_705 : i32
        %get3A_707 = arith.index_cast %add3A_706 : i32 to index
        %get3A_708 = arith.constant 32 : index
        %get3A_709 = tpu.vector_load %arg12[%get3A_707, %get3A_708] {strides = array<i32>} : memref<80x128xf32, #tpu.memory_space<vmem>>, vector<1x16xf32>,
        %get3A_710 = vector.shape_cast %get3A_709 : vector<1x16xf32> to vector<16xf32>
        %add3A_711 = arith.addf %add3A_704, %get3A_710 : vector<16xf32>
        %add3A_712 = arith.constant 3 : i32
        %add3A_713 = arith.addi %mul3A_619, %add3A_712 : i32
        %get3A_714 = arith.index_cast %add3A_713 : i32 to index
        %get3A_715 = arith.constant 32 : index
        %get3A_716 = tpu.vector_load %arg12[%get3A_714, %get3A_715] {strides = array<i32>} : memref<80x128xf32, #tpu.memory_space<vmem>>, vector<1x16xf32>,
        %get3A_717 = vector.shape_cast %get3A_716 : vector<1x16xf32> to vector<16xf32>
        %add3A_718 = arith.addf %add3A_711, %get3A_717 : vector<16xf32>
        %add3A_719 = arith.constant 4 : i32
        %add3A_720 = arith.addi %mul3A_619, %add3A_719 : i32
        %get3A_721 = arith.index_cast %add3A_720 : i32 to index
        %get3A_722 = arith.constant 32 : index
        %get3A_723 = tpu.vector_load %arg12[%get3A_721, %get3A_722] {strides = array<i32>} : memref<80x128xf32, #tpu.memory_space<vmem>>, vector<1x16xf32>,
        %get3A_724 = vector.shape_cast %get3A_723 : vector<1x16xf32> to vector<16xf32>
        %add3A_725 = arith.addf %add3A_718, %get3A_724 : vector<16xf32>
        %swap3A_726 = arith.index_cast %scan3A_617 : i32 to index
        %swap3A_727 = arith.constant 32 : index
        %swap3A_728 = tpu.vector_load %arg16[%swap3A_726, %swap3A_727] {strides = array<i32>} : memref<16x128xf32, #tpu.memory_space<vmem>>, vector<1x16xf32>,
        %swap3A_729 = vector.shape_cast %swap3A_728 : vector<1x16xf32> to vector<16xf32>
        %swap3A_730 = vector.shape_cast %add3A_725 : vector<16xf32> to vector<1x16xf32>
        tpu.vector_store %arg16[%swap3A_726, %swap3A_727], %swap3A_730 {strides = array<i32>} : memref<16x128xf32, #tpu.memory_space<vmem>>, vector<1x16xf32>,
        %get3A_731 = arith.index_cast %mul3A_619 : i32 to index
        %get3A_732 = arith.constant 48 : index
        %get3A_733 = tpu.vector_load %arg12[%get3A_731, %get3A_732] {strides = array<i32>} : memref<80x128xf32, #tpu.memory_space<vmem>>, vector<1x16xf32>,
        %get3A_734 = vector.shape_cast %get3A_733 : vector<1x16xf32> to vector<16xf32>
        %add3A_735 = arith.constant 1 : i32
        %add3A_736 = arith.addi %mul3A_619, %add3A_735 : i32
        %get3A_737 = arith.index_cast %add3A_736 : i32 to index
        %get3A_738 = arith.constant 48 : index
        %get3A_739 = tpu.vector_load %arg12[%get3A_737, %get3A_738] {strides = array<i32>} : memref<80x128xf32, #tpu.memory_space<vmem>>, vector<1x16xf32>,
        %get3A_740 = vector.shape_cast %get3A_739 : vector<1x16xf32> to vector<16xf32>
        %add3A_741 = arith.addf %get3A_734, %get3A_740 : vector<16xf32>
        %add3A_742 = arith.constant 2 : i32
        %add3A_743 = arith.addi %mul3A_619, %add3A_742 : i32
        %get3A_744 = arith.index_cast %add3A_743 : i32 to index
        %get3A_745 = arith.constant 48 : index
        %get3A_746 = tpu.vector_load %arg12[%get3A_744, %get3A_745] {strides = array<i32>} : memref<80x128xf32, #tpu.memory_space<vmem>>, vector<1x16xf32>,
        %get3A_747 = vector.shape_cast %get3A_746 : vector<1x16xf32> to vector<16xf32>
        %add3A_748 = arith.addf %add3A_741, %get3A_747 : vector<16xf32>
        %add3A_749 = arith.constant 3 : i32
        %add3A_750 = arith.addi %mul3A_619, %add3A_749 : i32
        %get3A_751 = arith.index_cast %add3A_750 : i32 to index
        %get3A_752 = arith.constant 48 : index
        %get3A_753 = tpu.vector_load %arg12[%get3A_751, %get3A_752] {strides = array<i32>} : memref<80x128xf32, #tpu.memory_space<vmem>>, vector<1x16xf32>,
        %get3A_754 = vector.shape_cast %get3A_753 : vector<1x16xf32> to vector<16xf32>
        %add3A_755 = arith.addf %add3A_748, %get3A_754 : vector<16xf32>
        %add3A_756 = arith.constant 4 : i32
        %add3A_757 = arith.addi %mul3A_619, %add3A_756 : i32
        %get3A_758 = arith.index_cast %add3A_757 : i32 to index
        %get3A_759 = arith.constant 48 : index
        %get3A_760 = tpu.vector_load %arg12[%get3A_758, %get3A_759] {strides = array<i32>} : memref<80x128xf32, #tpu.memory_space<vmem>>, vector<1x16xf32>,
        %get3A_761 = vector.shape_cast %get3A_760 : vector<1x16xf32> to vector<16xf32>
        %add3A_762 = arith.addf %add3A_755, %get3A_761 : vector<16xf32>
        %swap3A_763 = arith.index_cast %scan3A_617 : i32 to index
        %swap3A_764 = arith.constant 48 : index
        %swap3A_765 = tpu.vector_load %arg16[%swap3A_763, %swap3A_764] {strides = array<i32>} : memref<16x128xf32, #tpu.memory_space<vmem>>, vector<1x16xf32>,
        %swap3A_766 = vector.shape_cast %swap3A_765 : vector<1x16xf32> to vector<16xf32>
        %swap3A_767 = vector.shape_cast %add3A_762 : vector<16xf32> to vector<1x16xf32>
        tpu.vector_store %arg16[%swap3A_763, %swap3A_764], %swap3A_767 {strides = array<i32>} : memref<16x128xf32, #tpu.memory_space<vmem>>, vector<1x16xf32>,
        %get3A_768 = arith.index_cast %mul3A_619 : i32 to index
        %get3A_769 = arith.constant 64 : index
        %get3A_770 = tpu.vector_load %arg12[%get3A_768, %get3A_769] {strides = array<i32>} : memref<80x128xf32, #tpu.memory_space<vmem>>, vector<1x16xf32>,
        %get3A_771 = vector.shape_cast %get3A_770 : vector<1x16xf32> to vector<16xf32>
        %add3A_772 = arith.constant 1 : i32
        %add3A_773 = arith.addi %mul3A_619, %add3A_772 : i32
        %get3A_774 = arith.index_cast %add3A_773 : i32 to index
        %get3A_775 = arith.constant 64 : index
        %get3A_776 = tpu.vector_load %arg12[%get3A_774, %get3A_775] {strides = array<i32>} : memref<80x128xf32, #tpu.memory_space<vmem>>, vector<1x16xf32>,
        %get3A_777 = vector.shape_cast %get3A_776 : vector<1x16xf32> to vector<16xf32>
        %add3A_778 = arith.addf %get3A_771, %get3A_777 : vector<16xf32>
        %add3A_779 = arith.constant 2 : i32
        %add3A_780 = arith.addi %mul3A_619, %add3A_779 : i32
        %get3A_781 = arith.index_cast %add3A_780 : i32 to index
        %get3A_782 = arith.constant 64 : index
        %get3A_783 = tpu.vector_load %arg12[%get3A_781, %get3A_782] {strides = array<i32>} : memref<80x128xf32, #tpu.memory_space<vmem>>, vector<1x16xf32>,
        %get3A_784 = vector.shape_cast %get3A_783 : vector<1x16xf32> to vector<16xf32>
        %add3A_785 = arith.addf %add3A_778, %get3A_784 : vector<16xf32>
        %add3A_786 = arith.constant 3 : i32
        %add3A_787 = arith.addi %mul3A_619, %add3A_786 : i32
        %get3A_788 = arith.index_cast %add3A_787 : i32 to index
        %get3A_789 = arith.constant 64 : index
        %get3A_790 = tpu.vector_load %arg12[%get3A_788, %get3A_789] {strides = array<i32>} : memref<80x128xf32, #tpu.memory_space<vmem>>, vector<1x16xf32>,
        %get3A_791 = vector.shape_cast %get3A_790 : vector<1x16xf32> to vector<16xf32>
        %add3A_792 = arith.addf %add3A_785, %get3A_791 : vector<16xf32>
        %add3A_793 = arith.constant 4 : i32
        %add3A_794 = arith.addi %mul3A_619, %add3A_793 : i32
        %get3A_795 = arith.index_cast %add3A_794 : i32 to index
        %get3A_796 = arith.constant 64 : index
        %get3A_797 = tpu.vector_load %arg12[%get3A_795, %get3A_796] {strides = array<i32>} : memref<80x128xf32, #tpu.memory_space<vmem>>, vector<1x16xf32>,
        %get3A_798 = vector.shape_cast %get3A_797 : vector<1x16xf32> to vector<16xf32>
        %add3A_799 = arith.addf %add3A_792, %get3A_798 : vector<16xf32>
        %swap3A_800 = arith.index_cast %scan3A_617 : i32 to index
        %swap3A_801 = arith.constant 64 : index
        %swap3A_802 = tpu.vector_load %arg16[%swap3A_800, %swap3A_801] {strides = array<i32>} : memref<16x128xf32, #tpu.memory_space<vmem>>, vector<1x16xf32>,
        %swap3A_803 = vector.shape_cast %swap3A_802 : vector<1x16xf32> to vector<16xf32>
        %swap3A_804 = vector.shape_cast %add3A_799 : vector<16xf32> to vector<1x16xf32>
        tpu.vector_store %arg16[%swap3A_800, %swap3A_801], %swap3A_804 {strides = array<i32>} : memref<16x128xf32, #tpu.memory_space<vmem>>, vector<1x16xf32>,
        %get3A_805 = arith.index_cast %mul3A_619 : i32 to index
        %get3A_806 = arith.constant 80 : index
        %get3A_807 = tpu.vector_load %arg12[%get3A_805, %get3A_806] {strides = array<i32>} : memref<80x128xf32, #tpu.memory_space<vmem>>, vector<1x16xf32>,
        %get3A_808 = vector.shape_cast %get3A_807 : vector<1x16xf32> to vector<16xf32>
        %add3A_809 = arith.constant 1 : i32
        %add3A_810 = arith.addi %mul3A_619, %add3A_809 : i32
        %get3A_811 = arith.index_cast %add3A_810 : i32 to index
        %get3A_812 = arith.constant 80 : index
        %get3A_813 = tpu.vector_load %arg12[%get3A_811, %get3A_812] {strides = array<i32>} : memref<80x128xf32, #tpu.memory_space<vmem>>, vector<1x16xf32>,
        %get3A_814 = vector.shape_cast %get3A_813 : vector<1x16xf32> to vector<16xf32>
        %add3A_815 = arith.addf %get3A_808, %get3A_814 : vector<16xf32>
        %add3A_816 = arith.constant 2 : i32
        %add3A_817 = arith.addi %mul3A_619, %add3A_816 : i32
        %get3A_818 = arith.index_cast %add3A_817 : i32 to index
        %get3A_819 = arith.constant 80 : index
        %get3A_820 = tpu.vector_load %arg12[%get3A_818, %get3A_819] {strides = array<i32>} : memref<80x128xf32, #tpu.memory_space<vmem>>, vector<1x16xf32>,
        %get3A_821 = vector.shape_cast %get3A_820 : vector<1x16xf32> to vector<16xf32>
        %add3A_822 = arith.addf %add3A_815, %get3A_821 : vector<16xf32>
        %add3A_823 = arith.constant 3 : i32
        %add3A_824 = arith.addi %mul3A_619, %add3A_823 : i32
        %get3A_825 = arith.index_cast %add3A_824 : i32 to index
        %get3A_826 = arith.constant 80 : index
        %get3A_827 = tpu.vector_load %arg12[%get3A_825, %get3A_826] {strides = array<i32>} : memref<80x128xf32, #tpu.memory_space<vmem>>, vector<1x16xf32>,
        %get3A_828 = vector.shape_cast %get3A_827 : vector<1x16xf32> to vector<16xf32>
        %add3A_829 = arith.addf %add3A_822, %get3A_828 : vector<16xf32>
        %add3A_830 = arith.constant 4 : i32
        %add3A_831 = arith.addi %mul3A_619, %add3A_830 : i32
        %get3A_832 = arith.index_cast %add3A_831 : i32 to index
        %get3A_833 = arith.constant 80 : index
        %get3A_834 = tpu.vector_load %arg12[%get3A_832, %get3A_833] {strides = array<i32>} : memref<80x128xf32, #tpu.memory_space<vmem>>, vector<1x16xf32>,
        %get3A_835 = vector.shape_cast %get3A_834 : vector<1x16xf32> to vector<16xf32>
        %add3A_836 = arith.addf %add3A_829, %get3A_835 : vector<16xf32>
        %swap3A_837 = arith.index_cast %scan3A_617 : i32 to index
        %swap3A_838 = arith.constant 80 : index
        %swap3A_839 = tpu.vector_load %arg16[%swap3A_837, %swap3A_838] {strides = array<i32>} : memref<16x128xf32, #tpu.memory_space<vmem>>, vector<1x16xf32>,
        %swap3A_840 = vector.shape_cast %swap3A_839 : vector<1x16xf32> to vector<16xf32>
        %swap3A_841 = vector.shape_cast %add3A_836 : vector<16xf32> to vector<1x16xf32>
        tpu.vector_store %arg16[%swap3A_837, %swap3A_838], %swap3A_841 {strides = array<i32>} : memref<16x128xf32, #tpu.memory_space<vmem>>, vector<1x16xf32>,
        %get3A_842 = arith.index_cast %mul3A_619 : i32 to index
        %get3A_843 = arith.constant 96 : index
        %get3A_844 = tpu.vector_load %arg12[%get3A_842, %get3A_843] {strides = array<i32>} : memref<80x128xf32, #tpu.memory_space<vmem>>, vector<1x16xf32>,
        %get3A_845 = vector.shape_cast %get3A_844 : vector<1x16xf32> to vector<16xf32>
        %add3A_846 = arith.constant 1 : i32
        %add3A_847 = arith.addi %mul3A_619, %add3A_846 : i32
        %get3A_848 = arith.index_cast %add3A_847 : i32 to index
        %get3A_849 = arith.constant 96 : index
        %get3A_850 = tpu.vector_load %arg12[%get3A_848, %get3A_849] {strides = array<i32>} : memref<80x128xf32, #tpu.memory_space<vmem>>, vector<1x16xf32>,
        %get3A_851 = vector.shape_cast %get3A_850 : vector<1x16xf32> to vector<16xf32>
        %add3A_852 = arith.addf %get3A_845, %get3A_851 : vector<16xf32>
        %add3A_853 = arith.constant 2 : i32
        %add3A_854 = arith.addi %mul3A_619, %add3A_853 : i32
        %get3A_855 = arith.index_cast %add3A_854 : i32 to index
        %get3A_856 = arith.constant 96 : index
        %get3A_857 = tpu.vector_load %arg12[%get3A_855, %get3A_856] {strides = array<i32>} : memref<80x128xf32, #tpu.memory_space<vmem>>, vector<1x16xf32>,
        %get3A_858 = vector.shape_cast %get3A_857 : vector<1x16xf32> to vector<16xf32>
        %add3A_859 = arith.addf %add3A_852, %get3A_858 : vector<16xf32>
        %add3A_860 = arith.constant 3 : i32
        %add3A_861 = arith.addi %mul3A_619, %add3A_860 : i32
        %get3A_862 = arith.index_cast %add3A_861 : i32 to index
        %get3A_863 = arith.constant 96 : index
        %get3A_864 = tpu.vector_load %arg12[%get3A_862, %get3A_863] {strides = array<i32>} : memref<80x128xf32, #tpu.memory_space<vmem>>, vector<1x16xf32>,
        %get3A_865 = vector.shape_cast %get3A_864 : vector<1x16xf32> to vector<16xf32>
        %add3A_866 = arith.addf %add3A_859, %get3A_865 : vector<16xf32>
        %add3A_867 = arith.constant 4 : i32
        %add3A_868 = arith.addi %mul3A_619, %add3A_867 : i32
        %get3A_869 = arith.index_cast %add3A_868 : i32 to index
        %get3A_870 = arith.constant 96 : index
        %get3A_871 = tpu.vector_load %arg12[%get3A_869, %get3A_870] {strides = array<i32>} : memref<80x128xf32, #tpu.memory_space<vmem>>, vector<1x16xf32>,
        %get3A_872 = vector.shape_cast %get3A_871 : vector<1x16xf32> to vector<16xf32>
        %add3A_873 = arith.addf %add3A_866, %get3A_872 : vector<16xf32>
        %swap3A_874 = arith.index_cast %scan3A_617 : i32 to index
        %swap3A_875 = arith.constant 96 : index
        %swap3A_876 = tpu.vector_load %arg16[%swap3A_874, %swap3A_875] {strides = array<i32>} : memref<16x128xf32, #tpu.memory_space<vmem>>, vector<1x16xf32>,
        %swap3A_877 = vector.shape_cast %swap3A_876 : vector<1x16xf32> to vector<16xf32>
        %swap3A_878 = vector.shape_cast %add3A_873 : vector<16xf32> to vector<1x16xf32>
        tpu.vector_store %arg16[%swap3A_874, %swap3A_875], %swap3A_878 {strides = array<i32>} : memref<16x128xf32, #tpu.memory_space<vmem>>, vector<1x16xf32>,
        %get3A_879 = arith.index_cast %mul3A_619 : i32 to index
        %get3A_880 = arith.constant 112 : index
        %get3A_881 = tpu.vector_load %arg12[%get3A_879, %get3A_880] {strides = array<i32>} : memref<80x128xf32, #tpu.memory_space<vmem>>, vector<1x16xf32>,
        %get3A_882 = vector.shape_cast %get3A_881 : vector<1x16xf32> to vector<16xf32>
        %add3A_883 = arith.constant 1 : i32
        %add3A_884 = arith.addi %mul3A_619, %add3A_883 : i32
        %get3A_885 = arith.index_cast %add3A_884 : i32 to index
        %get3A_886 = arith.constant 112 : index
        %get3A_887 = tpu.vector_load %arg12[%get3A_885, %get3A_886] {strides = array<i32>} : memref<80x128xf32, #tpu.memory_space<vmem>>, vector<1x16xf32>,
        %get3A_888 = vector.shape_cast %get3A_887 : vector<1x16xf32> to vector<16xf32>
        %add3A_889 = arith.addf %get3A_882, %get3A_888 : vector<16xf32>
        %add3A_890 = arith.constant 2 : i32
        %add3A_891 = arith.addi %mul3A_619, %add3A_890 : i32
        %get3A_892 = arith.index_cast %add3A_891 : i32 to index
        %get3A_893 = arith.constant 112 : index
        %get3A_894 = tpu.vector_load %arg12[%get3A_892, %get3A_893] {strides = array<i32>} : memref<80x128xf32, #tpu.memory_space<vmem>>, vector<1x16xf32>,
        %get3A_895 = vector.shape_cast %get3A_894 : vector<1x16xf32> to vector<16xf32>
        %add3A_896 = arith.addf %add3A_889, %get3A_895 : vector<16xf32>
        %add3A_897 = arith.constant 3 : i32
        %add3A_898 = arith.addi %mul3A_619, %add3A_897 : i32
        %get3A_899 = arith.index_cast %add3A_898 : i32 to index
        %get3A_900 = arith.constant 112 : index
        %get3A_901 = tpu.vector_load %arg12[%get3A_899, %get3A_900] {strides = array<i32>} : memref<80x128xf32, #tpu.memory_space<vmem>>, vector<1x16xf32>,
        %get3A_902 = vector.shape_cast %get3A_901 : vector<1x16xf32> to vector<16xf32>
        %add3A_903 = arith.addf %add3A_896, %get3A_902 : vector<16xf32>
        %add3A_904 = arith.constant 4 : i32
        %add3A_905 = arith.addi %mul3A_619, %add3A_904 : i32
        %get3A_906 = arith.index_cast %add3A_905 : i32 to index
        %get3A_907 = arith.constant 112 : index
        %get3A_908 = tpu.vector_load %arg12[%get3A_906, %get3A_907] {strides = array<i32>} : memref<80x128xf32, #tpu.memory_space<vmem>>, vector<1x16xf32>,
        %get3A_909 = vector.shape_cast %get3A_908 : vector<1x16xf32> to vector<16xf32>
        %add3A_910 = arith.addf %add3A_903, %get3A_909 : vector<16xf32>
        %swap3A_911 = arith.index_cast %scan3A_617 : i32 to index
        %swap3A_912 = arith.constant 112 : index
        %swap3A_913 = tpu.vector_load %arg16[%swap3A_911, %swap3A_912] {strides = array<i32>} : memref<16x128xf32, #tpu.memory_space<vmem>>, vector<1x16xf32>,
        %swap3A_914 = vector.shape_cast %swap3A_913 : vector<1x16xf32> to vector<16xf32>
        %swap3A_915 = vector.shape_cast %add3A_910 : vector<16xf32> to vector<1x16xf32>
        tpu.vector_store %arg16[%swap3A_911, %swap3A_912], %swap3A_915 {strides = array<i32>} : memref<16x128xf32, #tpu.memory_space<vmem>>, vector<1x16xf32>,
      }
      %scan3A_535 = arith.constant 16 : i32
      %dma_start3A_536 = arith.constant 0 : i32
      %dma_start3A_537 = tpu.memref_slice %arg6[%add3A_524, %dma_start3A_536] : memref<10240x128xf32, #tpu.memory_space<hbm>> -> memref<16x128xf32, #tpu.memory_space<hbm>>
      %dma_start3A_538 = arith.constant 0 : i32
      %dma_start3A_539 = tpu.memref_slice %arg6[%add3A_524, %dma_start3A_538] : memref<10240x128xf32, #tpu.memory_space<hbm>> -> memref<16x128xf32, #tpu.memory_space<hbm>>
      tpu.enqueue_dma source(%arg16 : memref<16x128xf32, #tpu.memory_space<vmem>>) target(%dma_start3A_539 : memref<16x128xf32, #tpu.memory_space<hbm>>) target_semaphore(%arg28 : memref<!tpu.dma_semaphore, #tpu.memory_space<semaphore_mem>>)
      %add3A_540 = arith.constant 4 : i32
      %add3A_541 = arith.addi %add3A_476, %add3A_540 : i32
      %lt3A_542 = arith.cmpi slt, %add3A_541, %select_n3A_58 : i32
      %convert_element_type3A_543 = arith.extui %lt3A_542 : i1 to i32
      %cond3A_544 = arith.constant 0 : i32
      %cond3A_545 = arith.cmpi ne, %convert_element_type3A_543, %cond3A_544 : i32
      scf.if %cond3A_545 {
        %mul3A_617 = arith.constant 80 : i32
        %mul3A_618 = arith.muli %add3A_541, %mul3A_617 : i32
        %add3A_619 = arith.constant 0 : i32
        %add3A_620 = arith.addi %mul3A_618, %add3A_619 : i32
        %get3A_621 = arith.index_cast %add3A_620 : i32 to index
        %get3A_622 = tpu.vector_load %arg9[%get3A_621] {strides = array<i32>} : memref<2560xi32, #tpu.memory_space<vmem>>, vector<16xi32>,
        %get3A_623 = vector.shape_cast %get3A_622 : vector<16xi32> to vector<16xi32>
        %dma_start3A_624 = arith.constant 0 : i32
        %dma_start3A_625 = arith.constant 0 : i32
        %dma_start3A_626 = tpu.memref_slice %arg12[%dma_start3A_624, %dma_start3A_625] : memref<80x128xf32, #tpu.memory_space<vmem>> -> memref<16x128xf32, #tpu.memory_space<vmem>>
        %dma_start3A_627 = arith.constant 0 : i32
        %dma_start3A_628 = arith.constant 0 : i32
        %dma_start3A_629 = tpu.memref_slice %arg3[%dma_start3A_627, %dma_start3A_628] : memref<100000x128xf32, #tpu.memory_space<hbm>> -> memref<100000x128xf32, #tpu.memory_space<hbm>>
        tpu.enqueue_indirect_dma source(%dma_start3A_629 : memref<100000x128xf32, #tpu.memory_space<hbm>>) target(%dma_start3A_626 : memref<16x128xf32, #tpu.memory_space<vmem>>) offsets(%get3A_623 : vector<16xi32>) semaphore(%arg24 : memref<!tpu.dma_semaphore, #tpu.memory_space<semaphore_mem>>)
        %mul3A_630 = arith.constant 80 : i32
        %mul3A_631 = arith.muli %add3A_541, %mul3A_630 : i32
        %add3A_632 = arith.constant 16 : i32
        %add3A_633 = arith.addi %mul3A_631, %add3A_632 : i32
        %get3A_634 = arith.index_cast %add3A_633 : i32 to index
        %get3A_635 = tpu.vector_load %arg9[%get3A_634] {strides = array<i32>} : memref<2560xi32, #tpu.memory_space<vmem>>, vector<16xi32>,
        %get3A_636 = vector.shape_cast %get3A_635 : vector<16xi32> to vector<16xi32>
        %dma_start3A_637 = arith.constant 16 : i32
        %dma_start3A_638 = arith.constant 0 : i32
        %dma_start3A_639 = tpu.memref_slice %arg12[%dma_start3A_637, %dma_start3A_638] : memref<80x128xf32, #tpu.memory_space<vmem>> -> memref<16x128xf32, #tpu.memory_space<vmem>>
        %dma_start3A_640 = arith.constant 0 : i32
        %dma_start3A_641 = arith.constant 0 : i32
        %dma_start3A_642 = tpu.memref_slice %arg3[%dma_start3A_640, %dma_start3A_641] : memref<100000x128xf32, #tpu.memory_space<hbm>> -> memref<100000x128xf32, #tpu.memory_space<hbm>>
        tpu.enqueue_indirect_dma source(%dma_start3A_642 : memref<100000x128xf32, #tpu.memory_space<hbm>>) target(%dma_start3A_639 : memref<16x128xf32, #tpu.memory_space<vmem>>) offsets(%get3A_636 : vector<16xi32>) semaphore(%arg24 : memref<!tpu.dma_semaphore, #tpu.memory_space<semaphore_mem>>)
        %mul3A_643 = arith.constant 80 : i32
        %mul3A_644 = arith.muli %add3A_541, %mul3A_643 : i32
        %add3A_645 = arith.constant 32 : i32
        %add3A_646 = arith.addi %mul3A_644, %add3A_645 : i32
        %get3A_647 = arith.index_cast %add3A_646 : i32 to index
        %get3A_648 = tpu.vector_load %arg9[%get3A_647] {strides = array<i32>} : memref<2560xi32, #tpu.memory_space<vmem>>, vector<16xi32>,
        %get3A_649 = vector.shape_cast %get3A_648 : vector<16xi32> to vector<16xi32>
        %dma_start3A_650 = arith.constant 32 : i32
        %dma_start3A_651 = arith.constant 0 : i32
        %dma_start3A_652 = tpu.memref_slice %arg12[%dma_start3A_650, %dma_start3A_651] : memref<80x128xf32, #tpu.memory_space<vmem>> -> memref<16x128xf32, #tpu.memory_space<vmem>>
        %dma_start3A_653 = arith.constant 0 : i32
        %dma_start3A_654 = arith.constant 0 : i32
        %dma_start3A_655 = tpu.memref_slice %arg3[%dma_start3A_653, %dma_start3A_654] : memref<100000x128xf32, #tpu.memory_space<hbm>> -> memref<100000x128xf32, #tpu.memory_space<hbm>>
        tpu.enqueue_indirect_dma source(%dma_start3A_655 : memref<100000x128xf32, #tpu.memory_space<hbm>>) target(%dma_start3A_652 : memref<16x128xf32, #tpu.memory_space<vmem>>) offsets(%get3A_649 : vector<16xi32>) semaphore(%arg24 : memref<!tpu.dma_semaphore, #tpu.memory_space<semaphore_mem>>)
        %mul3A_656 = arith.constant 80 : i32
        %mul3A_657 = arith.muli %add3A_541, %mul3A_656 : i32
        %add3A_658 = arith.constant 48 : i32
        %add3A_659 = arith.addi %mul3A_657, %add3A_658 : i32
        %get3A_660 = arith.index_cast %add3A_659 : i32 to index
        %get3A_661 = tpu.vector_load %arg9[%get3A_660] {strides = array<i32>} : memref<2560xi32, #tpu.memory_space<vmem>>, vector<16xi32>,
        %get3A_662 = vector.shape_cast %get3A_661 : vector<16xi32> to vector<16xi32>
        %dma_start3A_663 = arith.constant 48 : i32
        %dma_start3A_664 = arith.constant 0 : i32
        %dma_start3A_665 = tpu.memref_slice %arg12[%dma_start3A_663, %dma_start3A_664] : memref<80x128xf32, #tpu.memory_space<vmem>> -> memref<16x128xf32, #tpu.memory_space<vmem>>
        %dma_start3A_666 = arith.constant 0 : i32
        %dma_start3A_667 = arith.constant 0 : i32
        %dma_start3A_668 = tpu.memref_slice %arg3[%dma_start3A_666, %dma_start3A_667] : memref<100000x128xf32, #tpu.memory_space<hbm>> -> memref<100000x128xf32, #tpu.memory_space<hbm>>
        tpu.enqueue_indirect_dma source(%dma_start3A_668 : memref<100000x128xf32, #tpu.memory_space<hbm>>) target(%dma_start3A_665 : memref<16x128xf32, #tpu.memory_space<vmem>>) offsets(%get3A_662 : vector<16xi32>) semaphore(%arg24 : memref<!tpu.dma_semaphore, #tpu.memory_space<semaphore_mem>>)
        %mul3A_669 = arith.constant 80 : i32
        %mul3A_670 = arith.muli %add3A_541, %mul3A_669 : i32
        %add3A_671 = arith.constant 64 : i32
        %add3A_672 = arith.addi %mul3A_670, %add3A_671 : i32
        %get3A_673 = arith.index_cast %add3A_672 : i32 to index
        %get3A_674 = tpu.vector_load %arg9[%get3A_673] {strides = array<i32>} : memref<2560xi32, #tpu.memory_space<vmem>>, vector<16xi32>,
        %get3A_675 = vector.shape_cast %get3A_674 : vector<16xi32> to vector<16xi32>
        %dma_start3A_676 = arith.constant 64 : i32
        %dma_start3A_677 = arith.constant 0 : i32
        %dma_start3A_678 = tpu.memref_slice %arg12[%dma_start3A_676, %dma_start3A_677] : memref<80x128xf32, #tpu.memory_space<vmem>> -> memref<16x128xf32, #tpu.memory_space<vmem>>
        %dma_start3A_679 = arith.constant 0 : i32
        %dma_start3A_680 = arith.constant 0 : i32
        %dma_start3A_681 = tpu.memref_slice %arg3[%dma_start3A_679, %dma_start3A_680] : memref<100000x128xf32, #tpu.memory_space<hbm>> -> memref<100000x128xf32, #tpu.memory_space<hbm>>
        tpu.enqueue_indirect_dma source(%dma_start3A_681 : memref<100000x128xf32, #tpu.memory_space<hbm>>) target(%dma_start3A_678 : memref<16x128xf32, #tpu.memory_space<vmem>>) offsets(%get3A_675 : vector<16xi32>) semaphore(%arg24 : memref<!tpu.dma_semaphore, #tpu.memory_space<semaphore_mem>>)
      } else {
      }
      %add3A_546 = arith.constant 3 : i32
      %add3A_547 = arith.addi %mul3A_333, %add3A_546 : i32
      %get3A_548 = arith.constant 0 : index
      %get3A_549 = tpu.vector_load %arg9[%get3A_548] {strides = array<i32>} : memref<2560xi32, #tpu.memory_space<vmem>>, vector<16xi32>,
      %get3A_550 = vector.shape_cast %get3A_549 : vector<16xi32> to vector<16xi32>
      %dma_wait3A_551 = arith.constant 0 : i32
      %dma_wait3A_552 = arith.constant 0 : i32
      %dma_wait3A_553 = tpu.memref_slice %arg13[%dma_wait3A_551, %dma_wait3A_552] : memref<80x128xf32, #tpu.memory_space<vmem>> -> memref<16x128xf32, #tpu.memory_space<vmem>>
      %dma_wait3A_554 = arith.constant 0 : i32
      %dma_wait3A_555 = arith.constant 0 : i32
      %dma_wait3A_556 = tpu.memref_slice %arg3[%dma_wait3A_554, %dma_wait3A_555] : memref<100000x128xf32, #tpu.memory_space<hbm>> -> memref<100000x128xf32, #tpu.memory_space<hbm>>
      tpu.wait_indirect_dma semaphore(%arg25 : memref<!tpu.dma_semaphore, #tpu.memory_space<semaphore_mem>>) src(%dma_wait3A_556 : memref<100000x128xf32, #tpu.memory_space<hbm>>) dst(%dma_wait3A_553 : memref<16x128xf32, #tpu.memory_space<vmem>>)
      %get3A_557 = arith.constant 0 : index
      %get3A_558 = tpu.vector_load %arg9[%get3A_557] {strides = array<i32>} : memref<2560xi32, #tpu.memory_space<vmem>>, vector<16xi32>,
      %get3A_559 = vector.shape_cast %get3A_558 : vector<16xi32> to vector<16xi32>
      %dma_wait3A_560 = arith.constant 0 : i32
      %dma_wait3A_561 = arith.constant 0 : i32
      %dma_wait3A_562 = tpu.memref_slice %arg13[%dma_wait3A_560, %dma_wait3A_561] : memref<80x128xf32, #tpu.memory_space<vmem>> -> memref<16x128xf32, #tpu.memory_space<vmem>>
      %dma_wait3A_563 = arith.constant 0 : i32
      %dma_wait3A_564 = arith.constant 0 : i32
      %dma_wait3A_565 = tpu.memref_slice %arg3[%dma_wait3A_563, %dma_wait3A_564] : memref<100000x128xf32, #tpu.memory_space<hbm>> -> memref<100000x128xf32, #tpu.memory_space<hbm>>
      tpu.wait_indirect_dma semaphore(%arg25 : memref<!tpu.dma_semaphore, #tpu.memory_space<semaphore_mem>>) src(%dma_wait3A_565 : memref<100000x128xf32, #tpu.memory_space<hbm>>) dst(%dma_wait3A_562 : memref<16x128xf32, #tpu.memory_space<vmem>>)
      %get3A_566 = arith.constant 0 : index
      %get3A_567 = tpu.vector_load %arg9[%get3A_566] {strides = array<i32>} : memref<2560xi32, #tpu.memory_space<vmem>>, vector<16xi32>,
      %get3A_568 = vector.shape_cast %get3A_567 : vector<16xi32> to vector<16xi32>
      %dma_wait3A_569 = arith.constant 0 : i32
      %dma_wait3A_570 = arith.constant 0 : i32
      %dma_wait3A_571 = tpu.memref_slice %arg13[%dma_wait3A_569, %dma_wait3A_570] : memref<80x128xf32, #tpu.memory_space<vmem>> -> memref<16x128xf32, #tpu.memory_space<vmem>>
      %dma_wait3A_572 = arith.constant 0 : i32
      %dma_wait3A_573 = arith.constant 0 : i32
      %dma_wait3A_574 = tpu.memref_slice %arg3[%dma_wait3A_572, %dma_wait3A_573] : memref<100000x128xf32, #tpu.memory_space<hbm>> -> memref<100000x128xf32, #tpu.memory_space<hbm>>
      tpu.wait_indirect_dma semaphore(%arg25 : memref<!tpu.dma_semaphore, #tpu.memory_space<semaphore_mem>>) src(%dma_wait3A_574 : memref<100000x128xf32, #tpu.memory_space<hbm>>) dst(%dma_wait3A_571 : memref<16x128xf32, #tpu.memory_space<vmem>>)
      %get3A_575 = arith.constant 0 : index
      %get3A_576 = tpu.vector_load %arg9[%get3A_575] {strides = array<i32>} : memref<2560xi32, #tpu.memory_space<vmem>>, vector<16xi32>,
      %get3A_577 = vector.shape_cast %get3A_576 : vector<16xi32> to vector<16xi32>
      %dma_wait3A_578 = arith.constant 0 : i32
      %dma_wait3A_579 = arith.constant 0 : i32
      %dma_wait3A_580 = tpu.memref_slice %arg13[%dma_wait3A_578, %dma_wait3A_579] : memref<80x128xf32, #tpu.memory_space<vmem>> -> memref<16x128xf32, #tpu.memory_space<vmem>>
      %dma_wait3A_581 = arith.constant 0 : i32
      %dma_wait3A_582 = arith.constant 0 : i32
      %dma_wait3A_583 = tpu.memref_slice %arg3[%dma_wait3A_581, %dma_wait3A_582] : memref<100000x128xf32, #tpu.memory_space<hbm>> -> memref<100000x128xf32, #tpu.memory_space<hbm>>
      tpu.wait_indirect_dma semaphore(%arg25 : memref<!tpu.dma_semaphore, #tpu.memory_space<semaphore_mem>>) src(%dma_wait3A_583 : memref<100000x128xf32, #tpu.memory_space<hbm>>) dst(%dma_wait3A_580 : memref<16x128xf32, #tpu.memory_space<vmem>>)
      %get3A_584 = arith.constant 0 : index
      %get3A_585 = tpu.vector_load %arg9[%get3A_584] {strides = array<i32>} : memref<2560xi32, #tpu.memory_space<vmem>>, vector<16xi32>,
      %get3A_586 = vector.shape_cast %get3A_585 : vector<16xi32> to vector<16xi32>
      %dma_wait3A_587 = arith.constant 0 : i32
      %dma_wait3A_588 = arith.constant 0 : i32
      %dma_wait3A_589 = tpu.memref_slice %arg13[%dma_wait3A_587, %dma_wait3A_588] : memref<80x128xf32, #tpu.memory_space<vmem>> -> memref<16x128xf32, #tpu.memory_space<vmem>>
      %dma_wait3A_590 = arith.constant 0 : i32
      %dma_wait3A_591 = arith.constant 0 : i32
      %dma_wait3A_592 = tpu.memref_slice %arg3[%dma_wait3A_590, %dma_wait3A_591] : memref<100000x128xf32, #tpu.memory_space<hbm>> -> memref<100000x128xf32, #tpu.memory_space<hbm>>
      tpu.wait_indirect_dma semaphore(%arg25 : memref<!tpu.dma_semaphore, #tpu.memory_space<semaphore_mem>>) src(%dma_wait3A_592 : memref<100000x128xf32, #tpu.memory_space<hbm>>) dst(%dma_wait3A_589 : memref<16x128xf32, #tpu.memory_space<vmem>>)
      %mul3A_593 = arith.constant 16 : i32
      %mul3A_594 = arith.muli %add3A_547, %mul3A_593 : i32
      %add3A_595 = arith.addi %add3A_67, %mul3A_594 : i32
      %gt3A_596 = arith.constant 0 : i32
      %gt3A_597 = arith.cmpi sgt, %while3A_331, %gt3A_596 : i32
      %convert_element_type3A_598 = arith.extui %gt3A_597 : i1 to i32
      %cond3A_599 = arith.constant 0 : i32
      %cond3A_600 = arith.cmpi ne, %convert_element_type3A_598, %cond3A_599 : i32
      scf.if %cond3A_600 {
        %dma_wait3A_617 = arith.constant 0 : i32
        %dma_wait3A_618 = arith.constant 0 : i32
        %dma_wait3A_619 = tpu.memref_slice %arg6[%dma_wait3A_617, %dma_wait3A_618] : memref<10240x128xf32, #tpu.memory_space<hbm>> -> memref<16x128xf32, #tpu.memory_space<hbm>>
        %dma_wait3A_620 = arith.constant 0 : i32
        %dma_wait3A_621 = arith.constant 0 : i32
        %dma_wait3A_622 = tpu.memref_slice %arg6[%dma_wait3A_620, %dma_wait3A_621] : memref<10240x128xf32, #tpu.memory_space<hbm>> -> memref<16x128xf32, #tpu.memory_space<hbm>>
        tpu.wait_dma2 semaphore(%arg29 : memref<!tpu.dma_semaphore, #tpu.memory_space<semaphore_mem>>) src(%arg17 : memref<16x128xf32, #tpu.memory_space<vmem>>) dst(%dma_wait3A_622 : memref<16x128xf32, #tpu.memory_space<hbm>>)
      } else {
      }
      %scan3A_601 = arith.constant 0 : i32
      %scan3A_602 = arith.constant 0 : i32
      %scan3A_603 = arith.constant 16 : i32
      %scan3A_604 = arith.addi %scan3A_602, %scan3A_603 : i32
      %scan3A_605 = arith.constant 1 : i32
      scf.for %scan3A_617 = %scan3A_602 to %scan3A_604 step %scan3A_605  : i32 {
        %mul3A_618 = arith.constant 5 : i32
        %mul3A_619 = arith.muli %mul3A_618, %scan3A_617 : i32
        %get3A_620 = arith.index_cast %mul3A_619 : i32 to index
        %get3A_621 = arith.constant 0 : index
        %get3A_622 = tpu.vector_load %arg13[%get3A_620, %get3A_621] {strides = array<i32>} : memref<80x128xf32, #tpu.memory_space<vmem>>, vector<1x16xf32>,
        %get3A_623 = vector.shape_cast %get3A_622 : vector<1x16xf32> to vector<16xf32>
        %add3A_624 = arith.constant 1 : i32
        %add3A_625 = arith.addi %mul3A_619, %add3A_624 : i32
        %get3A_626 = arith.index_cast %add3A_625 : i32 to index
        %get3A_627 = arith.constant 0 : index
        %get3A_628 = tpu.vector_load %arg13[%get3A_626, %get3A_627] {strides = array<i32>} : memref<80x128xf32, #tpu.memory_space<vmem>>, vector<1x16xf32>,
        %get3A_629 = vector.shape_cast %get3A_628 : vector<1x16xf32> to vector<16xf32>
        %add3A_630 = arith.addf %get3A_623, %get3A_629 : vector<16xf32>
        %add3A_631 = arith.constant 2 : i32
        %add3A_632 = arith.addi %mul3A_619, %add3A_631 : i32
        %get3A_633 = arith.index_cast %add3A_632 : i32 to index
        %get3A_634 = arith.constant 0 : index
        %get3A_635 = tpu.vector_load %arg13[%get3A_633, %get3A_634] {strides = array<i32>} : memref<80x128xf32, #tpu.memory_space<vmem>>, vector<1x16xf32>,
        %get3A_636 = vector.shape_cast %get3A_635 : vector<1x16xf32> to vector<16xf32>
        %add3A_637 = arith.addf %add3A_630, %get3A_636 : vector<16xf32>
        %add3A_638 = arith.constant 3 : i32
        %add3A_639 = arith.addi %mul3A_619, %add3A_638 : i32
        %get3A_640 = arith.index_cast %add3A_639 : i32 to index
        %get3A_641 = arith.constant 0 : index
        %get3A_642 = tpu.vector_load %arg13[%get3A_640, %get3A_641] {strides = array<i32>} : memref<80x128xf32, #tpu.memory_space<vmem>>, vector<1x16xf32>,
        %get3A_643 = vector.shape_cast %get3A_642 : vector<1x16xf32> to vector<16xf32>
        %add3A_644 = arith.addf %add3A_637, %get3A_643 : vector<16xf32>
        %add3A_645 = arith.constant 4 : i32
        %add3A_646 = arith.addi %mul3A_619, %add3A_645 : i32
        %get3A_647 = arith.index_cast %add3A_646 : i32 to index
        %get3A_648 = arith.constant 0 : index
        %get3A_649 = tpu.vector_load %arg13[%get3A_647, %get3A_648] {strides = array<i32>} : memref<80x128xf32, #tpu.memory_space<vmem>>, vector<1x16xf32>,
        %get3A_650 = vector.shape_cast %get3A_649 : vector<1x16xf32> to vector<16xf32>
        %add3A_651 = arith.addf %add3A_644, %get3A_650 : vector<16xf32>
        %swap3A_652 = arith.index_cast %scan3A_617 : i32 to index
        %swap3A_653 = arith.constant 0 : index
        %swap3A_654 = tpu.vector_load %arg17[%swap3A_652, %swap3A_653] {strides = array<i32>} : memref<16x128xf32, #tpu.memory_space<vmem>>, vector<1x16xf32>,
        %swap3A_655 = vector.shape_cast %swap3A_654 : vector<1x16xf32> to vector<16xf32>
        %swap3A_656 = vector.shape_cast %add3A_651 : vector<16xf32> to vector<1x16xf32>
        tpu.vector_store %arg17[%swap3A_652, %swap3A_653], %swap3A_656 {strides = array<i32>} : memref<16x128xf32, #tpu.memory_space<vmem>>, vector<1x16xf32>,
        %get3A_657 = arith.index_cast %mul3A_619 : i32 to index
        %get3A_658 = arith.constant 16 : index
        %get3A_659 = tpu.vector_load %arg13[%get3A_657, %get3A_658] {strides = array<i32>} : memref<80x128xf32, #tpu.memory_space<vmem>>, vector<1x16xf32>,
        %get3A_660 = vector.shape_cast %get3A_659 : vector<1x16xf32> to vector<16xf32>
        %add3A_661 = arith.constant 1 : i32
        %add3A_662 = arith.addi %mul3A_619, %add3A_661 : i32
        %get3A_663 = arith.index_cast %add3A_662 : i32 to index
        %get3A_664 = arith.constant 16 : index
        %get3A_665 = tpu.vector_load %arg13[%get3A_663, %get3A_664] {strides = array<i32>} : memref<80x128xf32, #tpu.memory_space<vmem>>, vector<1x16xf32>,
        %get3A_666 = vector.shape_cast %get3A_665 : vector<1x16xf32> to vector<16xf32>
        %add3A_667 = arith.addf %get3A_660, %get3A_666 : vector<16xf32>
        %add3A_668 = arith.constant 2 : i32
        %add3A_669 = arith.addi %mul3A_619, %add3A_668 : i32
        %get3A_670 = arith.index_cast %add3A_669 : i32 to index
        %get3A_671 = arith.constant 16 : index
        %get3A_672 = tpu.vector_load %arg13[%get3A_670, %get3A_671] {strides = array<i32>} : memref<80x128xf32, #tpu.memory_space<vmem>>, vector<1x16xf32>,
        %get3A_673 = vector.shape_cast %get3A_672 : vector<1x16xf32> to vector<16xf32>
        %add3A_674 = arith.addf %add3A_667, %get3A_673 : vector<16xf32>
        %add3A_675 = arith.constant 3 : i32
        %add3A_676 = arith.addi %mul3A_619, %add3A_675 : i32
        %get3A_677 = arith.index_cast %add3A_676 : i32 to index
        %get3A_678 = arith.constant 16 : index
        %get3A_679 = tpu.vector_load %arg13[%get3A_677, %get3A_678] {strides = array<i32>} : memref<80x128xf32, #tpu.memory_space<vmem>>, vector<1x16xf32>,
        %get3A_680 = vector.shape_cast %get3A_679 : vector<1x16xf32> to vector<16xf32>
        %add3A_681 = arith.addf %add3A_674, %get3A_680 : vector<16xf32>
        %add3A_682 = arith.constant 4 : i32
        %add3A_683 = arith.addi %mul3A_619, %add3A_682 : i32
        %get3A_684 = arith.index_cast %add3A_683 : i32 to index
        %get3A_685 = arith.constant 16 : index
        %get3A_686 = tpu.vector_load %arg13[%get3A_684, %get3A_685] {strides = array<i32>} : memref<80x128xf32, #tpu.memory_space<vmem>>, vector<1x16xf32>,
        %get3A_687 = vector.shape_cast %get3A_686 : vector<1x16xf32> to vector<16xf32>
        %add3A_688 = arith.addf %add3A_681, %get3A_687 : vector<16xf32>
        %swap3A_689 = arith.index_cast %scan3A_617 : i32 to index
        %swap3A_690 = arith.constant 16 : index
        %swap3A_691 = tpu.vector_load %arg17[%swap3A_689, %swap3A_690] {strides = array<i32>} : memref<16x128xf32, #tpu.memory_space<vmem>>, vector<1x16xf32>,
        %swap3A_692 = vector.shape_cast %swap3A_691 : vector<1x16xf32> to vector<16xf32>
        %swap3A_693 = vector.shape_cast %add3A_688 : vector<16xf32> to vector<1x16xf32>
        tpu.vector_store %arg17[%swap3A_689, %swap3A_690], %swap3A_693 {strides = array<i32>} : memref<16x128xf32, #tpu.memory_space<vmem>>, vector<1x16xf32>,
        %get3A_694 = arith.index_cast %mul3A_619 : i32 to index
        %get3A_695 = arith.constant 32 : index
        %get3A_696 = tpu.vector_load %arg13[%get3A_694, %get3A_695] {strides = array<i32>} : memref<80x128xf32, #tpu.memory_space<vmem>>, vector<1x16xf32>,
        %get3A_697 = vector.shape_cast %get3A_696 : vector<1x16xf32> to vector<16xf32>
        %add3A_698 = arith.constant 1 : i32
        %add3A_699 = arith.addi %mul3A_619, %add3A_698 : i32
        %get3A_700 = arith.index_cast %add3A_699 : i32 to index
        %get3A_701 = arith.constant 32 : index
        %get3A_702 = tpu.vector_load %arg13[%get3A_700, %get3A_701] {strides = array<i32>} : memref<80x128xf32, #tpu.memory_space<vmem>>, vector<1x16xf32>,
        %get3A_703 = vector.shape_cast %get3A_702 : vector<1x16xf32> to vector<16xf32>
        %add3A_704 = arith.addf %get3A_697, %get3A_703 : vector<16xf32>
        %add3A_705 = arith.constant 2 : i32
        %add3A_706 = arith.addi %mul3A_619, %add3A_705 : i32
        %get3A_707 = arith.index_cast %add3A_706 : i32 to index
        %get3A_708 = arith.constant 32 : index
        %get3A_709 = tpu.vector_load %arg13[%get3A_707, %get3A_708] {strides = array<i32>} : memref<80x128xf32, #tpu.memory_space<vmem>>, vector<1x16xf32>,
        %get3A_710 = vector.shape_cast %get3A_709 : vector<1x16xf32> to vector<16xf32>
        %add3A_711 = arith.addf %add3A_704, %get3A_710 : vector<16xf32>
        %add3A_712 = arith.constant 3 : i32
        %add3A_713 = arith.addi %mul3A_619, %add3A_712 : i32
        %get3A_714 = arith.index_cast %add3A_713 : i32 to index
        %get3A_715 = arith.constant 32 : index
        %get3A_716 = tpu.vector_load %arg13[%get3A_714, %get3A_715] {strides = array<i32>} : memref<80x128xf32, #tpu.memory_space<vmem>>, vector<1x16xf32>,
        %get3A_717 = vector.shape_cast %get3A_716 : vector<1x16xf32> to vector<16xf32>
        %add3A_718 = arith.addf %add3A_711, %get3A_717 : vector<16xf32>
        %add3A_719 = arith.constant 4 : i32
        %add3A_720 = arith.addi %mul3A_619, %add3A_719 : i32
        %get3A_721 = arith.index_cast %add3A_720 : i32 to index
        %get3A_722 = arith.constant 32 : index
        %get3A_723 = tpu.vector_load %arg13[%get3A_721, %get3A_722] {strides = array<i32>} : memref<80x128xf32, #tpu.memory_space<vmem>>, vector<1x16xf32>,
        %get3A_724 = vector.shape_cast %get3A_723 : vector<1x16xf32> to vector<16xf32>
        %add3A_725 = arith.addf %add3A_718, %get3A_724 : vector<16xf32>
        %swap3A_726 = arith.index_cast %scan3A_617 : i32 to index
        %swap3A_727 = arith.constant 32 : index
        %swap3A_728 = tpu.vector_load %arg17[%swap3A_726, %swap3A_727] {strides = array<i32>} : memref<16x128xf32, #tpu.memory_space<vmem>>, vector<1x16xf32>,
        %swap3A_729 = vector.shape_cast %swap3A_728 : vector<1x16xf32> to vector<16xf32>
        %swap3A_730 = vector.shape_cast %add3A_725 : vector<16xf32> to vector<1x16xf32>
        tpu.vector_store %arg17[%swap3A_726, %swap3A_727], %swap3A_730 {strides = array<i32>} : memref<16x128xf32, #tpu.memory_space<vmem>>, vector<1x16xf32>,
        %get3A_731 = arith.index_cast %mul3A_619 : i32 to index
        %get3A_732 = arith.constant 48 : index
        %get3A_733 = tpu.vector_load %arg13[%get3A_731, %get3A_732] {strides = array<i32>} : memref<80x128xf32, #tpu.memory_space<vmem>>, vector<1x16xf32>,
        %get3A_734 = vector.shape_cast %get3A_733 : vector<1x16xf32> to vector<16xf32>
        %add3A_735 = arith.constant 1 : i32
        %add3A_736 = arith.addi %mul3A_619, %add3A_735 : i32
        %get3A_737 = arith.index_cast %add3A_736 : i32 to index
        %get3A_738 = arith.constant 48 : index
        %get3A_739 = tpu.vector_load %arg13[%get3A_737, %get3A_738] {strides = array<i32>} : memref<80x128xf32, #tpu.memory_space<vmem>>, vector<1x16xf32>,
        %get3A_740 = vector.shape_cast %get3A_739 : vector<1x16xf32> to vector<16xf32>
        %add3A_741 = arith.addf %get3A_734, %get3A_740 : vector<16xf32>
        %add3A_742 = arith.constant 2 : i32
        %add3A_743 = arith.addi %mul3A_619, %add3A_742 : i32
        %get3A_744 = arith.index_cast %add3A_743 : i32 to index
        %get3A_745 = arith.constant 48 : index
        %get3A_746 = tpu.vector_load %arg13[%get3A_744, %get3A_745] {strides = array<i32>} : memref<80x128xf32, #tpu.memory_space<vmem>>, vector<1x16xf32>,
        %get3A_747 = vector.shape_cast %get3A_746 : vector<1x16xf32> to vector<16xf32>
        %add3A_748 = arith.addf %add3A_741, %get3A_747 : vector<16xf32>
        %add3A_749 = arith.constant 3 : i32
        %add3A_750 = arith.addi %mul3A_619, %add3A_749 : i32
        %get3A_751 = arith.index_cast %add3A_750 : i32 to index
        %get3A_752 = arith.constant 48 : index
        %get3A_753 = tpu.vector_load %arg13[%get3A_751, %get3A_752] {strides = array<i32>} : memref<80x128xf32, #tpu.memory_space<vmem>>, vector<1x16xf32>,
        %get3A_754 = vector.shape_cast %get3A_753 : vector<1x16xf32> to vector<16xf32>
        %add3A_755 = arith.addf %add3A_748, %get3A_754 : vector<16xf32>
        %add3A_756 = arith.constant 4 : i32
        %add3A_757 = arith.addi %mul3A_619, %add3A_756 : i32
        %get3A_758 = arith.index_cast %add3A_757 : i32 to index
        %get3A_759 = arith.constant 48 : index
        %get3A_760 = tpu.vector_load %arg13[%get3A_758, %get3A_759] {strides = array<i32>} : memref<80x128xf32, #tpu.memory_space<vmem>>, vector<1x16xf32>,
        %get3A_761 = vector.shape_cast %get3A_760 : vector<1x16xf32> to vector<16xf32>
        %add3A_762 = arith.addf %add3A_755, %get3A_761 : vector<16xf32>
        %swap3A_763 = arith.index_cast %scan3A_617 : i32 to index
        %swap3A_764 = arith.constant 48 : index
        %swap3A_765 = tpu.vector_load %arg17[%swap3A_763, %swap3A_764] {strides = array<i32>} : memref<16x128xf32, #tpu.memory_space<vmem>>, vector<1x16xf32>,
        %swap3A_766 = vector.shape_cast %swap3A_765 : vector<1x16xf32> to vector<16xf32>
        %swap3A_767 = vector.shape_cast %add3A_762 : vector<16xf32> to vector<1x16xf32>
        tpu.vector_store %arg17[%swap3A_763, %swap3A_764], %swap3A_767 {strides = array<i32>} : memref<16x128xf32, #tpu.memory_space<vmem>>, vector<1x16xf32>,
        %get3A_768 = arith.index_cast %mul3A_619 : i32 to index
        %get3A_769 = arith.constant 64 : index
        %get3A_770 = tpu.vector_load %arg13[%get3A_768, %get3A_769] {strides = array<i32>} : memref<80x128xf32, #tpu.memory_space<vmem>>, vector<1x16xf32>,
        %get3A_771 = vector.shape_cast %get3A_770 : vector<1x16xf32> to vector<16xf32>
        %add3A_772 = arith.constant 1 : i32
        %add3A_773 = arith.addi %mul3A_619, %add3A_772 : i32
        %get3A_774 = arith.index_cast %add3A_773 : i32 to index
        %get3A_775 = arith.constant 64 : index
        %get3A_776 = tpu.vector_load %arg13[%get3A_774, %get3A_775] {strides = array<i32>} : memref<80x128xf32, #tpu.memory_space<vmem>>, vector<1x16xf32>,
        %get3A_777 = vector.shape_cast %get3A_776 : vector<1x16xf32> to vector<16xf32>
        %add3A_778 = arith.addf %get3A_771, %get3A_777 : vector<16xf32>
        %add3A_779 = arith.constant 2 : i32
        %add3A_780 = arith.addi %mul3A_619, %add3A_779 : i32
        %get3A_781 = arith.index_cast %add3A_780 : i32 to index
        %get3A_782 = arith.constant 64 : index
        %get3A_783 = tpu.vector_load %arg13[%get3A_781, %get3A_782] {strides = array<i32>} : memref<80x128xf32, #tpu.memory_space<vmem>>, vector<1x16xf32>,
        %get3A_784 = vector.shape_cast %get3A_783 : vector<1x16xf32> to vector<16xf32>
        %add3A_785 = arith.addf %add3A_778, %get3A_784 : vector<16xf32>
        %add3A_786 = arith.constant 3 : i32
        %add3A_787 = arith.addi %mul3A_619, %add3A_786 : i32
        %get3A_788 = arith.index_cast %add3A_787 : i32 to index
        %get3A_789 = arith.constant 64 : index
        %get3A_790 = tpu.vector_load %arg13[%get3A_788, %get3A_789] {strides = array<i32>} : memref<80x128xf32, #tpu.memory_space<vmem>>, vector<1x16xf32>,
        %get3A_791 = vector.shape_cast %get3A_790 : vector<1x16xf32> to vector<16xf32>
        %add3A_792 = arith.addf %add3A_785, %get3A_791 : vector<16xf32>
        %add3A_793 = arith.constant 4 : i32
        %add3A_794 = arith.addi %mul3A_619, %add3A_793 : i32
        %get3A_795 = arith.index_cast %add3A_794 : i32 to index
        %get3A_796 = arith.constant 64 : index
        %get3A_797 = tpu.vector_load %arg13[%get3A_795, %get3A_796] {strides = array<i32>} : memref<80x128xf32, #tpu.memory_space<vmem>>, vector<1x16xf32>,
        %get3A_798 = vector.shape_cast %get3A_797 : vector<1x16xf32> to vector<16xf32>
        %add3A_799 = arith.addf %add3A_792, %get3A_798 : vector<16xf32>
        %swap3A_800 = arith.index_cast %scan3A_617 : i32 to index
        %swap3A_801 = arith.constant 64 : index
        %swap3A_802 = tpu.vector_load %arg17[%swap3A_800, %swap3A_801] {strides = array<i32>} : memref<16x128xf32, #tpu.memory_space<vmem>>, vector<1x16xf32>,
        %swap3A_803 = vector.shape_cast %swap3A_802 : vector<1x16xf32> to vector<16xf32>
        %swap3A_804 = vector.shape_cast %add3A_799 : vector<16xf32> to vector<1x16xf32>
        tpu.vector_store %arg17[%swap3A_800, %swap3A_801], %swap3A_804 {strides = array<i32>} : memref<16x128xf32, #tpu.memory_space<vmem>>, vector<1x16xf32>,
        %get3A_805 = arith.index_cast %mul3A_619 : i32 to index
        %get3A_806 = arith.constant 80 : index
        %get3A_807 = tpu.vector_load %arg13[%get3A_805, %get3A_806] {strides = array<i32>} : memref<80x128xf32, #tpu.memory_space<vmem>>, vector<1x16xf32>,
        %get3A_808 = vector.shape_cast %get3A_807 : vector<1x16xf32> to vector<16xf32>
        %add3A_809 = arith.constant 1 : i32
        %add3A_810 = arith.addi %mul3A_619, %add3A_809 : i32
        %get3A_811 = arith.index_cast %add3A_810 : i32 to index
        %get3A_812 = arith.constant 80 : index
        %get3A_813 = tpu.vector_load %arg13[%get3A_811, %get3A_812] {strides = array<i32>} : memref<80x128xf32, #tpu.memory_space<vmem>>, vector<1x16xf32>,
        %get3A_814 = vector.shape_cast %get3A_813 : vector<1x16xf32> to vector<16xf32>
        %add3A_815 = arith.addf %get3A_808, %get3A_814 : vector<16xf32>
        %add3A_816 = arith.constant 2 : i32
        %add3A_817 = arith.addi %mul3A_619, %add3A_816 : i32
        %get3A_818 = arith.index_cast %add3A_817 : i32 to index
        %get3A_819 = arith.constant 80 : index
        %get3A_820 = tpu.vector_load %arg13[%get3A_818, %get3A_819] {strides = array<i32>} : memref<80x128xf32, #tpu.memory_space<vmem>>, vector<1x16xf32>,
        %get3A_821 = vector.shape_cast %get3A_820 : vector<1x16xf32> to vector<16xf32>
        %add3A_822 = arith.addf %add3A_815, %get3A_821 : vector<16xf32>
        %add3A_823 = arith.constant 3 : i32
        %add3A_824 = arith.addi %mul3A_619, %add3A_823 : i32
        %get3A_825 = arith.index_cast %add3A_824 : i32 to index
        %get3A_826 = arith.constant 80 : index
        %get3A_827 = tpu.vector_load %arg13[%get3A_825, %get3A_826] {strides = array<i32>} : memref<80x128xf32, #tpu.memory_space<vmem>>, vector<1x16xf32>,
        %get3A_828 = vector.shape_cast %get3A_827 : vector<1x16xf32> to vector<16xf32>
        %add3A_829 = arith.addf %add3A_822, %get3A_828 : vector<16xf32>
        %add3A_830 = arith.constant 4 : i32
        %add3A_831 = arith.addi %mul3A_619, %add3A_830 : i32
        %get3A_832 = arith.index_cast %add3A_831 : i32 to index
        %get3A_833 = arith.constant 80 : index
        %get3A_834 = tpu.vector_load %arg13[%get3A_832, %get3A_833] {strides = array<i32>} : memref<80x128xf32, #tpu.memory_space<vmem>>, vector<1x16xf32>,
        %get3A_835 = vector.shape_cast %get3A_834 : vector<1x16xf32> to vector<16xf32>
        %add3A_836 = arith.addf %add3A_829, %get3A_835 : vector<16xf32>
        %swap3A_837 = arith.index_cast %scan3A_617 : i32 to index
        %swap3A_838 = arith.constant 80 : index
        %swap3A_839 = tpu.vector_load %arg17[%swap3A_837, %swap3A_838] {strides = array<i32>} : memref<16x128xf32, #tpu.memory_space<vmem>>, vector<1x16xf32>,
        %swap3A_840 = vector.shape_cast %swap3A_839 : vector<1x16xf32> to vector<16xf32>
        %swap3A_841 = vector.shape_cast %add3A_836 : vector<16xf32> to vector<1x16xf32>
        tpu.vector_store %arg17[%swap3A_837, %swap3A_838], %swap3A_841 {strides = array<i32>} : memref<16x128xf32, #tpu.memory_space<vmem>>, vector<1x16xf32>,
        %get3A_842 = arith.index_cast %mul3A_619 : i32 to index
        %get3A_843 = arith.constant 96 : index
        %get3A_844 = tpu.vector_load %arg13[%get3A_842, %get3A_843] {strides = array<i32>} : memref<80x128xf32, #tpu.memory_space<vmem>>, vector<1x16xf32>,
        %get3A_845 = vector.shape_cast %get3A_844 : vector<1x16xf32> to vector<16xf32>
        %add3A_846 = arith.constant 1 : i32
        %add3A_847 = arith.addi %mul3A_619, %add3A_846 : i32
        %get3A_848 = arith.index_cast %add3A_847 : i32 to index
        %get3A_849 = arith.constant 96 : index
        %get3A_850 = tpu.vector_load %arg13[%get3A_848, %get3A_849] {strides = array<i32>} : memref<80x128xf32, #tpu.memory_space<vmem>>, vector<1x16xf32>,
        %get3A_851 = vector.shape_cast %get3A_850 : vector<1x16xf32> to vector<16xf32>
        %add3A_852 = arith.addf %get3A_845, %get3A_851 : vector<16xf32>
        %add3A_853 = arith.constant 2 : i32
        %add3A_854 = arith.addi %mul3A_619, %add3A_853 : i32
        %get3A_855 = arith.index_cast %add3A_854 : i32 to index
        %get3A_856 = arith.constant 96 : index
        %get3A_857 = tpu.vector_load %arg13[%get3A_855, %get3A_856] {strides = array<i32>} : memref<80x128xf32, #tpu.memory_space<vmem>>, vector<1x16xf32>,
        %get3A_858 = vector.shape_cast %get3A_857 : vector<1x16xf32> to vector<16xf32>
        %add3A_859 = arith.addf %add3A_852, %get3A_858 : vector<16xf32>
        %add3A_860 = arith.constant 3 : i32
        %add3A_861 = arith.addi %mul3A_619, %add3A_860 : i32
        %get3A_862 = arith.index_cast %add3A_861 : i32 to index
        %get3A_863 = arith.constant 96 : index
        %get3A_864 = tpu.vector_load %arg13[%get3A_862, %get3A_863] {strides = array<i32>} : memref<80x128xf32, #tpu.memory_space<vmem>>, vector<1x16xf32>,
        %get3A_865 = vector.shape_cast %get3A_864 : vector<1x16xf32> to vector<16xf32>
        %add3A_866 = arith.addf %add3A_859, %get3A_865 : vector<16xf32>
        %add3A_867 = arith.constant 4 : i32
        %add3A_868 = arith.addi %mul3A_619, %add3A_867 : i32
        %get3A_869 = arith.index_cast %add3A_868 : i32 to index
        %get3A_870 = arith.constant 96 : index
        %get3A_871 = tpu.vector_load %arg13[%get3A_869, %get3A_870] {strides = array<i32>} : memref<80x128xf32, #tpu.memory_space<vmem>>, vector<1x16xf32>,
        %get3A_872 = vector.shape_cast %get3A_871 : vector<1x16xf32> to vector<16xf32>
        %add3A_873 = arith.addf %add3A_866, %get3A_872 : vector<16xf32>
        %swap3A_874 = arith.index_cast %scan3A_617 : i32 to index
        %swap3A_875 = arith.constant 96 : index
        %swap3A_876 = tpu.vector_load %arg17[%swap3A_874, %swap3A_875] {strides = array<i32>} : memref<16x128xf32, #tpu.memory_space<vmem>>, vector<1x16xf32>,
        %swap3A_877 = vector.shape_cast %swap3A_876 : vector<1x16xf32> to vector<16xf32>
        %swap3A_878 = vector.shape_cast %add3A_873 : vector<16xf32> to vector<1x16xf32>
        tpu.vector_store %arg17[%swap3A_874, %swap3A_875], %swap3A_878 {strides = array<i32>} : memref<16x128xf32, #tpu.memory_space<vmem>>, vector<1x16xf32>,
        %get3A_879 = arith.index_cast %mul3A_619 : i32 to index
        %get3A_880 = arith.constant 112 : index
        %get3A_881 = tpu.vector_load %arg13[%get3A_879, %get3A_880] {strides = array<i32>} : memref<80x128xf32, #tpu.memory_space<vmem>>, vector<1x16xf32>,
        %get3A_882 = vector.shape_cast %get3A_881 : vector<1x16xf32> to vector<16xf32>
        %add3A_883 = arith.constant 1 : i32
        %add3A_884 = arith.addi %mul3A_619, %add3A_883 : i32
        %get3A_885 = arith.index_cast %add3A_884 : i32 to index
        %get3A_886 = arith.constant 112 : index
        %get3A_887 = tpu.vector_load %arg13[%get3A_885, %get3A_886] {strides = array<i32>} : memref<80x128xf32, #tpu.memory_space<vmem>>, vector<1x16xf32>,
        %get3A_888 = vector.shape_cast %get3A_887 : vector<1x16xf32> to vector<16xf32>
        %add3A_889 = arith.addf %get3A_882, %get3A_888 : vector<16xf32>
        %add3A_890 = arith.constant 2 : i32
        %add3A_891 = arith.addi %mul3A_619, %add3A_890 : i32
        %get3A_892 = arith.index_cast %add3A_891 : i32 to index
        %get3A_893 = arith.constant 112 : index
        %get3A_894 = tpu.vector_load %arg13[%get3A_892, %get3A_893] {strides = array<i32>} : memref<80x128xf32, #tpu.memory_space<vmem>>, vector<1x16xf32>,
        %get3A_895 = vector.shape_cast %get3A_894 : vector<1x16xf32> to vector<16xf32>
        %add3A_896 = arith.addf %add3A_889, %get3A_895 : vector<16xf32>
        %add3A_897 = arith.constant 3 : i32
        %add3A_898 = arith.addi %mul3A_619, %add3A_897 : i32
        %get3A_899 = arith.index_cast %add3A_898 : i32 to index
        %get3A_900 = arith.constant 112 : index
        %get3A_901 = tpu.vector_load %arg13[%get3A_899, %get3A_900] {strides = array<i32>} : memref<80x128xf32, #tpu.memory_space<vmem>>, vector<1x16xf32>,
        %get3A_902 = vector.shape_cast %get3A_901 : vector<1x16xf32> to vector<16xf32>
        %add3A_903 = arith.addf %add3A_896, %get3A_902 : vector<16xf32>
        %add3A_904 = arith.constant 4 : i32
        %add3A_905 = arith.addi %mul3A_619, %add3A_904 : i32
        %get3A_906 = arith.index_cast %add3A_905 : i32 to index
        %get3A_907 = arith.constant 112 : index
        %get3A_908 = tpu.vector_load %arg13[%get3A_906, %get3A_907] {strides = array<i32>} : memref<80x128xf32, #tpu.memory_space<vmem>>, vector<1x16xf32>,
        %get3A_909 = vector.shape_cast %get3A_908 : vector<1x16xf32> to vector<16xf32>
        %add3A_910 = arith.addf %add3A_903, %get3A_909 : vector<16xf32>
        %swap3A_911 = arith.index_cast %scan3A_617 : i32 to index
        %swap3A_912 = arith.constant 112 : index
        %swap3A_913 = tpu.vector_load %arg17[%swap3A_911, %swap3A_912] {strides = array<i32>} : memref<16x128xf32, #tpu.memory_space<vmem>>, vector<1x16xf32>,
        %swap3A_914 = vector.shape_cast %swap3A_913 : vector<1x16xf32> to vector<16xf32>
        %swap3A_915 = vector.shape_cast %add3A_910 : vector<16xf32> to vector<1x16xf32>
        tpu.vector_store %arg17[%swap3A_911, %swap3A_912], %swap3A_915 {strides = array<i32>} : memref<16x128xf32, #tpu.memory_space<vmem>>, vector<1x16xf32>,
      }
      %scan3A_606 = arith.constant 16 : i32
      %dma_start3A_607 = arith.constant 0 : i32
      %dma_start3A_608 = tpu.memref_slice %arg6[%add3A_595, %dma_start3A_607] : memref<10240x128xf32, #tpu.memory_space<hbm>> -> memref<16x128xf32, #tpu.memory_space<hbm>>
      %dma_start3A_609 = arith.constant 0 : i32
      %dma_start3A_610 = tpu.memref_slice %arg6[%add3A_595, %dma_start3A_609] : memref<10240x128xf32, #tpu.memory_space<hbm>> -> memref<16x128xf32, #tpu.memory_space<hbm>>
      tpu.enqueue_dma source(%arg17 : memref<16x128xf32, #tpu.memory_space<vmem>>) target(%dma_start3A_610 : memref<16x128xf32, #tpu.memory_space<hbm>>) target_semaphore(%arg29 : memref<!tpu.dma_semaphore, #tpu.memory_space<semaphore_mem>>)
      %add3A_611 = arith.constant 4 : i32
      %add3A_612 = arith.addi %add3A_547, %add3A_611 : i32
      %lt3A_613 = arith.cmpi slt, %add3A_612, %select_n3A_58 : i32
      %convert_element_type3A_614 = arith.extui %lt3A_613 : i1 to i32
      %cond3A_615 = arith.constant 0 : i32
      %cond3A_616 = arith.cmpi ne, %convert_element_type3A_614, %cond3A_615 : i32
      scf.if %cond3A_616 {
        %mul3A_617 = arith.constant 80 : i32
        %mul3A_618 = arith.muli %add3A_612, %mul3A_617 : i32
        %add3A_619 = arith.constant 0 : i32
        %add3A_620 = arith.addi %mul3A_618, %add3A_619 : i32
        %get3A_621 = arith.index_cast %add3A_620 : i32 to index
        %get3A_622 = tpu.vector_load %arg9[%get3A_621] {strides = array<i32>} : memref<2560xi32, #tpu.memory_space<vmem>>, vector<16xi32>,
        %get3A_623 = vector.shape_cast %get3A_622 : vector<16xi32> to vector<16xi32>
        %dma_start3A_624 = arith.constant 0 : i32
        %dma_start3A_625 = arith.constant 0 : i32
        %dma_start3A_626 = tpu.memref_slice %arg13[%dma_start3A_624, %dma_start3A_625] : memref<80x128xf32, #tpu.memory_space<vmem>> -> memref<16x128xf32, #tpu.memory_space<vmem>>
        %dma_start3A_627 = arith.constant 0 : i32
        %dma_start3A_628 = arith.constant 0 : i32
        %dma_start3A_629 = tpu.memref_slice %arg3[%dma_start3A_627, %dma_start3A_628] : memref<100000x128xf32, #tpu.memory_space<hbm>> -> memref<100000x128xf32, #tpu.memory_space<hbm>>
        tpu.enqueue_indirect_dma source(%dma_start3A_629 : memref<100000x128xf32, #tpu.memory_space<hbm>>) target(%dma_start3A_626 : memref<16x128xf32, #tpu.memory_space<vmem>>) offsets(%get3A_623 : vector<16xi32>) semaphore(%arg25 : memref<!tpu.dma_semaphore, #tpu.memory_space<semaphore_mem>>)
        %mul3A_630 = arith.constant 80 : i32
        %mul3A_631 = arith.muli %add3A_612, %mul3A_630 : i32
        %add3A_632 = arith.constant 16 : i32
        %add3A_633 = arith.addi %mul3A_631, %add3A_632 : i32
        %get3A_634 = arith.index_cast %add3A_633 : i32 to index
        %get3A_635 = tpu.vector_load %arg9[%get3A_634] {strides = array<i32>} : memref<2560xi32, #tpu.memory_space<vmem>>, vector<16xi32>,
        %get3A_636 = vector.shape_cast %get3A_635 : vector<16xi32> to vector<16xi32>
        %dma_start3A_637 = arith.constant 16 : i32
        %dma_start3A_638 = arith.constant 0 : i32
        %dma_start3A_639 = tpu.memref_slice %arg13[%dma_start3A_637, %dma_start3A_638] : memref<80x128xf32, #tpu.memory_space<vmem>> -> memref<16x128xf32, #tpu.memory_space<vmem>>
        %dma_start3A_640 = arith.constant 0 : i32
        %dma_start3A_641 = arith.constant 0 : i32
        %dma_start3A_642 = tpu.memref_slice %arg3[%dma_start3A_640, %dma_start3A_641] : memref<100000x128xf32, #tpu.memory_space<hbm>> -> memref<100000x128xf32, #tpu.memory_space<hbm>>
        tpu.enqueue_indirect_dma source(%dma_start3A_642 : memref<100000x128xf32, #tpu.memory_space<hbm>>) target(%dma_start3A_639 : memref<16x128xf32, #tpu.memory_space<vmem>>) offsets(%get3A_636 : vector<16xi32>) semaphore(%arg25 : memref<!tpu.dma_semaphore, #tpu.memory_space<semaphore_mem>>)
        %mul3A_643 = arith.constant 80 : i32
        %mul3A_644 = arith.muli %add3A_612, %mul3A_643 : i32
        %add3A_645 = arith.constant 32 : i32
        %add3A_646 = arith.addi %mul3A_644, %add3A_645 : i32
        %get3A_647 = arith.index_cast %add3A_646 : i32 to index
        %get3A_648 = tpu.vector_load %arg9[%get3A_647] {strides = array<i32>} : memref<2560xi32, #tpu.memory_space<vmem>>, vector<16xi32>,
        %get3A_649 = vector.shape_cast %get3A_648 : vector<16xi32> to vector<16xi32>
        %dma_start3A_650 = arith.constant 32 : i32
        %dma_start3A_651 = arith.constant 0 : i32
        %dma_start3A_652 = tpu.memref_slice %arg13[%dma_start3A_650, %dma_start3A_651] : memref<80x128xf32, #tpu.memory_space<vmem>> -> memref<16x128xf32, #tpu.memory_space<vmem>>
        %dma_start3A_653 = arith.constant 0 : i32
        %dma_start3A_654 = arith.constant 0 : i32
        %dma_start3A_655 = tpu.memref_slice %arg3[%dma_start3A_653, %dma_start3A_654] : memref<100000x128xf32, #tpu.memory_space<hbm>> -> memref<100000x128xf32, #tpu.memory_space<hbm>>
        tpu.enqueue_indirect_dma source(%dma_start3A_655 : memref<100000x128xf32, #tpu.memory_space<hbm>>) target(%dma_start3A_652 : memref<16x128xf32, #tpu.memory_space<vmem>>) offsets(%get3A_649 : vector<16xi32>) semaphore(%arg25 : memref<!tpu.dma_semaphore, #tpu.memory_space<semaphore_mem>>)
        %mul3A_656 = arith.constant 80 : i32
        %mul3A_657 = arith.muli %add3A_612, %mul3A_656 : i32
        %add3A_658 = arith.constant 48 : i32
        %add3A_659 = arith.addi %mul3A_657, %add3A_658 : i32
        %get3A_660 = arith.index_cast %add3A_659 : i32 to index
        %get3A_661 = tpu.vector_load %arg9[%get3A_660] {strides = array<i32>} : memref<2560xi32, #tpu.memory_space<vmem>>, vector<16xi32>,
        %get3A_662 = vector.shape_cast %get3A_661 : vector<16xi32> to vector<16xi32>
        %dma_start3A_663 = arith.constant 48 : i32
        %dma_start3A_664 = arith.constant 0 : i32
        %dma_start3A_665 = tpu.memref_slice %arg13[%dma_start3A_663, %dma_start3A_664] : memref<80x128xf32, #tpu.memory_space<vmem>> -> memref<16x128xf32, #tpu.memory_space<vmem>>
        %dma_start3A_666 = arith.constant 0 : i32
        %dma_start3A_667 = arith.constant 0 : i32
        %dma_start3A_668 = tpu.memref_slice %arg3[%dma_start3A_666, %dma_start3A_667] : memref<100000x128xf32, #tpu.memory_space<hbm>> -> memref<100000x128xf32, #tpu.memory_space<hbm>>
        tpu.enqueue_indirect_dma source(%dma_start3A_668 : memref<100000x128xf32, #tpu.memory_space<hbm>>) target(%dma_start3A_665 : memref<16x128xf32, #tpu.memory_space<vmem>>) offsets(%get3A_662 : vector<16xi32>) semaphore(%arg25 : memref<!tpu.dma_semaphore, #tpu.memory_space<semaphore_mem>>)
        %mul3A_669 = arith.constant 80 : i32
        %mul3A_670 = arith.muli %add3A_612, %mul3A_669 : i32
        %add3A_671 = arith.constant 64 : i32
        %add3A_672 = arith.addi %mul3A_670, %add3A_671 : i32
        %get3A_673 = arith.index_cast %add3A_672 : i32 to index
        %get3A_674 = tpu.vector_load %arg9[%get3A_673] {strides = array<i32>} : memref<2560xi32, #tpu.memory_space<vmem>>, vector<16xi32>,
        %get3A_675 = vector.shape_cast %get3A_674 : vector<16xi32> to vector<16xi32>
        %dma_start3A_676 = arith.constant 64 : i32
        %dma_start3A_677 = arith.constant 0 : i32
        %dma_start3A_678 = tpu.memref_slice %arg13[%dma_start3A_676, %dma_start3A_677] : memref<80x128xf32, #tpu.memory_space<vmem>> -> memref<16x128xf32, #tpu.memory_space<vmem>>
        %dma_start3A_679 = arith.constant 0 : i32
        %dma_start3A_680 = arith.constant 0 : i32
        %dma_start3A_681 = tpu.memref_slice %arg3[%dma_start3A_679, %dma_start3A_680] : memref<100000x128xf32, #tpu.memory_space<hbm>> -> memref<100000x128xf32, #tpu.memory_space<hbm>>
        tpu.enqueue_indirect_dma source(%dma_start3A_681 : memref<100000x128xf32, #tpu.memory_space<hbm>>) target(%dma_start3A_678 : memref<16x128xf32, #tpu.memory_space<vmem>>) offsets(%get3A_675 : vector<16xi32>) semaphore(%arg25 : memref<!tpu.dma_semaphore, #tpu.memory_space<semaphore_mem>>)
      } else {
      }
    }
    %while3A_284 = arith.constant 1 : i32
    scf.for %while3A_331 = %while3A_282 to %while3A_278 step %while3A_284  : i32 {
      %mul3A_332 = arith.constant 4 : i32
      %mul3A_333 = arith.muli %while3A_331, %mul3A_332 : i32
      %add3A_334 = arith.constant 0 : i32
      %add3A_335 = arith.addi %mul3A_333, %add3A_334 : i32
      %get3A_336 = arith.constant 0 : index
      %get3A_337 = tpu.vector_load %arg9[%get3A_336] {strides = array<i32>} : memref<2560xi32, #tpu.memory_space<vmem>>, vector<16xi32>,
      %get3A_338 = vector.shape_cast %get3A_337 : vector<16xi32> to vector<16xi32>
      %dma_wait3A_339 = arith.constant 0 : i32
      %dma_wait3A_340 = arith.constant 0 : i32
      %dma_wait3A_341 = tpu.memref_slice %arg10[%dma_wait3A_339, %dma_wait3A_340] : memref<80x128xf32, #tpu.memory_space<vmem>> -> memref<16x128xf32, #tpu.memory_space<vmem>>
      %dma_wait3A_342 = arith.constant 0 : i32
      %dma_wait3A_343 = arith.constant 0 : i32
      %dma_wait3A_344 = tpu.memref_slice %arg3[%dma_wait3A_342, %dma_wait3A_343] : memref<100000x128xf32, #tpu.memory_space<hbm>> -> memref<100000x128xf32, #tpu.memory_space<hbm>>
      tpu.wait_indirect_dma semaphore(%arg22 : memref<!tpu.dma_semaphore, #tpu.memory_space<semaphore_mem>>) src(%dma_wait3A_344 : memref<100000x128xf32, #tpu.memory_space<hbm>>) dst(%dma_wait3A_341 : memref<16x128xf32, #tpu.memory_space<vmem>>)
      %get3A_345 = arith.constant 0 : index
      %get3A_346 = tpu.vector_load %arg9[%get3A_345] {strides = array<i32>} : memref<2560xi32, #tpu.memory_space<vmem>>, vector<16xi32>,
      %get3A_347 = vector.shape_cast %get3A_346 : vector<16xi32> to vector<16xi32>
      %dma_wait3A_348 = arith.constant 0 : i32
      %dma_wait3A_349 = arith.constant 0 : i32
      %dma_wait3A_350 = tpu.memref_slice %arg10[%dma_wait3A_348, %dma_wait3A_349] : memref<80x128xf32, #tpu.memory_space<vmem>> -> memref<16x128xf32, #tpu.memory_space<vmem>>
      %dma_wait3A_351 = arith.constant 0 : i32
      %dma_wait3A_352 = arith.constant 0 : i32
      %dma_wait3A_353 = tpu.memref_slice %arg3[%dma_wait3A_351, %dma_wait3A_352] : memref<100000x128xf32, #tpu.memory_space<hbm>> -> memref<100000x128xf32, #tpu.memory_space<hbm>>
      tpu.wait_indirect_dma semaphore(%arg22 : memref<!tpu.dma_semaphore, #tpu.memory_space<semaphore_mem>>) src(%dma_wait3A_353 : memref<100000x128xf32, #tpu.memory_space<hbm>>) dst(%dma_wait3A_350 : memref<16x128xf32, #tpu.memory_space<vmem>>)
      %get3A_354 = arith.constant 0 : index
      %get3A_355 = tpu.vector_load %arg9[%get3A_354] {strides = array<i32>} : memref<2560xi32, #tpu.memory_space<vmem>>, vector<16xi32>,
      %get3A_356 = vector.shape_cast %get3A_355 : vector<16xi32> to vector<16xi32>
      %dma_wait3A_357 = arith.constant 0 : i32
      %dma_wait3A_358 = arith.constant 0 : i32
      %dma_wait3A_359 = tpu.memref_slice %arg10[%dma_wait3A_357, %dma_wait3A_358] : memref<80x128xf32, #tpu.memory_space<vmem>> -> memref<16x128xf32, #tpu.memory_space<vmem>>
      %dma_wait3A_360 = arith.constant 0 : i32
      %dma_wait3A_361 = arith.constant 0 : i32
      %dma_wait3A_362 = tpu.memref_slice %arg3[%dma_wait3A_360, %dma_wait3A_361] : memref<100000x128xf32, #tpu.memory_space<hbm>> -> memref<100000x128xf32, #tpu.memory_space<hbm>>
      tpu.wait_indirect_dma semaphore(%arg22 : memref<!tpu.dma_semaphore, #tpu.memory_space<semaphore_mem>>) src(%dma_wait3A_362 : memref<100000x128xf32, #tpu.memory_space<hbm>>) dst(%dma_wait3A_359 : memref<16x128xf32, #tpu.memory_space<vmem>>)
      %get3A_363 = arith.constant 0 : index
      %get3A_364 = tpu.vector_load %arg9[%get3A_363] {strides = array<i32>} : memref<2560xi32, #tpu.memory_space<vmem>>, vector<16xi32>,
      %get3A_365 = vector.shape_cast %get3A_364 : vector<16xi32> to vector<16xi32>
      %dma_wait3A_366 = arith.constant 0 : i32
      %dma_wait3A_367 = arith.constant 0 : i32
      %dma_wait3A_368 = tpu.memref_slice %arg10[%dma_wait3A_366, %dma_wait3A_367] : memref<80x128xf32, #tpu.memory_space<vmem>> -> memref<16x128xf32, #tpu.memory_space<vmem>>
      %dma_wait3A_369 = arith.constant 0 : i32
      %dma_wait3A_370 = arith.constant 0 : i32
      %dma_wait3A_371 = tpu.memref_slice %arg3[%dma_wait3A_369, %dma_wait3A_370] : memref<100000x128xf32, #tpu.memory_space<hbm>> -> memref<100000x128xf32, #tpu.memory_space<hbm>>
      tpu.wait_indirect_dma semaphore(%arg22 : memref<!tpu.dma_semaphore, #tpu.memory_space<semaphore_mem>>) src(%dma_wait3A_371 : memref<100000x128xf32, #tpu.memory_space<hbm>>) dst(%dma_wait3A_368 : memref<16x128xf32, #tpu.memory_space<vmem>>)
      %get3A_372 = arith.constant 0 : index
      %get3A_373 = tpu.vector_load %arg9[%get3A_372] {strides = array<i32>} : memref<2560xi32, #tpu.memory_space<vmem>>, vector<16xi32>,
      %get3A_374 = vector.shape_cast %get3A_373 : vector<16xi32> to vector<16xi32>
      %dma_wait3A_375 = arith.constant 0 : i32
      %dma_wait3A_376 = arith.constant 0 : i32
      %dma_wait3A_377 = tpu.memref_slice %arg10[%dma_wait3A_375, %dma_wait3A_376] : memref<80x128xf32, #tpu.memory_space<vmem>> -> memref<16x128xf32, #tpu.memory_space<vmem>>
      %dma_wait3A_378 = arith.constant 0 : i32
      %dma_wait3A_379 = arith.constant 0 : i32
      %dma_wait3A_380 = tpu.memref_slice %arg3[%dma_wait3A_378, %dma_wait3A_379] : memref<100000x128xf32, #tpu.memory_space<hbm>> -> memref<100000x128xf32, #tpu.memory_space<hbm>>
      tpu.wait_indirect_dma semaphore(%arg22 : memref<!tpu.dma_semaphore, #tpu.memory_space<semaphore_mem>>) src(%dma_wait3A_380 : memref<100000x128xf32, #tpu.memory_space<hbm>>) dst(%dma_wait3A_377 : memref<16x128xf32, #tpu.memory_space<vmem>>)
      %mul3A_381 = arith.constant 16 : i32
      %mul3A_382 = arith.muli %add3A_335, %mul3A_381 : i32
      %add3A_383 = arith.addi %add3A_67, %mul3A_382 : i32
      %gt3A = arith.constant 0 : i32
      %gt3A_384 = arith.cmpi sgt, %while3A_331, %gt3A : i32
      %convert_element_type3A_385 = arith.extui %gt3A_384 : i1 to i32
      %cond3A_386 = arith.constant 0 : i32
      %cond3A_387 = arith.cmpi ne, %convert_element_type3A_385, %cond3A_386 : i32
      scf.if %cond3A_387 {
        %dma_wait3A_617 = arith.constant 0 : i32
        %dma_wait3A_618 = arith.constant 0 : i32
        %dma_wait3A_619 = tpu.memref_slice %arg6[%dma_wait3A_617, %dma_wait3A_618] : memref<10240x128xf32, #tpu.memory_space<hbm>> -> memref<16x128xf32, #tpu.memory_space<hbm>>
        %dma_wait3A_620 = arith.constant 0 : i32
        %dma_wait3A_621 = arith.constant 0 : i32
        %dma_wait3A_622 = tpu.memref_slice %arg6[%dma_wait3A_620, %dma_wait3A_621] : memref<10240x128xf32, #tpu.memory_space<hbm>> -> memref<16x128xf32, #tpu.memory_space<hbm>>
        tpu.wait_dma2 semaphore(%arg26 : memref<!tpu.dma_semaphore, #tpu.memory_space<semaphore_mem>>) src(%arg14 : memref<16x128xf32, #tpu.memory_space<vmem>>) dst(%dma_wait3A_622 : memref<16x128xf32, #tpu.memory_space<hbm>>)
      } else {
      }
      %scan3A_388 = arith.constant 0 : i32
      %scan3A_389 = arith.constant 0 : i32
      %scan3A_390 = arith.constant 16 : i32
      %scan3A_391 = arith.addi %scan3A_389, %scan3A_390 : i32
      %scan3A_392 = arith.constant 1 : i32
      scf.for %scan3A_617 = %scan3A_389 to %scan3A_391 step %scan3A_392  : i32 {
        %mul3A_618 = arith.constant 5 : i32
        %mul3A_619 = arith.muli %mul3A_618, %scan3A_617 : i32
        %get3A_620 = arith.index_cast %mul3A_619 : i32 to index
        %get3A_621 = arith.constant 0 : index
        %get3A_622 = tpu.vector_load %arg10[%get3A_620, %get3A_621] {strides = array<i32>} : memref<80x128xf32, #tpu.memory_space<vmem>>, vector<1x16xf32>,
        %get3A_623 = vector.shape_cast %get3A_622 : vector<1x16xf32> to vector<16xf32>
        %add3A_624 = arith.constant 1 : i32
        %add3A_625 = arith.addi %mul3A_619, %add3A_624 : i32
        %get3A_626 = arith.index_cast %add3A_625 : i32 to index
        %get3A_627 = arith.constant 0 : index
        %get3A_628 = tpu.vector_load %arg10[%get3A_626, %get3A_627] {strides = array<i32>} : memref<80x128xf32, #tpu.memory_space<vmem>>, vector<1x16xf32>,
        %get3A_629 = vector.shape_cast %get3A_628 : vector<1x16xf32> to vector<16xf32>
        %add3A_630 = arith.addf %get3A_623, %get3A_629 : vector<16xf32>
        %add3A_631 = arith.constant 2 : i32
        %add3A_632 = arith.addi %mul3A_619, %add3A_631 : i32
        %get3A_633 = arith.index_cast %add3A_632 : i32 to index
        %get3A_634 = arith.constant 0 : index
        %get3A_635 = tpu.vector_load %arg10[%get3A_633, %get3A_634] {strides = array<i32>} : memref<80x128xf32, #tpu.memory_space<vmem>>, vector<1x16xf32>,
        %get3A_636 = vector.shape_cast %get3A_635 : vector<1x16xf32> to vector<16xf32>
        %add3A_637 = arith.addf %add3A_630, %get3A_636 : vector<16xf32>
        %add3A_638 = arith.constant 3 : i32
        %add3A_639 = arith.addi %mul3A_619, %add3A_638 : i32
        %get3A_640 = arith.index_cast %add3A_639 : i32 to index
        %get3A_641 = arith.constant 0 : index
        %get3A_642 = tpu.vector_load %arg10[%get3A_640, %get3A_641] {strides = array<i32>} : memref<80x128xf32, #tpu.memory_space<vmem>>, vector<1x16xf32>,
        %get3A_643 = vector.shape_cast %get3A_642 : vector<1x16xf32> to vector<16xf32>
        %add3A_644 = arith.addf %add3A_637, %get3A_643 : vector<16xf32>
        %add3A_645 = arith.constant 4 : i32
        %add3A_646 = arith.addi %mul3A_619, %add3A_645 : i32
        %get3A_647 = arith.index_cast %add3A_646 : i32 to index
        %get3A_648 = arith.constant 0 : index
        %get3A_649 = tpu.vector_load %arg10[%get3A_647, %get3A_648] {strides = array<i32>} : memref<80x128xf32, #tpu.memory_space<vmem>>, vector<1x16xf32>,
        %get3A_650 = vector.shape_cast %get3A_649 : vector<1x16xf32> to vector<16xf32>
        %add3A_651 = arith.addf %add3A_644, %get3A_650 : vector<16xf32>
        %swap3A_652 = arith.index_cast %scan3A_617 : i32 to index
        %swap3A_653 = arith.constant 0 : index
        %swap3A_654 = tpu.vector_load %arg14[%swap3A_652, %swap3A_653] {strides = array<i32>} : memref<16x128xf32, #tpu.memory_space<vmem>>, vector<1x16xf32>,
        %swap3A_655 = vector.shape_cast %swap3A_654 : vector<1x16xf32> to vector<16xf32>
        %swap3A_656 = vector.shape_cast %add3A_651 : vector<16xf32> to vector<1x16xf32>
        tpu.vector_store %arg14[%swap3A_652, %swap3A_653], %swap3A_656 {strides = array<i32>} : memref<16x128xf32, #tpu.memory_space<vmem>>, vector<1x16xf32>,
        %get3A_657 = arith.index_cast %mul3A_619 : i32 to index
        %get3A_658 = arith.constant 16 : index
        %get3A_659 = tpu.vector_load %arg10[%get3A_657, %get3A_658] {strides = array<i32>} : memref<80x128xf32, #tpu.memory_space<vmem>>, vector<1x16xf32>,
        %get3A_660 = vector.shape_cast %get3A_659 : vector<1x16xf32> to vector<16xf32>
        %add3A_661 = arith.constant 1 : i32
        %add3A_662 = arith.addi %mul3A_619, %add3A_661 : i32
        %get3A_663 = arith.index_cast %add3A_662 : i32 to index
        %get3A_664 = arith.constant 16 : index
        %get3A_665 = tpu.vector_load %arg10[%get3A_663, %get3A_664] {strides = array<i32>} : memref<80x128xf32, #tpu.memory_space<vmem>>, vector<1x16xf32>,
        %get3A_666 = vector.shape_cast %get3A_665 : vector<1x16xf32> to vector<16xf32>
        %add3A_667 = arith.addf %get3A_660, %get3A_666 : vector<16xf32>
        %add3A_668 = arith.constant 2 : i32
        %add3A_669 = arith.addi %mul3A_619, %add3A_668 : i32
        %get3A_670 = arith.index_cast %add3A_669 : i32 to index
        %get3A_671 = arith.constant 16 : index
        %get3A_672 = tpu.vector_load %arg10[%get3A_670, %get3A_671] {strides = array<i32>} : memref<80x128xf32, #tpu.memory_space<vmem>>, vector<1x16xf32>,
        %get3A_673 = vector.shape_cast %get3A_672 : vector<1x16xf32> to vector<16xf32>
        %add3A_674 = arith.addf %add3A_667, %get3A_673 : vector<16xf32>
        %add3A_675 = arith.constant 3 : i32
        %add3A_676 = arith.addi %mul3A_619, %add3A_675 : i32
        %get3A_677 = arith.index_cast %add3A_676 : i32 to index
        %get3A_678 = arith.constant 16 : index
        %get3A_679 = tpu.vector_load %arg10[%get3A_677, %get3A_678] {strides = array<i32>} : memref<80x128xf32, #tpu.memory_space<vmem>>, vector<1x16xf32>,
        %get3A_680 = vector.shape_cast %get3A_679 : vector<1x16xf32> to vector<16xf32>
        %add3A_681 = arith.addf %add3A_674, %get3A_680 : vector<16xf32>
        %add3A_682 = arith.constant 4 : i32
        %add3A_683 = arith.addi %mul3A_619, %add3A_682 : i32
        %get3A_684 = arith.index_cast %add3A_683 : i32 to index
        %get3A_685 = arith.constant 16 : index
        %get3A_686 = tpu.vector_load %arg10[%get3A_684, %get3A_685] {strides = array<i32>} : memref<80x128xf32, #tpu.memory_space<vmem>>, vector<1x16xf32>,
        %get3A_687 = vector.shape_cast %get3A_686 : vector<1x16xf32> to vector<16xf32>
        %add3A_688 = arith.addf %add3A_681, %get3A_687 : vector<16xf32>
        %swap3A_689 = arith.index_cast %scan3A_617 : i32 to index
        %swap3A_690 = arith.constant 16 : index
        %swap3A_691 = tpu.vector_load %arg14[%swap3A_689, %swap3A_690] {strides = array<i32>} : memref<16x128xf32, #tpu.memory_space<vmem>>, vector<1x16xf32>,
        %swap3A_692 = vector.shape_cast %swap3A_691 : vector<1x16xf32> to vector<16xf32>
        %swap3A_693 = vector.shape_cast %add3A_688 : vector<16xf32> to vector<1x16xf32>
        tpu.vector_store %arg14[%swap3A_689, %swap3A_690], %swap3A_693 {strides = array<i32>} : memref<16x128xf32, #tpu.memory_space<vmem>>, vector<1x16xf32>,
        %get3A_694 = arith.index_cast %mul3A_619 : i32 to index
        %get3A_695 = arith.constant 32 : index
        %get3A_696 = tpu.vector_load %arg10[%get3A_694, %get3A_695] {strides = array<i32>} : memref<80x128xf32, #tpu.memory_space<vmem>>, vector<1x16xf32>,
        %get3A_697 = vector.shape_cast %get3A_696 : vector<1x16xf32> to vector<16xf32>
        %add3A_698 = arith.constant 1 : i32
        %add3A_699 = arith.addi %mul3A_619, %add3A_698 : i32
        %get3A_700 = arith.index_cast %add3A_699 : i32 to index
        %get3A_701 = arith.constant 32 : index
        %get3A_702 = tpu.vector_load %arg10[%get3A_700, %get3A_701] {strides = array<i32>} : memref<80x128xf32, #tpu.memory_space<vmem>>, vector<1x16xf32>,
        %get3A_703 = vector.shape_cast %get3A_702 : vector<1x16xf32> to vector<16xf32>
        %add3A_704 = arith.addf %get3A_697, %get3A_703 : vector<16xf32>
        %add3A_705 = arith.constant 2 : i32
        %add3A_706 = arith.addi %mul3A_619, %add3A_705 : i32
        %get3A_707 = arith.index_cast %add3A_706 : i32 to index
        %get3A_708 = arith.constant 32 : index
        %get3A_709 = tpu.vector_load %arg10[%get3A_707, %get3A_708] {strides = array<i32>} : memref<80x128xf32, #tpu.memory_space<vmem>>, vector<1x16xf32>,
        %get3A_710 = vector.shape_cast %get3A_709 : vector<1x16xf32> to vector<16xf32>
        %add3A_711 = arith.addf %add3A_704, %get3A_710 : vector<16xf32>
        %add3A_712 = arith.constant 3 : i32
        %add3A_713 = arith.addi %mul3A_619, %add3A_712 : i32
        %get3A_714 = arith.index_cast %add3A_713 : i32 to index
        %get3A_715 = arith.constant 32 : index
        %get3A_716 = tpu.vector_load %arg10[%get3A_714, %get3A_715] {strides = array<i32>} : memref<80x128xf32, #tpu.memory_space<vmem>>, vector<1x16xf32>,
        %get3A_717 = vector.shape_cast %get3A_716 : vector<1x16xf32> to vector<16xf32>
        %add3A_718 = arith.addf %add3A_711, %get3A_717 : vector<16xf32>
        %add3A_719 = arith.constant 4 : i32
        %add3A_720 = arith.addi %mul3A_619, %add3A_719 : i32
        %get3A_721 = arith.index_cast %add3A_720 : i32 to index
        %get3A_722 = arith.constant 32 : index
        %get3A_723 = tpu.vector_load %arg10[%get3A_721, %get3A_722] {strides = array<i32>} : memref<80x128xf32, #tpu.memory_space<vmem>>, vector<1x16xf32>,
        %get3A_724 = vector.shape_cast %get3A_723 : vector<1x16xf32> to vector<16xf32>
        %add3A_725 = arith.addf %add3A_718, %get3A_724 : vector<16xf32>
        %swap3A_726 = arith.index_cast %scan3A_617 : i32 to index
        %swap3A_727 = arith.constant 32 : index
        %swap3A_728 = tpu.vector_load %arg14[%swap3A_726, %swap3A_727] {strides = array<i32>} : memref<16x128xf32, #tpu.memory_space<vmem>>, vector<1x16xf32>,
        %swap3A_729 = vector.shape_cast %swap3A_728 : vector<1x16xf32> to vector<16xf32>
        %swap3A_730 = vector.shape_cast %add3A_725 : vector<16xf32> to vector<1x16xf32>
        tpu.vector_store %arg14[%swap3A_726, %swap3A_727], %swap3A_730 {strides = array<i32>} : memref<16x128xf32, #tpu.memory_space<vmem>>, vector<1x16xf32>,
        %get3A_731 = arith.index_cast %mul3A_619 : i32 to index
        %get3A_732 = arith.constant 48 : index
        %get3A_733 = tpu.vector_load %arg10[%get3A_731, %get3A_732] {strides = array<i32>} : memref<80x128xf32, #tpu.memory_space<vmem>>, vector<1x16xf32>,
        %get3A_734 = vector.shape_cast %get3A_733 : vector<1x16xf32> to vector<16xf32>
        %add3A_735 = arith.constant 1 : i32
        %add3A_736 = arith.addi %mul3A_619, %add3A_735 : i32
        %get3A_737 = arith.index_cast %add3A_736 : i32 to index
        %get3A_738 = arith.constant 48 : index
        %get3A_739 = tpu.vector_load %arg10[%get3A_737, %get3A_738] {strides = array<i32>} : memref<80x128xf32, #tpu.memory_space<vmem>>, vector<1x16xf32>,
        %get3A_740 = vector.shape_cast %get3A_739 : vector<1x16xf32> to vector<16xf32>
        %add3A_741 = arith.addf %get3A_734, %get3A_740 : vector<16xf32>
        %add3A_742 = arith.constant 2 : i32
        %add3A_743 = arith.addi %mul3A_619, %add3A_742 : i32
        %get3A_744 = arith.index_cast %add3A_743 : i32 to index
        %get3A_745 = arith.constant 48 : index
        %get3A_746 = tpu.vector_load %arg10[%get3A_744, %get3A_745] {strides = array<i32>} : memref<80x128xf32, #tpu.memory_space<vmem>>, vector<1x16xf32>,
        %get3A_747 = vector.shape_cast %get3A_746 : vector<1x16xf32> to vector<16xf32>
        %add3A_748 = arith.addf %add3A_741, %get3A_747 : vector<16xf32>
        %add3A_749 = arith.constant 3 : i32
        %add3A_750 = arith.addi %mul3A_619, %add3A_749 : i32
        %get3A_751 = arith.index_cast %add3A_750 : i32 to index
        %get3A_752 = arith.constant 48 : index
        %get3A_753 = tpu.vector_load %arg10[%get3A_751, %get3A_752] {strides = array<i32>} : memref<80x128xf32, #tpu.memory_space<vmem>>, vector<1x16xf32>,
        %get3A_754 = vector.shape_cast %get3A_753 : vector<1x16xf32> to vector<16xf32>
        %add3A_755 = arith.addf %add3A_748, %get3A_754 : vector<16xf32>
        %add3A_756 = arith.constant 4 : i32
        %add3A_757 = arith.addi %mul3A_619, %add3A_756 : i32
        %get3A_758 = arith.index_cast %add3A_757 : i32 to index
        %get3A_759 = arith.constant 48 : index
        %get3A_760 = tpu.vector_load %arg10[%get3A_758, %get3A_759] {strides = array<i32>} : memref<80x128xf32, #tpu.memory_space<vmem>>, vector<1x16xf32>,
        %get3A_761 = vector.shape_cast %get3A_760 : vector<1x16xf32> to vector<16xf32>
        %add3A_762 = arith.addf %add3A_755, %get3A_761 : vector<16xf32>
        %swap3A_763 = arith.index_cast %scan3A_617 : i32 to index
        %swap3A_764 = arith.constant 48 : index
        %swap3A_765 = tpu.vector_load %arg14[%swap3A_763, %swap3A_764] {strides = array<i32>} : memref<16x128xf32, #tpu.memory_space<vmem>>, vector<1x16xf32>,
        %swap3A_766 = vector.shape_cast %swap3A_765 : vector<1x16xf32> to vector<16xf32>
        %swap3A_767 = vector.shape_cast %add3A_762 : vector<16xf32> to vector<1x16xf32>
        tpu.vector_store %arg14[%swap3A_763, %swap3A_764], %swap3A_767 {strides = array<i32>} : memref<16x128xf32, #tpu.memory_space<vmem>>, vector<1x16xf32>,
        %get3A_768 = arith.index_cast %mul3A_619 : i32 to index
        %get3A_769 = arith.constant 64 : index
        %get3A_770 = tpu.vector_load %arg10[%get3A_768, %get3A_769] {strides = array<i32>} : memref<80x128xf32, #tpu.memory_space<vmem>>, vector<1x16xf32>,
        %get3A_771 = vector.shape_cast %get3A_770 : vector<1x16xf32> to vector<16xf32>
        %add3A_772 = arith.constant 1 : i32
        %add3A_773 = arith.addi %mul3A_619, %add3A_772 : i32
        %get3A_774 = arith.index_cast %add3A_773 : i32 to index
        %get3A_775 = arith.constant 64 : index
        %get3A_776 = tpu.vector_load %arg10[%get3A_774, %get3A_775] {strides = array<i32>} : memref<80x128xf32, #tpu.memory_space<vmem>>, vector<1x16xf32>,
        %get3A_777 = vector.shape_cast %get3A_776 : vector<1x16xf32> to vector<16xf32>
        %add3A_778 = arith.addf %get3A_771, %get3A_777 : vector<16xf32>
        %add3A_779 = arith.constant 2 : i32
        %add3A_780 = arith.addi %mul3A_619, %add3A_779 : i32
        %get3A_781 = arith.index_cast %add3A_780 : i32 to index
        %get3A_782 = arith.constant 64 : index
        %get3A_783 = tpu.vector_load %arg10[%get3A_781, %get3A_782] {strides = array<i32>} : memref<80x128xf32, #tpu.memory_space<vmem>>, vector<1x16xf32>,
        %get3A_784 = vector.shape_cast %get3A_783 : vector<1x16xf32> to vector<16xf32>
        %add3A_785 = arith.addf %add3A_778, %get3A_784 : vector<16xf32>
        %add3A_786 = arith.constant 3 : i32
        %add3A_787 = arith.addi %mul3A_619, %add3A_786 : i32
        %get3A_788 = arith.index_cast %add3A_787 : i32 to index
        %get3A_789 = arith.constant 64 : index
        %get3A_790 = tpu.vector_load %arg10[%get3A_788, %get3A_789] {strides = array<i32>} : memref<80x128xf32, #tpu.memory_space<vmem>>, vector<1x16xf32>,
        %get3A_791 = vector.shape_cast %get3A_790 : vector<1x16xf32> to vector<16xf32>
        %add3A_792 = arith.addf %add3A_785, %get3A_791 : vector<16xf32>
        %add3A_793 = arith.constant 4 : i32
        %add3A_794 = arith.addi %mul3A_619, %add3A_793 : i32
        %get3A_795 = arith.index_cast %add3A_794 : i32 to index
        %get3A_796 = arith.constant 64 : index
        %get3A_797 = tpu.vector_load %arg10[%get3A_795, %get3A_796] {strides = array<i32>} : memref<80x128xf32, #tpu.memory_space<vmem>>, vector<1x16xf32>,
        %get3A_798 = vector.shape_cast %get3A_797 : vector<1x16xf32> to vector<16xf32>
        %add3A_799 = arith.addf %add3A_792, %get3A_798 : vector<16xf32>
        %swap3A_800 = arith.index_cast %scan3A_617 : i32 to index
        %swap3A_801 = arith.constant 64 : index
        %swap3A_802 = tpu.vector_load %arg14[%swap3A_800, %swap3A_801] {strides = array<i32>} : memref<16x128xf32, #tpu.memory_space<vmem>>, vector<1x16xf32>,
        %swap3A_803 = vector.shape_cast %swap3A_802 : vector<1x16xf32> to vector<16xf32>
        %swap3A_804 = vector.shape_cast %add3A_799 : vector<16xf32> to vector<1x16xf32>
        tpu.vector_store %arg14[%swap3A_800, %swap3A_801], %swap3A_804 {strides = array<i32>} : memref<16x128xf32, #tpu.memory_space<vmem>>, vector<1x16xf32>,
        %get3A_805 = arith.index_cast %mul3A_619 : i32 to index
        %get3A_806 = arith.constant 80 : index
        %get3A_807 = tpu.vector_load %arg10[%get3A_805, %get3A_806] {strides = array<i32>} : memref<80x128xf32, #tpu.memory_space<vmem>>, vector<1x16xf32>,
        %get3A_808 = vector.shape_cast %get3A_807 : vector<1x16xf32> to vector<16xf32>
        %add3A_809 = arith.constant 1 : i32
        %add3A_810 = arith.addi %mul3A_619, %add3A_809 : i32
        %get3A_811 = arith.index_cast %add3A_810 : i32 to index
        %get3A_812 = arith.constant 80 : index
        %get3A_813 = tpu.vector_load %arg10[%get3A_811, %get3A_812] {strides = array<i32>} : memref<80x128xf32, #tpu.memory_space<vmem>>, vector<1x16xf32>,
        %get3A_814 = vector.shape_cast %get3A_813 : vector<1x16xf32> to vector<16xf32>
        %add3A_815 = arith.addf %get3A_808, %get3A_814 : vector<16xf32>
        %add3A_816 = arith.constant 2 : i32
        %add3A_817 = arith.addi %mul3A_619, %add3A_816 : i32
        %get3A_818 = arith.index_cast %add3A_817 : i32 to index
        %get3A_819 = arith.constant 80 : index
        %get3A_820 = tpu.vector_load %arg10[%get3A_818, %get3A_819] {strides = array<i32>} : memref<80x128xf32, #tpu.memory_space<vmem>>, vector<1x16xf32>,
        %get3A_821 = vector.shape_cast %get3A_820 : vector<1x16xf32> to vector<16xf32>
        %add3A_822 = arith.addf %add3A_815, %get3A_821 : vector<16xf32>
        %add3A_823 = arith.constant 3 : i32
        %add3A_824 = arith.addi %mul3A_619, %add3A_823 : i32
        %get3A_825 = arith.index_cast %add3A_824 : i32 to index
        %get3A_826 = arith.constant 80 : index
        %get3A_827 = tpu.vector_load %arg10[%get3A_825, %get3A_826] {strides = array<i32>} : memref<80x128xf32, #tpu.memory_space<vmem>>, vector<1x16xf32>,
        %get3A_828 = vector.shape_cast %get3A_827 : vector<1x16xf32> to vector<16xf32>
        %add3A_829 = arith.addf %add3A_822, %get3A_828 : vector<16xf32>
        %add3A_830 = arith.constant 4 : i32
        %add3A_831 = arith.addi %mul3A_619, %add3A_830 : i32
        %get3A_832 = arith.index_cast %add3A_831 : i32 to index
        %get3A_833 = arith.constant 80 : index
        %get3A_834 = tpu.vector_load %arg10[%get3A_832, %get3A_833] {strides = array<i32>} : memref<80x128xf32, #tpu.memory_space<vmem>>, vector<1x16xf32>,
        %get3A_835 = vector.shape_cast %get3A_834 : vector<1x16xf32> to vector<16xf32>
        %add3A_836 = arith.addf %add3A_829, %get3A_835 : vector<16xf32>
        %swap3A_837 = arith.index_cast %scan3A_617 : i32 to index
        %swap3A_838 = arith.constant 80 : index
        %swap3A_839 = tpu.vector_load %arg14[%swap3A_837, %swap3A_838] {strides = array<i32>} : memref<16x128xf32, #tpu.memory_space<vmem>>, vector<1x16xf32>,
        %swap3A_840 = vector.shape_cast %swap3A_839 : vector<1x16xf32> to vector<16xf32>
        %swap3A_841 = vector.shape_cast %add3A_836 : vector<16xf32> to vector<1x16xf32>
        tpu.vector_store %arg14[%swap3A_837, %swap3A_838], %swap3A_841 {strides = array<i32>} : memref<16x128xf32, #tpu.memory_space<vmem>>, vector<1x16xf32>,
        %get3A_842 = arith.index_cast %mul3A_619 : i32 to index
        %get3A_843 = arith.constant 96 : index
        %get3A_844 = tpu.vector_load %arg10[%get3A_842, %get3A_843] {strides = array<i32>} : memref<80x128xf32, #tpu.memory_space<vmem>>, vector<1x16xf32>,
        %get3A_845 = vector.shape_cast %get3A_844 : vector<1x16xf32> to vector<16xf32>
        %add3A_846 = arith.constant 1 : i32
        %add3A_847 = arith.addi %mul3A_619, %add3A_846 : i32
        %get3A_848 = arith.index_cast %add3A_847 : i32 to index
        %get3A_849 = arith.constant 96 : index
        %get3A_850 = tpu.vector_load %arg10[%get3A_848, %get3A_849] {strides = array<i32>} : memref<80x128xf32, #tpu.memory_space<vmem>>, vector<1x16xf32>,
        %get3A_851 = vector.shape_cast %get3A_850 : vector<1x16xf32> to vector<16xf32>
        %add3A_852 = arith.addf %get3A_845, %get3A_851 : vector<16xf32>
        %add3A_853 = arith.constant 2 : i32
        %add3A_854 = arith.addi %mul3A_619, %add3A_853 : i32
        %get3A_855 = arith.index_cast %add3A_854 : i32 to index
        %get3A_856 = arith.constant 96 : index
        %get3A_857 = tpu.vector_load %arg10[%get3A_855, %get3A_856] {strides = array<i32>} : memref<80x128xf32, #tpu.memory_space<vmem>>, vector<1x16xf32>,
        %get3A_858 = vector.shape_cast %get3A_857 : vector<1x16xf32> to vector<16xf32>
        %add3A_859 = arith.addf %add3A_852, %get3A_858 : vector<16xf32>
        %add3A_860 = arith.constant 3 : i32
        %add3A_861 = arith.addi %mul3A_619, %add3A_860 : i32
        %get3A_862 = arith.index_cast %add3A_861 : i32 to index
        %get3A_863 = arith.constant 96 : index
        %get3A_864 = tpu.vector_load %arg10[%get3A_862, %get3A_863] {strides = array<i32>} : memref<80x128xf32, #tpu.memory_space<vmem>>, vector<1x16xf32>,
        %get3A_865 = vector.shape_cast %get3A_864 : vector<1x16xf32> to vector<16xf32>
        %add3A_866 = arith.addf %add3A_859, %get3A_865 : vector<16xf32>
        %add3A_867 = arith.constant 4 : i32
        %add3A_868 = arith.addi %mul3A_619, %add3A_867 : i32
        %get3A_869 = arith.index_cast %add3A_868 : i32 to index
        %get3A_870 = arith.constant 96 : index
        %get3A_871 = tpu.vector_load %arg10[%get3A_869, %get3A_870] {strides = array<i32>} : memref<80x128xf32, #tpu.memory_space<vmem>>, vector<1x16xf32>,
        %get3A_872 = vector.shape_cast %get3A_871 : vector<1x16xf32> to vector<16xf32>
        %add3A_873 = arith.addf %add3A_866, %get3A_872 : vector<16xf32>
        %swap3A_874 = arith.index_cast %scan3A_617 : i32 to index
        %swap3A_875 = arith.constant 96 : index
        %swap3A_876 = tpu.vector_load %arg14[%swap3A_874, %swap3A_875] {strides = array<i32>} : memref<16x128xf32, #tpu.memory_space<vmem>>, vector<1x16xf32>,
        %swap3A_877 = vector.shape_cast %swap3A_876 : vector<1x16xf32> to vector<16xf32>
        %swap3A_878 = vector.shape_cast %add3A_873 : vector<16xf32> to vector<1x16xf32>
        tpu.vector_store %arg14[%swap3A_874, %swap3A_875], %swap3A_878 {strides = array<i32>} : memref<16x128xf32, #tpu.memory_space<vmem>>, vector<1x16xf32>,
        %get3A_879 = arith.index_cast %mul3A_619 : i32 to index
        %get3A_880 = arith.constant 112 : index
        %get3A_881 = tpu.vector_load %arg10[%get3A_879, %get3A_880] {strides = array<i32>} : memref<80x128xf32, #tpu.memory_space<vmem>>, vector<1x16xf32>,
        %get3A_882 = vector.shape_cast %get3A_881 : vector<1x16xf32> to vector<16xf32>
        %add3A_883 = arith.constant 1 : i32
        %add3A_884 = arith.addi %mul3A_619, %add3A_883 : i32
        %get3A_885 = arith.index_cast %add3A_884 : i32 to index
        %get3A_886 = arith.constant 112 : index
        %get3A_887 = tpu.vector_load %arg10[%get3A_885, %get3A_886] {strides = array<i32>} : memref<80x128xf32, #tpu.memory_space<vmem>>, vector<1x16xf32>,
        %get3A_888 = vector.shape_cast %get3A_887 : vector<1x16xf32> to vector<16xf32>
        %add3A_889 = arith.addf %get3A_882, %get3A_888 : vector<16xf32>
        %add3A_890 = arith.constant 2 : i32
        %add3A_891 = arith.addi %mul3A_619, %add3A_890 : i32
        %get3A_892 = arith.index_cast %add3A_891 : i32 to index
        %get3A_893 = arith.constant 112 : index
        %get3A_894 = tpu.vector_load %arg10[%get3A_892, %get3A_893] {strides = array<i32>} : memref<80x128xf32, #tpu.memory_space<vmem>>, vector<1x16xf32>,
        %get3A_895 = vector.shape_cast %get3A_894 : vector<1x16xf32> to vector<16xf32>
        %add3A_896 = arith.addf %add3A_889, %get3A_895 : vector<16xf32>
        %add3A_897 = arith.constant 3 : i32
        %add3A_898 = arith.addi %mul3A_619, %add3A_897 : i32
        %get3A_899 = arith.index_cast %add3A_898 : i32 to index
        %get3A_900 = arith.constant 112 : index
        %get3A_901 = tpu.vector_load %arg10[%get3A_899, %get3A_900] {strides = array<i32>} : memref<80x128xf32, #tpu.memory_space<vmem>>, vector<1x16xf32>,
        %get3A_902 = vector.shape_cast %get3A_901 : vector<1x16xf32> to vector<16xf32>
        %add3A_903 = arith.addf %add3A_896, %get3A_902 : vector<16xf32>
        %add3A_904 = arith.constant 4 : i32
        %add3A_905 = arith.addi %mul3A_619, %add3A_904 : i32
        %get3A_906 = arith.index_cast %add3A_905 : i32 to index
        %get3A_907 = arith.constant 112 : index
        %get3A_908 = tpu.vector_load %arg10[%get3A_906, %get3A_907] {strides = array<i32>} : memref<80x128xf32, #tpu.memory_space<vmem>>, vector<1x16xf32>,
        %get3A_909 = vector.shape_cast %get3A_908 : vector<1x16xf32> to vector<16xf32>
        %add3A_910 = arith.addf %add3A_903, %get3A_909 : vector<16xf32>
        %swap3A_911 = arith.index_cast %scan3A_617 : i32 to index
        %swap3A_912 = arith.constant 112 : index
        %swap3A_913 = tpu.vector_load %arg14[%swap3A_911, %swap3A_912] {strides = array<i32>} : memref<16x128xf32, #tpu.memory_space<vmem>>, vector<1x16xf32>,
        %swap3A_914 = vector.shape_cast %swap3A_913 : vector<1x16xf32> to vector<16xf32>
        %swap3A_915 = vector.shape_cast %add3A_910 : vector<16xf32> to vector<1x16xf32>
        tpu.vector_store %arg14[%swap3A_911, %swap3A_912], %swap3A_915 {strides = array<i32>} : memref<16x128xf32, #tpu.memory_space<vmem>>, vector<1x16xf32>,
      }
      %scan3A_393 = arith.constant 16 : i32
      %dma_start3A_394 = arith.constant 0 : i32
      %dma_start3A_395 = tpu.memref_slice %arg6[%add3A_383, %dma_start3A_394] : memref<10240x128xf32, #tpu.memory_space<hbm>> -> memref<16x128xf32, #tpu.memory_space<hbm>>
      %dma_start3A_396 = arith.constant 0 : i32
      %dma_start3A_397 = tpu.memref_slice %arg6[%add3A_383, %dma_start3A_396] : memref<10240x128xf32, #tpu.memory_space<hbm>> -> memref<16x128xf32, #tpu.memory_space<hbm>>
      tpu.enqueue_dma source(%arg14 : memref<16x128xf32, #tpu.memory_space<vmem>>) target(%dma_start3A_397 : memref<16x128xf32, #tpu.memory_space<hbm>>) target_semaphore(%arg26 : memref<!tpu.dma_semaphore, #tpu.memory_space<semaphore_mem>>)
      %add3A_398 = arith.constant 4 : i32
      %add3A_399 = arith.addi %add3A_335, %add3A_398 : i32
      %lt3A_400 = arith.cmpi slt, %add3A_399, %select_n3A_58 : i32
      %convert_element_type3A_401 = arith.extui %lt3A_400 : i1 to i32
      %cond3A_402 = arith.constant 0 : i32
      %cond3A_403 = arith.cmpi ne, %convert_element_type3A_401, %cond3A_402 : i32
      scf.if %cond3A_403 {
        %mul3A_617 = arith.constant 80 : i32
        %mul3A_618 = arith.muli %add3A_399, %mul3A_617 : i32
        %add3A_619 = arith.constant 0 : i32
        %add3A_620 = arith.addi %mul3A_618, %add3A_619 : i32
        %get3A_621 = arith.index_cast %add3A_620 : i32 to index
        %get3A_622 = tpu.vector_load %arg9[%get3A_621] {strides = array<i32>} : memref<2560xi32, #tpu.memory_space<vmem>>, vector<16xi32>,
        %get3A_623 = vector.shape_cast %get3A_622 : vector<16xi32> to vector<16xi32>
        %dma_start3A_624 = arith.constant 0 : i32
        %dma_start3A_625 = arith.constant 0 : i32
        %dma_start3A_626 = tpu.memref_slice %arg10[%dma_start3A_624, %dma_start3A_625] : memref<80x128xf32, #tpu.memory_space<vmem>> -> memref<16x128xf32, #tpu.memory_space<vmem>>
        %dma_start3A_627 = arith.constant 0 : i32
        %dma_start3A_628 = arith.constant 0 : i32
        %dma_start3A_629 = tpu.memref_slice %arg3[%dma_start3A_627, %dma_start3A_628] : memref<100000x128xf32, #tpu.memory_space<hbm>> -> memref<100000x128xf32, #tpu.memory_space<hbm>>
        tpu.enqueue_indirect_dma source(%dma_start3A_629 : memref<100000x128xf32, #tpu.memory_space<hbm>>) target(%dma_start3A_626 : memref<16x128xf32, #tpu.memory_space<vmem>>) offsets(%get3A_623 : vector<16xi32>) semaphore(%arg22 : memref<!tpu.dma_semaphore, #tpu.memory_space<semaphore_mem>>)
        %mul3A_630 = arith.constant 80 : i32
        %mul3A_631 = arith.muli %add3A_399, %mul3A_630 : i32
        %add3A_632 = arith.constant 16 : i32
        %add3A_633 = arith.addi %mul3A_631, %add3A_632 : i32
        %get3A_634 = arith.index_cast %add3A_633 : i32 to index
        %get3A_635 = tpu.vector_load %arg9[%get3A_634] {strides = array<i32>} : memref<2560xi32, #tpu.memory_space<vmem>>, vector<16xi32>,
        %get3A_636 = vector.shape_cast %get3A_635 : vector<16xi32> to vector<16xi32>
        %dma_start3A_637 = arith.constant 16 : i32
        %dma_start3A_638 = arith.constant 0 : i32
        %dma_start3A_639 = tpu.memref_slice %arg10[%dma_start3A_637, %dma_start3A_638] : memref<80x128xf32, #tpu.memory_space<vmem>> -> memref<16x128xf32, #tpu.memory_space<vmem>>
        %dma_start3A_640 = arith.constant 0 : i32
        %dma_start3A_641 = arith.constant 0 : i32
        %dma_start3A_642 = tpu.memref_slice %arg3[%dma_start3A_640, %dma_start3A_641] : memref<100000x128xf32, #tpu.memory_space<hbm>> -> memref<100000x128xf32, #tpu.memory_space<hbm>>
        tpu.enqueue_indirect_dma source(%dma_start3A_642 : memref<100000x128xf32, #tpu.memory_space<hbm>>) target(%dma_start3A_639 : memref<16x128xf32, #tpu.memory_space<vmem>>) offsets(%get3A_636 : vector<16xi32>) semaphore(%arg22 : memref<!tpu.dma_semaphore, #tpu.memory_space<semaphore_mem>>)
        %mul3A_643 = arith.constant 80 : i32
        %mul3A_644 = arith.muli %add3A_399, %mul3A_643 : i32
        %add3A_645 = arith.constant 32 : i32
        %add3A_646 = arith.addi %mul3A_644, %add3A_645 : i32
        %get3A_647 = arith.index_cast %add3A_646 : i32 to index
        %get3A_648 = tpu.vector_load %arg9[%get3A_647] {strides = array<i32>} : memref<2560xi32, #tpu.memory_space<vmem>>, vector<16xi32>,
        %get3A_649 = vector.shape_cast %get3A_648 : vector<16xi32> to vector<16xi32>
        %dma_start3A_650 = arith.constant 32 : i32
        %dma_start3A_651 = arith.constant 0 : i32
        %dma_start3A_652 = tpu.memref_slice %arg10[%dma_start3A_650, %dma_start3A_651] : memref<80x128xf32, #tpu.memory_space<vmem>> -> memref<16x128xf32, #tpu.memory_space<vmem>>
        %dma_start3A_653 = arith.constant 0 : i32
        %dma_start3A_654 = arith.constant 0 : i32
        %dma_start3A_655 = tpu.memref_slice %arg3[%dma_start3A_653, %dma_start3A_654] : memref<100000x128xf32, #tpu.memory_space<hbm>> -> memref<100000x128xf32, #tpu.memory_space<hbm>>
        tpu.enqueue_indirect_dma source(%dma_start3A_655 : memref<100000x128xf32, #tpu.memory_space<hbm>>) target(%dma_start3A_652 : memref<16x128xf32, #tpu.memory_space<vmem>>) offsets(%get3A_649 : vector<16xi32>) semaphore(%arg22 : memref<!tpu.dma_semaphore, #tpu.memory_space<semaphore_mem>>)
        %mul3A_656 = arith.constant 80 : i32
        %mul3A_657 = arith.muli %add3A_399, %mul3A_656 : i32
        %add3A_658 = arith.constant 48 : i32
        %add3A_659 = arith.addi %mul3A_657, %add3A_658 : i32
        %get3A_660 = arith.index_cast %add3A_659 : i32 to index
        %get3A_661 = tpu.vector_load %arg9[%get3A_660] {strides = array<i32>} : memref<2560xi32, #tpu.memory_space<vmem>>, vector<16xi32>,
        %get3A_662 = vector.shape_cast %get3A_661 : vector<16xi32> to vector<16xi32>
        %dma_start3A_663 = arith.constant 48 : i32
        %dma_start3A_664 = arith.constant 0 : i32
        %dma_start3A_665 = tpu.memref_slice %arg10[%dma_start3A_663, %dma_start3A_664] : memref<80x128xf32, #tpu.memory_space<vmem>> -> memref<16x128xf32, #tpu.memory_space<vmem>>
        %dma_start3A_666 = arith.constant 0 : i32
        %dma_start3A_667 = arith.constant 0 : i32
        %dma_start3A_668 = tpu.memref_slice %arg3[%dma_start3A_666, %dma_start3A_667] : memref<100000x128xf32, #tpu.memory_space<hbm>> -> memref<100000x128xf32, #tpu.memory_space<hbm>>
        tpu.enqueue_indirect_dma source(%dma_start3A_668 : memref<100000x128xf32, #tpu.memory_space<hbm>>) target(%dma_start3A_665 : memref<16x128xf32, #tpu.memory_space<vmem>>) offsets(%get3A_662 : vector<16xi32>) semaphore(%arg22 : memref<!tpu.dma_semaphore, #tpu.memory_space<semaphore_mem>>)
        %mul3A_669 = arith.constant 80 : i32
        %mul3A_670 = arith.muli %add3A_399, %mul3A_669 : i32
        %add3A_671 = arith.constant 64 : i32
        %add3A_672 = arith.addi %mul3A_670, %add3A_671 : i32
        %get3A_673 = arith.index_cast %add3A_672 : i32 to index
        %get3A_674 = tpu.vector_load %arg9[%get3A_673] {strides = array<i32>} : memref<2560xi32, #tpu.memory_space<vmem>>, vector<16xi32>,
        %get3A_675 = vector.shape_cast %get3A_674 : vector<16xi32> to vector<16xi32>
        %dma_start3A_676 = arith.constant 64 : i32
        %dma_start3A_677 = arith.constant 0 : i32
        %dma_start3A_678 = tpu.memref_slice %arg10[%dma_start3A_676, %dma_start3A_677] : memref<80x128xf32, #tpu.memory_space<vmem>> -> memref<16x128xf32, #tpu.memory_space<vmem>>
        %dma_start3A_679 = arith.constant 0 : i32
        %dma_start3A_680 = arith.constant 0 : i32
        %dma_start3A_681 = tpu.memref_slice %arg3[%dma_start3A_679, %dma_start3A_680] : memref<100000x128xf32, #tpu.memory_space<hbm>> -> memref<100000x128xf32, #tpu.memory_space<hbm>>
        tpu.enqueue_indirect_dma source(%dma_start3A_681 : memref<100000x128xf32, #tpu.memory_space<hbm>>) target(%dma_start3A_678 : memref<16x128xf32, #tpu.memory_space<vmem>>) offsets(%get3A_675 : vector<16xi32>) semaphore(%arg22 : memref<!tpu.dma_semaphore, #tpu.memory_space<semaphore_mem>>)
      } else {
      }
      %add3A_404 = arith.constant 1 : i32
      %add3A_405 = arith.addi %mul3A_333, %add3A_404 : i32
      %get3A_406 = arith.constant 0 : index
      %get3A_407 = tpu.vector_load %arg9[%get3A_406] {strides = array<i32>} : memref<2560xi32, #tpu.memory_space<vmem>>, vector<16xi32>,
      %get3A_408 = vector.shape_cast %get3A_407 : vector<16xi32> to vector<16xi32>
      %dma_wait3A_409 = arith.constant 0 : i32
      %dma_wait3A_410 = arith.constant 0 : i32
      %dma_wait3A_411 = tpu.memref_slice %arg11[%dma_wait3A_409, %dma_wait3A_410] : memref<80x128xf32, #tpu.memory_space<vmem>> -> memref<16x128xf32, #tpu.memory_space<vmem>>
      %dma_wait3A_412 = arith.constant 0 : i32
      %dma_wait3A_413 = arith.constant 0 : i32
      %dma_wait3A_414 = tpu.memref_slice %arg3[%dma_wait3A_412, %dma_wait3A_413] : memref<100000x128xf32, #tpu.memory_space<hbm>> -> memref<100000x128xf32, #tpu.memory_space<hbm>>
      tpu.wait_indirect_dma semaphore(%arg23 : memref<!tpu.dma_semaphore, #tpu.memory_space<semaphore_mem>>) src(%dma_wait3A_414 : memref<100000x128xf32, #tpu.memory_space<hbm>>) dst(%dma_wait3A_411 : memref<16x128xf32, #tpu.memory_space<vmem>>)
      %get3A_415 = arith.constant 0 : index
      %get3A_416 = tpu.vector_load %arg9[%get3A_415] {strides = array<i32>} : memref<2560xi32, #tpu.memory_space<vmem>>, vector<16xi32>,
      %get3A_417 = vector.shape_cast %get3A_416 : vector<16xi32> to vector<16xi32>
      %dma_wait3A_418 = arith.constant 0 : i32
      %dma_wait3A_419 = arith.constant 0 : i32
      %dma_wait3A_420 = tpu.memref_slice %arg11[%dma_wait3A_418, %dma_wait3A_419] : memref<80x128xf32, #tpu.memory_space<vmem>> -> memref<16x128xf32, #tpu.memory_space<vmem>>
      %dma_wait3A_421 = arith.constant 0 : i32
      %dma_wait3A_422 = arith.constant 0 : i32
      %dma_wait3A_423 = tpu.memref_slice %arg3[%dma_wait3A_421, %dma_wait3A_422] : memref<100000x128xf32, #tpu.memory_space<hbm>> -> memref<100000x128xf32, #tpu.memory_space<hbm>>
      tpu.wait_indirect_dma semaphore(%arg23 : memref<!tpu.dma_semaphore, #tpu.memory_space<semaphore_mem>>) src(%dma_wait3A_423 : memref<100000x128xf32, #tpu.memory_space<hbm>>) dst(%dma_wait3A_420 : memref<16x128xf32, #tpu.memory_space<vmem>>)
      %get3A_424 = arith.constant 0 : index
      %get3A_425 = tpu.vector_load %arg9[%get3A_424] {strides = array<i32>} : memref<2560xi32, #tpu.memory_space<vmem>>, vector<16xi32>,
      %get3A_426 = vector.shape_cast %get3A_425 : vector<16xi32> to vector<16xi32>
      %dma_wait3A_427 = arith.constant 0 : i32
      %dma_wait3A_428 = arith.constant 0 : i32
      %dma_wait3A_429 = tpu.memref_slice %arg11[%dma_wait3A_427, %dma_wait3A_428] : memref<80x128xf32, #tpu.memory_space<vmem>> -> memref<16x128xf32, #tpu.memory_space<vmem>>
      %dma_wait3A_430 = arith.constant 0 : i32
      %dma_wait3A_431 = arith.constant 0 : i32
      %dma_wait3A_432 = tpu.memref_slice %arg3[%dma_wait3A_430, %dma_wait3A_431] : memref<100000x128xf32, #tpu.memory_space<hbm>> -> memref<100000x128xf32, #tpu.memory_space<hbm>>
      tpu.wait_indirect_dma semaphore(%arg23 : memref<!tpu.dma_semaphore, #tpu.memory_space<semaphore_mem>>) src(%dma_wait3A_432 : memref<100000x128xf32, #tpu.memory_space<hbm>>) dst(%dma_wait3A_429 : memref<16x128xf32, #tpu.memory_space<vmem>>)
      %get3A_433 = arith.constant 0 : index
      %get3A_434 = tpu.vector_load %arg9[%get3A_433] {strides = array<i32>} : memref<2560xi32, #tpu.memory_space<vmem>>, vector<16xi32>,
      %get3A_435 = vector.shape_cast %get3A_434 : vector<16xi32> to vector<16xi32>
      %dma_wait3A_436 = arith.constant 0 : i32
      %dma_wait3A_437 = arith.constant 0 : i32
      %dma_wait3A_438 = tpu.memref_slice %arg11[%dma_wait3A_436, %dma_wait3A_437] : memref<80x128xf32, #tpu.memory_space<vmem>> -> memref<16x128xf32, #tpu.memory_space<vmem>>
      %dma_wait3A_439 = arith.constant 0 : i32
      %dma_wait3A_440 = arith.constant 0 : i32
      %dma_wait3A_441 = tpu.memref_slice %arg3[%dma_wait3A_439, %dma_wait3A_440] : memref<100000x128xf32, #tpu.memory_space<hbm>> -> memref<100000x128xf32, #tpu.memory_space<hbm>>
      tpu.wait_indirect_dma semaphore(%arg23 : memref<!tpu.dma_semaphore, #tpu.memory_space<semaphore_mem>>) src(%dma_wait3A_441 : memref<100000x128xf32, #tpu.memory_space<hbm>>) dst(%dma_wait3A_438 : memref<16x128xf32, #tpu.memory_space<vmem>>)
      %get3A_442 = arith.constant 0 : index
      %get3A_443 = tpu.vector_load %arg9[%get3A_442] {strides = array<i32>} : memref<2560xi32, #tpu.memory_space<vmem>>, vector<16xi32>,
      %get3A_444 = vector.shape_cast %get3A_443 : vector<16xi32> to vector<16xi32>
      %dma_wait3A_445 = arith.constant 0 : i32
      %dma_wait3A_446 = arith.constant 0 : i32
      %dma_wait3A_447 = tpu.memref_slice %arg11[%dma_wait3A_445, %dma_wait3A_446] : memref<80x128xf32, #tpu.memory_space<vmem>> -> memref<16x128xf32, #tpu.memory_space<vmem>>
      %dma_wait3A_448 = arith.constant 0 : i32
      %dma_wait3A_449 = arith.constant 0 : i32
      %dma_wait3A_450 = tpu.memref_slice %arg3[%dma_wait3A_448, %dma_wait3A_449] : memref<100000x128xf32, #tpu.memory_space<hbm>> -> memref<100000x128xf32, #tpu.memory_space<hbm>>
      tpu.wait_indirect_dma semaphore(%arg23 : memref<!tpu.dma_semaphore, #tpu.memory_space<semaphore_mem>>) src(%dma_wait3A_450 : memref<100000x128xf32, #tpu.memory_space<hbm>>) dst(%dma_wait3A_447 : memref<16x128xf32, #tpu.memory_space<vmem>>)
      %mul3A_451 = arith.constant 16 : i32
      %mul3A_452 = arith.muli %add3A_405, %mul3A_451 : i32
      %add3A_453 = arith.addi %add3A_67, %mul3A_452 : i32
      %gt3A_454 = arith.constant 0 : i32
      %gt3A_455 = arith.cmpi sgt, %while3A_331, %gt3A_454 : i32
      %convert_element_type3A_456 = arith.extui %gt3A_455 : i1 to i32
      %cond3A_457 = arith.constant 0 : i32
      %cond3A_458 = arith.cmpi ne, %convert_element_type3A_456, %cond3A_457 : i32
      scf.if %cond3A_458 {
        %dma_wait3A_617 = arith.constant 0 : i32
        %dma_wait3A_618 = arith.constant 0 : i32
        %dma_wait3A_619 = tpu.memref_slice %arg6[%dma_wait3A_617, %dma_wait3A_618] : memref<10240x128xf32, #tpu.memory_space<hbm>> -> memref<16x128xf32, #tpu.memory_space<hbm>>
        %dma_wait3A_620 = arith.constant 0 : i32
        %dma_wait3A_621 = arith.constant 0 : i32
        %dma_wait3A_622 = tpu.memref_slice %arg6[%dma_wait3A_620, %dma_wait3A_621] : memref<10240x128xf32, #tpu.memory_space<hbm>> -> memref<16x128xf32, #tpu.memory_space<hbm>>
        tpu.wait_dma2 semaphore(%arg27 : memref<!tpu.dma_semaphore, #tpu.memory_space<semaphore_mem>>) src(%arg15 : memref<16x128xf32, #tpu.memory_space<vmem>>) dst(%dma_wait3A_622 : memref<16x128xf32, #tpu.memory_space<hbm>>)
      } else {
      }
      %scan3A_459 = arith.constant 0 : i32
      %scan3A_460 = arith.constant 0 : i32
      %scan3A_461 = arith.constant 16 : i32
      %scan3A_462 = arith.addi %scan3A_460, %scan3A_461 : i32
      %scan3A_463 = arith.constant 1 : i32
      scf.for %scan3A_617 = %scan3A_460 to %scan3A_462 step %scan3A_463  : i32 {
        %mul3A_618 = arith.constant 5 : i32
        %mul3A_619 = arith.muli %mul3A_618, %scan3A_617 : i32
        %get3A_620 = arith.index_cast %mul3A_619 : i32 to index
        %get3A_621 = arith.constant 0 : index
        %get3A_622 = tpu.vector_load %arg11[%get3A_620, %get3A_621] {strides = array<i32>} : memref<80x128xf32, #tpu.memory_space<vmem>>, vector<1x16xf32>,
        %get3A_623 = vector.shape_cast %get3A_622 : vector<1x16xf32> to vector<16xf32>
        %add3A_624 = arith.constant 1 : i32
        %add3A_625 = arith.addi %mul3A_619, %add3A_624 : i32
        %get3A_626 = arith.index_cast %add3A_625 : i32 to index
        %get3A_627 = arith.constant 0 : index
        %get3A_628 = tpu.vector_load %arg11[%get3A_626, %get3A_627] {strides = array<i32>} : memref<80x128xf32, #tpu.memory_space<vmem>>, vector<1x16xf32>,
        %get3A_629 = vector.shape_cast %get3A_628 : vector<1x16xf32> to vector<16xf32>
        %add3A_630 = arith.addf %get3A_623, %get3A_629 : vector<16xf32>
        %add3A_631 = arith.constant 2 : i32
        %add3A_632 = arith.addi %mul3A_619, %add3A_631 : i32
        %get3A_633 = arith.index_cast %add3A_632 : i32 to index
        %get3A_634 = arith.constant 0 : index
        %get3A_635 = tpu.vector_load %arg11[%get3A_633, %get3A_634] {strides = array<i32>} : memref<80x128xf32, #tpu.memory_space<vmem>>, vector<1x16xf32>,
        %get3A_636 = vector.shape_cast %get3A_635 : vector<1x16xf32> to vector<16xf32>
        %add3A_637 = arith.addf %add3A_630, %get3A_636 : vector<16xf32>
        %add3A_638 = arith.constant 3 : i32
        %add3A_639 = arith.addi %mul3A_619, %add3A_638 : i32
        %get3A_640 = arith.index_cast %add3A_639 : i32 to index
        %get3A_641 = arith.constant 0 : index
        %get3A_642 = tpu.vector_load %arg11[%get3A_640, %get3A_641] {strides = array<i32>} : memref<80x128xf32, #tpu.memory_space<vmem>>, vector<1x16xf32>,
        %get3A_643 = vector.shape_cast %get3A_642 : vector<1x16xf32> to vector<16xf32>
        %add3A_644 = arith.addf %add3A_637, %get3A_643 : vector<16xf32>
        %add3A_645 = arith.constant 4 : i32
        %add3A_646 = arith.addi %mul3A_619, %add3A_645 : i32
        %get3A_647 = arith.index_cast %add3A_646 : i32 to index
        %get3A_648 = arith.constant 0 : index
        %get3A_649 = tpu.vector_load %arg11[%get3A_647, %get3A_648] {strides = array<i32>} : memref<80x128xf32, #tpu.memory_space<vmem>>, vector<1x16xf32>,
        %get3A_650 = vector.shape_cast %get3A_649 : vector<1x16xf32> to vector<16xf32>
        %add3A_651 = arith.addf %add3A_644, %get3A_650 : vector<16xf32>
        %swap3A_652 = arith.index_cast %scan3A_617 : i32 to index
        %swap3A_653 = arith.constant 0 : index
        %swap3A_654 = tpu.vector_load %arg15[%swap3A_652, %swap3A_653] {strides = array<i32>} : memref<16x128xf32, #tpu.memory_space<vmem>>, vector<1x16xf32>,
        %swap3A_655 = vector.shape_cast %swap3A_654 : vector<1x16xf32> to vector<16xf32>
        %swap3A_656 = vector.shape_cast %add3A_651 : vector<16xf32> to vector<1x16xf32>
        tpu.vector_store %arg15[%swap3A_652, %swap3A_653], %swap3A_656 {strides = array<i32>} : memref<16x128xf32, #tpu.memory_space<vmem>>, vector<1x16xf32>,
        %get3A_657 = arith.index_cast %mul3A_619 : i32 to index
        %get3A_658 = arith.constant 16 : index
        %get3A_659 = tpu.vector_load %arg11[%get3A_657, %get3A_658] {strides = array<i32>} : memref<80x128xf32, #tpu.memory_space<vmem>>, vector<1x16xf32>,
        %get3A_660 = vector.shape_cast %get3A_659 : vector<1x16xf32> to vector<16xf32>
        %add3A_661 = arith.constant 1 : i32
        %add3A_662 = arith.addi %mul3A_619, %add3A_661 : i32
        %get3A_663 = arith.index_cast %add3A_662 : i32 to index
        %get3A_664 = arith.constant 16 : index
        %get3A_665 = tpu.vector_load %arg11[%get3A_663, %get3A_664] {strides = array<i32>} : memref<80x128xf32, #tpu.memory_space<vmem>>, vector<1x16xf32>,
        %get3A_666 = vector.shape_cast %get3A_665 : vector<1x16xf32> to vector<16xf32>
        %add3A_667 = arith.addf %get3A_660, %get3A_666 : vector<16xf32>
        %add3A_668 = arith.constant 2 : i32
        %add3A_669 = arith.addi %mul3A_619, %add3A_668 : i32
        %get3A_670 = arith.index_cast %add3A_669 : i32 to index
        %get3A_671 = arith.constant 16 : index
        %get3A_672 = tpu.vector_load %arg11[%get3A_670, %get3A_671] {strides = array<i32>} : memref<80x128xf32, #tpu.memory_space<vmem>>, vector<1x16xf32>,
        %get3A_673 = vector.shape_cast %get3A_672 : vector<1x16xf32> to vector<16xf32>
        %add3A_674 = arith.addf %add3A_667, %get3A_673 : vector<16xf32>
        %add3A_675 = arith.constant 3 : i32
        %add3A_676 = arith.addi %mul3A_619, %add3A_675 : i32
        %get3A_677 = arith.index_cast %add3A_676 : i32 to index
        %get3A_678 = arith.constant 16 : index
        %get3A_679 = tpu.vector_load %arg11[%get3A_677, %get3A_678] {strides = array<i32>} : memref<80x128xf32, #tpu.memory_space<vmem>>, vector<1x16xf32>,
        %get3A_680 = vector.shape_cast %get3A_679 : vector<1x16xf32> to vector<16xf32>
        %add3A_681 = arith.addf %add3A_674, %get3A_680 : vector<16xf32>
        %add3A_682 = arith.constant 4 : i32
        %add3A_683 = arith.addi %mul3A_619, %add3A_682 : i32
        %get3A_684 = arith.index_cast %add3A_683 : i32 to index
        %get3A_685 = arith.constant 16 : index
        %get3A_686 = tpu.vector_load %arg11[%get3A_684, %get3A_685] {strides = array<i32>} : memref<80x128xf32, #tpu.memory_space<vmem>>, vector<1x16xf32>,
        %get3A_687 = vector.shape_cast %get3A_686 : vector<1x16xf32> to vector<16xf32>
        %add3A_688 = arith.addf %add3A_681, %get3A_687 : vector<16xf32>
        %swap3A_689 = arith.index_cast %scan3A_617 : i32 to index
        %swap3A_690 = arith.constant 16 : index
        %swap3A_691 = tpu.vector_load %arg15[%swap3A_689, %swap3A_690] {strides = array<i32>} : memref<16x128xf32, #tpu.memory_space<vmem>>, vector<1x16xf32>,
        %swap3A_692 = vector.shape_cast %swap3A_691 : vector<1x16xf32> to vector<16xf32>
        %swap3A_693 = vector.shape_cast %add3A_688 : vector<16xf32> to vector<1x16xf32>
        tpu.vector_store %arg15[%swap3A_689, %swap3A_690], %swap3A_693 {strides = array<i32>} : memref<16x128xf32, #tpu.memory_space<vmem>>, vector<1x16xf32>,
        %get3A_694 = arith.index_cast %mul3A_619 : i32 to index
        %get3A_695 = arith.constant 32 : index
        %get3A_696 = tpu.vector_load %arg11[%get3A_694, %get3A_695] {strides = array<i32>} : memref<80x128xf32, #tpu.memory_space<vmem>>, vector<1x16xf32>,
        %get3A_697 = vector.shape_cast %get3A_696 : vector<1x16xf32> to vector<16xf32>
        %add3A_698 = arith.constant 1 : i32
        %add3A_699 = arith.addi %mul3A_619, %add3A_698 : i32
        %get3A_700 = arith.index_cast %add3A_699 : i32 to index
        %get3A_701 = arith.constant 32 : index
        %get3A_702 = tpu.vector_load %arg11[%get3A_700, %get3A_701] {strides = array<i32>} : memref<80x128xf32, #tpu.memory_space<vmem>>, vector<1x16xf32>,
        %get3A_703 = vector.shape_cast %get3A_702 : vector<1x16xf32> to vector<16xf32>
        %add3A_704 = arith.addf %get3A_697, %get3A_703 : vector<16xf32>
        %add3A_705 = arith.constant 2 : i32
        %add3A_706 = arith.addi %mul3A_619, %add3A_705 : i32
        %get3A_707 = arith.index_cast %add3A_706 : i32 to index
        %get3A_708 = arith.constant 32 : index
        %get3A_709 = tpu.vector_load %arg11[%get3A_707, %get3A_708] {strides = array<i32>} : memref<80x128xf32, #tpu.memory_space<vmem>>, vector<1x16xf32>,
        %get3A_710 = vector.shape_cast %get3A_709 : vector<1x16xf32> to vector<16xf32>
        %add3A_711 = arith.addf %add3A_704, %get3A_710 : vector<16xf32>
        %add3A_712 = arith.constant 3 : i32
        %add3A_713 = arith.addi %mul3A_619, %add3A_712 : i32
        %get3A_714 = arith.index_cast %add3A_713 : i32 to index
        %get3A_715 = arith.constant 32 : index
        %get3A_716 = tpu.vector_load %arg11[%get3A_714, %get3A_715] {strides = array<i32>} : memref<80x128xf32, #tpu.memory_space<vmem>>, vector<1x16xf32>,
        %get3A_717 = vector.shape_cast %get3A_716 : vector<1x16xf32> to vector<16xf32>
        %add3A_718 = arith.addf %add3A_711, %get3A_717 : vector<16xf32>
        %add3A_719 = arith.constant 4 : i32
        %add3A_720 = arith.addi %mul3A_619, %add3A_719 : i32
        %get3A_721 = arith.index_cast %add3A_720 : i32 to index
        %get3A_722 = arith.constant 32 : index
        %get3A_723 = tpu.vector_load %arg11[%get3A_721, %get3A_722] {strides = array<i32>} : memref<80x128xf32, #tpu.memory_space<vmem>>, vector<1x16xf32>,
        %get3A_724 = vector.shape_cast %get3A_723 : vector<1x16xf32> to vector<16xf32>
        %add3A_725 = arith.addf %add3A_718, %get3A_724 : vector<16xf32>
        %swap3A_726 = arith.index_cast %scan3A_617 : i32 to index
        %swap3A_727 = arith.constant 32 : index
        %swap3A_728 = tpu.vector_load %arg15[%swap3A_726, %swap3A_727] {strides = array<i32>} : memref<16x128xf32, #tpu.memory_space<vmem>>, vector<1x16xf32>,
        %swap3A_729 = vector.shape_cast %swap3A_728 : vector<1x16xf32> to vector<16xf32>
        %swap3A_730 = vector.shape_cast %add3A_725 : vector<16xf32> to vector<1x16xf32>
        tpu.vector_store %arg15[%swap3A_726, %swap3A_727], %swap3A_730 {strides = array<i32>} : memref<16x128xf32, #tpu.memory_space<vmem>>, vector<1x16xf32>,
        %get3A_731 = arith.index_cast %mul3A_619 : i32 to index
        %get3A_732 = arith.constant 48 : index
        %get3A_733 = tpu.vector_load %arg11[%get3A_731, %get3A_732] {strides = array<i32>} : memref<80x128xf32, #tpu.memory_space<vmem>>, vector<1x16xf32>,
        %get3A_734 = vector.shape_cast %get3A_733 : vector<1x16xf32> to vector<16xf32>
        %add3A_735 = arith.constant 1 : i32
        %add3A_736 = arith.addi %mul3A_619, %add3A_735 : i32
        %get3A_737 = arith.index_cast %add3A_736 : i32 to index
        %get3A_738 = arith.constant 48 : index
        %get3A_739 = tpu.vector_load %arg11[%get3A_737, %get3A_738] {strides = array<i32>} : memref<80x128xf32, #tpu.memory_space<vmem>>, vector<1x16xf32>,
        %get3A_740 = vector.shape_cast %get3A_739 : vector<1x16xf32> to vector<16xf32>
        %add3A_741 = arith.addf %get3A_734, %get3A_740 : vector<16xf32>
        %add3A_742 = arith.constant 2 : i32
        %add3A_743 = arith.addi %mul3A_619, %add3A_742 : i32
        %get3A_744 = arith.index_cast %add3A_743 : i32 to index
        %get3A_745 = arith.constant 48 : index
        %get3A_746 = tpu.vector_load %arg11[%get3A_744, %get3A_745] {strides = array<i32>} : memref<80x128xf32, #tpu.memory_space<vmem>>, vector<1x16xf32>,
        %get3A_747 = vector.shape_cast %get3A_746 : vector<1x16xf32> to vector<16xf32>
        %add3A_748 = arith.addf %add3A_741, %get3A_747 : vector<16xf32>
        %add3A_749 = arith.constant 3 : i32
        %add3A_750 = arith.addi %mul3A_619, %add3A_749 : i32
        %get3A_751 = arith.index_cast %add3A_750 : i32 to index
        %get3A_752 = arith.constant 48 : index
        %get3A_753 = tpu.vector_load %arg11[%get3A_751, %get3A_752] {strides = array<i32>} : memref<80x128xf32, #tpu.memory_space<vmem>>, vector<1x16xf32>,
        %get3A_754 = vector.shape_cast %get3A_753 : vector<1x16xf32> to vector<16xf32>
        %add3A_755 = arith.addf %add3A_748, %get3A_754 : vector<16xf32>
        %add3A_756 = arith.constant 4 : i32
        %add3A_757 = arith.addi %mul3A_619, %add3A_756 : i32
        %get3A_758 = arith.index_cast %add3A_757 : i32 to index
        %get3A_759 = arith.constant 48 : index
        %get3A_760 = tpu.vector_load %arg11[%get3A_758, %get3A_759] {strides = array<i32>} : memref<80x128xf32, #tpu.memory_space<vmem>>, vector<1x16xf32>,
        %get3A_761 = vector.shape_cast %get3A_760 : vector<1x16xf32> to vector<16xf32>
        %add3A_762 = arith.addf %add3A_755, %get3A_761 : vector<16xf32>
        %swap3A_763 = arith.index_cast %scan3A_617 : i32 to index
        %swap3A_764 = arith.constant 48 : index
        %swap3A_765 = tpu.vector_load %arg15[%swap3A_763, %swap3A_764] {strides = array<i32>} : memref<16x128xf32, #tpu.memory_space<vmem>>, vector<1x16xf32>,
        %swap3A_766 = vector.shape_cast %swap3A_765 : vector<1x16xf32> to vector<16xf32>
        %swap3A_767 = vector.shape_cast %add3A_762 : vector<16xf32> to vector<1x16xf32>
        tpu.vector_store %arg15[%swap3A_763, %swap3A_764], %swap3A_767 {strides = array<i32>} : memref<16x128xf32, #tpu.memory_space<vmem>>, vector<1x16xf32>,
        %get3A_768 = arith.index_cast %mul3A_619 : i32 to index
        %get3A_769 = arith.constant 64 : index
        %get3A_770 = tpu.vector_load %arg11[%get3A_768, %get3A_769] {strides = array<i32>} : memref<80x128xf32, #tpu.memory_space<vmem>>, vector<1x16xf32>,
        %get3A_771 = vector.shape_cast %get3A_770 : vector<1x16xf32> to vector<16xf32>
        %add3A_772 = arith.constant 1 : i32
        %add3A_773 = arith.addi %mul3A_619, %add3A_772 : i32
        %get3A_774 = arith.index_cast %add3A_773 : i32 to index
        %get3A_775 = arith.constant 64 : index
        %get3A_776 = tpu.vector_load %arg11[%get3A_774, %get3A_775] {strides = array<i32>} : memref<80x128xf32, #tpu.memory_space<vmem>>, vector<1x16xf32>,
        %get3A_777 = vector.shape_cast %get3A_776 : vector<1x16xf32> to vector<16xf32>
        %add3A_778 = arith.addf %get3A_771, %get3A_777 : vector<16xf32>
        %add3A_779 = arith.constant 2 : i32
        %add3A_780 = arith.addi %mul3A_619, %add3A_779 : i32
        %get3A_781 = arith.index_cast %add3A_780 : i32 to index
        %get3A_782 = arith.constant 64 : index
        %get3A_783 = tpu.vector_load %arg11[%get3A_781, %get3A_782] {strides = array<i32>} : memref<80x128xf32, #tpu.memory_space<vmem>>, vector<1x16xf32>,
        %get3A_784 = vector.shape_cast %get3A_783 : vector<1x16xf32> to vector<16xf32>
        %add3A_785 = arith.addf %add3A_778, %get3A_784 : vector<16xf32>
        %add3A_786 = arith.constant 3 : i32
        %add3A_787 = arith.addi %mul3A_619, %add3A_786 : i32
        %get3A_788 = arith.index_cast %add3A_787 : i32 to index
        %get3A_789 = arith.constant 64 : index
        %get3A_790 = tpu.vector_load %arg11[%get3A_788, %get3A_789] {strides = array<i32>} : memref<80x128xf32, #tpu.memory_space<vmem>>, vector<1x16xf32>,
        %get3A_791 = vector.shape_cast %get3A_790 : vector<1x16xf32> to vector<16xf32>
        %add3A_792 = arith.addf %add3A_785, %get3A_791 : vector<16xf32>
        %add3A_793 = arith.constant 4 : i32
        %add3A_794 = arith.addi %mul3A_619, %add3A_793 : i32
        %get3A_795 = arith.index_cast %add3A_794 : i32 to index
        %get3A_796 = arith.constant 64 : index
        %get3A_797 = tpu.vector_load %arg11[%get3A_795, %get3A_796] {strides = array<i32>} : memref<80x128xf32, #tpu.memory_space<vmem>>, vector<1x16xf32>,
        %get3A_798 = vector.shape_cast %get3A_797 : vector<1x16xf32> to vector<16xf32>
        %add3A_799 = arith.addf %add3A_792, %get3A_798 : vector<16xf32>
        %swap3A_800 = arith.index_cast %scan3A_617 : i32 to index
        %swap3A_801 = arith.constant 64 : index
        %swap3A_802 = tpu.vector_load %arg15[%swap3A_800, %swap3A_801] {strides = array<i32>} : memref<16x128xf32, #tpu.memory_space<vmem>>, vector<1x16xf32>,
        %swap3A_803 = vector.shape_cast %swap3A_802 : vector<1x16xf32> to vector<16xf32>
        %swap3A_804 = vector.shape_cast %add3A_799 : vector<16xf32> to vector<1x16xf32>
        tpu.vector_store %arg15[%swap3A_800, %swap3A_801], %swap3A_804 {strides = array<i32>} : memref<16x128xf32, #tpu.memory_space<vmem>>, vector<1x16xf32>,
        %get3A_805 = arith.index_cast %mul3A_619 : i32 to index
        %get3A_806 = arith.constant 80 : index
        %get3A_807 = tpu.vector_load %arg11[%get3A_805, %get3A_806] {strides = array<i32>} : memref<80x128xf32, #tpu.memory_space<vmem>>, vector<1x16xf32>,
        %get3A_808 = vector.shape_cast %get3A_807 : vector<1x16xf32> to vector<16xf32>
        %add3A_809 = arith.constant 1 : i32
        %add3A_810 = arith.addi %mul3A_619, %add3A_809 : i32
        %get3A_811 = arith.index_cast %add3A_810 : i32 to index
        %get3A_812 = arith.constant 80 : index
        %get3A_813 = tpu.vector_load %arg11[%get3A_811, %get3A_812] {strides = array<i32>} : memref<80x128xf32, #tpu.memory_space<vmem>>, vector<1x16xf32>,
        %get3A_814 = vector.shape_cast %get3A_813 : vector<1x16xf32> to vector<16xf32>
        %add3A_815 = arith.addf %get3A_808, %get3A_814 : vector<16xf32>
        %add3A_816 = arith.constant 2 : i32
        %add3A_817 = arith.addi %mul3A_619, %add3A_816 : i32
        %get3A_818 = arith.index_cast %add3A_817 : i32 to index
        %get3A_819 = arith.constant 80 : index
        %get3A_820 = tpu.vector_load %arg11[%get3A_818, %get3A_819] {strides = array<i32>} : memref<80x128xf32, #tpu.memory_space<vmem>>, vector<1x16xf32>,
        %get3A_821 = vector.shape_cast %get3A_820 : vector<1x16xf32> to vector<16xf32>
        %add3A_822 = arith.addf %add3A_815, %get3A_821 : vector<16xf32>
        %add3A_823 = arith.constant 3 : i32
        %add3A_824 = arith.addi %mul3A_619, %add3A_823 : i32
        %get3A_825 = arith.index_cast %add3A_824 : i32 to index
        %get3A_826 = arith.constant 80 : index
        %get3A_827 = tpu.vector_load %arg11[%get3A_825, %get3A_826] {strides = array<i32>} : memref<80x128xf32, #tpu.memory_space<vmem>>, vector<1x16xf32>,
        %get3A_828 = vector.shape_cast %get3A_827 : vector<1x16xf32> to vector<16xf32>
        %add3A_829 = arith.addf %add3A_822, %get3A_828 : vector<16xf32>
        %add3A_830 = arith.constant 4 : i32
        %add3A_831 = arith.addi %mul3A_619, %add3A_830 : i32
        %get3A_832 = arith.index_cast %add3A_831 : i32 to index
        %get3A_833 = arith.constant 80 : index
        %get3A_834 = tpu.vector_load %arg11[%get3A_832, %get3A_833] {strides = array<i32>} : memref<80x128xf32, #tpu.memory_space<vmem>>, vector<1x16xf32>,
        %get3A_835 = vector.shape_cast %get3A_834 : vector<1x16xf32> to vector<16xf32>
        %add3A_836 = arith.addf %add3A_829, %get3A_835 : vector<16xf32>
        %swap3A_837 = arith.index_cast %scan3A_617 : i32 to index
        %swap3A_838 = arith.constant 80 : index
        %swap3A_839 = tpu.vector_load %arg15[%swap3A_837, %swap3A_838] {strides = array<i32>} : memref<16x128xf32, #tpu.memory_space<vmem>>, vector<1x16xf32>,
        %swap3A_840 = vector.shape_cast %swap3A_839 : vector<1x16xf32> to vector<16xf32>
        %swap3A_841 = vector.shape_cast %add3A_836 : vector<16xf32> to vector<1x16xf32>
        tpu.vector_store %arg15[%swap3A_837, %swap3A_838], %swap3A_841 {strides = array<i32>} : memref<16x128xf32, #tpu.memory_space<vmem>>, vector<1x16xf32>,
        %get3A_842 = arith.index_cast %mul3A_619 : i32 to index
        %get3A_843 = arith.constant 96 : index
        %get3A_844 = tpu.vector_load %arg11[%get3A_842, %get3A_843] {strides = array<i32>} : memref<80x128xf32, #tpu.memory_space<vmem>>, vector<1x16xf32>,
        %get3A_845 = vector.shape_cast %get3A_844 : vector<1x16xf32> to vector<16xf32>
        %add3A_846 = arith.constant 1 : i32
        %add3A_847 = arith.addi %mul3A_619, %add3A_846 : i32
        %get3A_848 = arith.index_cast %add3A_847 : i32 to index
        %get3A_849 = arith.constant 96 : index
        %get3A_850 = tpu.vector_load %arg11[%get3A_848, %get3A_849] {strides = array<i32>} : memref<80x128xf32, #tpu.memory_space<vmem>>, vector<1x16xf32>,
        %get3A_851 = vector.shape_cast %get3A_850 : vector<1x16xf32> to vector<16xf32>
        %add3A_852 = arith.addf %get3A_845, %get3A_851 : vector<16xf32>
        %add3A_853 = arith.constant 2 : i32
        %add3A_854 = arith.addi %mul3A_619, %add3A_853 : i32
        %get3A_855 = arith.index_cast %add3A_854 : i32 to index
        %get3A_856 = arith.constant 96 : index
        %get3A_857 = tpu.vector_load %arg11[%get3A_855, %get3A_856] {strides = array<i32>} : memref<80x128xf32, #tpu.memory_space<vmem>>, vector<1x16xf32>,
        %get3A_858 = vector.shape_cast %get3A_857 : vector<1x16xf32> to vector<16xf32>
        %add3A_859 = arith.addf %add3A_852, %get3A_858 : vector<16xf32>
        %add3A_860 = arith.constant 3 : i32
        %add3A_861 = arith.addi %mul3A_619, %add3A_860 : i32
        %get3A_862 = arith.index_cast %add3A_861 : i32 to index
        %get3A_863 = arith.constant 96 : index
        %get3A_864 = tpu.vector_load %arg11[%get3A_862, %get3A_863] {strides = array<i32>} : memref<80x128xf32, #tpu.memory_space<vmem>>, vector<1x16xf32>,
        %get3A_865 = vector.shape_cast %get3A_864 : vector<1x16xf32> to vector<16xf32>
        %add3A_866 = arith.addf %add3A_859, %get3A_865 : vector<16xf32>
        %add3A_867 = arith.constant 4 : i32
        %add3A_868 = arith.addi %mul3A_619, %add3A_867 : i32
        %get3A_869 = arith.index_cast %add3A_868 : i32 to index
        %get3A_870 = arith.constant 96 : index
        %get3A_871 = tpu.vector_load %arg11[%get3A_869, %get3A_870] {strides = array<i32>} : memref<80x128xf32, #tpu.memory_space<vmem>>, vector<1x16xf32>,
        %get3A_872 = vector.shape_cast %get3A_871 : vector<1x16xf32> to vector<16xf32>
        %add3A_873 = arith.addf %add3A_866, %get3A_872 : vector<16xf32>
        %swap3A_874 = arith.index_cast %scan3A_617 : i32 to index
        %swap3A_875 = arith.constant 96 : index
        %swap3A_876 = tpu.vector_load %arg15[%swap3A_874, %swap3A_875] {strides = array<i32>} : memref<16x128xf32, #tpu.memory_space<vmem>>, vector<1x16xf32>,
        %swap3A_877 = vector.shape_cast %swap3A_876 : vector<1x16xf32> to vector<16xf32>
        %swap3A_878 = vector.shape_cast %add3A_873 : vector<16xf32> to vector<1x16xf32>
        tpu.vector_store %arg15[%swap3A_874, %swap3A_875], %swap3A_878 {strides = array<i32>} : memref<16x128xf32, #tpu.memory_space<vmem>>, vector<1x16xf32>,
        %get3A_879 = arith.index_cast %mul3A_619 : i32 to index
        %get3A_880 = arith.constant 112 : index
        %get3A_881 = tpu.vector_load %arg11[%get3A_879, %get3A_880] {strides = array<i32>} : memref<80x128xf32, #tpu.memory_space<vmem>>, vector<1x16xf32>,
        %get3A_882 = vector.shape_cast %get3A_881 : vector<1x16xf32> to vector<16xf32>
        %add3A_883 = arith.constant 1 : i32
        %add3A_884 = arith.addi %mul3A_619, %add3A_883 : i32
        %get3A_885 = arith.index_cast %add3A_884 : i32 to index
        %get3A_886 = arith.constant 112 : index
        %get3A_887 = tpu.vector_load %arg11[%get3A_885, %get3A_886] {strides = array<i32>} : memref<80x128xf32, #tpu.memory_space<vmem>>, vector<1x16xf32>,
        %get3A_888 = vector.shape_cast %get3A_887 : vector<1x16xf32> to vector<16xf32>
        %add3A_889 = arith.addf %get3A_882, %get3A_888 : vector<16xf32>
        %add3A_890 = arith.constant 2 : i32
        %add3A_891 = arith.addi %mul3A_619, %add3A_890 : i32
        %get3A_892 = arith.index_cast %add3A_891 : i32 to index
        %get3A_893 = arith.constant 112 : index
        %get3A_894 = tpu.vector_load %arg11[%get3A_892, %get3A_893] {strides = array<i32>} : memref<80x128xf32, #tpu.memory_space<vmem>>, vector<1x16xf32>,
        %get3A_895 = vector.shape_cast %get3A_894 : vector<1x16xf32> to vector<16xf32>
        %add3A_896 = arith.addf %add3A_889, %get3A_895 : vector<16xf32>
        %add3A_897 = arith.constant 3 : i32
        %add3A_898 = arith.addi %mul3A_619, %add3A_897 : i32
        %get3A_899 = arith.index_cast %add3A_898 : i32 to index
        %get3A_900 = arith.constant 112 : index
        %get3A_901 = tpu.vector_load %arg11[%get3A_899, %get3A_900] {strides = array<i32>} : memref<80x128xf32, #tpu.memory_space<vmem>>, vector<1x16xf32>,
        %get3A_902 = vector.shape_cast %get3A_901 : vector<1x16xf32> to vector<16xf32>
        %add3A_903 = arith.addf %add3A_896, %get3A_902 : vector<16xf32>
        %add3A_904 = arith.constant 4 : i32
        %add3A_905 = arith.addi %mul3A_619, %add3A_904 : i32
        %get3A_906 = arith.index_cast %add3A_905 : i32 to index
        %get3A_907 = arith.constant 112 : index
        %get3A_908 = tpu.vector_load %arg11[%get3A_906, %get3A_907] {strides = array<i32>} : memref<80x128xf32, #tpu.memory_space<vmem>>, vector<1x16xf32>,
        %get3A_909 = vector.shape_cast %get3A_908 : vector<1x16xf32> to vector<16xf32>
        %add3A_910 = arith.addf %add3A_903, %get3A_909 : vector<16xf32>
        %swap3A_911 = arith.index_cast %scan3A_617 : i32 to index
        %swap3A_912 = arith.constant 112 : index
        %swap3A_913 = tpu.vector_load %arg15[%swap3A_911, %swap3A_912] {strides = array<i32>} : memref<16x128xf32, #tpu.memory_space<vmem>>, vector<1x16xf32>,
        %swap3A_914 = vector.shape_cast %swap3A_913 : vector<1x16xf32> to vector<16xf32>
        %swap3A_915 = vector.shape_cast %add3A_910 : vector<16xf32> to vector<1x16xf32>
        tpu.vector_store %arg15[%swap3A_911, %swap3A_912], %swap3A_915 {strides = array<i32>} : memref<16x128xf32, #tpu.memory_space<vmem>>, vector<1x16xf32>,
      }
      %scan3A_464 = arith.constant 16 : i32
      %dma_start3A_465 = arith.constant 0 : i32
      %dma_start3A_466 = tpu.memref_slice %arg6[%add3A_453, %dma_start3A_465] : memref<10240x128xf32, #tpu.memory_space<hbm>> -> memref<16x128xf32, #tpu.memory_space<hbm>>
      %dma_start3A_467 = arith.constant 0 : i32
      %dma_start3A_468 = tpu.memref_slice %arg6[%add3A_453, %dma_start3A_467] : memref<10240x128xf32, #tpu.memory_space<hbm>> -> memref<16x128xf32, #tpu.memory_space<hbm>>
      tpu.enqueue_dma source(%arg15 : memref<16x128xf32, #tpu.memory_space<vmem>>) target(%dma_start3A_468 : memref<16x128xf32, #tpu.memory_space<hbm>>) target_semaphore(%arg27 : memref<!tpu.dma_semaphore, #tpu.memory_space<semaphore_mem>>)
      %add3A_469 = arith.constant 4 : i32
      %add3A_470 = arith.addi %add3A_405, %add3A_469 : i32
      %lt3A_471 = arith.cmpi slt, %add3A_470, %select_n3A_58 : i32
      %convert_element_type3A_472 = arith.extui %lt3A_471 : i1 to i32
      %cond3A_473 = arith.constant 0 : i32
      %cond3A_474 = arith.cmpi ne, %convert_element_type3A_472, %cond3A_473 : i32
      scf.if %cond3A_474 {
        %mul3A_617 = arith.constant 80 : i32
        %mul3A_618 = arith.muli %add3A_470, %mul3A_617 : i32
        %add3A_619 = arith.constant 0 : i32
        %add3A_620 = arith.addi %mul3A_618, %add3A_619 : i32
        %get3A_621 = arith.index_cast %add3A_620 : i32 to index
        %get3A_622 = tpu.vector_load %arg9[%get3A_621] {strides = array<i32>} : memref<2560xi32, #tpu.memory_space<vmem>>, vector<16xi32>,
        %get3A_623 = vector.shape_cast %get3A_622 : vector<16xi32> to vector<16xi32>
        %dma_start3A_624 = arith.constant 0 : i32
        %dma_start3A_625 = arith.constant 0 : i32
        %dma_start3A_626 = tpu.memref_slice %arg11[%dma_start3A_624, %dma_start3A_625] : memref<80x128xf32, #tpu.memory_space<vmem>> -> memref<16x128xf32, #tpu.memory_space<vmem>>
        %dma_start3A_627 = arith.constant 0 : i32
        %dma_start3A_628 = arith.constant 0 : i32
        %dma_start3A_629 = tpu.memref_slice %arg3[%dma_start3A_627, %dma_start3A_628] : memref<100000x128xf32, #tpu.memory_space<hbm>> -> memref<100000x128xf32, #tpu.memory_space<hbm>>
        tpu.enqueue_indirect_dma source(%dma_start3A_629 : memref<100000x128xf32, #tpu.memory_space<hbm>>) target(%dma_start3A_626 : memref<16x128xf32, #tpu.memory_space<vmem>>) offsets(%get3A_623 : vector<16xi32>) semaphore(%arg23 : memref<!tpu.dma_semaphore, #tpu.memory_space<semaphore_mem>>)
        %mul3A_630 = arith.constant 80 : i32
        %mul3A_631 = arith.muli %add3A_470, %mul3A_630 : i32
        %add3A_632 = arith.constant 16 : i32
        %add3A_633 = arith.addi %mul3A_631, %add3A_632 : i32
        %get3A_634 = arith.index_cast %add3A_633 : i32 to index
        %get3A_635 = tpu.vector_load %arg9[%get3A_634] {strides = array<i32>} : memref<2560xi32, #tpu.memory_space<vmem>>, vector<16xi32>,
        %get3A_636 = vector.shape_cast %get3A_635 : vector<16xi32> to vector<16xi32>
        %dma_start3A_637 = arith.constant 16 : i32
        %dma_start3A_638 = arith.constant 0 : i32
        %dma_start3A_639 = tpu.memref_slice %arg11[%dma_start3A_637, %dma_start3A_638] : memref<80x128xf32, #tpu.memory_space<vmem>> -> memref<16x128xf32, #tpu.memory_space<vmem>>
        %dma_start3A_640 = arith.constant 0 : i32
        %dma_start3A_641 = arith.constant 0 : i32
        %dma_start3A_642 = tpu.memref_slice %arg3[%dma_start3A_640, %dma_start3A_641] : memref<100000x128xf32, #tpu.memory_space<hbm>> -> memref<100000x128xf32, #tpu.memory_space<hbm>>
        tpu.enqueue_indirect_dma source(%dma_start3A_642 : memref<100000x128xf32, #tpu.memory_space<hbm>>) target(%dma_start3A_639 : memref<16x128xf32, #tpu.memory_space<vmem>>) offsets(%get3A_636 : vector<16xi32>) semaphore(%arg23 : memref<!tpu.dma_semaphore, #tpu.memory_space<semaphore_mem>>)
        %mul3A_643 = arith.constant 80 : i32
        %mul3A_644 = arith.muli %add3A_470, %mul3A_643 : i32
        %add3A_645 = arith.constant 32 : i32
        %add3A_646 = arith.addi %mul3A_644, %add3A_645 : i32
        %get3A_647 = arith.index_cast %add3A_646 : i32 to index
        %get3A_648 = tpu.vector_load %arg9[%get3A_647] {strides = array<i32>} : memref<2560xi32, #tpu.memory_space<vmem>>, vector<16xi32>,
        %get3A_649 = vector.shape_cast %get3A_648 : vector<16xi32> to vector<16xi32>
        %dma_start3A_650 = arith.constant 32 : i32
        %dma_start3A_651 = arith.constant 0 : i32
        %dma_start3A_652 = tpu.memref_slice %arg11[%dma_start3A_650, %dma_start3A_651] : memref<80x128xf32, #tpu.memory_space<vmem>> -> memref<16x128xf32, #tpu.memory_space<vmem>>
        %dma_start3A_653 = arith.constant 0 : i32
        %dma_start3A_654 = arith.constant 0 : i32
        %dma_start3A_655 = tpu.memref_slice %arg3[%dma_start3A_653, %dma_start3A_654] : memref<100000x128xf32, #tpu.memory_space<hbm>> -> memref<100000x128xf32, #tpu.memory_space<hbm>>
        tpu.enqueue_indirect_dma source(%dma_start3A_655 : memref<100000x128xf32, #tpu.memory_space<hbm>>) target(%dma_start3A_652 : memref<16x128xf32, #tpu.memory_space<vmem>>) offsets(%get3A_649 : vector<16xi32>) semaphore(%arg23 : memref<!tpu.dma_semaphore, #tpu.memory_space<semaphore_mem>>)
        %mul3A_656 = arith.constant 80 : i32
        %mul3A_657 = arith.muli %add3A_470, %mul3A_656 : i32
        %add3A_658 = arith.constant 48 : i32
        %add3A_659 = arith.addi %mul3A_657, %add3A_658 : i32
        %get3A_660 = arith.index_cast %add3A_659 : i32 to index
        %get3A_661 = tpu.vector_load %arg9[%get3A_660] {strides = array<i32>} : memref<2560xi32, #tpu.memory_space<vmem>>, vector<16xi32>,
        %get3A_662 = vector.shape_cast %get3A_661 : vector<16xi32> to vector<16xi32>
        %dma_start3A_663 = arith.constant 48 : i32
        %dma_start3A_664 = arith.constant 0 : i32
        %dma_start3A_665 = tpu.memref_slice %arg11[%dma_start3A_663, %dma_start3A_664] : memref<80x128xf32, #tpu.memory_space<vmem>> -> memref<16x128xf32, #tpu.memory_space<vmem>>
        %dma_start3A_666 = arith.constant 0 : i32
        %dma_start3A_667 = arith.constant 0 : i32
        %dma_start3A_668 = tpu.memref_slice %arg3[%dma_start3A_666, %dma_start3A_667] : memref<100000x128xf32, #tpu.memory_space<hbm>> -> memref<100000x128xf32, #tpu.memory_space<hbm>>
        tpu.enqueue_indirect_dma source(%dma_start3A_668 : memref<100000x128xf32, #tpu.memory_space<hbm>>) target(%dma_start3A_665 : memref<16x128xf32, #tpu.memory_space<vmem>>) offsets(%get3A_662 : vector<16xi32>) semaphore(%arg23 : memref<!tpu.dma_semaphore, #tpu.memory_space<semaphore_mem>>)
        %mul3A_669 = arith.constant 80 : i32
        %mul3A_670 = arith.muli %add3A_470, %mul3A_669 : i32
        %add3A_671 = arith.constant 64 : i32
        %add3A_672 = arith.addi %mul3A_670, %add3A_671 : i32
        %get3A_673 = arith.index_cast %add3A_672 : i32 to index
        %get3A_674 = tpu.vector_load %arg9[%get3A_673] {strides = array<i32>} : memref<2560xi32, #tpu.memory_space<vmem>>, vector<16xi32>,
        %get3A_675 = vector.shape_cast %get3A_674 : vector<16xi32> to vector<16xi32>
        %dma_start3A_676 = arith.constant 64 : i32
        %dma_start3A_677 = arith.constant 0 : i32
        %dma_start3A_678 = tpu.memref_slice %arg11[%dma_start3A_676, %dma_start3A_677] : memref<80x128xf32, #tpu.memory_space<vmem>> -> memref<16x128xf32, #tpu.memory_space<vmem>>
        %dma_start3A_679 = arith.constant 0 : i32
        %dma_start3A_680 = arith.constant 0 : i32
        %dma_start3A_681 = tpu.memref_slice %arg3[%dma_start3A_679, %dma_start3A_680] : memref<100000x128xf32, #tpu.memory_space<hbm>> -> memref<100000x128xf32, #tpu.memory_space<hbm>>
        tpu.enqueue_indirect_dma source(%dma_start3A_681 : memref<100000x128xf32, #tpu.memory_space<hbm>>) target(%dma_start3A_678 : memref<16x128xf32, #tpu.memory_space<vmem>>) offsets(%get3A_675 : vector<16xi32>) semaphore(%arg23 : memref<!tpu.dma_semaphore, #tpu.memory_space<semaphore_mem>>)
      } else {
      }
      %add3A_475 = arith.constant 2 : i32
      %add3A_476 = arith.addi %mul3A_333, %add3A_475 : i32
      %get3A_477 = arith.constant 0 : index
      %get3A_478 = tpu.vector_load %arg9[%get3A_477] {strides = array<i32>} : memref<2560xi32, #tpu.memory_space<vmem>>, vector<16xi32>,
      %get3A_479 = vector.shape_cast %get3A_478 : vector<16xi32> to vector<16xi32>
      %dma_wait3A_480 = arith.constant 0 : i32
      %dma_wait3A_481 = arith.constant 0 : i32
      %dma_wait3A_482 = tpu.memref_slice %arg12[%dma_wait3A_480, %dma_wait3A_481] : memref<80x128xf32, #tpu.memory_space<vmem>> -> memref<16x128xf32, #tpu.memory_space<vmem>>
      %dma_wait3A_483 = arith.constant 0 : i32
      %dma_wait3A_484 = arith.constant 0 : i32
      %dma_wait3A_485 = tpu.memref_slice %arg3[%dma_wait3A_483, %dma_wait3A_484] : memref<100000x128xf32, #tpu.memory_space<hbm>> -> memref<100000x128xf32, #tpu.memory_space<hbm>>
      tpu.wait_indirect_dma semaphore(%arg24 : memref<!tpu.dma_semaphore, #tpu.memory_space<semaphore_mem>>) src(%dma_wait3A_485 : memref<100000x128xf32, #tpu.memory_space<hbm>>) dst(%dma_wait3A_482 : memref<16x128xf32, #tpu.memory_space<vmem>>)
      %get3A_486 = arith.constant 0 : index
      %get3A_487 = tpu.vector_load %arg9[%get3A_486] {strides = array<i32>} : memref<2560xi32, #tpu.memory_space<vmem>>, vector<16xi32>,
      %get3A_488 = vector.shape_cast %get3A_487 : vector<16xi32> to vector<16xi32>
      %dma_wait3A_489 = arith.constant 0 : i32
      %dma_wait3A_490 = arith.constant 0 : i32
      %dma_wait3A_491 = tpu.memref_slice %arg12[%dma_wait3A_489, %dma_wait3A_490] : memref<80x128xf32, #tpu.memory_space<vmem>> -> memref<16x128xf32, #tpu.memory_space<vmem>>
      %dma_wait3A_492 = arith.constant 0 : i32
      %dma_wait3A_493 = arith.constant 0 : i32
      %dma_wait3A_494 = tpu.memref_slice %arg3[%dma_wait3A_492, %dma_wait3A_493] : memref<100000x128xf32, #tpu.memory_space<hbm>> -> memref<100000x128xf32, #tpu.memory_space<hbm>>
      tpu.wait_indirect_dma semaphore(%arg24 : memref<!tpu.dma_semaphore, #tpu.memory_space<semaphore_mem>>) src(%dma_wait3A_494 : memref<100000x128xf32, #tpu.memory_space<hbm>>) dst(%dma_wait3A_491 : memref<16x128xf32, #tpu.memory_space<vmem>>)
      %get3A_495 = arith.constant 0 : index
      %get3A_496 = tpu.vector_load %arg9[%get3A_495] {strides = array<i32>} : memref<2560xi32, #tpu.memory_space<vmem>>, vector<16xi32>,
      %get3A_497 = vector.shape_cast %get3A_496 : vector<16xi32> to vector<16xi32>
      %dma_wait3A_498 = arith.constant 0 : i32
      %dma_wait3A_499 = arith.constant 0 : i32
      %dma_wait3A_500 = tpu.memref_slice %arg12[%dma_wait3A_498, %dma_wait3A_499] : memref<80x128xf32, #tpu.memory_space<vmem>> -> memref<16x128xf32, #tpu.memory_space<vmem>>
      %dma_wait3A_501 = arith.constant 0 : i32
      %dma_wait3A_502 = arith.constant 0 : i32
      %dma_wait3A_503 = tpu.memref_slice %arg3[%dma_wait3A_501, %dma_wait3A_502] : memref<100000x128xf32, #tpu.memory_space<hbm>> -> memref<100000x128xf32, #tpu.memory_space<hbm>>
      tpu.wait_indirect_dma semaphore(%arg24 : memref<!tpu.dma_semaphore, #tpu.memory_space<semaphore_mem>>) src(%dma_wait3A_503 : memref<100000x128xf32, #tpu.memory_space<hbm>>) dst(%dma_wait3A_500 : memref<16x128xf32, #tpu.memory_space<vmem>>)
      %get3A_504 = arith.constant 0 : index
      %get3A_505 = tpu.vector_load %arg9[%get3A_504] {strides = array<i32>} : memref<2560xi32, #tpu.memory_space<vmem>>, vector<16xi32>,
      %get3A_506 = vector.shape_cast %get3A_505 : vector<16xi32> to vector<16xi32>
      %dma_wait3A_507 = arith.constant 0 : i32
      %dma_wait3A_508 = arith.constant 0 : i32
      %dma_wait3A_509 = tpu.memref_slice %arg12[%dma_wait3A_507, %dma_wait3A_508] : memref<80x128xf32, #tpu.memory_space<vmem>> -> memref<16x128xf32, #tpu.memory_space<vmem>>
      %dma_wait3A_510 = arith.constant 0 : i32
      %dma_wait3A_511 = arith.constant 0 : i32
      %dma_wait3A_512 = tpu.memref_slice %arg3[%dma_wait3A_510, %dma_wait3A_511] : memref<100000x128xf32, #tpu.memory_space<hbm>> -> memref<100000x128xf32, #tpu.memory_space<hbm>>
      tpu.wait_indirect_dma semaphore(%arg24 : memref<!tpu.dma_semaphore, #tpu.memory_space<semaphore_mem>>) src(%dma_wait3A_512 : memref<100000x128xf32, #tpu.memory_space<hbm>>) dst(%dma_wait3A_509 : memref<16x128xf32, #tpu.memory_space<vmem>>)
      %get3A_513 = arith.constant 0 : index
      %get3A_514 = tpu.vector_load %arg9[%get3A_513] {strides = array<i32>} : memref<2560xi32, #tpu.memory_space<vmem>>, vector<16xi32>,
      %get3A_515 = vector.shape_cast %get3A_514 : vector<16xi32> to vector<16xi32>
      %dma_wait3A_516 = arith.constant 0 : i32
      %dma_wait3A_517 = arith.constant 0 : i32
      %dma_wait3A_518 = tpu.memref_slice %arg12[%dma_wait3A_516, %dma_wait3A_517] : memref<80x128xf32, #tpu.memory_space<vmem>> -> memref<16x128xf32, #tpu.memory_space<vmem>>
      %dma_wait3A_519 = arith.constant 0 : i32
      %dma_wait3A_520 = arith.constant 0 : i32
      %dma_wait3A_521 = tpu.memref_slice %arg3[%dma_wait3A_519, %dma_wait3A_520] : memref<100000x128xf32, #tpu.memory_space<hbm>> -> memref<100000x128xf32, #tpu.memory_space<hbm>>
      tpu.wait_indirect_dma semaphore(%arg24 : memref<!tpu.dma_semaphore, #tpu.memory_space<semaphore_mem>>) src(%dma_wait3A_521 : memref<100000x128xf32, #tpu.memory_space<hbm>>) dst(%dma_wait3A_518 : memref<16x128xf32, #tpu.memory_space<vmem>>)
      %mul3A_522 = arith.constant 16 : i32
      %mul3A_523 = arith.muli %add3A_476, %mul3A_522 : i32
      %add3A_524 = arith.addi %add3A_67, %mul3A_523 : i32
      %gt3A_525 = arith.constant 0 : i32
      %gt3A_526 = arith.cmpi sgt, %while3A_331, %gt3A_525 : i32
      %convert_element_type3A_527 = arith.extui %gt3A_526 : i1 to i32
      %cond3A_528 = arith.constant 0 : i32
      %cond3A_529 = arith.cmpi ne, %convert_element_type3A_527, %cond3A_528 : i32
      scf.if %cond3A_529 {
        %dma_wait3A_617 = arith.constant 0 : i32
        %dma_wait3A_618 = arith.constant 0 : i32
        %dma_wait3A_619 = tpu.memref_slice %arg6[%dma_wait3A_617, %dma_wait3A_618] : memref<10240x128xf32, #tpu.memory_space<hbm>> -> memref<16x128xf32, #tpu.memory_space<hbm>>
        %dma_wait3A_620 = arith.constant 0 : i32
        %dma_wait3A_621 = arith.constant 0 : i32
        %dma_wait3A_622 = tpu.memref_slice %arg6[%dma_wait3A_620, %dma_wait3A_621] : memref<10240x128xf32, #tpu.memory_space<hbm>> -> memref<16x128xf32, #tpu.memory_space<hbm>>
        tpu.wait_dma2 semaphore(%arg28 : memref<!tpu.dma_semaphore, #tpu.memory_space<semaphore_mem>>) src(%arg16 : memref<16x128xf32, #tpu.memory_space<vmem>>) dst(%dma_wait3A_622 : memref<16x128xf32, #tpu.memory_space<hbm>>)
      } else {
      }
      %scan3A_530 = arith.constant 0 : i32
      %scan3A_531 = arith.constant 0 : i32
      %scan3A_532 = arith.constant 16 : i32
      %scan3A_533 = arith.addi %scan3A_531, %scan3A_532 : i32
      %scan3A_534 = arith.constant 1 : i32
      scf.for %scan3A_617 = %scan3A_531 to %scan3A_533 step %scan3A_534  : i32 {
        %mul3A_618 = arith.constant 5 : i32
        %mul3A_619 = arith.muli %mul3A_618, %scan3A_617 : i32
        %get3A_620 = arith.index_cast %mul3A_619 : i32 to index
        %get3A_621 = arith.constant 0 : index
        %get3A_622 = tpu.vector_load %arg12[%get3A_620, %get3A_621] {strides = array<i32>} : memref<80x128xf32, #tpu.memory_space<vmem>>, vector<1x16xf32>,
        %get3A_623 = vector.shape_cast %get3A_622 : vector<1x16xf32> to vector<16xf32>
        %add3A_624 = arith.constant 1 : i32
        %add3A_625 = arith.addi %mul3A_619, %add3A_624 : i32
        %get3A_626 = arith.index_cast %add3A_625 : i32 to index
        %get3A_627 = arith.constant 0 : index
        %get3A_628 = tpu.vector_load %arg12[%get3A_626, %get3A_627] {strides = array<i32>} : memref<80x128xf32, #tpu.memory_space<vmem>>, vector<1x16xf32>,
        %get3A_629 = vector.shape_cast %get3A_628 : vector<1x16xf32> to vector<16xf32>
        %add3A_630 = arith.addf %get3A_623, %get3A_629 : vector<16xf32>
        %add3A_631 = arith.constant 2 : i32
        %add3A_632 = arith.addi %mul3A_619, %add3A_631 : i32
        %get3A_633 = arith.index_cast %add3A_632 : i32 to index
        %get3A_634 = arith.constant 0 : index
        %get3A_635 = tpu.vector_load %arg12[%get3A_633, %get3A_634] {strides = array<i32>} : memref<80x128xf32, #tpu.memory_space<vmem>>, vector<1x16xf32>,
        %get3A_636 = vector.shape_cast %get3A_635 : vector<1x16xf32> to vector<16xf32>
        %add3A_637 = arith.addf %add3A_630, %get3A_636 : vector<16xf32>
        %add3A_638 = arith.constant 3 : i32
        %add3A_639 = arith.addi %mul3A_619, %add3A_638 : i32
        %get3A_640 = arith.index_cast %add3A_639 : i32 to index
        %get3A_641 = arith.constant 0 : index
        %get3A_642 = tpu.vector_load %arg12[%get3A_640, %get3A_641] {strides = array<i32>} : memref<80x128xf32, #tpu.memory_space<vmem>>, vector<1x16xf32>,
        %get3A_643 = vector.shape_cast %get3A_642 : vector<1x16xf32> to vector<16xf32>
        %add3A_644 = arith.addf %add3A_637, %get3A_643 : vector<16xf32>
        %add3A_645 = arith.constant 4 : i32
        %add3A_646 = arith.addi %mul3A_619, %add3A_645 : i32
        %get3A_647 = arith.index_cast %add3A_646 : i32 to index
        %get3A_648 = arith.constant 0 : index
        %get3A_649 = tpu.vector_load %arg12[%get3A_647, %get3A_648] {strides = array<i32>} : memref<80x128xf32, #tpu.memory_space<vmem>>, vector<1x16xf32>,
        %get3A_650 = vector.shape_cast %get3A_649 : vector<1x16xf32> to vector<16xf32>
        %add3A_651 = arith.addf %add3A_644, %get3A_650 : vector<16xf32>
        %swap3A_652 = arith.index_cast %scan3A_617 : i32 to index
        %swap3A_653 = arith.constant 0 : index
        %swap3A_654 = tpu.vector_load %arg16[%swap3A_652, %swap3A_653] {strides = array<i32>} : memref<16x128xf32, #tpu.memory_space<vmem>>, vector<1x16xf32>,
        %swap3A_655 = vector.shape_cast %swap3A_654 : vector<1x16xf32> to vector<16xf32>
        %swap3A_656 = vector.shape_cast %add3A_651 : vector<16xf32> to vector<1x16xf32>
        tpu.vector_store %arg16[%swap3A_652, %swap3A_653], %swap3A_656 {strides = array<i32>} : memref<16x128xf32, #tpu.memory_space<vmem>>, vector<1x16xf32>,
        %get3A_657 = arith.index_cast %mul3A_619 : i32 to index
        %get3A_658 = arith.constant 16 : index
        %get3A_659 = tpu.vector_load %arg12[%get3A_657, %get3A_658] {strides = array<i32>} : memref<80x128xf32, #tpu.memory_space<vmem>>, vector<1x16xf32>,
        %get3A_660 = vector.shape_cast %get3A_659 : vector<1x16xf32> to vector<16xf32>
        %add3A_661 = arith.constant 1 : i32
        %add3A_662 = arith.addi %mul3A_619, %add3A_661 : i32
        %get3A_663 = arith.index_cast %add3A_662 : i32 to index
        %get3A_664 = arith.constant 16 : index
        %get3A_665 = tpu.vector_load %arg12[%get3A_663, %get3A_664] {strides = array<i32>} : memref<80x128xf32, #tpu.memory_space<vmem>>, vector<1x16xf32>,
        %get3A_666 = vector.shape_cast %get3A_665 : vector<1x16xf32> to vector<16xf32>
        %add3A_667 = arith.addf %get3A_660, %get3A_666 : vector<16xf32>
        %add3A_668 = arith.constant 2 : i32
        %add3A_669 = arith.addi %mul3A_619, %add3A_668 : i32
        %get3A_670 = arith.index_cast %add3A_669 : i32 to index
        %get3A_671 = arith.constant 16 : index
        %get3A_672 = tpu.vector_load %arg12[%get3A_670, %get3A_671] {strides = array<i32>} : memref<80x128xf32, #tpu.memory_space<vmem>>, vector<1x16xf32>,
        %get3A_673 = vector.shape_cast %get3A_672 : vector<1x16xf32> to vector<16xf32>
        %add3A_674 = arith.addf %add3A_667, %get3A_673 : vector<16xf32>
        %add3A_675 = arith.constant 3 : i32
        %add3A_676 = arith.addi %mul3A_619, %add3A_675 : i32
        %get3A_677 = arith.index_cast %add3A_676 : i32 to index
        %get3A_678 = arith.constant 16 : index
        %get3A_679 = tpu.vector_load %arg12[%get3A_677, %get3A_678] {strides = array<i32>} : memref<80x128xf32, #tpu.memory_space<vmem>>, vector<1x16xf32>,
        %get3A_680 = vector.shape_cast %get3A_679 : vector<1x16xf32> to vector<16xf32>
        %add3A_681 = arith.addf %add3A_674, %get3A_680 : vector<16xf32>
        %add3A_682 = arith.constant 4 : i32
        %add3A_683 = arith.addi %mul3A_619, %add3A_682 : i32
        %get3A_684 = arith.index_cast %add3A_683 : i32 to index
        %get3A_685 = arith.constant 16 : index
        %get3A_686 = tpu.vector_load %arg12[%get3A_684, %get3A_685] {strides = array<i32>} : memref<80x128xf32, #tpu.memory_space<vmem>>, vector<1x16xf32>,
        %get3A_687 = vector.shape_cast %get3A_686 : vector<1x16xf32> to vector<16xf32>
        %add3A_688 = arith.addf %add3A_681, %get3A_687 : vector<16xf32>
        %swap3A_689 = arith.index_cast %scan3A_617 : i32 to index
        %swap3A_690 = arith.constant 16 : index
        %swap3A_691 = tpu.vector_load %arg16[%swap3A_689, %swap3A_690] {strides = array<i32>} : memref<16x128xf32, #tpu.memory_space<vmem>>, vector<1x16xf32>,
        %swap3A_692 = vector.shape_cast %swap3A_691 : vector<1x16xf32> to vector<16xf32>
        %swap3A_693 = vector.shape_cast %add3A_688 : vector<16xf32> to vector<1x16xf32>
        tpu.vector_store %arg16[%swap3A_689, %swap3A_690], %swap3A_693 {strides = array<i32>} : memref<16x128xf32, #tpu.memory_space<vmem>>, vector<1x16xf32>,
        %get3A_694 = arith.index_cast %mul3A_619 : i32 to index
        %get3A_695 = arith.constant 32 : index
        %get3A_696 = tpu.vector_load %arg12[%get3A_694, %get3A_695] {strides = array<i32>} : memref<80x128xf32, #tpu.memory_space<vmem>>, vector<1x16xf32>,
        %get3A_697 = vector.shape_cast %get3A_696 : vector<1x16xf32> to vector<16xf32>
        %add3A_698 = arith.constant 1 : i32
        %add3A_699 = arith.addi %mul3A_619, %add3A_698 : i32
        %get3A_700 = arith.index_cast %add3A_699 : i32 to index
        %get3A_701 = arith.constant 32 : index
        %get3A_702 = tpu.vector_load %arg12[%get3A_700, %get3A_701] {strides = array<i32>} : memref<80x128xf32, #tpu.memory_space<vmem>>, vector<1x16xf32>,
        %get3A_703 = vector.shape_cast %get3A_702 : vector<1x16xf32> to vector<16xf32>
        %add3A_704 = arith.addf %get3A_697, %get3A_703 : vector<16xf32>
        %add3A_705 = arith.constant 2 : i32
        %add3A_706 = arith.addi %mul3A_619, %add3A_705 : i32
        %get3A_707 = arith.index_cast %add3A_706 : i32 to index
        %get3A_708 = arith.constant 32 : index
        %get3A_709 = tpu.vector_load %arg12[%get3A_707, %get3A_708] {strides = array<i32>} : memref<80x128xf32, #tpu.memory_space<vmem>>, vector<1x16xf32>,
        %get3A_710 = vector.shape_cast %get3A_709 : vector<1x16xf32> to vector<16xf32>
        %add3A_711 = arith.addf %add3A_704, %get3A_710 : vector<16xf32>
        %add3A_712 = arith.constant 3 : i32
        %add3A_713 = arith.addi %mul3A_619, %add3A_712 : i32
        %get3A_714 = arith.index_cast %add3A_713 : i32 to index
        %get3A_715 = arith.constant 32 : index
        %get3A_716 = tpu.vector_load %arg12[%get3A_714, %get3A_715] {strides = array<i32>} : memref<80x128xf32, #tpu.memory_space<vmem>>, vector<1x16xf32>,
        %get3A_717 = vector.shape_cast %get3A_716 : vector<1x16xf32> to vector<16xf32>
        %add3A_718 = arith.addf %add3A_711, %get3A_717 : vector<16xf32>
        %add3A_719 = arith.constant 4 : i32
        %add3A_720 = arith.addi %mul3A_619, %add3A_719 : i32
        %get3A_721 = arith.index_cast %add3A_720 : i32 to index
        %get3A_722 = arith.constant 32 : index
        %get3A_723 = tpu.vector_load %arg12[%get3A_721, %get3A_722] {strides = array<i32>} : memref<80x128xf32, #tpu.memory_space<vmem>>, vector<1x16xf32>,
        %get3A_724 = vector.shape_cast %get3A_723 : vector<1x16xf32> to vector<16xf32>
        %add3A_725 = arith.addf %add3A_718, %get3A_724 : vector<16xf32>
        %swap3A_726 = arith.index_cast %scan3A_617 : i32 to index
        %swap3A_727 = arith.constant 32 : index
        %swap3A_728 = tpu.vector_load %arg16[%swap3A_726, %swap3A_727] {strides = array<i32>} : memref<16x128xf32, #tpu.memory_space<vmem>>, vector<1x16xf32>,
        %swap3A_729 = vector.shape_cast %swap3A_728 : vector<1x16xf32> to vector<16xf32>
        %swap3A_730 = vector.shape_cast %add3A_725 : vector<16xf32> to vector<1x16xf32>
        tpu.vector_store %arg16[%swap3A_726, %swap3A_727], %swap3A_730 {strides = array<i32>} : memref<16x128xf32, #tpu.memory_space<vmem>>, vector<1x16xf32>,
        %get3A_731 = arith.index_cast %mul3A_619 : i32 to index
        %get3A_732 = arith.constant 48 : index
        %get3A_733 = tpu.vector_load %arg12[%get3A_731, %get3A_732] {strides = array<i32>} : memref<80x128xf32, #tpu.memory_space<vmem>>, vector<1x16xf32>,
        %get3A_734 = vector.shape_cast %get3A_733 : vector<1x16xf32> to vector<16xf32>
        %add3A_735 = arith.constant 1 : i32
        %add3A_736 = arith.addi %mul3A_619, %add3A_735 : i32
        %get3A_737 = arith.index_cast %add3A_736 : i32 to index
        %get3A_738 = arith.constant 48 : index
        %get3A_739 = tpu.vector_load %arg12[%get3A_737, %get3A_738] {strides = array<i32>} : memref<80x128xf32, #tpu.memory_space<vmem>>, vector<1x16xf32>,
        %get3A_740 = vector.shape_cast %get3A_739 : vector<1x16xf32> to vector<16xf32>
        %add3A_741 = arith.addf %get3A_734, %get3A_740 : vector<16xf32>
        %add3A_742 = arith.constant 2 : i32
        %add3A_743 = arith.addi %mul3A_619, %add3A_742 : i32
        %get3A_744 = arith.index_cast %add3A_743 : i32 to index
        %get3A_745 = arith.constant 48 : index
        %get3A_746 = tpu.vector_load %arg12[%get3A_744, %get3A_745] {strides = array<i32>} : memref<80x128xf32, #tpu.memory_space<vmem>>, vector<1x16xf32>,
        %get3A_747 = vector.shape_cast %get3A_746 : vector<1x16xf32> to vector<16xf32>
        %add3A_748 = arith.addf %add3A_741, %get3A_747 : vector<16xf32>
        %add3A_749 = arith.constant 3 : i32
        %add3A_750 = arith.addi %mul3A_619, %add3A_749 : i32
        %get3A_751 = arith.index_cast %add3A_750 : i32 to index
        %get3A_752 = arith.constant 48 : index
        %get3A_753 = tpu.vector_load %arg12[%get3A_751, %get3A_752] {strides = array<i32>} : memref<80x128xf32, #tpu.memory_space<vmem>>, vector<1x16xf32>,
        %get3A_754 = vector.shape_cast %get3A_753 : vector<1x16xf32> to vector<16xf32>
        %add3A_755 = arith.addf %add3A_748, %get3A_754 : vector<16xf32>
        %add3A_756 = arith.constant 4 : i32
        %add3A_757 = arith.addi %mul3A_619, %add3A_756 : i32
        %get3A_758 = arith.index_cast %add3A_757 : i32 to index
        %get3A_759 = arith.constant 48 : index
        %get3A_760 = tpu.vector_load %arg12[%get3A_758, %get3A_759] {strides = array<i32>} : memref<80x128xf32, #tpu.memory_space<vmem>>, vector<1x16xf32>,
        %get3A_761 = vector.shape_cast %get3A_760 : vector<1x16xf32> to vector<16xf32>
        %add3A_762 = arith.addf %add3A_755, %get3A_761 : vector<16xf32>
        %swap3A_763 = arith.index_cast %scan3A_617 : i32 to index
        %swap3A_764 = arith.constant 48 : index
        %swap3A_765 = tpu.vector_load %arg16[%swap3A_763, %swap3A_764] {strides = array<i32>} : memref<16x128xf32, #tpu.memory_space<vmem>>, vector<1x16xf32>,
        %swap3A_766 = vector.shape_cast %swap3A_765 : vector<1x16xf32> to vector<16xf32>
        %swap3A_767 = vector.shape_cast %add3A_762 : vector<16xf32> to vector<1x16xf32>
        tpu.vector_store %arg16[%swap3A_763, %swap3A_764], %swap3A_767 {strides = array<i32>} : memref<16x128xf32, #tpu.memory_space<vmem>>, vector<1x16xf32>,
        %get3A_768 = arith.index_cast %mul3A_619 : i32 to index
        %get3A_769 = arith.constant 64 : index
        %get3A_770 = tpu.vector_load %arg12[%get3A_768, %get3A_769] {strides = array<i32>} : memref<80x128xf32, #tpu.memory_space<vmem>>, vector<1x16xf32>,
        %get3A_771 = vector.shape_cast %get3A_770 : vector<1x16xf32> to vector<16xf32>
        %add3A_772 = arith.constant 1 : i32
        %add3A_773 = arith.addi %mul3A_619, %add3A_772 : i32
        %get3A_774 = arith.index_cast %add3A_773 : i32 to index
        %get3A_775 = arith.constant 64 : index
        %get3A_776 = tpu.vector_load %arg12[%get3A_774, %get3A_775] {strides = array<i32>} : memref<80x128xf32, #tpu.memory_space<vmem>>, vector<1x16xf32>,
        %get3A_777 = vector.shape_cast %get3A_776 : vector<1x16xf32> to vector<16xf32>
        %add3A_778 = arith.addf %get3A_771, %get3A_777 : vector<16xf32>
        %add3A_779 = arith.constant 2 : i32
        %add3A_780 = arith.addi %mul3A_619, %add3A_779 : i32
        %get3A_781 = arith.index_cast %add3A_780 : i32 to index
        %get3A_782 = arith.constant 64 : index
        %get3A_783 = tpu.vector_load %arg12[%get3A_781, %get3A_782] {strides = array<i32>} : memref<80x128xf32, #tpu.memory_space<vmem>>, vector<1x16xf32>,
        %get3A_784 = vector.shape_cast %get3A_783 : vector<1x16xf32> to vector<16xf32>
        %add3A_785 = arith.addf %add3A_778, %get3A_784 : vector<16xf32>
        %add3A_786 = arith.constant 3 : i32
        %add3A_787 = arith.addi %mul3A_619, %add3A_786 : i32
        %get3A_788 = arith.index_cast %add3A_787 : i32 to index
        %get3A_789 = arith.constant 64 : index
        %get3A_790 = tpu.vector_load %arg12[%get3A_788, %get3A_789] {strides = array<i32>} : memref<80x128xf32, #tpu.memory_space<vmem>>, vector<1x16xf32>,
        %get3A_791 = vector.shape_cast %get3A_790 : vector<1x16xf32> to vector<16xf32>
        %add3A_792 = arith.addf %add3A_785, %get3A_791 : vector<16xf32>
        %add3A_793 = arith.constant 4 : i32
        %add3A_794 = arith.addi %mul3A_619, %add3A_793 : i32
        %get3A_795 = arith.index_cast %add3A_794 : i32 to index
        %get3A_796 = arith.constant 64 : index
        %get3A_797 = tpu.vector_load %arg12[%get3A_795, %get3A_796] {strides = array<i32>} : memref<80x128xf32, #tpu.memory_space<vmem>>, vector<1x16xf32>,
        %get3A_798 = vector.shape_cast %get3A_797 : vector<1x16xf32> to vector<16xf32>
        %add3A_799 = arith.addf %add3A_792, %get3A_798 : vector<16xf32>
        %swap3A_800 = arith.index_cast %scan3A_617 : i32 to index
        %swap3A_801 = arith.constant 64 : index
        %swap3A_802 = tpu.vector_load %arg16[%swap3A_800, %swap3A_801] {strides = array<i32>} : memref<16x128xf32, #tpu.memory_space<vmem>>, vector<1x16xf32>,
        %swap3A_803 = vector.shape_cast %swap3A_802 : vector<1x16xf32> to vector<16xf32>
        %swap3A_804 = vector.shape_cast %add3A_799 : vector<16xf32> to vector<1x16xf32>
        tpu.vector_store %arg16[%swap3A_800, %swap3A_801], %swap3A_804 {strides = array<i32>} : memref<16x128xf32, #tpu.memory_space<vmem>>, vector<1x16xf32>,
        %get3A_805 = arith.index_cast %mul3A_619 : i32 to index
        %get3A_806 = arith.constant 80 : index
        %get3A_807 = tpu.vector_load %arg12[%get3A_805, %get3A_806] {strides = array<i32>} : memref<80x128xf32, #tpu.memory_space<vmem>>, vector<1x16xf32>,
        %get3A_808 = vector.shape_cast %get3A_807 : vector<1x16xf32> to vector<16xf32>
        %add3A_809 = arith.constant 1 : i32
        %add3A_810 = arith.addi %mul3A_619, %add3A_809 : i32
        %get3A_811 = arith.index_cast %add3A_810 : i32 to index
        %get3A_812 = arith.constant 80 : index
        %get3A_813 = tpu.vector_load %arg12[%get3A_811, %get3A_812] {strides = array<i32>} : memref<80x128xf32, #tpu.memory_space<vmem>>, vector<1x16xf32>,
        %get3A_814 = vector.shape_cast %get3A_813 : vector<1x16xf32> to vector<16xf32>
        %add3A_815 = arith.addf %get3A_808, %get3A_814 : vector<16xf32>
        %add3A_816 = arith.constant 2 : i32
        %add3A_817 = arith.addi %mul3A_619, %add3A_816 : i32
        %get3A_818 = arith.index_cast %add3A_817 : i32 to index
        %get3A_819 = arith.constant 80 : index
        %get3A_820 = tpu.vector_load %arg12[%get3A_818, %get3A_819] {strides = array<i32>} : memref<80x128xf32, #tpu.memory_space<vmem>>, vector<1x16xf32>,
        %get3A_821 = vector.shape_cast %get3A_820 : vector<1x16xf32> to vector<16xf32>
        %add3A_822 = arith.addf %add3A_815, %get3A_821 : vector<16xf32>
        %add3A_823 = arith.constant 3 : i32
        %add3A_824 = arith.addi %mul3A_619, %add3A_823 : i32
        %get3A_825 = arith.index_cast %add3A_824 : i32 to index
        %get3A_826 = arith.constant 80 : index
        %get3A_827 = tpu.vector_load %arg12[%get3A_825, %get3A_826] {strides = array<i32>} : memref<80x128xf32, #tpu.memory_space<vmem>>, vector<1x16xf32>,
        %get3A_828 = vector.shape_cast %get3A_827 : vector<1x16xf32> to vector<16xf32>
        %add3A_829 = arith.addf %add3A_822, %get3A_828 : vector<16xf32>
        %add3A_830 = arith.constant 4 : i32
        %add3A_831 = arith.addi %mul3A_619, %add3A_830 : i32
        %get3A_832 = arith.index_cast %add3A_831 : i32 to index
        %get3A_833 = arith.constant 80 : index
        %get3A_834 = tpu.vector_load %arg12[%get3A_832, %get3A_833] {strides = array<i32>} : memref<80x128xf32, #tpu.memory_space<vmem>>, vector<1x16xf32>,
        %get3A_835 = vector.shape_cast %get3A_834 : vector<1x16xf32> to vector<16xf32>
        %add3A_836 = arith.addf %add3A_829, %get3A_835 : vector<16xf32>
        %swap3A_837 = arith.index_cast %scan3A_617 : i32 to index
        %swap3A_838 = arith.constant 80 : index
        %swap3A_839 = tpu.vector_load %arg16[%swap3A_837, %swap3A_838] {strides = array<i32>} : memref<16x128xf32, #tpu.memory_space<vmem>>, vector<1x16xf32>,
        %swap3A_840 = vector.shape_cast %swap3A_839 : vector<1x16xf32> to vector<16xf32>
        %swap3A_841 = vector.shape_cast %add3A_836 : vector<16xf32> to vector<1x16xf32>
        tpu.vector_store %arg16[%swap3A_837, %swap3A_838], %swap3A_841 {strides = array<i32>} : memref<16x128xf32, #tpu.memory_space<vmem>>, vector<1x16xf32>,
        %get3A_842 = arith.index_cast %mul3A_619 : i32 to index
        %get3A_843 = arith.constant 96 : index
        %get3A_844 = tpu.vector_load %arg12[%get3A_842, %get3A_843] {strides = array<i32>} : memref<80x128xf32, #tpu.memory_space<vmem>>, vector<1x16xf32>,
        %get3A_845 = vector.shape_cast %get3A_844 : vector<1x16xf32> to vector<16xf32>
        %add3A_846 = arith.constant 1 : i32
        %add3A_847 = arith.addi %mul3A_619, %add3A_846 : i32
        %get3A_848 = arith.index_cast %add3A_847 : i32 to index
        %get3A_849 = arith.constant 96 : index
        %get3A_850 = tpu.vector_load %arg12[%get3A_848, %get3A_849] {strides = array<i32>} : memref<80x128xf32, #tpu.memory_space<vmem>>, vector<1x16xf32>,
        %get3A_851 = vector.shape_cast %get3A_850 : vector<1x16xf32> to vector<16xf32>
        %add3A_852 = arith.addf %get3A_845, %get3A_851 : vector<16xf32>
        %add3A_853 = arith.constant 2 : i32
        %add3A_854 = arith.addi %mul3A_619, %add3A_853 : i32
        %get3A_855 = arith.index_cast %add3A_854 : i32 to index
        %get3A_856 = arith.constant 96 : index
        %get3A_857 = tpu.vector_load %arg12[%get3A_855, %get3A_856] {strides = array<i32>} : memref<80x128xf32, #tpu.memory_space<vmem>>, vector<1x16xf32>,
        %get3A_858 = vector.shape_cast %get3A_857 : vector<1x16xf32> to vector<16xf32>
        %add3A_859 = arith.addf %add3A_852, %get3A_858 : vector<16xf32>
        %add3A_860 = arith.constant 3 : i32
        %add3A_861 = arith.addi %mul3A_619, %add3A_860 : i32
        %get3A_862 = arith.index_cast %add3A_861 : i32 to index
        %get3A_863 = arith.constant 96 : index
        %get3A_864 = tpu.vector_load %arg12[%get3A_862, %get3A_863] {strides = array<i32>} : memref<80x128xf32, #tpu.memory_space<vmem>>, vector<1x16xf32>,
        %get3A_865 = vector.shape_cast %get3A_864 : vector<1x16xf32> to vector<16xf32>
        %add3A_866 = arith.addf %add3A_859, %get3A_865 : vector<16xf32>
        %add3A_867 = arith.constant 4 : i32
        %add3A_868 = arith.addi %mul3A_619, %add3A_867 : i32
        %get3A_869 = arith.index_cast %add3A_868 : i32 to index
        %get3A_870 = arith.constant 96 : index
        %get3A_871 = tpu.vector_load %arg12[%get3A_869, %get3A_870] {strides = array<i32>} : memref<80x128xf32, #tpu.memory_space<vmem>>, vector<1x16xf32>,
        %get3A_872 = vector.shape_cast %get3A_871 : vector<1x16xf32> to vector<16xf32>
        %add3A_873 = arith.addf %add3A_866, %get3A_872 : vector<16xf32>
        %swap3A_874 = arith.index_cast %scan3A_617 : i32 to index
        %swap3A_875 = arith.constant 96 : index
        %swap3A_876 = tpu.vector_load %arg16[%swap3A_874, %swap3A_875] {strides = array<i32>} : memref<16x128xf32, #tpu.memory_space<vmem>>, vector<1x16xf32>,
        %swap3A_877 = vector.shape_cast %swap3A_876 : vector<1x16xf32> to vector<16xf32>
        %swap3A_878 = vector.shape_cast %add3A_873 : vector<16xf32> to vector<1x16xf32>
        tpu.vector_store %arg16[%swap3A_874, %swap3A_875], %swap3A_878 {strides = array<i32>} : memref<16x128xf32, #tpu.memory_space<vmem>>, vector<1x16xf32>,
        %get3A_879 = arith.index_cast %mul3A_619 : i32 to index
        %get3A_880 = arith.constant 112 : index
        %get3A_881 = tpu.vector_load %arg12[%get3A_879, %get3A_880] {strides = array<i32>} : memref<80x128xf32, #tpu.memory_space<vmem>>, vector<1x16xf32>,
        %get3A_882 = vector.shape_cast %get3A_881 : vector<1x16xf32> to vector<16xf32>
        %add3A_883 = arith.constant 1 : i32
        %add3A_884 = arith.addi %mul3A_619, %add3A_883 : i32
        %get3A_885 = arith.index_cast %add3A_884 : i32 to index
        %get3A_886 = arith.constant 112 : index
        %get3A_887 = tpu.vector_load %arg12[%get3A_885, %get3A_886] {strides = array<i32>} : memref<80x128xf32, #tpu.memory_space<vmem>>, vector<1x16xf32>,
        %get3A_888 = vector.shape_cast %get3A_887 : vector<1x16xf32> to vector<16xf32>
        %add3A_889 = arith.addf %get3A_882, %get3A_888 : vector<16xf32>
        %add3A_890 = arith.constant 2 : i32
        %add3A_891 = arith.addi %mul3A_619, %add3A_890 : i32
        %get3A_892 = arith.index_cast %add3A_891 : i32 to index
        %get3A_893 = arith.constant 112 : index
        %get3A_894 = tpu.vector_load %arg12[%get3A_892, %get3A_893] {strides = array<i32>} : memref<80x128xf32, #tpu.memory_space<vmem>>, vector<1x16xf32>,
        %get3A_895 = vector.shape_cast %get3A_894 : vector<1x16xf32> to vector<16xf32>
        %add3A_896 = arith.addf %add3A_889, %get3A_895 : vector<16xf32>
        %add3A_897 = arith.constant 3 : i32
        %add3A_898 = arith.addi %mul3A_619, %add3A_897 : i32
        %get3A_899 = arith.index_cast %add3A_898 : i32 to index
        %get3A_900 = arith.constant 112 : index
        %get3A_901 = tpu.vector_load %arg12[%get3A_899, %get3A_900] {strides = array<i32>} : memref<80x128xf32, #tpu.memory_space<vmem>>, vector<1x16xf32>,
        %get3A_902 = vector.shape_cast %get3A_901 : vector<1x16xf32> to vector<16xf32>
        %add3A_903 = arith.addf %add3A_896, %get3A_902 : vector<16xf32>
        %add3A_904 = arith.constant 4 : i32
        %add3A_905 = arith.addi %mul3A_619, %add3A_904 : i32
        %get3A_906 = arith.index_cast %add3A_905 : i32 to index
        %get3A_907 = arith.constant 112 : index
        %get3A_908 = tpu.vector_load %arg12[%get3A_906, %get3A_907] {strides = array<i32>} : memref<80x128xf32, #tpu.memory_space<vmem>>, vector<1x16xf32>,
        %get3A_909 = vector.shape_cast %get3A_908 : vector<1x16xf32> to vector<16xf32>
        %add3A_910 = arith.addf %add3A_903, %get3A_909 : vector<16xf32>
        %swap3A_911 = arith.index_cast %scan3A_617 : i32 to index
        %swap3A_912 = arith.constant 112 : index
        %swap3A_913 = tpu.vector_load %arg16[%swap3A_911, %swap3A_912] {strides = array<i32>} : memref<16x128xf32, #tpu.memory_space<vmem>>, vector<1x16xf32>,
        %swap3A_914 = vector.shape_cast %swap3A_913 : vector<1x16xf32> to vector<16xf32>
        %swap3A_915 = vector.shape_cast %add3A_910 : vector<16xf32> to vector<1x16xf32>
        tpu.vector_store %arg16[%swap3A_911, %swap3A_912], %swap3A_915 {strides = array<i32>} : memref<16x128xf32, #tpu.memory_space<vmem>>, vector<1x16xf32>,
      }
      %scan3A_535 = arith.constant 16 : i32
      %dma_start3A_536 = arith.constant 0 : i32
      %dma_start3A_537 = tpu.memref_slice %arg6[%add3A_524, %dma_start3A_536] : memref<10240x128xf32, #tpu.memory_space<hbm>> -> memref<16x128xf32, #tpu.memory_space<hbm>>
      %dma_start3A_538 = arith.constant 0 : i32
      %dma_start3A_539 = tpu.memref_slice %arg6[%add3A_524, %dma_start3A_538] : memref<10240x128xf32, #tpu.memory_space<hbm>> -> memref<16x128xf32, #tpu.memory_space<hbm>>
      tpu.enqueue_dma source(%arg16 : memref<16x128xf32, #tpu.memory_space<vmem>>) target(%dma_start3A_539 : memref<16x128xf32, #tpu.memory_space<hbm>>) target_semaphore(%arg28 : memref<!tpu.dma_semaphore, #tpu.memory_space<semaphore_mem>>)
      %add3A_540 = arith.constant 4 : i32
      %add3A_541 = arith.addi %add3A_476, %add3A_540 : i32
      %lt3A_542 = arith.cmpi slt, %add3A_541, %select_n3A_58 : i32
      %convert_element_type3A_543 = arith.extui %lt3A_542 : i1 to i32
      %cond3A_544 = arith.constant 0 : i32
      %cond3A_545 = arith.cmpi ne, %convert_element_type3A_543, %cond3A_544 : i32
      scf.if %cond3A_545 {
        %mul3A_617 = arith.constant 80 : i32
        %mul3A_618 = arith.muli %add3A_541, %mul3A_617 : i32
        %add3A_619 = arith.constant 0 : i32
        %add3A_620 = arith.addi %mul3A_618, %add3A_619 : i32
        %get3A_621 = arith.index_cast %add3A_620 : i32 to index
        %get3A_622 = tpu.vector_load %arg9[%get3A_621] {strides = array<i32>} : memref<2560xi32, #tpu.memory_space<vmem>>, vector<16xi32>,
        %get3A_623 = vector.shape_cast %get3A_622 : vector<16xi32> to vector<16xi32>
        %dma_start3A_624 = arith.constant 0 : i32
        %dma_start3A_625 = arith.constant 0 : i32
        %dma_start3A_626 = tpu.memref_slice %arg12[%dma_start3A_624, %dma_start3A_625] : memref<80x128xf32, #tpu.memory_space<vmem>> -> memref<16x128xf32, #tpu.memory_space<vmem>>
        %dma_start3A_627 = arith.constant 0 : i32
        %dma_start3A_628 = arith.constant 0 : i32
        %dma_start3A_629 = tpu.memref_slice %arg3[%dma_start3A_627, %dma_start3A_628] : memref<100000x128xf32, #tpu.memory_space<hbm>> -> memref<100000x128xf32, #tpu.memory_space<hbm>>
        tpu.enqueue_indirect_dma source(%dma_start3A_629 : memref<100000x128xf32, #tpu.memory_space<hbm>>) target(%dma_start3A_626 : memref<16x128xf32, #tpu.memory_space<vmem>>) offsets(%get3A_623 : vector<16xi32>) semaphore(%arg24 : memref<!tpu.dma_semaphore, #tpu.memory_space<semaphore_mem>>)
        %mul3A_630 = arith.constant 80 : i32
        %mul3A_631 = arith.muli %add3A_541, %mul3A_630 : i32
        %add3A_632 = arith.constant 16 : i32
        %add3A_633 = arith.addi %mul3A_631, %add3A_632 : i32
        %get3A_634 = arith.index_cast %add3A_633 : i32 to index
        %get3A_635 = tpu.vector_load %arg9[%get3A_634] {strides = array<i32>} : memref<2560xi32, #tpu.memory_space<vmem>>, vector<16xi32>,
        %get3A_636 = vector.shape_cast %get3A_635 : vector<16xi32> to vector<16xi32>
        %dma_start3A_637 = arith.constant 16 : i32
        %dma_start3A_638 = arith.constant 0 : i32
        %dma_start3A_639 = tpu.memref_slice %arg12[%dma_start3A_637, %dma_start3A_638] : memref<80x128xf32, #tpu.memory_space<vmem>> -> memref<16x128xf32, #tpu.memory_space<vmem>>
        %dma_start3A_640 = arith.constant 0 : i32
        %dma_start3A_641 = arith.constant 0 : i32
        %dma_start3A_642 = tpu.memref_slice %arg3[%dma_start3A_640, %dma_start3A_641] : memref<100000x128xf32, #tpu.memory_space<hbm>> -> memref<100000x128xf32, #tpu.memory_space<hbm>>
        tpu.enqueue_indirect_dma source(%dma_start3A_642 : memref<100000x128xf32, #tpu.memory_space<hbm>>) target(%dma_start3A_639 : memref<16x128xf32, #tpu.memory_space<vmem>>) offsets(%get3A_636 : vector<16xi32>) semaphore(%arg24 : memref<!tpu.dma_semaphore, #tpu.memory_space<semaphore_mem>>)
        %mul3A_643 = arith.constant 80 : i32
        %mul3A_644 = arith.muli %add3A_541, %mul3A_643 : i32
        %add3A_645 = arith.constant 32 : i32
        %add3A_646 = arith.addi %mul3A_644, %add3A_645 : i32
        %get3A_647 = arith.index_cast %add3A_646 : i32 to index
        %get3A_648 = tpu.vector_load %arg9[%get3A_647] {strides = array<i32>} : memref<2560xi32, #tpu.memory_space<vmem>>, vector<16xi32>,
        %get3A_649 = vector.shape_cast %get3A_648 : vector<16xi32> to vector<16xi32>
        %dma_start3A_650 = arith.constant 32 : i32
        %dma_start3A_651 = arith.constant 0 : i32
        %dma_start3A_652 = tpu.memref_slice %arg12[%dma_start3A_650, %dma_start3A_651] : memref<80x128xf32, #tpu.memory_space<vmem>> -> memref<16x128xf32, #tpu.memory_space<vmem>>
        %dma_start3A_653 = arith.constant 0 : i32
        %dma_start3A_654 = arith.constant 0 : i32
        %dma_start3A_655 = tpu.memref_slice %arg3[%dma_start3A_653, %dma_start3A_654] : memref<100000x128xf32, #tpu.memory_space<hbm>> -> memref<100000x128xf32, #tpu.memory_space<hbm>>
        tpu.enqueue_indirect_dma source(%dma_start3A_655 : memref<100000x128xf32, #tpu.memory_space<hbm>>) target(%dma_start3A_652 : memref<16x128xf32, #tpu.memory_space<vmem>>) offsets(%get3A_649 : vector<16xi32>) semaphore(%arg24 : memref<!tpu.dma_semaphore, #tpu.memory_space<semaphore_mem>>)
        %mul3A_656 = arith.constant 80 : i32
        %mul3A_657 = arith.muli %add3A_541, %mul3A_656 : i32
        %add3A_658 = arith.constant 48 : i32
        %add3A_659 = arith.addi %mul3A_657, %add3A_658 : i32
        %get3A_660 = arith.index_cast %add3A_659 : i32 to index
        %get3A_661 = tpu.vector_load %arg9[%get3A_660] {strides = array<i32>} : memref<2560xi32, #tpu.memory_space<vmem>>, vector<16xi32>,
        %get3A_662 = vector.shape_cast %get3A_661 : vector<16xi32> to vector<16xi32>
        %dma_start3A_663 = arith.constant 48 : i32
        %dma_start3A_664 = arith.constant 0 : i32
        %dma_start3A_665 = tpu.memref_slice %arg12[%dma_start3A_663, %dma_start3A_664] : memref<80x128xf32, #tpu.memory_space<vmem>> -> memref<16x128xf32, #tpu.memory_space<vmem>>
        %dma_start3A_666 = arith.constant 0 : i32
        %dma_start3A_667 = arith.constant 0 : i32
        %dma_start3A_668 = tpu.memref_slice %arg3[%dma_start3A_666, %dma_start3A_667] : memref<100000x128xf32, #tpu.memory_space<hbm>> -> memref<100000x128xf32, #tpu.memory_space<hbm>>
        tpu.enqueue_indirect_dma source(%dma_start3A_668 : memref<100000x128xf32, #tpu.memory_space<hbm>>) target(%dma_start3A_665 : memref<16x128xf32, #tpu.memory_space<vmem>>) offsets(%get3A_662 : vector<16xi32>) semaphore(%arg24 : memref<!tpu.dma_semaphore, #tpu.memory_space<semaphore_mem>>)
        %mul3A_669 = arith.constant 80 : i32
        %mul3A_670 = arith.muli %add3A_541, %mul3A_669 : i32
        %add3A_671 = arith.constant 64 : i32
        %add3A_672 = arith.addi %mul3A_670, %add3A_671 : i32
        %get3A_673 = arith.index_cast %add3A_672 : i32 to index
        %get3A_674 = tpu.vector_load %arg9[%get3A_673] {strides = array<i32>} : memref<2560xi32, #tpu.memory_space<vmem>>, vector<16xi32>,
        %get3A_675 = vector.shape_cast %get3A_674 : vector<16xi32> to vector<16xi32>
        %dma_start3A_676 = arith.constant 64 : i32
        %dma_start3A_677 = arith.constant 0 : i32
        %dma_start3A_678 = tpu.memref_slice %arg12[%dma_start3A_676, %dma_start3A_677] : memref<80x128xf32, #tpu.memory_space<vmem>> -> memref<16x128xf32, #tpu.memory_space<vmem>>
        %dma_start3A_679 = arith.constant 0 : i32
        %dma_start3A_680 = arith.constant 0 : i32
        %dma_start3A_681 = tpu.memref_slice %arg3[%dma_start3A_679, %dma_start3A_680] : memref<100000x128xf32, #tpu.memory_space<hbm>> -> memref<100000x128xf32, #tpu.memory_space<hbm>>
        tpu.enqueue_indirect_dma source(%dma_start3A_681 : memref<100000x128xf32, #tpu.memory_space<hbm>>) target(%dma_start3A_678 : memref<16x128xf32, #tpu.memory_space<vmem>>) offsets(%get3A_675 : vector<16xi32>) semaphore(%arg24 : memref<!tpu.dma_semaphore, #tpu.memory_space<semaphore_mem>>)
      } else {
      }
      %add3A_546 = arith.constant 3 : i32
      %add3A_547 = arith.addi %mul3A_333, %add3A_546 : i32
      %get3A_548 = arith.constant 0 : index
      %get3A_549 = tpu.vector_load %arg9[%get3A_548] {strides = array<i32>} : memref<2560xi32, #tpu.memory_space<vmem>>, vector<16xi32>,
      %get3A_550 = vector.shape_cast %get3A_549 : vector<16xi32> to vector<16xi32>
      %dma_wait3A_551 = arith.constant 0 : i32
      %dma_wait3A_552 = arith.constant 0 : i32
      %dma_wait3A_553 = tpu.memref_slice %arg13[%dma_wait3A_551, %dma_wait3A_552] : memref<80x128xf32, #tpu.memory_space<vmem>> -> memref<16x128xf32, #tpu.memory_space<vmem>>
      %dma_wait3A_554 = arith.constant 0 : i32
      %dma_wait3A_555 = arith.constant 0 : i32
      %dma_wait3A_556 = tpu.memref_slice %arg3[%dma_wait3A_554, %dma_wait3A_555] : memref<100000x128xf32, #tpu.memory_space<hbm>> -> memref<100000x128xf32, #tpu.memory_space<hbm>>
      tpu.wait_indirect_dma semaphore(%arg25 : memref<!tpu.dma_semaphore, #tpu.memory_space<semaphore_mem>>) src(%dma_wait3A_556 : memref<100000x128xf32, #tpu.memory_space<hbm>>) dst(%dma_wait3A_553 : memref<16x128xf32, #tpu.memory_space<vmem>>)
      %get3A_557 = arith.constant 0 : index
      %get3A_558 = tpu.vector_load %arg9[%get3A_557] {strides = array<i32>} : memref<2560xi32, #tpu.memory_space<vmem>>, vector<16xi32>,
      %get3A_559 = vector.shape_cast %get3A_558 : vector<16xi32> to vector<16xi32>
      %dma_wait3A_560 = arith.constant 0 : i32
      %dma_wait3A_561 = arith.constant 0 : i32
      %dma_wait3A_562 = tpu.memref_slice %arg13[%dma_wait3A_560, %dma_wait3A_561] : memref<80x128xf32, #tpu.memory_space<vmem>> -> memref<16x128xf32, #tpu.memory_space<vmem>>
      %dma_wait3A_563 = arith.constant 0 : i32
      %dma_wait3A_564 = arith.constant 0 : i32
      %dma_wait3A_565 = tpu.memref_slice %arg3[%dma_wait3A_563, %dma_wait3A_564] : memref<100000x128xf32, #tpu.memory_space<hbm>> -> memref<100000x128xf32, #tpu.memory_space<hbm>>
      tpu.wait_indirect_dma semaphore(%arg25 : memref<!tpu.dma_semaphore, #tpu.memory_space<semaphore_mem>>) src(%dma_wait3A_565 : memref<100000x128xf32, #tpu.memory_space<hbm>>) dst(%dma_wait3A_562 : memref<16x128xf32, #tpu.memory_space<vmem>>)
      %get3A_566 = arith.constant 0 : index
      %get3A_567 = tpu.vector_load %arg9[%get3A_566] {strides = array<i32>} : memref<2560xi32, #tpu.memory_space<vmem>>, vector<16xi32>,
      %get3A_568 = vector.shape_cast %get3A_567 : vector<16xi32> to vector<16xi32>
      %dma_wait3A_569 = arith.constant 0 : i32
      %dma_wait3A_570 = arith.constant 0 : i32
      %dma_wait3A_571 = tpu.memref_slice %arg13[%dma_wait3A_569, %dma_wait3A_570] : memref<80x128xf32, #tpu.memory_space<vmem>> -> memref<16x128xf32, #tpu.memory_space<vmem>>
      %dma_wait3A_572 = arith.constant 0 : i32
      %dma_wait3A_573 = arith.constant 0 : i32
      %dma_wait3A_574 = tpu.memref_slice %arg3[%dma_wait3A_572, %dma_wait3A_573] : memref<100000x128xf32, #tpu.memory_space<hbm>> -> memref<100000x128xf32, #tpu.memory_space<hbm>>
      tpu.wait_indirect_dma semaphore(%arg25 : memref<!tpu.dma_semaphore, #tpu.memory_space<semaphore_mem>>) src(%dma_wait3A_574 : memref<100000x128xf32, #tpu.memory_space<hbm>>) dst(%dma_wait3A_571 : memref<16x128xf32, #tpu.memory_space<vmem>>)
      %get3A_575 = arith.constant 0 : index
      %get3A_576 = tpu.vector_load %arg9[%get3A_575] {strides = array<i32>} : memref<2560xi32, #tpu.memory_space<vmem>>, vector<16xi32>,
      %get3A_577 = vector.shape_cast %get3A_576 : vector<16xi32> to vector<16xi32>
      %dma_wait3A_578 = arith.constant 0 : i32
      %dma_wait3A_579 = arith.constant 0 : i32
      %dma_wait3A_580 = tpu.memref_slice %arg13[%dma_wait3A_578, %dma_wait3A_579] : memref<80x128xf32, #tpu.memory_space<vmem>> -> memref<16x128xf32, #tpu.memory_space<vmem>>
      %dma_wait3A_581 = arith.constant 0 : i32
      %dma_wait3A_582 = arith.constant 0 : i32
      %dma_wait3A_583 = tpu.memref_slice %arg3[%dma_wait3A_581, %dma_wait3A_582] : memref<100000x128xf32, #tpu.memory_space<hbm>> -> memref<100000x128xf32, #tpu.memory_space<hbm>>
      tpu.wait_indirect_dma semaphore(%arg25 : memref<!tpu.dma_semaphore, #tpu.memory_space<semaphore_mem>>) src(%dma_wait3A_583 : memref<100000x128xf32, #tpu.memory_space<hbm>>) dst(%dma_wait3A_580 : memref<16x128xf32, #tpu.memory_space<vmem>>)
      %get3A_584 = arith.constant 0 : index
      %get3A_585 = tpu.vector_load %arg9[%get3A_584] {strides = array<i32>} : memref<2560xi32, #tpu.memory_space<vmem>>, vector<16xi32>,
      %get3A_586 = vector.shape_cast %get3A_585 : vector<16xi32> to vector<16xi32>
      %dma_wait3A_587 = arith.constant 0 : i32
      %dma_wait3A_588 = arith.constant 0 : i32
      %dma_wait3A_589 = tpu.memref_slice %arg13[%dma_wait3A_587, %dma_wait3A_588] : memref<80x128xf32, #tpu.memory_space<vmem>> -> memref<16x128xf32, #tpu.memory_space<vmem>>
      %dma_wait3A_590 = arith.constant 0 : i32
      %dma_wait3A_591 = arith.constant 0 : i32
      %dma_wait3A_592 = tpu.memref_slice %arg3[%dma_wait3A_590, %dma_wait3A_591] : memref<100000x128xf32, #tpu.memory_space<hbm>> -> memref<100000x128xf32, #tpu.memory_space<hbm>>
      tpu.wait_indirect_dma semaphore(%arg25 : memref<!tpu.dma_semaphore, #tpu.memory_space<semaphore_mem>>) src(%dma_wait3A_592 : memref<100000x128xf32, #tpu.memory_space<hbm>>) dst(%dma_wait3A_589 : memref<16x128xf32, #tpu.memory_space<vmem>>)
      %mul3A_593 = arith.constant 16 : i32
      %mul3A_594 = arith.muli %add3A_547, %mul3A_593 : i32
      %add3A_595 = arith.addi %add3A_67, %mul3A_594 : i32
      %gt3A_596 = arith.constant 0 : i32
      %gt3A_597 = arith.cmpi sgt, %while3A_331, %gt3A_596 : i32
      %convert_element_type3A_598 = arith.extui %gt3A_597 : i1 to i32
      %cond3A_599 = arith.constant 0 : i32
      %cond3A_600 = arith.cmpi ne, %convert_element_type3A_598, %cond3A_599 : i32
      scf.if %cond3A_600 {
        %dma_wait3A_617 = arith.constant 0 : i32
        %dma_wait3A_618 = arith.constant 0 : i32
        %dma_wait3A_619 = tpu.memref_slice %arg6[%dma_wait3A_617, %dma_wait3A_618] : memref<10240x128xf32, #tpu.memory_space<hbm>> -> memref<16x128xf32, #tpu.memory_space<hbm>>
        %dma_wait3A_620 = arith.constant 0 : i32
        %dma_wait3A_621 = arith.constant 0 : i32
        %dma_wait3A_622 = tpu.memref_slice %arg6[%dma_wait3A_620, %dma_wait3A_621] : memref<10240x128xf32, #tpu.memory_space<hbm>> -> memref<16x128xf32, #tpu.memory_space<hbm>>
        tpu.wait_dma2 semaphore(%arg29 : memref<!tpu.dma_semaphore, #tpu.memory_space<semaphore_mem>>) src(%arg17 : memref<16x128xf32, #tpu.memory_space<vmem>>) dst(%dma_wait3A_622 : memref<16x128xf32, #tpu.memory_space<hbm>>)
      } else {
      }
      %scan3A_601 = arith.constant 0 : i32
      %scan3A_602 = arith.constant 0 : i32
      %scan3A_603 = arith.constant 16 : i32
      %scan3A_604 = arith.addi %scan3A_602, %scan3A_603 : i32
      %scan3A_605 = arith.constant 1 : i32
      scf.for %scan3A_617 = %scan3A_602 to %scan3A_604 step %scan3A_605  : i32 {
        %mul3A_618 = arith.constant 5 : i32
        %mul3A_619 = arith.muli %mul3A_618, %scan3A_617 : i32
        %get3A_620 = arith.index_cast %mul3A_619 : i32 to index
        %get3A_621 = arith.constant 0 : index
        %get3A_622 = tpu.vector_load %arg13[%get3A_620, %get3A_621] {strides = array<i32>} : memref<80x128xf32, #tpu.memory_space<vmem>>, vector<1x16xf32>,
        %get3A_623 = vector.shape_cast %get3A_622 : vector<1x16xf32> to vector<16xf32>
        %add3A_624 = arith.constant 1 : i32
        %add3A_625 = arith.addi %mul3A_619, %add3A_624 : i32
        %get3A_626 = arith.index_cast %add3A_625 : i32 to index
        %get3A_627 = arith.constant 0 : index
        %get3A_628 = tpu.vector_load %arg13[%get3A_626, %get3A_627] {strides = array<i32>} : memref<80x128xf32, #tpu.memory_space<vmem>>, vector<1x16xf32>,
        %get3A_629 = vector.shape_cast %get3A_628 : vector<1x16xf32> to vector<16xf32>
        %add3A_630 = arith.addf %get3A_623, %get3A_629 : vector<16xf32>
        %add3A_631 = arith.constant 2 : i32
        %add3A_632 = arith.addi %mul3A_619, %add3A_631 : i32
        %get3A_633 = arith.index_cast %add3A_632 : i32 to index
        %get3A_634 = arith.constant 0 : index
        %get3A_635 = tpu.vector_load %arg13[%get3A_633, %get3A_634] {strides = array<i32>} : memref<80x128xf32, #tpu.memory_space<vmem>>, vector<1x16xf32>,
        %get3A_636 = vector.shape_cast %get3A_635 : vector<1x16xf32> to vector<16xf32>
        %add3A_637 = arith.addf %add3A_630, %get3A_636 : vector<16xf32>
        %add3A_638 = arith.constant 3 : i32
        %add3A_639 = arith.addi %mul3A_619, %add3A_638 : i32
        %get3A_640 = arith.index_cast %add3A_639 : i32 to index
        %get3A_641 = arith.constant 0 : index
        %get3A_642 = tpu.vector_load %arg13[%get3A_640, %get3A_641] {strides = array<i32>} : memref<80x128xf32, #tpu.memory_space<vmem>>, vector<1x16xf32>,
        %get3A_643 = vector.shape_cast %get3A_642 : vector<1x16xf32> to vector<16xf32>
        %add3A_644 = arith.addf %add3A_637, %get3A_643 : vector<16xf32>
        %add3A_645 = arith.constant 4 : i32
        %add3A_646 = arith.addi %mul3A_619, %add3A_645 : i32
        %get3A_647 = arith.index_cast %add3A_646 : i32 to index
        %get3A_648 = arith.constant 0 : index
        %get3A_649 = tpu.vector_load %arg13[%get3A_647, %get3A_648] {strides = array<i32>} : memref<80x128xf32, #tpu.memory_space<vmem>>, vector<1x16xf32>,
        %get3A_650 = vector.shape_cast %get3A_649 : vector<1x16xf32> to vector<16xf32>
        %add3A_651 = arith.addf %add3A_644, %get3A_650 : vector<16xf32>
        %swap3A_652 = arith.index_cast %scan3A_617 : i32 to index
        %swap3A_653 = arith.constant 0 : index
        %swap3A_654 = tpu.vector_load %arg17[%swap3A_652, %swap3A_653] {strides = array<i32>} : memref<16x128xf32, #tpu.memory_space<vmem>>, vector<1x16xf32>,
        %swap3A_655 = vector.shape_cast %swap3A_654 : vector<1x16xf32> to vector<16xf32>
        %swap3A_656 = vector.shape_cast %add3A_651 : vector<16xf32> to vector<1x16xf32>
        tpu.vector_store %arg17[%swap3A_652, %swap3A_653], %swap3A_656 {strides = array<i32>} : memref<16x128xf32, #tpu.memory_space<vmem>>, vector<1x16xf32>,
        %get3A_657 = arith.index_cast %mul3A_619 : i32 to index
        %get3A_658 = arith.constant 16 : index
        %get3A_659 = tpu.vector_load %arg13[%get3A_657, %get3A_658] {strides = array<i32>} : memref<80x128xf32, #tpu.memory_space<vmem>>, vector<1x16xf32>,
        %get3A_660 = vector.shape_cast %get3A_659 : vector<1x16xf32> to vector<16xf32>
        %add3A_661 = arith.constant 1 : i32
        %add3A_662 = arith.addi %mul3A_619, %add3A_661 : i32
        %get3A_663 = arith.index_cast %add3A_662 : i32 to index
        %get3A_664 = arith.constant 16 : index
        %get3A_665 = tpu.vector_load %arg13[%get3A_663, %get3A_664] {strides = array<i32>} : memref<80x128xf32, #tpu.memory_space<vmem>>, vector<1x16xf32>,
        %get3A_666 = vector.shape_cast %get3A_665 : vector<1x16xf32> to vector<16xf32>
        %add3A_667 = arith.addf %get3A_660, %get3A_666 : vector<16xf32>
        %add3A_668 = arith.constant 2 : i32
        %add3A_669 = arith.addi %mul3A_619, %add3A_668 : i32
        %get3A_670 = arith.index_cast %add3A_669 : i32 to index
        %get3A_671 = arith.constant 16 : index
        %get3A_672 = tpu.vector_load %arg13[%get3A_670, %get3A_671] {strides = array<i32>} : memref<80x128xf32, #tpu.memory_space<vmem>>, vector<1x16xf32>,
        %get3A_673 = vector.shape_cast %get3A_672 : vector<1x16xf32> to vector<16xf32>
        %add3A_674 = arith.addf %add3A_667, %get3A_673 : vector<16xf32>
        %add3A_675 = arith.constant 3 : i32
        %add3A_676 = arith.addi %mul3A_619, %add3A_675 : i32
        %get3A_677 = arith.index_cast %add3A_676 : i32 to index
        %get3A_678 = arith.constant 16 : index
        %get3A_679 = tpu.vector_load %arg13[%get3A_677, %get3A_678] {strides = array<i32>} : memref<80x128xf32, #tpu.memory_space<vmem>>, vector<1x16xf32>,
        %get3A_680 = vector.shape_cast %get3A_679 : vector<1x16xf32> to vector<16xf32>
        %add3A_681 = arith.addf %add3A_674, %get3A_680 : vector<16xf32>
        %add3A_682 = arith.constant 4 : i32
        %add3A_683 = arith.addi %mul3A_619, %add3A_682 : i32
        %get3A_684 = arith.index_cast %add3A_683 : i32 to index
        %get3A_685 = arith.constant 16 : index
        %get3A_686 = tpu.vector_load %arg13[%get3A_684, %get3A_685] {strides = array<i32>} : memref<80x128xf32, #tpu.memory_space<vmem>>, vector<1x16xf32>,
        %get3A_687 = vector.shape_cast %get3A_686 : vector<1x16xf32> to vector<16xf32>
        %add3A_688 = arith.addf %add3A_681, %get3A_687 : vector<16xf32>
        %swap3A_689 = arith.index_cast %scan3A_617 : i32 to index
        %swap3A_690 = arith.constant 16 : index
        %swap3A_691 = tpu.vector_load %arg17[%swap3A_689, %swap3A_690] {strides = array<i32>} : memref<16x128xf32, #tpu.memory_space<vmem>>, vector<1x16xf32>,
        %swap3A_692 = vector.shape_cast %swap3A_691 : vector<1x16xf32> to vector<16xf32>
        %swap3A_693 = vector.shape_cast %add3A_688 : vector<16xf32> to vector<1x16xf32>
        tpu.vector_store %arg17[%swap3A_689, %swap3A_690], %swap3A_693 {strides = array<i32>} : memref<16x128xf32, #tpu.memory_space<vmem>>, vector<1x16xf32>,
        %get3A_694 = arith.index_cast %mul3A_619 : i32 to index
        %get3A_695 = arith.constant 32 : index
        %get3A_696 = tpu.vector_load %arg13[%get3A_694, %get3A_695] {strides = array<i32>} : memref<80x128xf32, #tpu.memory_space<vmem>>, vector<1x16xf32>,
        %get3A_697 = vector.shape_cast %get3A_696 : vector<1x16xf32> to vector<16xf32>
        %add3A_698 = arith.constant 1 : i32
        %add3A_699 = arith.addi %mul3A_619, %add3A_698 : i32
        %get3A_700 = arith.index_cast %add3A_699 : i32 to index
        %get3A_701 = arith.constant 32 : index
        %get3A_702 = tpu.vector_load %arg13[%get3A_700, %get3A_701] {strides = array<i32>} : memref<80x128xf32, #tpu.memory_space<vmem>>, vector<1x16xf32>,
        %get3A_703 = vector.shape_cast %get3A_702 : vector<1x16xf32> to vector<16xf32>
        %add3A_704 = arith.addf %get3A_697, %get3A_703 : vector<16xf32>
        %add3A_705 = arith.constant 2 : i32
        %add3A_706 = arith.addi %mul3A_619, %add3A_705 : i32
        %get3A_707 = arith.index_cast %add3A_706 : i32 to index
        %get3A_708 = arith.constant 32 : index
        %get3A_709 = tpu.vector_load %arg13[%get3A_707, %get3A_708] {strides = array<i32>} : memref<80x128xf32, #tpu.memory_space<vmem>>, vector<1x16xf32>,
        %get3A_710 = vector.shape_cast %get3A_709 : vector<1x16xf32> to vector<16xf32>
        %add3A_711 = arith.addf %add3A_704, %get3A_710 : vector<16xf32>
        %add3A_712 = arith.constant 3 : i32
        %add3A_713 = arith.addi %mul3A_619, %add3A_712 : i32
        %get3A_714 = arith.index_cast %add3A_713 : i32 to index
        %get3A_715 = arith.constant 32 : index
        %get3A_716 = tpu.vector_load %arg13[%get3A_714, %get3A_715] {strides = array<i32>} : memref<80x128xf32, #tpu.memory_space<vmem>>, vector<1x16xf32>,
        %get3A_717 = vector.shape_cast %get3A_716 : vector<1x16xf32> to vector<16xf32>
        %add3A_718 = arith.addf %add3A_711, %get3A_717 : vector<16xf32>
        %add3A_719 = arith.constant 4 : i32
        %add3A_720 = arith.addi %mul3A_619, %add3A_719 : i32
        %get3A_721 = arith.index_cast %add3A_720 : i32 to index
        %get3A_722 = arith.constant 32 : index
        %get3A_723 = tpu.vector_load %arg13[%get3A_721, %get3A_722] {strides = array<i32>} : memref<80x128xf32, #tpu.memory_space<vmem>>, vector<1x16xf32>,
        %get3A_724 = vector.shape_cast %get3A_723 : vector<1x16xf32> to vector<16xf32>
        %add3A_725 = arith.addf %add3A_718, %get3A_724 : vector<16xf32>
        %swap3A_726 = arith.index_cast %scan3A_617 : i32 to index
        %swap3A_727 = arith.constant 32 : index
        %swap3A_728 = tpu.vector_load %arg17[%swap3A_726, %swap3A_727] {strides = array<i32>} : memref<16x128xf32, #tpu.memory_space<vmem>>, vector<1x16xf32>,
        %swap3A_729 = vector.shape_cast %swap3A_728 : vector<1x16xf32> to vector<16xf32>
        %swap3A_730 = vector.shape_cast %add3A_725 : vector<16xf32> to vector<1x16xf32>
        tpu.vector_store %arg17[%swap3A_726, %swap3A_727], %swap3A_730 {strides = array<i32>} : memref<16x128xf32, #tpu.memory_space<vmem>>, vector<1x16xf32>,
        %get3A_731 = arith.index_cast %mul3A_619 : i32 to index
        %get3A_732 = arith.constant 48 : index
        %get3A_733 = tpu.vector_load %arg13[%get3A_731, %get3A_732] {strides = array<i32>} : memref<80x128xf32, #tpu.memory_space<vmem>>, vector<1x16xf32>,
        %get3A_734 = vector.shape_cast %get3A_733 : vector<1x16xf32> to vector<16xf32>
        %add3A_735 = arith.constant 1 : i32
        %add3A_736 = arith.addi %mul3A_619, %add3A_735 : i32
        %get3A_737 = arith.index_cast %add3A_736 : i32 to index
        %get3A_738 = arith.constant 48 : index
        %get3A_739 = tpu.vector_load %arg13[%get3A_737, %get3A_738] {strides = array<i32>} : memref<80x128xf32, #tpu.memory_space<vmem>>, vector<1x16xf32>,
        %get3A_740 = vector.shape_cast %get3A_739 : vector<1x16xf32> to vector<16xf32>
        %add3A_741 = arith.addf %get3A_734, %get3A_740 : vector<16xf32>
        %add3A_742 = arith.constant 2 : i32
        %add3A_743 = arith.addi %mul3A_619, %add3A_742 : i32
        %get3A_744 = arith.index_cast %add3A_743 : i32 to index
        %get3A_745 = arith.constant 48 : index
        %get3A_746 = tpu.vector_load %arg13[%get3A_744, %get3A_745] {strides = array<i32>} : memref<80x128xf32, #tpu.memory_space<vmem>>, vector<1x16xf32>,
        %get3A_747 = vector.shape_cast %get3A_746 : vector<1x16xf32> to vector<16xf32>
        %add3A_748 = arith.addf %add3A_741, %get3A_747 : vector<16xf32>
        %add3A_749 = arith.constant 3 : i32
        %add3A_750 = arith.addi %mul3A_619, %add3A_749 : i32
        %get3A_751 = arith.index_cast %add3A_750 : i32 to index
        %get3A_752 = arith.constant 48 : index
        %get3A_753 = tpu.vector_load %arg13[%get3A_751, %get3A_752] {strides = array<i32>} : memref<80x128xf32, #tpu.memory_space<vmem>>, vector<1x16xf32>,
        %get3A_754 = vector.shape_cast %get3A_753 : vector<1x16xf32> to vector<16xf32>
        %add3A_755 = arith.addf %add3A_748, %get3A_754 : vector<16xf32>
        %add3A_756 = arith.constant 4 : i32
        %add3A_757 = arith.addi %mul3A_619, %add3A_756 : i32
        %get3A_758 = arith.index_cast %add3A_757 : i32 to index
        %get3A_759 = arith.constant 48 : index
        %get3A_760 = tpu.vector_load %arg13[%get3A_758, %get3A_759] {strides = array<i32>} : memref<80x128xf32, #tpu.memory_space<vmem>>, vector<1x16xf32>,
        %get3A_761 = vector.shape_cast %get3A_760 : vector<1x16xf32> to vector<16xf32>
        %add3A_762 = arith.addf %add3A_755, %get3A_761 : vector<16xf32>
        %swap3A_763 = arith.index_cast %scan3A_617 : i32 to index
        %swap3A_764 = arith.constant 48 : index
        %swap3A_765 = tpu.vector_load %arg17[%swap3A_763, %swap3A_764] {strides = array<i32>} : memref<16x128xf32, #tpu.memory_space<vmem>>, vector<1x16xf32>,
        %swap3A_766 = vector.shape_cast %swap3A_765 : vector<1x16xf32> to vector<16xf32>
        %swap3A_767 = vector.shape_cast %add3A_762 : vector<16xf32> to vector<1x16xf32>
        tpu.vector_store %arg17[%swap3A_763, %swap3A_764], %swap3A_767 {strides = array<i32>} : memref<16x128xf32, #tpu.memory_space<vmem>>, vector<1x16xf32>,
        %get3A_768 = arith.index_cast %mul3A_619 : i32 to index
        %get3A_769 = arith.constant 64 : index
        %get3A_770 = tpu.vector_load %arg13[%get3A_768, %get3A_769] {strides = array<i32>} : memref<80x128xf32, #tpu.memory_space<vmem>>, vector<1x16xf32>,
        %get3A_771 = vector.shape_cast %get3A_770 : vector<1x16xf32> to vector<16xf32>
        %add3A_772 = arith.constant 1 : i32
        %add3A_773 = arith.addi %mul3A_619, %add3A_772 : i32
        %get3A_774 = arith.index_cast %add3A_773 : i32 to index
        %get3A_775 = arith.constant 64 : index
        %get3A_776 = tpu.vector_load %arg13[%get3A_774, %get3A_775] {strides = array<i32>} : memref<80x128xf32, #tpu.memory_space<vmem>>, vector<1x16xf32>,
        %get3A_777 = vector.shape_cast %get3A_776 : vector<1x16xf32> to vector<16xf32>
        %add3A_778 = arith.addf %get3A_771, %get3A_777 : vector<16xf32>
        %add3A_779 = arith.constant 2 : i32
        %add3A_780 = arith.addi %mul3A_619, %add3A_779 : i32
        %get3A_781 = arith.index_cast %add3A_780 : i32 to index
        %get3A_782 = arith.constant 64 : index
        %get3A_783 = tpu.vector_load %arg13[%get3A_781, %get3A_782] {strides = array<i32>} : memref<80x128xf32, #tpu.memory_space<vmem>>, vector<1x16xf32>,
        %get3A_784 = vector.shape_cast %get3A_783 : vector<1x16xf32> to vector<16xf32>
        %add3A_785 = arith.addf %add3A_778, %get3A_784 : vector<16xf32>
        %add3A_786 = arith.constant 3 : i32
        %add3A_787 = arith.addi %mul3A_619, %add3A_786 : i32
        %get3A_788 = arith.index_cast %add3A_787 : i32 to index
        %get3A_789 = arith.constant 64 : index
        %get3A_790 = tpu.vector_load %arg13[%get3A_788, %get3A_789] {strides = array<i32>} : memref<80x128xf32, #tpu.memory_space<vmem>>, vector<1x16xf32>,
        %get3A_791 = vector.shape_cast %get3A_790 : vector<1x16xf32> to vector<16xf32>
        %add3A_792 = arith.addf %add3A_785, %get3A_791 : vector<16xf32>
        %add3A_793 = arith.constant 4 : i32
        %add3A_794 = arith.addi %mul3A_619, %add3A_793 : i32
        %get3A_795 = arith.index_cast %add3A_794 : i32 to index
        %get3A_796 = arith.constant 64 : index
        %get3A_797 = tpu.vector_load %arg13[%get3A_795, %get3A_796] {strides = array<i32>} : memref<80x128xf32, #tpu.memory_space<vmem>>, vector<1x16xf32>,
        %get3A_798 = vector.shape_cast %get3A_797 : vector<1x16xf32> to vector<16xf32>
        %add3A_799 = arith.addf %add3A_792, %get3A_798 : vector<16xf32>
        %swap3A_800 = arith.index_cast %scan3A_617 : i32 to index
        %swap3A_801 = arith.constant 64 : index
        %swap3A_802 = tpu.vector_load %arg17[%swap3A_800, %swap3A_801] {strides = array<i32>} : memref<16x128xf32, #tpu.memory_space<vmem>>, vector<1x16xf32>,
        %swap3A_803 = vector.shape_cast %swap3A_802 : vector<1x16xf32> to vector<16xf32>
        %swap3A_804 = vector.shape_cast %add3A_799 : vector<16xf32> to vector<1x16xf32>
        tpu.vector_store %arg17[%swap3A_800, %swap3A_801], %swap3A_804 {strides = array<i32>} : memref<16x128xf32, #tpu.memory_space<vmem>>, vector<1x16xf32>,
        %get3A_805 = arith.index_cast %mul3A_619 : i32 to index
        %get3A_806 = arith.constant 80 : index
        %get3A_807 = tpu.vector_load %arg13[%get3A_805, %get3A_806] {strides = array<i32>} : memref<80x128xf32, #tpu.memory_space<vmem>>, vector<1x16xf32>,
        %get3A_808 = vector.shape_cast %get3A_807 : vector<1x16xf32> to vector<16xf32>
        %add3A_809 = arith.constant 1 : i32
        %add3A_810 = arith.addi %mul3A_619, %add3A_809 : i32
        %get3A_811 = arith.index_cast %add3A_810 : i32 to index
        %get3A_812 = arith.constant 80 : index
        %get3A_813 = tpu.vector_load %arg13[%get3A_811, %get3A_812] {strides = array<i32>} : memref<80x128xf32, #tpu.memory_space<vmem>>, vector<1x16xf32>,
        %get3A_814 = vector.shape_cast %get3A_813 : vector<1x16xf32> to vector<16xf32>
        %add3A_815 = arith.addf %get3A_808, %get3A_814 : vector<16xf32>
        %add3A_816 = arith.constant 2 : i32
        %add3A_817 = arith.addi %mul3A_619, %add3A_816 : i32
        %get3A_818 = arith.index_cast %add3A_817 : i32 to index
        %get3A_819 = arith.constant 80 : index
        %get3A_820 = tpu.vector_load %arg13[%get3A_818, %get3A_819] {strides = array<i32>} : memref<80x128xf32, #tpu.memory_space<vmem>>, vector<1x16xf32>,
        %get3A_821 = vector.shape_cast %get3A_820 : vector<1x16xf32> to vector<16xf32>
        %add3A_822 = arith.addf %add3A_815, %get3A_821 : vector<16xf32>
        %add3A_823 = arith.constant 3 : i32
        %add3A_824 = arith.addi %mul3A_619, %add3A_823 : i32
        %get3A_825 = arith.index_cast %add3A_824 : i32 to index
        %get3A_826 = arith.constant 80 : index
        %get3A_827 = tpu.vector_load %arg13[%get3A_825, %get3A_826] {strides = array<i32>} : memref<80x128xf32, #tpu.memory_space<vmem>>, vector<1x16xf32>,
        %get3A_828 = vector.shape_cast %get3A_827 : vector<1x16xf32> to vector<16xf32>
        %add3A_829 = arith.addf %add3A_822, %get3A_828 : vector<16xf32>
        %add3A_830 = arith.constant 4 : i32
        %add3A_831 = arith.addi %mul3A_619, %add3A_830 : i32
        %get3A_832 = arith.index_cast %add3A_831 : i32 to index
        %get3A_833 = arith.constant 80 : index
        %get3A_834 = tpu.vector_load %arg13[%get3A_832, %get3A_833] {strides = array<i32>} : memref<80x128xf32, #tpu.memory_space<vmem>>, vector<1x16xf32>,
        %get3A_835 = vector.shape_cast %get3A_834 : vector<1x16xf32> to vector<16xf32>
        %add3A_836 = arith.addf %add3A_829, %get3A_835 : vector<16xf32>
        %swap3A_837 = arith.index_cast %scan3A_617 : i32 to index
        %swap3A_838 = arith.constant 80 : index
        %swap3A_839 = tpu.vector_load %arg17[%swap3A_837, %swap3A_838] {strides = array<i32>} : memref<16x128xf32, #tpu.memory_space<vmem>>, vector<1x16xf32>,
        %swap3A_840 = vector.shape_cast %swap3A_839 : vector<1x16xf32> to vector<16xf32>
        %swap3A_841 = vector.shape_cast %add3A_836 : vector<16xf32> to vector<1x16xf32>
        tpu.vector_store %arg17[%swap3A_837, %swap3A_838], %swap3A_841 {strides = array<i32>} : memref<16x128xf32, #tpu.memory_space<vmem>>, vector<1x16xf32>,
        %get3A_842 = arith.index_cast %mul3A_619 : i32 to index
        %get3A_843 = arith.constant 96 : index
        %get3A_844 = tpu.vector_load %arg13[%get3A_842, %get3A_843] {strides = array<i32>} : memref<80x128xf32, #tpu.memory_space<vmem>>, vector<1x16xf32>,
        %get3A_845 = vector.shape_cast %get3A_844 : vector<1x16xf32> to vector<16xf32>
        %add3A_846 = arith.constant 1 : i32
        %add3A_847 = arith.addi %mul3A_619, %add3A_846 : i32
        %get3A_848 = arith.index_cast %add3A_847 : i32 to index
        %get3A_849 = arith.constant 96 : index
        %get3A_850 = tpu.vector_load %arg13[%get3A_848, %get3A_849] {strides = array<i32>} : memref<80x128xf32, #tpu.memory_space<vmem>>, vector<1x16xf32>,
        %get3A_851 = vector.shape_cast %get3A_850 : vector<1x16xf32> to vector<16xf32>
        %add3A_852 = arith.addf %get3A_845, %get3A_851 : vector<16xf32>
        %add3A_853 = arith.constant 2 : i32
        %add3A_854 = arith.addi %mul3A_619, %add3A_853 : i32
        %get3A_855 = arith.index_cast %add3A_854 : i32 to index
        %get3A_856 = arith.constant 96 : index
        %get3A_857 = tpu.vector_load %arg13[%get3A_855, %get3A_856] {strides = array<i32>} : memref<80x128xf32, #tpu.memory_space<vmem>>, vector<1x16xf32>,
        %get3A_858 = vector.shape_cast %get3A_857 : vector<1x16xf32> to vector<16xf32>
        %add3A_859 = arith.addf %add3A_852, %get3A_858 : vector<16xf32>
        %add3A_860 = arith.constant 3 : i32
        %add3A_861 = arith.addi %mul3A_619, %add3A_860 : i32
        %get3A_862 = arith.index_cast %add3A_861 : i32 to index
        %get3A_863 = arith.constant 96 : index
        %get3A_864 = tpu.vector_load %arg13[%get3A_862, %get3A_863] {strides = array<i32>} : memref<80x128xf32, #tpu.memory_space<vmem>>, vector<1x16xf32>,
        %get3A_865 = vector.shape_cast %get3A_864 : vector<1x16xf32> to vector<16xf32>
        %add3A_866 = arith.addf %add3A_859, %get3A_865 : vector<16xf32>
        %add3A_867 = arith.constant 4 : i32
        %add3A_868 = arith.addi %mul3A_619, %add3A_867 : i32
        %get3A_869 = arith.index_cast %add3A_868 : i32 to index
        %get3A_870 = arith.constant 96 : index
        %get3A_871 = tpu.vector_load %arg13[%get3A_869, %get3A_870] {strides = array<i32>} : memref<80x128xf32, #tpu.memory_space<vmem>>, vector<1x16xf32>,
        %get3A_872 = vector.shape_cast %get3A_871 : vector<1x16xf32> to vector<16xf32>
        %add3A_873 = arith.addf %add3A_866, %get3A_872 : vector<16xf32>
        %swap3A_874 = arith.index_cast %scan3A_617 : i32 to index
        %swap3A_875 = arith.constant 96 : index
        %swap3A_876 = tpu.vector_load %arg17[%swap3A_874, %swap3A_875] {strides = array<i32>} : memref<16x128xf32, #tpu.memory_space<vmem>>, vector<1x16xf32>,
        %swap3A_877 = vector.shape_cast %swap3A_876 : vector<1x16xf32> to vector<16xf32>
        %swap3A_878 = vector.shape_cast %add3A_873 : vector<16xf32> to vector<1x16xf32>
        tpu.vector_store %arg17[%swap3A_874, %swap3A_875], %swap3A_878 {strides = array<i32>} : memref<16x128xf32, #tpu.memory_space<vmem>>, vector<1x16xf32>,
        %get3A_879 = arith.index_cast %mul3A_619 : i32 to index
        %get3A_880 = arith.constant 112 : index
        %get3A_881 = tpu.vector_load %arg13[%get3A_879, %get3A_880] {strides = array<i32>} : memref<80x128xf32, #tpu.memory_space<vmem>>, vector<1x16xf32>,
        %get3A_882 = vector.shape_cast %get3A_881 : vector<1x16xf32> to vector<16xf32>
        %add3A_883 = arith.constant 1 : i32
        %add3A_884 = arith.addi %mul3A_619, %add3A_883 : i32
        %get3A_885 = arith.index_cast %add3A_884 : i32 to index
        %get3A_886 = arith.constant 112 : index
        %get3A_887 = tpu.vector_load %arg13[%get3A_885, %get3A_886] {strides = array<i32>} : memref<80x128xf32, #tpu.memory_space<vmem>>, vector<1x16xf32>,
        %get3A_888 = vector.shape_cast %get3A_887 : vector<1x16xf32> to vector<16xf32>
        %add3A_889 = arith.addf %get3A_882, %get3A_888 : vector<16xf32>
        %add3A_890 = arith.constant 2 : i32
        %add3A_891 = arith.addi %mul3A_619, %add3A_890 : i32
        %get3A_892 = arith.index_cast %add3A_891 : i32 to index
        %get3A_893 = arith.constant 112 : index
        %get3A_894 = tpu.vector_load %arg13[%get3A_892, %get3A_893] {strides = array<i32>} : memref<80x128xf32, #tpu.memory_space<vmem>>, vector<1x16xf32>,
        %get3A_895 = vector.shape_cast %get3A_894 : vector<1x16xf32> to vector<16xf32>
        %add3A_896 = arith.addf %add3A_889, %get3A_895 : vector<16xf32>
        %add3A_897 = arith.constant 3 : i32
        %add3A_898 = arith.addi %mul3A_619, %add3A_897 : i32
        %get3A_899 = arith.index_cast %add3A_898 : i32 to index
        %get3A_900 = arith.constant 112 : index
        %get3A_901 = tpu.vector_load %arg13[%get3A_899, %get3A_900] {strides = array<i32>} : memref<80x128xf32, #tpu.memory_space<vmem>>, vector<1x16xf32>,
        %get3A_902 = vector.shape_cast %get3A_901 : vector<1x16xf32> to vector<16xf32>
        %add3A_903 = arith.addf %add3A_896, %get3A_902 : vector<16xf32>
        %add3A_904 = arith.constant 4 : i32
        %add3A_905 = arith.addi %mul3A_619, %add3A_904 : i32
        %get3A_906 = arith.index_cast %add3A_905 : i32 to index
        %get3A_907 = arith.constant 112 : index
        %get3A_908 = tpu.vector_load %arg13[%get3A_906, %get3A_907] {strides = array<i32>} : memref<80x128xf32, #tpu.memory_space<vmem>>, vector<1x16xf32>,
        %get3A_909 = vector.shape_cast %get3A_908 : vector<1x16xf32> to vector<16xf32>
        %add3A_910 = arith.addf %add3A_903, %get3A_909 : vector<16xf32>
        %swap3A_911 = arith.index_cast %scan3A_617 : i32 to index
        %swap3A_912 = arith.constant 112 : index
        %swap3A_913 = tpu.vector_load %arg17[%swap3A_911, %swap3A_912] {strides = array<i32>} : memref<16x128xf32, #tpu.memory_space<vmem>>, vector<1x16xf32>,
        %swap3A_914 = vector.shape_cast %swap3A_913 : vector<1x16xf32> to vector<16xf32>
        %swap3A_915 = vector.shape_cast %add3A_910 : vector<16xf32> to vector<1x16xf32>
        tpu.vector_store %arg17[%swap3A_911, %swap3A_912], %swap3A_915 {strides = array<i32>} : memref<16x128xf32, #tpu.memory_space<vmem>>, vector<1x16xf32>,
      }
      %scan3A_606 = arith.constant 16 : i32
      %dma_start3A_607 = arith.constant 0 : i32
      %dma_start3A_608 = tpu.memref_slice %arg6[%add3A_595, %dma_start3A_607] : memref<10240x128xf32, #tpu.memory_space<hbm>> -> memref<16x128xf32, #tpu.memory_space<hbm>>
      %dma_start3A_609 = arith.constant 0 : i32
      %dma_start3A_610 = tpu.memref_slice %arg6[%add3A_595, %dma_start3A_609] : memref<10240x128xf32, #tpu.memory_space<hbm>> -> memref<16x128xf32, #tpu.memory_space<hbm>>
      tpu.enqueue_dma source(%arg17 : memref<16x128xf32, #tpu.memory_space<vmem>>) target(%dma_start3A_610 : memref<16x128xf32, #tpu.memory_space<hbm>>) target_semaphore(%arg29 : memref<!tpu.dma_semaphore, #tpu.memory_space<semaphore_mem>>)
      %add3A_611 = arith.constant 4 : i32
      %add3A_612 = arith.addi %add3A_547, %add3A_611 : i32
      %lt3A_613 = arith.cmpi slt, %add3A_612, %select_n3A_58 : i32
      %convert_element_type3A_614 = arith.extui %lt3A_613 : i1 to i32
      %cond3A_615 = arith.constant 0 : i32
      %cond3A_616 = arith.cmpi ne, %convert_element_type3A_614, %cond3A_615 : i32
      scf.if %cond3A_616 {
        %mul3A_617 = arith.constant 80 : i32
        %mul3A_618 = arith.muli %add3A_612, %mul3A_617 : i32
        %add3A_619 = arith.constant 0 : i32
        %add3A_620 = arith.addi %mul3A_618, %add3A_619 : i32
        %get3A_621 = arith.index_cast %add3A_620 : i32 to index
        %get3A_622 = tpu.vector_load %arg9[%get3A_621] {strides = array<i32>} : memref<2560xi32, #tpu.memory_space<vmem>>, vector<16xi32>,
        %get3A_623 = vector.shape_cast %get3A_622 : vector<16xi32> to vector<16xi32>
        %dma_start3A_624 = arith.constant 0 : i32
        %dma_start3A_625 = arith.constant 0 : i32
        %dma_start3A_626 = tpu.memref_slice %arg13[%dma_start3A_624, %dma_start3A_625] : memref<80x128xf32, #tpu.memory_space<vmem>> -> memref<16x128xf32, #tpu.memory_space<vmem>>
        %dma_start3A_627 = arith.constant 0 : i32
        %dma_start3A_628 = arith.constant 0 : i32
        %dma_start3A_629 = tpu.memref_slice %arg3[%dma_start3A_627, %dma_start3A_628] : memref<100000x128xf32, #tpu.memory_space<hbm>> -> memref<100000x128xf32, #tpu.memory_space<hbm>>
        tpu.enqueue_indirect_dma source(%dma_start3A_629 : memref<100000x128xf32, #tpu.memory_space<hbm>>) target(%dma_start3A_626 : memref<16x128xf32, #tpu.memory_space<vmem>>) offsets(%get3A_623 : vector<16xi32>) semaphore(%arg25 : memref<!tpu.dma_semaphore, #tpu.memory_space<semaphore_mem>>)
        %mul3A_630 = arith.constant 80 : i32
        %mul3A_631 = arith.muli %add3A_612, %mul3A_630 : i32
        %add3A_632 = arith.constant 16 : i32
        %add3A_633 = arith.addi %mul3A_631, %add3A_632 : i32
        %get3A_634 = arith.index_cast %add3A_633 : i32 to index
        %get3A_635 = tpu.vector_load %arg9[%get3A_634] {strides = array<i32>} : memref<2560xi32, #tpu.memory_space<vmem>>, vector<16xi32>,
        %get3A_636 = vector.shape_cast %get3A_635 : vector<16xi32> to vector<16xi32>
        %dma_start3A_637 = arith.constant 16 : i32
        %dma_start3A_638 = arith.constant 0 : i32
        %dma_start3A_639 = tpu.memref_slice %arg13[%dma_start3A_637, %dma_start3A_638] : memref<80x128xf32, #tpu.memory_space<vmem>> -> memref<16x128xf32, #tpu.memory_space<vmem>>
        %dma_start3A_640 = arith.constant 0 : i32
        %dma_start3A_641 = arith.constant 0 : i32
        %dma_start3A_642 = tpu.memref_slice %arg3[%dma_start3A_640, %dma_start3A_641] : memref<100000x128xf32, #tpu.memory_space<hbm>> -> memref<100000x128xf32, #tpu.memory_space<hbm>>
        tpu.enqueue_indirect_dma source(%dma_start3A_642 : memref<100000x128xf32, #tpu.memory_space<hbm>>) target(%dma_start3A_639 : memref<16x128xf32, #tpu.memory_space<vmem>>) offsets(%get3A_636 : vector<16xi32>) semaphore(%arg25 : memref<!tpu.dma_semaphore, #tpu.memory_space<semaphore_mem>>)
        %mul3A_643 = arith.constant 80 : i32
        %mul3A_644 = arith.muli %add3A_612, %mul3A_643 : i32
        %add3A_645 = arith.constant 32 : i32
        %add3A_646 = arith.addi %mul3A_644, %add3A_645 : i32
        %get3A_647 = arith.index_cast %add3A_646 : i32 to index
        %get3A_648 = tpu.vector_load %arg9[%get3A_647] {strides = array<i32>} : memref<2560xi32, #tpu.memory_space<vmem>>, vector<16xi32>,
        %get3A_649 = vector.shape_cast %get3A_648 : vector<16xi32> to vector<16xi32>
        %dma_start3A_650 = arith.constant 32 : i32
        %dma_start3A_651 = arith.constant 0 : i32
        %dma_start3A_652 = tpu.memref_slice %arg13[%dma_start3A_650, %dma_start3A_651] : memref<80x128xf32, #tpu.memory_space<vmem>> -> memref<16x128xf32, #tpu.memory_space<vmem>>
        %dma_start3A_653 = arith.constant 0 : i32
        %dma_start3A_654 = arith.constant 0 : i32
        %dma_start3A_655 = tpu.memref_slice %arg3[%dma_start3A_653, %dma_start3A_654] : memref<100000x128xf32, #tpu.memory_space<hbm>> -> memref<100000x128xf32, #tpu.memory_space<hbm>>
        tpu.enqueue_indirect_dma source(%dma_start3A_655 : memref<100000x128xf32, #tpu.memory_space<hbm>>) target(%dma_start3A_652 : memref<16x128xf32, #tpu.memory_space<vmem>>) offsets(%get3A_649 : vector<16xi32>) semaphore(%arg25 : memref<!tpu.dma_semaphore, #tpu.memory_space<semaphore_mem>>)
        %mul3A_656 = arith.constant 80 : i32
        %mul3A_657 = arith.muli %add3A_612, %mul3A_656 : i32
        %add3A_658 = arith.constant 48 : i32
        %add3A_659 = arith.addi %mul3A_657, %add3A_658 : i32
        %get3A_660 = arith.index_cast %add3A_659 : i32 to index
        %get3A_661 = tpu.vector_load %arg9[%get3A_660] {strides = array<i32>} : memref<2560xi32, #tpu.memory_space<vmem>>, vector<16xi32>,
        %get3A_662 = vector.shape_cast %get3A_661 : vector<16xi32> to vector<16xi32>
        %dma_start3A_663 = arith.constant 48 : i32
        %dma_start3A_664 = arith.constant 0 : i32
        %dma_start3A_665 = tpu.memref_slice %arg13[%dma_start3A_663, %dma_start3A_664] : memref<80x128xf32, #tpu.memory_space<vmem>> -> memref<16x128xf32, #tpu.memory_space<vmem>>
        %dma_start3A_666 = arith.constant 0 : i32
        %dma_start3A_667 = arith.constant 0 : i32
        %dma_start3A_668 = tpu.memref_slice %arg3[%dma_start3A_666, %dma_start3A_667] : memref<100000x128xf32, #tpu.memory_space<hbm>> -> memref<100000x128xf32, #tpu.memory_space<hbm>>
        tpu.enqueue_indirect_dma source(%dma_start3A_668 : memref<100000x128xf32, #tpu.memory_space<hbm>>) target(%dma_start3A_665 : memref<16x128xf32, #tpu.memory_space<vmem>>) offsets(%get3A_662 : vector<16xi32>) semaphore(%arg25 : memref<!tpu.dma_semaphore, #tpu.memory_space<semaphore_mem>>)
        %mul3A_669 = arith.constant 80 : i32
        %mul3A_670 = arith.muli %add3A_612, %mul3A_669 : i32
        %add3A_671 = arith.constant 64 : i32
        %add3A_672 = arith.addi %mul3A_670, %add3A_671 : i32
        %get3A_673 = arith.index_cast %add3A_672 : i32 to index
        %get3A_674 = tpu.vector_load %arg9[%get3A_673] {strides = array<i32>} : memref<2560xi32, #tpu.memory_space<vmem>>, vector<16xi32>,
        %get3A_675 = vector.shape_cast %get3A_674 : vector<16xi32> to vector<16xi32>
        %dma_start3A_676 = arith.constant 64 : i32
        %dma_start3A_677 = arith.constant 0 : i32
        %dma_start3A_678 = tpu.memref_slice %arg13[%dma_start3A_676, %dma_start3A_677] : memref<80x128xf32, #tpu.memory_space<vmem>> -> memref<16x128xf32, #tpu.memory_space<vmem>>
        %dma_start3A_679 = arith.constant 0 : i32
        %dma_start3A_680 = arith.constant 0 : i32
        %dma_start3A_681 = tpu.memref_slice %arg3[%dma_start3A_679, %dma_start3A_680] : memref<100000x128xf32, #tpu.memory_space<hbm>> -> memref<100000x128xf32, #tpu.memory_space<hbm>>
        tpu.enqueue_indirect_dma source(%dma_start3A_681 : memref<100000x128xf32, #tpu.memory_space<hbm>>) target(%dma_start3A_678 : memref<16x128xf32, #tpu.memory_space<vmem>>) offsets(%get3A_675 : vector<16xi32>) semaphore(%arg25 : memref<!tpu.dma_semaphore, #tpu.memory_space<semaphore_mem>>)
      } else {
      }
    }
    %dma_wait3A = arith.constant 0 : i32
    %dma_wait3A_285 = arith.constant 0 : i32
    %dma_wait3A_286 = tpu.memref_slice %arg6[%dma_wait3A, %dma_wait3A_285] : memref<10240x128xf32, #tpu.memory_space<hbm>> -> memref<16x128xf32, #tpu.memory_space<hbm>>
    %dma_wait3A_287 = arith.constant 0 : i32
    %dma_wait3A_288 = arith.constant 0 : i32
    %dma_wait3A_289 = tpu.memref_slice %arg6[%dma_wait3A_287, %dma_wait3A_288] : memref<10240x128xf32, #tpu.memory_space<hbm>> -> memref<16x128xf32, #tpu.memory_space<hbm>>
    tpu.wait_dma2 semaphore(%arg26 : memref<!tpu.dma_semaphore, #tpu.memory_space<semaphore_mem>>) src(%arg14 : memref<16x128xf32, #tpu.memory_space<vmem>>) dst(%dma_wait3A_289 : memref<16x128xf32, #tpu.memory_space<hbm>>)
    %dma_wait3A_290 = arith.constant 0 : i32
    %dma_wait3A_291 = arith.constant 0 : i32
    %dma_wait3A_292 = tpu.memref_slice %arg6[%dma_wait3A_290, %dma_wait3A_291] : memref<10240x128xf32, #tpu.memory_space<hbm>> -> memref<16x128xf32, #tpu.memory_space<hbm>>
    %dma_wait3A_293 = arith.constant 0 : i32
    %dma_wait3A_294 = arith.constant 0 : i32
    %dma_wait3A_295 = tpu.memref_slice %arg6[%dma_wait3A_293, %dma_wait3A_294] : memref<10240x128xf32, #tpu.memory_space<hbm>> -> memref<16x128xf32, #tpu.memory_space<hbm>>
    tpu.wait_dma2 semaphore(%arg27 : memref<!tpu.dma_semaphore, #tpu.memory_space<semaphore_mem>>) src(%arg15 : memref<16x128xf32, #tpu.memory_space<vmem>>) dst(%dma_wait3A_295 : memref<16x128xf32, #tpu.memory_space<hbm>>)
    %dma_wait3A_296 = arith.constant 0 : i32
    %dma_wait3A_297 = arith.constant 0 : i32
    %dma_wait3A_298 = tpu.memref_slice %arg6[%dma_wait3A_296, %dma_wait3A_297] : memref<10240x128xf32, #tpu.memory_space<hbm>> -> memref<16x128xf32, #tpu.memory_space<hbm>>
    %dma_wait3A_299 = arith.constant 0 : i32
    %dma_wait3A_300 = arith.constant 0 : i32
    %dma_wait3A_301 = tpu.memref_slice %arg6[%dma_wait3A_299, %dma_wait3A_300] : memref<10240x128xf32, #tpu.memory_space<hbm>> -> memref<16x128xf32, #tpu.memory_space<hbm>>
    tpu.wait_dma2 semaphore(%arg28 : memref<!tpu.dma_semaphore, #tpu.memory_space<semaphore_mem>>) src(%arg16 : memref<16x128xf32, #tpu.memory_space<vmem>>) dst(%dma_wait3A_301 : memref<16x128xf32, #tpu.memory_space<hbm>>)
    %dma_wait3A_302 = arith.constant 0 : i32
    %dma_wait3A_303 = arith.constant 0 : i32
    %dma_wait3A_304 = tpu.memref_slice %arg6[%dma_wait3A_302, %dma_wait3A_303] : memref<10240x128xf32, #tpu.memory_space<hbm>> -> memref<16x128xf32, #tpu.memory_space<hbm>>
    %dma_wait3A_305 = arith.constant 0 : i32
    %dma_wait3A_306 = arith.constant 0 : i32
    %dma_wait3A_307 = tpu.memref_slice %arg6[%dma_wait3A_305, %dma_wait3A_306] : memref<10240x128xf32, #tpu.memory_space<hbm>> -> memref<16x128xf32, #tpu.memory_space<hbm>>
    tpu.wait_dma2 semaphore(%arg29 : memref<!tpu.dma_semaphore, #tpu.memory_space<semaphore_mem>>) src(%arg17 : memref<16x128xf32, #tpu.memory_space<vmem>>) dst(%dma_wait3A_307 : memref<16x128xf32, #tpu.memory_space<hbm>>)
    %while3A_308 = arith.constant 0 : i32
    %while3A_309 = arith.constant 0 : i32
    %while3A_310 = arith.subi %select_n3A, %while3A_309 : i32
    %while3A_311 = arith.addi %while3A_309, %while3A_310 : i32
    %while3A_312 = arith.constant 1 : i32
    %while3A_313 = arith.divsi %while3A_310, %while3A_312 : i32
    %while3A_314 = arith.muli %while3A_313, %while3A_312 : i32
    %while3A_315 = arith.addi %while3A_309, %while3A_314 : i32
    %while3A_316 = arith.constant 1 : i32
    scf.for %while3A_331 = %while3A_309 to %while3A_315 step %while3A_316  : i32 {
      %dma_wait3A_332 = arith.constant 0 : i32
      %dma_wait3A_333 = tpu.memref_slice %arg21[%dma_wait3A_332] : memref<10240xf32, #tpu.memory_space<vmem_shared>> -> memref<16xf32, #tpu.memory_space<vmem_shared>>
      %dma_wait3A_334 = arith.constant 0 : i32
      %dma_wait3A_335 = tpu.memref_slice %arg21[%dma_wait3A_334] : memref<10240xf32, #tpu.memory_space<vmem_shared>> -> memref<16xf32, #tpu.memory_space<vmem_shared>>
      tpu.wait_dma2 semaphore(%arg30 : memref<!tpu.dma_semaphore, #tpu.memory_space<semaphore_mem>>) src(%arg19 : memref<16xf32, #tpu.memory_space<vmem>>) dst(%dma_wait3A_335 : memref<16xf32, #tpu.memory_space<vmem_shared>>)
    }
    %while3A_317 = arith.constant 1 : i32
    scf.for %while3A_331 = %while3A_315 to %while3A_311 step %while3A_317  : i32 {
      %dma_wait3A_332 = arith.constant 0 : i32
      %dma_wait3A_333 = tpu.memref_slice %arg21[%dma_wait3A_332] : memref<10240xf32, #tpu.memory_space<vmem_shared>> -> memref<16xf32, #tpu.memory_space<vmem_shared>>
      %dma_wait3A_334 = arith.constant 0 : i32
      %dma_wait3A_335 = tpu.memref_slice %arg21[%dma_wait3A_334] : memref<10240xf32, #tpu.memory_space<vmem_shared>> -> memref<16xf32, #tpu.memory_space<vmem_shared>>
      tpu.wait_dma2 semaphore(%arg30 : memref<!tpu.dma_semaphore, #tpu.memory_space<semaphore_mem>>) src(%arg19 : memref<16xf32, #tpu.memory_space<vmem>>) dst(%dma_wait3A_335 : memref<16xf32, #tpu.memory_space<vmem_shared>>)
    }
    %barrier3A_318 = arith.constant 0 : index
    tpu.barrier barrier_id(%barrier3A_318)
    %mul3A_319 = arith.constant 640 : i32
    %mul3A_320 = arith.muli %arg1, %mul3A_319 : i32
    %eq3A_321 = arith.constant 0 : i32
    %eq3A_322 = arith.cmpi eq, %arg0, %eq3A_321 : i32
    %convert_element_type3A_323 = arith.extui %eq3A_322 : i1 to i32
    %cond3A_324 = arith.constant 0 : i32
    %cond3A_325 = arith.cmpi ne, %convert_element_type3A_323, %cond3A_324 : i32
    scf.if %cond3A_325 {
      "tpu.region"() ({
        %run_scoped3A = tpu.sem_alloc : memref<!tpu.dma_semaphore, #tpu.memory_space<semaphore_mem>>
        %dma_start3A_331 = tpu.memref_slice %arg7[%mul3A_320] : memref<10240xf32, #tpu.memory_space<hbm>> -> memref<640xf32, #tpu.memory_space<hbm>>
        %dma_start3A_332 = tpu.memref_slice %arg21[%mul3A_320] : memref<10240xf32, #tpu.memory_space<vmem_shared>> -> memref<640xf32, #tpu.memory_space<vmem_shared>>
        tpu.enqueue_dma source(%dma_start3A_332 : memref<640xf32, #tpu.memory_space<vmem_shared>>) target(%dma_start3A_331 : memref<640xf32, #tpu.memory_space<hbm>>) target_semaphore(%run_scoped3A : memref<!tpu.dma_semaphore, #tpu.memory_space<semaphore_mem>>)
        %dma_wait3A_333 = tpu.memref_slice %arg7[%mul3A_320] : memref<10240xf32, #tpu.memory_space<hbm>> -> memref<640xf32, #tpu.memory_space<hbm>>
        %dma_wait3A_334 = tpu.memref_slice %arg21[%mul3A_320] : memref<10240xf32, #tpu.memory_space<vmem_shared>> -> memref<640xf32, #tpu.memory_space<vmem_shared>>
        tpu.wait_dma2 semaphore(%run_scoped3A : memref<!tpu.dma_semaphore, #tpu.memory_space<semaphore_mem>>) src(%dma_wait3A_334 : memref<640xf32, #tpu.memory_space<vmem_shared>>) dst(%dma_wait3A_333 : memref<640xf32, #tpu.memory_space<hbm>>)
        tpu.yield
      }) : () -> ()
    } else {
    }
    %eq3A_326 = arith.constant 1 : i32
    %eq3A_327 = arith.cmpi eq, %arg0, %eq3A_326 : i32
    %convert_element_type3A_328 = arith.extui %eq3A_327 : i1 to i32
    %cond3A_329 = arith.constant 0 : i32
    %cond3A_330 = arith.cmpi ne, %convert_element_type3A_328, %cond3A_329 : i32
    scf.if %cond3A_330 {
      "tpu.region"() ({
        %run_scoped3A = tpu.sem_alloc : memref<!tpu.dma_semaphore, #tpu.memory_space<semaphore_mem>>
        %dma_start3A_331 = tpu.memref_slice %arg8[%mul3A_320] : memref<10240xf32, #tpu.memory_space<hbm>> -> memref<640xf32, #tpu.memory_space<hbm>>
        %dma_start3A_332 = tpu.memref_slice %arg21[%mul3A_320] : memref<10240xf32, #tpu.memory_space<vmem_shared>> -> memref<640xf32, #tpu.memory_space<vmem_shared>>
        tpu.enqueue_dma source(%dma_start3A_332 : memref<640xf32, #tpu.memory_space<vmem_shared>>) target(%dma_start3A_331 : memref<640xf32, #tpu.memory_space<hbm>>) target_semaphore(%run_scoped3A : memref<!tpu.dma_semaphore, #tpu.memory_space<semaphore_mem>>)
        %dma_wait3A_333 = tpu.memref_slice %arg8[%mul3A_320] : memref<10240xf32, #tpu.memory_space<hbm>> -> memref<640xf32, #tpu.memory_space<hbm>>
        %dma_wait3A_334 = tpu.memref_slice %arg21[%mul3A_320] : memref<10240xf32, #tpu.memory_space<vmem_shared>> -> memref<640xf32, #tpu.memory_space<vmem_shared>>
        tpu.wait_dma2 semaphore(%run_scoped3A : memref<!tpu.dma_semaphore, #tpu.memory_space<semaphore_mem>>) src(%dma_wait3A_334 : memref<640xf32, #tpu.memory_space<vmem_shared>>) dst(%dma_wait3A_333 : memref<640xf32, #tpu.memory_space<hbm>>)
        tpu.yield
      }) : () -> ()
    } else {
    }
    return
  }
}

module attributes {stable_mosaic.version = 14 : i64} {
  func.func @_tc_body(%arg0: i32, %arg1: memref<2000x128xf32, #tpu.memory_space<vmem>>, %arg2: memref<2000x8xi32, #tpu.memory_space<vmem>>, %arg3: memref<2000x1xf32, #tpu.memory_space<vmem>>, %arg4: memref<2000x1xf32, #tpu.memory_space<vmem>>, %arg5: memref<128x128xf32, #tpu.memory_space<vmem>>, %arg6: memref<128x128xf32, #tpu.memory_space<vmem>>, %arg7: memref<128x128xf32, #tpu.memory_space<vmem>>, %arg8: memref<128x128xf32, #tpu.memory_space<vmem>>, %arg9: memref<128x128xf32, #tpu.memory_space<vmem>>, %arg10: memref<384x128xf32, #tpu.memory_space<vmem>>, %arg11: memref<384x128xf32, #tpu.memory_space<vmem>>, %arg12: memref<384x256xf32, #tpu.memory_space<vmem>>, %arg13: memref<384x128xf32, #tpu.memory_space<vmem>>, %arg14: memref<1x384xf32, #tpu.memory_space<vmem>>, %arg15: memref<1x384xf32, #tpu.memory_space<vmem>>, %arg16: memref<1x384xf32, #tpu.memory_space<vmem>>, %arg17: memref<1x384xf32, #tpu.memory_space<vmem>>, %arg18: memref<2000x128xf32, #tpu.memory_space<vmem>>) attributes {dimension_semantics = [#tpu.dimension_semantics<arbitrary>], iteration_bounds = array<i64: 5>, scalar_prefetch = 0 : i64, scratch_operands = 0 : i64, tpu.core_type = #tpu.core_type<tc>, window_params = [{transform_indices = @transform_0, window_bounds = array<i64: 2000, 128>}, {transform_indices = @transform_1, window_bounds = array<i64: 2000, 8>}, {transform_indices = @transform_2, window_bounds = array<i64: 2000, 1>}, {transform_indices = @transform_3, window_bounds = array<i64: 2000, 1>}, {pipeline_mode = #tpu.pipeline_mode<synchronous>, transform_indices = @transform_4, window_bounds = array<i64: 128, 128>}, {pipeline_mode = #tpu.pipeline_mode<synchronous>, transform_indices = @transform_5, window_bounds = array<i64: 128, 128>}, {pipeline_mode = #tpu.pipeline_mode<synchronous>, transform_indices = @transform_6, window_bounds = array<i64: 128, 128>}, {pipeline_mode = #tpu.pipeline_mode<synchronous>, transform_indices = @transform_7, window_bounds = array<i64: 128, 128>}, {pipeline_mode = #tpu.pipeline_mode<synchronous>, transform_indices = @transform_8, window_bounds = array<i64: 128, 128>}, {pipeline_mode = #tpu.pipeline_mode<synchronous>, transform_indices = @transform_9, window_bounds = array<i64: 384, 128>}, {pipeline_mode = #tpu.pipeline_mode<synchronous>, transform_indices = @transform_10, window_bounds = array<i64: 384, 128>}, {pipeline_mode = #tpu.pipeline_mode<synchronous>, transform_indices = @transform_11, window_bounds = array<i64: 384, 256>}, {pipeline_mode = #tpu.pipeline_mode<synchronous>, transform_indices = @transform_12, window_bounds = array<i64: 384, 128>}, {pipeline_mode = #tpu.pipeline_mode<synchronous>, transform_indices = @transform_13, window_bounds = array<i64: 1, 384>}, {pipeline_mode = #tpu.pipeline_mode<synchronous>, transform_indices = @transform_14, window_bounds = array<i64: 1, 384>}, {pipeline_mode = #tpu.pipeline_mode<synchronous>, transform_indices = @transform_15, window_bounds = array<i64: 1, 384>}, {pipeline_mode = #tpu.pipeline_mode<synchronous>, transform_indices = @transform_16, window_bounds = array<i64: 1, 384>}, {transform_indices = @transform_17, window_bounds = array<i64: 2000, 128>}]} {
    %get3A = arith.constant 0 : index
    %get3A_0 = arith.constant 0 : index
    %get3A_1 = vector.load %arg2[%get3A, %get3A_0] : memref<2000x8xi32, #tpu.memory_space<vmem>>, vector<2000x8xi32>
    %gt3A = arith.constant 0 : i32
    %gt3A_2 = vector.broadcast %gt3A : i32 to vector<2000x8xi32>
    %gt3A_3 = arith.cmpi sgt, %get3A_1, %gt3A_2 : vector<2000x8xi32>
    %convert_element_type3A = arith.extui %gt3A_3 : vector<2000x8xi1> to vector<2000x8xi32>
    %convert_element_type3A_4 = arith.sitofp %convert_element_type3A : vector<2000x8xi32> to vector<2000x8xf32>
    %reduce_sum3A = arith.constant dense<0.000000e+00> : vector<2000xf32>
    %reduce_sum3A_5 = vector.multi_reduction <add>, %convert_element_type3A_4, %reduce_sum3A [1] : vector<2000x8xf32> to vector<2000xf32>
    %broadcast_in_dim3A = vector.shape_cast %reduce_sum3A_5 : vector<2000xf32> to vector<2000x1xf32>
    %get3A_6 = arith.constant 0 : index
    %get3A_7 = arith.constant 0 : index
    %get3A_8 = vector.load %arg1[%get3A_6, %get3A_7] : memref<2000x128xf32, #tpu.memory_space<vmem>>, vector<2000x128xf32>
    %max3A = arith.constant 1.000000e+00 : f32
    %max3A_9 = vector.broadcast %max3A : f32 to vector<2000x1xf32>
    %max3A_10 = arith.maximumf %broadcast_in_dim3A, %max3A_9 : vector<2000x1xf32>
    %div3A = vector.broadcast %max3A_10 : vector<2000x1xf32> to vector<2000x128xf32>
    %div3A_11 = arith.divf %get3A_8, %div3A : vector<2000x128xf32>
    %get3A_12 = arith.constant 0 : index
    %get3A_13 = arith.constant 0 : index
    %get3A_14 = vector.load %arg5[%get3A_12, %get3A_13] : memref<128x128xf32, #tpu.memory_space<vmem>>, vector<128x128xf32>
    %convert_element_type3A_15 = arith.truncf %div3A_11 : vector<2000x128xf32> to vector<2000x128xbf16>
    %convert_element_type3A_16 = arith.truncf %get3A_14 : vector<128x128xf32> to vector<128x128xbf16>
    %dot_general3A = arith.constant dense<0.000000e+00> : vector<2000x128xf32>
    %dot_general3A_17 = tpu.matmul %convert_element_type3A_15, %convert_element_type3A_16, %dot_general3A {dimension_numbers = #tpu.dot_dimension_numbers<[1], [1], [0], [0], [0, 0, 1, 0], [], []>, transpose_lhs_hint = false} : vector<2000x128xbf16>, vector<128x128xbf16>, vector<2000x128xf32> -> vector<2000x128xf32>
    %get3A_18 = arith.constant 0 : index
    %get3A_19 = arith.constant 0 : index
    %get3A_20 = vector.load %arg3[%get3A_18, %get3A_19] : memref<2000x1xf32, #tpu.memory_space<vmem>>, vector<2000x1xf32>
    %gt3A_21 = arith.constant 0.000000e+00 : f32
    %gt3A_22 = vector.broadcast %gt3A_21 : f32 to vector<2000x1xf32>
    %gt3A_23 = arith.cmpf ogt, %get3A_20, %gt3A_22 : vector<2000x1xf32>
    %get3A_24 = arith.constant 0 : index
    %get3A_25 = arith.constant 0 : index
    %get3A_26 = vector.load %arg4[%get3A_24, %get3A_25] : memref<2000x1xf32, #tpu.memory_space<vmem>>, vector<2000x1xf32>
    %gt3A_27 = arith.constant 0.000000e+00 : f32
    %gt3A_28 = vector.broadcast %gt3A_27 : f32 to vector<2000x1xf32>
    %gt3A_29 = arith.cmpf ogt, %get3A_26, %gt3A_28 : vector<2000x1xf32>
    %get3A_30 = arith.constant 0 : index
    %get3A_31 = arith.constant 0 : index
    %get3A_32 = vector.load %arg6[%get3A_30, %get3A_31] : memref<128x128xf32, #tpu.memory_space<vmem>>, vector<128x128xf32>
    %get3A_33 = arith.constant 0 : index
    %get3A_34 = arith.constant 0 : index
    %get3A_35 = vector.load %arg7[%get3A_33, %get3A_34] : memref<128x128xf32, #tpu.memory_space<vmem>>, vector<128x128xf32>
    %convert_element_type3A_36 = arith.truncf %dot_general3A_17 : vector<2000x128xf32> to vector<2000x128xbf16>
    %convert_element_type3A_37 = arith.truncf %get3A_32 : vector<128x128xf32> to vector<128x128xbf16>
    %dot_general3A_38 = arith.constant dense<0.000000e+00> : vector<2000x128xf32>
    %dot_general3A_39 = tpu.matmul %convert_element_type3A_36, %convert_element_type3A_37, %dot_general3A_38 {dimension_numbers = #tpu.dot_dimension_numbers<[1], [1], [0], [0], [0, 0, 1, 0], [], []>, transpose_lhs_hint = false} : vector<2000x128xbf16>, vector<128x128xbf16>, vector<2000x128xf32> -> vector<2000x128xf32>
    %jit3A = arith.constant 0.000000e+00 : f32
    %broadcast_in_dim3A_40 = vector.shape_cast %gt3A_23 : vector<2000x1xi1> to vector<2000x1xi1>
    %broadcast_in_dim3A_41 = vector.broadcast %broadcast_in_dim3A_40 : vector<2000x1xi1> to vector<2000x128xi1>
    %broadcast_in_dim3A_42 = vector.broadcast %jit3A : f32 to vector<2000x128xf32>
    %select_n3A = arith.select %broadcast_in_dim3A_41, %dot_general3A_39, %broadcast_in_dim3A_42 : vector<2000x128xi1>, vector<2000x128xf32>
    %convert_element_type3A_43 = arith.truncf %dot_general3A_17 : vector<2000x128xf32> to vector<2000x128xbf16>
    %convert_element_type3A_44 = arith.truncf %get3A_35 : vector<128x128xf32> to vector<128x128xbf16>
    %dot_general3A_45 = arith.constant dense<0.000000e+00> : vector<2000x128xf32>
    %dot_general3A_46 = tpu.matmul %convert_element_type3A_43, %convert_element_type3A_44, %dot_general3A_45 {dimension_numbers = #tpu.dot_dimension_numbers<[1], [1], [0], [0], [0, 0, 1, 0], [], []>, transpose_lhs_hint = false} : vector<2000x128xbf16>, vector<128x128xbf16>, vector<2000x128xf32> -> vector<2000x128xf32>
    %jit3A_47 = arith.constant 0.000000e+00 : f32
    %broadcast_in_dim3A_48 = vector.shape_cast %gt3A_29 : vector<2000x1xi1> to vector<2000x1xi1>
    %broadcast_in_dim3A_49 = vector.broadcast %broadcast_in_dim3A_48 : vector<2000x1xi1> to vector<2000x128xi1>
    %broadcast_in_dim3A_50 = vector.broadcast %jit3A_47 : f32 to vector<2000x128xf32>
    %select_n3A_51 = arith.select %broadcast_in_dim3A_49, %dot_general3A_46, %broadcast_in_dim3A_50 : vector<2000x128xi1>, vector<2000x128xf32>
    %max3A_52 = arith.maximumf %select_n3A, %select_n3A_51 : vector<2000x128xf32>
    %get3A_53 = arith.constant 0 : index
    %get3A_54 = arith.constant 0 : index
    %get3A_55 = vector.load %arg10[%get3A_53, %get3A_54] : memref<384x128xf32, #tpu.memory_space<vmem>>, vector<384x128xf32>
    %convert_element_type3A_56 = arith.truncf %max3A_52 : vector<2000x128xf32> to vector<2000x128xbf16>
    %convert_element_type3A_57 = arith.truncf %get3A_55 : vector<384x128xf32> to vector<384x128xbf16>
    %dot_general3A_58 = arith.constant dense<0.000000e+00> : vector<2000x384xf32>
    %dot_general3A_59 = tpu.matmul %convert_element_type3A_56, %convert_element_type3A_57, %dot_general3A_58 {dimension_numbers = #tpu.dot_dimension_numbers<[1], [1], [0], [0], [0, 0, 1, 0], [], []>, transpose_lhs_hint = false} : vector<2000x128xbf16>, vector<384x128xbf16>, vector<2000x384xf32> -> vector<2000x384xf32>
    %get3A_60 = arith.constant 0 : index
    %get3A_61 = arith.constant 0 : index
    %get3A_62 = vector.load %arg14[%get3A_60, %get3A_61] : memref<1x384xf32, #tpu.memory_space<vmem>>, vector<1x384xf32>
    %add3A = vector.broadcast %get3A_62 : vector<1x384xf32> to vector<2000x384xf32>
    %add3A_63 = arith.addf %dot_general3A_59, %add3A : vector<2000x384xf32>
    %get3A_64 = arith.constant 0 : index
    %get3A_65 = arith.constant 0 : index
    %get3A_66 = vector.load %arg11[%get3A_64, %get3A_65] : memref<384x128xf32, #tpu.memory_space<vmem>>, vector<384x128xf32>
    %get3A_67 = arith.constant 0 : index
    %get3A_68 = arith.constant 0 : index
    %get3A_69 = vector.load %arg15[%get3A_67, %get3A_68] : memref<1x384xf32, #tpu.memory_space<vmem>>, vector<1x384xf32>
    %slice3A = vector.extract_strided_slice %add3A_63 {offsets = [0, 0], sizes = [2000, 128], strides = [1, 1]} : vector<2000x384xf32> to vector<2000x128xf32>
    %slice3A_70 = vector.extract_strided_slice %add3A_63 {offsets = [0, 128], sizes = [2000, 128], strides = [1, 1]} : vector<2000x384xf32> to vector<2000x128xf32>
    %slice3A_71 = vector.extract_strided_slice %add3A_63 {offsets = [0, 256], sizes = [2000, 128], strides = [1, 1]} : vector<2000x384xf32> to vector<2000x128xf32>
    %convert_element_type3A_72 = arith.truncf %dot_general3A_17 : vector<2000x128xf32> to vector<2000x128xbf16>
    %convert_element_type3A_73 = arith.truncf %get3A_66 : vector<384x128xf32> to vector<384x128xbf16>
    %dot_general3A_74 = arith.constant dense<0.000000e+00> : vector<2000x384xf32>
    %dot_general3A_75 = tpu.matmul %convert_element_type3A_72, %convert_element_type3A_73, %dot_general3A_74 {dimension_numbers = #tpu.dot_dimension_numbers<[1], [1], [0], [0], [0, 0, 1, 0], [], []>, transpose_lhs_hint = false} : vector<2000x128xbf16>, vector<384x128xbf16>, vector<2000x384xf32> -> vector<2000x384xf32>
    %add3A_76 = vector.broadcast %get3A_69 : vector<1x384xf32> to vector<2000x384xf32>
    %add3A_77 = arith.addf %dot_general3A_75, %add3A_76 : vector<2000x384xf32>
    %slice3A_78 = vector.extract_strided_slice %add3A_77 {offsets = [0, 0], sizes = [2000, 128], strides = [1, 1]} : vector<2000x384xf32> to vector<2000x128xf32>
    %add3A_79 = arith.addf %slice3A, %slice3A_78 : vector<2000x128xf32>
    %logistic3A = arith.negf %add3A_79 : vector<2000x128xf32>
    %logistic3A_80 = math.exp %logistic3A : vector<2000x128xf32>
    %logistic3A_81 = arith.constant 1.000000e+00 : f32
    %logistic3A_82 = vector.broadcast %logistic3A_81 : f32 to vector<2000x128xf32>
    %logistic3A_83 = arith.addf %logistic3A_82, %logistic3A_80 : vector<2000x128xf32>
    %logistic3A_84 = arith.divf %logistic3A_82, %logistic3A_83 : vector<2000x128xf32>
    %slice3A_85 = vector.extract_strided_slice %add3A_77 {offsets = [0, 128], sizes = [2000, 128], strides = [1, 1]} : vector<2000x384xf32> to vector<2000x128xf32>
    %add3A_86 = arith.addf %slice3A_70, %slice3A_85 : vector<2000x128xf32>
    %logistic3A_87 = arith.negf %add3A_86 : vector<2000x128xf32>
    %logistic3A_88 = math.exp %logistic3A_87 : vector<2000x128xf32>
    %logistic3A_89 = arith.constant 1.000000e+00 : f32
    %logistic3A_90 = vector.broadcast %logistic3A_89 : f32 to vector<2000x128xf32>
    %logistic3A_91 = arith.addf %logistic3A_90, %logistic3A_88 : vector<2000x128xf32>
    %logistic3A_92 = arith.divf %logistic3A_90, %logistic3A_91 : vector<2000x128xf32>
    %slice3A_93 = vector.extract_strided_slice %add3A_77 {offsets = [0, 256], sizes = [2000, 128], strides = [1, 1]} : vector<2000x384xf32> to vector<2000x128xf32>
    %mul3A = arith.mulf %logistic3A_84, %slice3A_93 : vector<2000x128xf32>
    %add3A_94 = arith.addf %slice3A_71, %mul3A : vector<2000x128xf32>
    %tanh3A = math.tanh %add3A_94 : vector<2000x128xf32>
    %sub3A = arith.constant 1.000000e+00 : f32
    %sub3A_95 = vector.broadcast %sub3A : f32 to vector<2000x128xf32>
    %sub3A_96 = arith.subf %sub3A_95, %logistic3A_92 : vector<2000x128xf32>
    %mul3A_97 = arith.mulf %sub3A_96, %tanh3A : vector<2000x128xf32>
    %mul3A_98 = arith.mulf %logistic3A_92, %dot_general3A_17 : vector<2000x128xf32>
    %add3A_99 = arith.addf %mul3A_97, %mul3A_98 : vector<2000x128xf32>
    %convert_element_type3A_100 = arith.truncf %add3A_99 : vector<2000x128xf32> to vector<2000x128xbf16>
    %convert_element_type3A_101 = arith.truncf %get3A_66 : vector<384x128xf32> to vector<384x128xbf16>
    %dot_general3A_102 = arith.constant dense<0.000000e+00> : vector<2000x384xf32>
    %dot_general3A_103 = tpu.matmul %convert_element_type3A_100, %convert_element_type3A_101, %dot_general3A_102 {dimension_numbers = #tpu.dot_dimension_numbers<[1], [1], [0], [0], [0, 0, 1, 0], [], []>, transpose_lhs_hint = false} : vector<2000x128xbf16>, vector<384x128xbf16>, vector<2000x384xf32> -> vector<2000x384xf32>
    %add3A_104 = vector.broadcast %get3A_69 : vector<1x384xf32> to vector<2000x384xf32>
    %add3A_105 = arith.addf %dot_general3A_103, %add3A_104 : vector<2000x384xf32>
    %slice3A_106 = vector.extract_strided_slice %add3A_105 {offsets = [0, 0], sizes = [2000, 128], strides = [1, 1]} : vector<2000x384xf32> to vector<2000x128xf32>
    %add3A_107 = arith.addf %slice3A, %slice3A_106 : vector<2000x128xf32>
    %logistic3A_108 = arith.negf %add3A_107 : vector<2000x128xf32>
    %logistic3A_109 = math.exp %logistic3A_108 : vector<2000x128xf32>
    %logistic3A_110 = arith.constant 1.000000e+00 : f32
    %logistic3A_111 = vector.broadcast %logistic3A_110 : f32 to vector<2000x128xf32>
    %logistic3A_112 = arith.addf %logistic3A_111, %logistic3A_109 : vector<2000x128xf32>
    %logistic3A_113 = arith.divf %logistic3A_111, %logistic3A_112 : vector<2000x128xf32>
    %slice3A_114 = vector.extract_strided_slice %add3A_105 {offsets = [0, 128], sizes = [2000, 128], strides = [1, 1]} : vector<2000x384xf32> to vector<2000x128xf32>
    %add3A_115 = arith.addf %slice3A_70, %slice3A_114 : vector<2000x128xf32>
    %logistic3A_116 = arith.negf %add3A_115 : vector<2000x128xf32>
    %logistic3A_117 = math.exp %logistic3A_116 : vector<2000x128xf32>
    %logistic3A_118 = arith.constant 1.000000e+00 : f32
    %logistic3A_119 = vector.broadcast %logistic3A_118 : f32 to vector<2000x128xf32>
    %logistic3A_120 = arith.addf %logistic3A_119, %logistic3A_117 : vector<2000x128xf32>
    %logistic3A_121 = arith.divf %logistic3A_119, %logistic3A_120 : vector<2000x128xf32>
    %slice3A_122 = vector.extract_strided_slice %add3A_105 {offsets = [0, 256], sizes = [2000, 128], strides = [1, 1]} : vector<2000x384xf32> to vector<2000x128xf32>
    %mul3A_123 = arith.mulf %logistic3A_113, %slice3A_122 : vector<2000x128xf32>
    %add3A_124 = arith.addf %slice3A_71, %mul3A_123 : vector<2000x128xf32>
    %tanh3A_125 = math.tanh %add3A_124 : vector<2000x128xf32>
    %sub3A_126 = arith.constant 1.000000e+00 : f32
    %sub3A_127 = vector.broadcast %sub3A_126 : f32 to vector<2000x128xf32>
    %sub3A_128 = arith.subf %sub3A_127, %logistic3A_121 : vector<2000x128xf32>
    %mul3A_129 = arith.mulf %sub3A_128, %tanh3A_125 : vector<2000x128xf32>
    %mul3A_130 = arith.mulf %logistic3A_121, %add3A_99 : vector<2000x128xf32>
    %add3A_131 = arith.addf %mul3A_129, %mul3A_130 : vector<2000x128xf32>
    %get3A_132 = arith.constant 0 : index
    %get3A_133 = arith.constant 0 : index
    %get3A_134 = vector.load %arg8[%get3A_132, %get3A_133] : memref<128x128xf32, #tpu.memory_space<vmem>>, vector<128x128xf32>
    %get3A_135 = arith.constant 0 : index
    %get3A_136 = arith.constant 0 : index
    %get3A_137 = vector.load %arg9[%get3A_135, %get3A_136] : memref<128x128xf32, #tpu.memory_space<vmem>>, vector<128x128xf32>
    %convert_element_type3A_138 = arith.truncf %add3A_131 : vector<2000x128xf32> to vector<2000x128xbf16>
    %convert_element_type3A_139 = arith.truncf %get3A_134 : vector<128x128xf32> to vector<128x128xbf16>
    %dot_general3A_140 = arith.constant dense<0.000000e+00> : vector<2000x128xf32>
    %dot_general3A_141 = tpu.matmul %convert_element_type3A_138, %convert_element_type3A_139, %dot_general3A_140 {dimension_numbers = #tpu.dot_dimension_numbers<[1], [1], [0], [0], [0, 0, 1, 0], [], []>, transpose_lhs_hint = false} : vector<2000x128xbf16>, vector<128x128xbf16>, vector<2000x128xf32> -> vector<2000x128xf32>
    %jit3A_142 = arith.constant 0.000000e+00 : f32
    %broadcast_in_dim3A_143 = vector.shape_cast %gt3A_23 : vector<2000x1xi1> to vector<2000x1xi1>
    %broadcast_in_dim3A_144 = vector.broadcast %broadcast_in_dim3A_143 : vector<2000x1xi1> to vector<2000x128xi1>
    %broadcast_in_dim3A_145 = vector.broadcast %jit3A_142 : f32 to vector<2000x128xf32>
    %select_n3A_146 = arith.select %broadcast_in_dim3A_144, %dot_general3A_141, %broadcast_in_dim3A_145 : vector<2000x128xi1>, vector<2000x128xf32>
    %convert_element_type3A_147 = arith.truncf %add3A_131 : vector<2000x128xf32> to vector<2000x128xbf16>
    %convert_element_type3A_148 = arith.truncf %get3A_137 : vector<128x128xf32> to vector<128x128xbf16>
    %dot_general3A_149 = arith.constant dense<0.000000e+00> : vector<2000x128xf32>
    %dot_general3A_150 = tpu.matmul %convert_element_type3A_147, %convert_element_type3A_148, %dot_general3A_149 {dimension_numbers = #tpu.dot_dimension_numbers<[1], [1], [0], [0], [0, 0, 1, 0], [], []>, transpose_lhs_hint = false} : vector<2000x128xbf16>, vector<128x128xbf16>, vector<2000x128xf32> -> vector<2000x128xf32>
    %jit3A_151 = arith.constant 0.000000e+00 : f32
    %broadcast_in_dim3A_152 = vector.shape_cast %gt3A_29 : vector<2000x1xi1> to vector<2000x1xi1>
    %broadcast_in_dim3A_153 = vector.broadcast %broadcast_in_dim3A_152 : vector<2000x1xi1> to vector<2000x128xi1>
    %broadcast_in_dim3A_154 = vector.broadcast %jit3A_151 : f32 to vector<2000x128xf32>
    %select_n3A_155 = arith.select %broadcast_in_dim3A_153, %dot_general3A_150, %broadcast_in_dim3A_154 : vector<2000x128xi1>, vector<2000x128xf32>
    %max3A_156 = arith.maximumf %select_n3A_146, %select_n3A_155 : vector<2000x128xf32>
    %get3A_157 = arith.constant 0 : index
    %get3A_158 = arith.constant 0 : index
    %get3A_159 = vector.load %arg12[%get3A_157, %get3A_158] : memref<384x256xf32, #tpu.memory_space<vmem>>, vector<384x128xf32>
    %convert_element_type3A_160 = arith.truncf %dot_general3A_17 : vector<2000x128xf32> to vector<2000x128xbf16>
    %convert_element_type3A_161 = arith.truncf %get3A_159 : vector<384x128xf32> to vector<384x128xbf16>
    %dot_general3A_162 = arith.constant dense<0.000000e+00> : vector<2000x384xf32>
    %dot_general3A_163 = tpu.matmul %convert_element_type3A_160, %convert_element_type3A_161, %dot_general3A_162 {dimension_numbers = #tpu.dot_dimension_numbers<[1], [1], [0], [0], [0, 0, 1, 0], [], []>, transpose_lhs_hint = false} : vector<2000x128xbf16>, vector<384x128xbf16>, vector<2000x384xf32> -> vector<2000x384xf32>
    %get3A_164 = arith.constant 0 : index
    %get3A_165 = arith.constant 128 : index
    %get3A_166 = vector.load %arg12[%get3A_164, %get3A_165] : memref<384x256xf32, #tpu.memory_space<vmem>>, vector<384x128xf32>
    %convert_element_type3A_167 = arith.truncf %max3A_156 : vector<2000x128xf32> to vector<2000x128xbf16>
    %convert_element_type3A_168 = arith.truncf %get3A_166 : vector<384x128xf32> to vector<384x128xbf16>
    %dot_general3A_169 = arith.constant dense<0.000000e+00> : vector<2000x384xf32>
    %dot_general3A_170 = tpu.matmul %convert_element_type3A_167, %convert_element_type3A_168, %dot_general3A_169 {dimension_numbers = #tpu.dot_dimension_numbers<[1], [1], [0], [0], [0, 0, 1, 0], [], []>, transpose_lhs_hint = false} : vector<2000x128xbf16>, vector<384x128xbf16>, vector<2000x384xf32> -> vector<2000x384xf32>
    %add3A_171 = arith.addf %dot_general3A_163, %dot_general3A_170 : vector<2000x384xf32>
    %get3A_172 = arith.constant 0 : index
    %get3A_173 = arith.constant 0 : index
    %get3A_174 = vector.load %arg16[%get3A_172, %get3A_173] : memref<1x384xf32, #tpu.memory_space<vmem>>, vector<1x384xf32>
    %add3A_175 = vector.broadcast %get3A_174 : vector<1x384xf32> to vector<2000x384xf32>
    %add3A_176 = arith.addf %add3A_171, %add3A_175 : vector<2000x384xf32>
    %get3A_177 = arith.constant 0 : index
    %get3A_178 = arith.constant 0 : index
    %get3A_179 = vector.load %arg13[%get3A_177, %get3A_178] : memref<384x128xf32, #tpu.memory_space<vmem>>, vector<384x128xf32>
    %get3A_180 = arith.constant 0 : index
    %get3A_181 = arith.constant 0 : index
    %get3A_182 = vector.load %arg17[%get3A_180, %get3A_181] : memref<1x384xf32, #tpu.memory_space<vmem>>, vector<1x384xf32>
    %slice3A_183 = vector.extract_strided_slice %add3A_176 {offsets = [0, 0], sizes = [2000, 128], strides = [1, 1]} : vector<2000x384xf32> to vector<2000x128xf32>
    %slice3A_184 = vector.extract_strided_slice %add3A_176 {offsets = [0, 128], sizes = [2000, 128], strides = [1, 1]} : vector<2000x384xf32> to vector<2000x128xf32>
    %slice3A_185 = vector.extract_strided_slice %add3A_176 {offsets = [0, 256], sizes = [2000, 128], strides = [1, 1]} : vector<2000x384xf32> to vector<2000x128xf32>
    %convert_element_type3A_186 = arith.truncf %add3A_131 : vector<2000x128xf32> to vector<2000x128xbf16>
    %convert_element_type3A_187 = arith.truncf %get3A_179 : vector<384x128xf32> to vector<384x128xbf16>
    %dot_general3A_188 = arith.constant dense<0.000000e+00> : vector<2000x384xf32>
    %dot_general3A_189 = tpu.matmul %convert_element_type3A_186, %convert_element_type3A_187, %dot_general3A_188 {dimension_numbers = #tpu.dot_dimension_numbers<[1], [1], [0], [0], [0, 0, 1, 0], [], []>, transpose_lhs_hint = false} : vector<2000x128xbf16>, vector<384x128xbf16>, vector<2000x384xf32> -> vector<2000x384xf32>
    %add3A_190 = vector.broadcast %get3A_182 : vector<1x384xf32> to vector<2000x384xf32>
    %add3A_191 = arith.addf %dot_general3A_189, %add3A_190 : vector<2000x384xf32>
    %slice3A_192 = vector.extract_strided_slice %add3A_191 {offsets = [0, 0], sizes = [2000, 128], strides = [1, 1]} : vector<2000x384xf32> to vector<2000x128xf32>
    %add3A_193 = arith.addf %slice3A_183, %slice3A_192 : vector<2000x128xf32>
    %logistic3A_194 = arith.negf %add3A_193 : vector<2000x128xf32>
    %logistic3A_195 = math.exp %logistic3A_194 : vector<2000x128xf32>
    %logistic3A_196 = arith.constant 1.000000e+00 : f32
    %logistic3A_197 = vector.broadcast %logistic3A_196 : f32 to vector<2000x128xf32>
    %logistic3A_198 = arith.addf %logistic3A_197, %logistic3A_195 : vector<2000x128xf32>
    %logistic3A_199 = arith.divf %logistic3A_197, %logistic3A_198 : vector<2000x128xf32>
    %slice3A_200 = vector.extract_strided_slice %add3A_191 {offsets = [0, 128], sizes = [2000, 128], strides = [1, 1]} : vector<2000x384xf32> to vector<2000x128xf32>
    %add3A_201 = arith.addf %slice3A_184, %slice3A_200 : vector<2000x128xf32>
    %logistic3A_202 = arith.negf %add3A_201 : vector<2000x128xf32>
    %logistic3A_203 = math.exp %logistic3A_202 : vector<2000x128xf32>
    %logistic3A_204 = arith.constant 1.000000e+00 : f32
    %logistic3A_205 = vector.broadcast %logistic3A_204 : f32 to vector<2000x128xf32>
    %logistic3A_206 = arith.addf %logistic3A_205, %logistic3A_203 : vector<2000x128xf32>
    %logistic3A_207 = arith.divf %logistic3A_205, %logistic3A_206 : vector<2000x128xf32>
    %slice3A_208 = vector.extract_strided_slice %add3A_191 {offsets = [0, 256], sizes = [2000, 128], strides = [1, 1]} : vector<2000x384xf32> to vector<2000x128xf32>
    %mul3A_209 = arith.mulf %logistic3A_199, %slice3A_208 : vector<2000x128xf32>
    %add3A_210 = arith.addf %slice3A_185, %mul3A_209 : vector<2000x128xf32>
    %tanh3A_211 = math.tanh %add3A_210 : vector<2000x128xf32>
    %sub3A_212 = arith.constant 1.000000e+00 : f32
    %sub3A_213 = vector.broadcast %sub3A_212 : f32 to vector<2000x128xf32>
    %sub3A_214 = arith.subf %sub3A_213, %logistic3A_207 : vector<2000x128xf32>
    %mul3A_215 = arith.mulf %sub3A_214, %tanh3A_211 : vector<2000x128xf32>
    %mul3A_216 = arith.mulf %logistic3A_207, %add3A_131 : vector<2000x128xf32>
    %add3A_217 = arith.addf %mul3A_215, %mul3A_216 : vector<2000x128xf32>
    %convert_element_type3A_218 = arith.truncf %add3A_217 : vector<2000x128xf32> to vector<2000x128xbf16>
    %convert_element_type3A_219 = arith.truncf %get3A_179 : vector<384x128xf32> to vector<384x128xbf16>
    %dot_general3A_220 = arith.constant dense<0.000000e+00> : vector<2000x384xf32>
    %dot_general3A_221 = tpu.matmul %convert_element_type3A_218, %convert_element_type3A_219, %dot_general3A_220 {dimension_numbers = #tpu.dot_dimension_numbers<[1], [1], [0], [0], [0, 0, 1, 0], [], []>, transpose_lhs_hint = false} : vector<2000x128xbf16>, vector<384x128xbf16>, vector<2000x384xf32> -> vector<2000x384xf32>
    %add3A_222 = vector.broadcast %get3A_182 : vector<1x384xf32> to vector<2000x384xf32>
    %add3A_223 = arith.addf %dot_general3A_221, %add3A_222 : vector<2000x384xf32>
    %slice3A_224 = vector.extract_strided_slice %add3A_223 {offsets = [0, 0], sizes = [2000, 128], strides = [1, 1]} : vector<2000x384xf32> to vector<2000x128xf32>
    %add3A_225 = arith.addf %slice3A_183, %slice3A_224 : vector<2000x128xf32>
    %logistic3A_226 = arith.negf %add3A_225 : vector<2000x128xf32>
    %logistic3A_227 = math.exp %logistic3A_226 : vector<2000x128xf32>
    %logistic3A_228 = arith.constant 1.000000e+00 : f32
    %logistic3A_229 = vector.broadcast %logistic3A_228 : f32 to vector<2000x128xf32>
    %logistic3A_230 = arith.addf %logistic3A_229, %logistic3A_227 : vector<2000x128xf32>
    %logistic3A_231 = arith.divf %logistic3A_229, %logistic3A_230 : vector<2000x128xf32>
    %slice3A_232 = vector.extract_strided_slice %add3A_223 {offsets = [0, 128], sizes = [2000, 128], strides = [1, 1]} : vector<2000x384xf32> to vector<2000x128xf32>
    %add3A_233 = arith.addf %slice3A_184, %slice3A_232 : vector<2000x128xf32>
    %logistic3A_234 = arith.negf %add3A_233 : vector<2000x128xf32>
    %logistic3A_235 = math.exp %logistic3A_234 : vector<2000x128xf32>
    %logistic3A_236 = arith.constant 1.000000e+00 : f32
    %logistic3A_237 = vector.broadcast %logistic3A_236 : f32 to vector<2000x128xf32>
    %logistic3A_238 = arith.addf %logistic3A_237, %logistic3A_235 : vector<2000x128xf32>
    %logistic3A_239 = arith.divf %logistic3A_237, %logistic3A_238 : vector<2000x128xf32>
    %slice3A_240 = vector.extract_strided_slice %add3A_223 {offsets = [0, 256], sizes = [2000, 128], strides = [1, 1]} : vector<2000x384xf32> to vector<2000x128xf32>
    %mul3A_241 = arith.mulf %logistic3A_231, %slice3A_240 : vector<2000x128xf32>
    %add3A_242 = arith.addf %slice3A_185, %mul3A_241 : vector<2000x128xf32>
    %tanh3A_243 = math.tanh %add3A_242 : vector<2000x128xf32>
    %sub3A_244 = arith.constant 1.000000e+00 : f32
    %sub3A_245 = vector.broadcast %sub3A_244 : f32 to vector<2000x128xf32>
    %sub3A_246 = arith.subf %sub3A_245, %logistic3A_239 : vector<2000x128xf32>
    %mul3A_247 = arith.mulf %sub3A_246, %tanh3A_243 : vector<2000x128xf32>
    %mul3A_248 = arith.mulf %logistic3A_239, %add3A_217 : vector<2000x128xf32>
    %add3A_249 = arith.addf %mul3A_247, %mul3A_248 : vector<2000x128xf32>
    %swap3A = arith.constant 0 : index
    %swap3A_250 = arith.constant 0 : index
    %swap3A_251 = vector.load %arg18[%swap3A, %swap3A_250] : memref<2000x128xf32, #tpu.memory_space<vmem>>, vector<2000x128xf32>
    tpu.vector_store %arg18[%swap3A, %swap3A_250], %add3A_249 {strides = array<i32>} : memref<2000x128xf32, #tpu.memory_space<vmem>>, vector<2000x128xf32>,
    return
  }
  func.func @transform_0(%arg0: i32) -> (i32, i32) {
    %c0_i32 = arith.constant 0 : i32
    %c0_i32_0 = arith.constant 0 : i32
    return %arg0, %c0_i32 : i32, i32
  }
  func.func @transform_1(%arg0: i32) -> (i32, i32) {
    %c0_i32 = arith.constant 0 : i32
    %c0_i32_0 = arith.constant 0 : i32
    return %arg0, %c0_i32 : i32, i32
  }
  func.func @transform_2(%arg0: i32) -> (i32, i32) {
    %c0_i32 = arith.constant 0 : i32
    %c0_i32_0 = arith.constant 0 : i32
    return %arg0, %c0_i32 : i32, i32
  }
  func.func @transform_3(%arg0: i32) -> (i32, i32) {
    %c0_i32 = arith.constant 0 : i32
    %c0_i32_0 = arith.constant 0 : i32
    return %arg0, %c0_i32 : i32, i32
  }
  func.func @transform_4(%arg0: i32) -> (i32, i32) {
    %c0_i32 = arith.constant 0 : i32
    %c0_i32_0 = arith.constant 0 : i32
    %c0_i32_1 = arith.constant 0 : i32
    return %c0_i32, %c0_i32_0 : i32, i32
  }
  func.func @transform_5(%arg0: i32) -> (i32, i32) {
    %c0_i32 = arith.constant 0 : i32
    %c0_i32_0 = arith.constant 0 : i32
    %c0_i32_1 = arith.constant 0 : i32
    return %c0_i32, %c0_i32_0 : i32, i32
  }
  func.func @transform_6(%arg0: i32) -> (i32, i32) {
    %c0_i32 = arith.constant 0 : i32
    %c0_i32_0 = arith.constant 0 : i32
    %c0_i32_1 = arith.constant 0 : i32
    return %c0_i32, %c0_i32_0 : i32, i32
  }
  func.func @transform_7(%arg0: i32) -> (i32, i32) {
    %c0_i32 = arith.constant 0 : i32
    %c0_i32_0 = arith.constant 0 : i32
    %c0_i32_1 = arith.constant 0 : i32
    return %c0_i32, %c0_i32_0 : i32, i32
  }
  func.func @transform_8(%arg0: i32) -> (i32, i32) {
    %c0_i32 = arith.constant 0 : i32
    %c0_i32_0 = arith.constant 0 : i32
    %c0_i32_1 = arith.constant 0 : i32
    return %c0_i32, %c0_i32_0 : i32, i32
  }
  func.func @transform_9(%arg0: i32) -> (i32, i32) {
    %c0_i32 = arith.constant 0 : i32
    %c0_i32_0 = arith.constant 0 : i32
    %c0_i32_1 = arith.constant 0 : i32
    return %c0_i32, %c0_i32_0 : i32, i32
  }
  func.func @transform_10(%arg0: i32) -> (i32, i32) {
    %c0_i32 = arith.constant 0 : i32
    %c0_i32_0 = arith.constant 0 : i32
    %c0_i32_1 = arith.constant 0 : i32
    return %c0_i32, %c0_i32_0 : i32, i32
  }
  func.func @transform_11(%arg0: i32) -> (i32, i32) {
    %c0_i32 = arith.constant 0 : i32
    %c0_i32_0 = arith.constant 0 : i32
    %c0_i32_1 = arith.constant 0 : i32
    return %c0_i32, %c0_i32_0 : i32, i32
  }
  func.func @transform_12(%arg0: i32) -> (i32, i32) {
    %c0_i32 = arith.constant 0 : i32
    %c0_i32_0 = arith.constant 0 : i32
    %c0_i32_1 = arith.constant 0 : i32
    return %c0_i32, %c0_i32_0 : i32, i32
  }
  func.func @transform_13(%arg0: i32) -> (i32, i32) {
    %c0_i32 = arith.constant 0 : i32
    %c0_i32_0 = arith.constant 0 : i32
    %c0_i32_1 = arith.constant 0 : i32
    return %c0_i32, %c0_i32_0 : i32, i32
  }
  func.func @transform_14(%arg0: i32) -> (i32, i32) {
    %c0_i32 = arith.constant 0 : i32
    %c0_i32_0 = arith.constant 0 : i32
    %c0_i32_1 = arith.constant 0 : i32
    return %c0_i32, %c0_i32_0 : i32, i32
  }
  func.func @transform_15(%arg0: i32) -> (i32, i32) {
    %c0_i32 = arith.constant 0 : i32
    %c0_i32_0 = arith.constant 0 : i32
    %c0_i32_1 = arith.constant 0 : i32
    return %c0_i32, %c0_i32_0 : i32, i32
  }
  func.func @transform_16(%arg0: i32) -> (i32, i32) {
    %c0_i32 = arith.constant 0 : i32
    %c0_i32_0 = arith.constant 0 : i32
    %c0_i32_1 = arith.constant 0 : i32
    return %c0_i32, %c0_i32_0 : i32, i32
  }
  func.func @transform_17(%arg0: i32) -> (i32, i32) {
    %c0_i32 = arith.constant 0 : i32
    %c0_i32_0 = arith.constant 0 : i32
    return %arg0, %c0_i32 : i32, i32
  }
}

</mosaic_0001>

<sc_bundles>
// kernel: kernel.4.cloned.1.call-start
scs
__scs_entry_jumppad:
0x0: {  	(pc) =	sbr.rel $0x88, $3  }
0x1: {  	(tag) =	ssettag $0x0;
	lr =	simm.s32 $0x1  }
0x2: {  	[smem:$0x3F90] =	sst lr;
	_ =	strace $0xD0000000  }
0x3: {  	_ = 	snop  }
0x4: {  	_ = 	snop  }
0x5: {  	_ = 	snop  }
0x6: {  	_ = 	snop  }
0x7: {  	_ = 	snop  }
__scs_overlays_trampoline_lowered:
0x8: {  	[smem:$0x3F9F] =	sst s0  }
0x9: {  	[smem:$0x3FA0] =	sst s1  }
0xa: {  	[smem:$0x3FA1] =	sst s2  }
0xb: {  	[smem:$0x3FA2] =	sst s3  }
0xc: {  	[smem:$0x3FA3] =	sst s4  }
0xd: {  	[smem:$0x3FA4] =	sst s5  }
0xe: {  	[smem:$0x3FA5] =	sst s6  }
0xf: {  	[smem:$0x3FA6] =	sst s7  }
0x10: {  	[smem:$0x3FA7] =	sst s8  }
0x11: {  	[smem:$0x3FA8] =	sst s9;
	s0 =	simm.s32 @!p0 $0x0  }
0x12: {  	s1 =	sld [smem:$0x3F8E];
	s0 =	simm.s32 @p0 $0x1  }
0x13: {  	[smem:$0x3FA9] =	sst s0;
	s0 =	simm.s32 @!p1 $0x0  }
0x14: {  	s2 =	sld [smem:$0x3F8D];
	s0 =	simm.s32 @p1 $0x1  }
0x15: {  	[smem:$0x3FAA] =	sst s0;
	s0 =	simm.s32 @!p2 $0x0  }
0x16: {  	s3 =	sld [smem:$0x3FDB];
	s0 =	simm.s32 @p2 $0x1  }
0x17: {  	s4 =	simm.s32 $0x1BF5;
	[smem:$0x3FAC] =	sst s0  }
0x18: {  	s0 =	sld [smem:$0x3F8F];
	_ =	swait.ge [sflag:s4], $0x0  }
0x19: {  	s7 =	sld [smem:$0x3F90]  }
0x1a: {  	s8 =	sadd.s32 $0xFFFFE003, lr  }
0x1b: {  	s9 =	sadd.s32 $0xFFFFFEF7, lr;
	s5 =	simm.s32 $0xFFFFFFFF;
	p2 =	slt.u32 s8, $0xFFFFF086  }
0x1c: {  	p1 =	slt.u32 s9, $0xF7A;
	s5 =	simm.s32 @!p2 $0x0  }
0x1d: {  	s5 =	simm.s32 @p1 $0x1;
	p0 =	seq.s32 s7, s2  }
0x1e: {  	s7 =	smul.u32 @!p0 $0xF7A, s2;
	p2 =	seq.s32 @!p0 s5, $0x0  }
0x1f: {  	s9 =	smul.u32 $0xF7A, s1;
	s8 =	simm.s32 @!p0 $0x1BF5;
	p2 =	por !p2, p0  }
0x20: {  	[sflag:s8] =	ssyncset.s32 @!p0 $0xFFFFF086;
	s6 =	sadd.s32 @!p0 s3, s7;
	s7 =	simm.s32 @!p0 $0x108  }
0x21: {  	s3 =	sadd.s32 s3, s9;
	s6 =	sadd.s32 @!p0 $0x88, s6;
	s7 =	simm.s32 @p2 $0x1082  }
0x22: {  	[simem:s7], [sflag:s8] =	dma.local @!p0 [hbm:s6], $0xF7A  }
0x23: {  	s9 =	sor.u32 $0xD0000000, s2;
	s6 =	simm.s32 $0x108;
	_ =	swait.ge @!p0 [sflag:s8], $0x0  }
0x24: {  	s3 =	sadd.s32 $0x88, s3;
	s6 =	simm.s32 @!p1 $0x1082;
	[sflag:s4] =	ssyncset.s32 $0xFFFFF086  }
0x25: {  	[simem:s6], [sflag:s4] =	dma.local [hbm:s3], $0xF7A  }
0x26: {  	[smem:$0x3F90] =	sst s1;
	(tag) =	ssettag s2;
	_ =	strace s9  }
0x27: {  	s1 =	sld [smem:$0x3FA0]  }
0x28: {  	s2 =	sld [smem:$0x3FA1]  }
0x29: {  	s4 =	sld [smem:$0x3FA3]  }
0x2a: {  	p0 =	seq.s32 s5, $0x0;
	s5 =	sld [smem:$0x3FA4]  }
0x2b: {  	s6 =	sld [smem:$0x3FA5]  }
0x2c: {  	s7 =	sld [smem:$0x3FA6]  }
0x2d: {  	s3 =	simm.s32 $0x108;
	s8 =	sld [smem:$0x3FA7]  }
0x2e: {  	s3 =	simm.s32 @!p0 $0x1082;
	s9 =	sld [smem:$0x3FA8]  }
0x2f: {  	lr =	sadd.s32 s0, s3;
	s0 =	sld [smem:$0x3F9F]  }
0x30: {  	s3 =	sld [smem:$0x3FA2]  }
0x31: {  	[smem:$0x3FAB] =	sst s10  }
0x32: {  	s10 =	sld [smem:$0x3FA9];
	_ =	sdelay $0x3  }
0x33: {  	p0 =	seq.s32 s10, $0x1;
	s10 =	sld [smem:$0x3FAB];
	_ =	sdelay $0x3  }
0x34: {  	[smem:$0x3FAB] =	sst s10  }
0x35: {  	s10 =	sld [smem:$0x3FAA];
	_ =	sdelay $0x3  }
0x36: {  	p1 =	seq.s32 s10, $0x1;
	s10 =	sld [smem:$0x3FAB];
	_ =	sdelay $0x3  }
0x37: {  	[smem:$0x3FAB] =	sst s10  }
0x38: {  	s10 =	sld [smem:$0x3FAC]  }
0x39: {  	_ = 	snop;
	(pc) =	sbr.ind lr, $3  }
0x3a: {  	_ = 	snop  }
0x3b: {  	_ = 	snop  }
0x3c: {  	p2 =	seq.s32 s10, $0x1;
	s10 =	sld [smem:$0x3FAB]  }
0x3d: {  	_ =	shalt  }
0x3e: {  	_ =	shalt  }
0x3f: {  	_ =	shalt  }
0x40: {  	_ =	shalt  }
0x41: {  	_ =	shalt  }
0x42: {  	_ =	shalt  }
0x43: {  	_ =	shalt  }
0x44: {  	_ =	shalt  }
0x45: {  	_ =	shalt  }
0x46: {  	_ =	shalt  }
0x47: {  	_ =	shalt  }
0x48: {  	_ =	shalt  }
0x49: {  	_ =	shalt  }
0x4a: {  	_ =	shalt  }
0x4b: {  	_ =	shalt  }
0x4c: {  	_ =	shalt  }
0x4d: {  	_ =	shalt  }
0x4e: {  	_ =	shalt  }
0x4f: {  	_ =	shalt  }
0x50: {  	_ =	shalt  }
0x51: {  	_ =	shalt  }
0x52: {  	_ =	shalt  }
0x53: {  	_ =	shalt  }
0x54: {  	_ =	shalt  }
0x55: {  	_ =	shalt  }
0x56: {  	_ =	shalt  }
0x57: {  	_ =	shalt  }
0x58: {  	_ =	shalt  }
0x59: {  	_ =	shalt  }
0x5a: {  	_ =	shalt  }
0x5b: {  	_ =	shalt  }
0x5c: {  	_ =	shalt  }
0x5d: {  	_ =	shalt  }
0x5e: {  	_ =	shalt  }
0x5f: {  	_ =	shalt  }
0x60: {  	_ =	shalt  }
0x61: {  	_ =	shalt  }
0x62: {  	_ =	shalt  }
0x63: {  	_ =	shalt  }
0x64: {  	_ =	shalt  }
0x65: {  	_ =	shalt  }
0x66: {  	_ =	shalt  }
0x67: {  	_ =	shalt  }
0x68: {  	_ =	shalt  }
0x69: {  	_ =	shalt  }
0x6a: {  	_ =	shalt  }
0x6b: {  	_ =	shalt  }
0x6c: {  	_ =	shalt  }
0x6d: {  	_ =	shalt  }
0x6e: {  	_ =	shalt  }
0x6f: {  	_ =	shalt  }
0x70: {  	_ =	shalt  }
0x71: {  	_ =	shalt  }
0x72: {  	_ =	shalt  }
0x73: {  	_ =	shalt  }
0x74: {  	_ =	shalt  }
0x75: {  	_ =	shalt  }
0x76: {  	_ =	shalt  }
0x77: {  	_ =	shalt  }
0x78: {  	_ =	shalt  }
0x79: {  	_ =	shalt  }
0x7a: {  	_ =	shalt  }
0x7b: {  	_ =	shalt  }
0x7c: {  	_ =	shalt  }
0x7d: {  	_ =	shalt  }
0x7e: {  	_ =	shalt  }
0x7f: {  	_ =	shalt  }
0x80: {  	_ =	shalt  }
0x81: {  	_ =	shalt  }
0x82: {  	_ =	shalt  }
0x83: {  	_ =	shalt  }
0x84: {  	_ =	shalt  }
0x85: {  	_ =	shalt  }
0x86: {  	_ =	shalt  }
0x87: {  	_ =	shalt  }
.Lfunc_end0:
.L_simem_size_0:
called_computation_lowered:
.L_overlay_start_0:
0x88: {  	s2 =	sld [smem:$0x3FD9]  }
0x89: {  	s3 =	sld [smem:$0x3FFE];
	_ =	sdelay $0x1  }
0x8a: {  	s1 =	srdreg.scid  }
0x8b: {  	s0 =	sand.u32 $0x1, s1  }
0x8c: {  	s17 =	sshll.u32 s0, $0xA;
	s2 =	sadd.s32 s3, s2  }
0x8d: {  	s2 =	sadd.s32 s2, s17  }
0x8e: {  	[smem:$0x3FB7] =	sst s2  }
0x8f: {  	_ = 	snop  }
0x90: {  	s2 =	sld [smem:$0x3FC8]  }
0x91: {  	s18 =	sld [smem:$0x3FC7]  }
0x92: {  	s4 =	sld [smem:$0x3FC6]  }
0x93: {  	s5 =	sld [smem:$0x3FD0];
	(tm) =	ssettm $0x1  }
0x94: {  	s6 =	sld [smem:$0x3FFB];
	_ =	sdelay $0x3  }
0x95: {  	_ =	strace s6  }
0x96: {  	s6 =	sld [smem:$0x3FFC];
	_ =	sdelay $0x3  }
0x97: {  	_ =	strace s6  }
0x98: {  	s6 =	sld [smem:$0x3FFD];
	_ =	sdelay $0x3  }
0x99: {  	_ =	strace s6  }
0x9a: {  	_ =	strace $0x8FFFFFFF  }
0x9b: {  	s19 =	sld [smem:$0x3FDB];
	_ =	sdelay $0x1  }
0x9c: {  	s7 =	simm.s32 $_scs_section_size  }
0x9d: {  	s8 =	simm.s32 $_size__tile_overlayer_lowered;
	s9 =	simm.s32 $_tile_overlayer_lowered  }
0x9e: {  	s22 =	simm.s32 $0x1BFF;
	s21 =	sshll.u32 s9, $0x1;
	s6 =	sadd.s32 s7, s19  }
0x9f: {  	s10 =	simm.s32 $0x0;
	s20 =	sshll.u32 s8, $0x1;
	s8 =	sadd.s32 s21, s6  }
0xa0: {  	[timem:s10], [sflag:s22] =	dma.local [hbm:s8], s20  }
0xa1: {  	_ =	swait.ge [sflag:s22], s20  }
0xa2: {  	s7 =	ssub.s32 $0x0, s20;
	[sflag:s22] =	ssyncset.done $0x0  }
0xa3: {  	[sflag:s22] =	ssyncadd.s32 s7;
	_ =	sdelay $0x1  }
0xa4: {  	s23 =	simm.s32 $0x1B8B  }
0xa5: {  	_ =	swait.ge [sflag:s23], $0x1  }
0xa6: {  	[sflag:s23] =	ssyncset.done $0x0  }
0xa7: {  	s25 =	simm.s32 $0x1B8E;
	s24 =	sld [smem:$0x3FFE];
	[sflag:s23] =	ssyncadd.s32 $0xFFFFFFFF  }
0xa8: {  	s26 =	simm.s32 $execute0_lowered;
	[smem:$0x3FD2] =	sst s25  }
0xa9: {  	s8 =	sshll.u32 s26, $0x1;
	_ =	strace $0x80000046;
	[dreg:$0x1] =	wrdreg $0xFFFFFFFF  }
0xaa: {  	s28 =	simm.s32 $_size_execute0_lowered;
	s6 =	sadd.s32 s6, s8;
	[dreg:$0x0] =	wrdreg $0x0  }
0xab: {  	s8 =	sshll.u32 s28, $0x1;
	[dreg:$0x2] =	wrdreg s6  }
0xac: {  	[dreg:$0x3] =	wrdreg s8  }
0xad: {  	[dreg:$0x4] =	wrdreg $0xC0  }
0xae: {  	_ =	task [dreg:s10], $0x5FFFF  }
0xaf: {  	[dreg:$0x1] =	wrdreg $0xFFFFFFFF  }
0xb0: {  	[dreg:$0x0] =	wrdreg $0x60  }
0xb1: {  	[dreg:$0x2] =	wrdreg s5  }
0xb2: {  	[dreg:$0x3] =	wrdreg s4  }
0xb3: {  	[dreg:$0x4] =	wrdreg s2  }
0xb4: {  	[dreg:$0x5] =	wrdreg s18  }
0xb5: {  	[dreg:$0x6] =	wrdreg s24  }
0xb6: {  	[dreg:$0x7] =	wrdreg $0x11C000  }
0xb7: {  	[dreg:$0x8] =	wrdreg $0x9  }
0xb8: {  	_ =	task.clear_ibuf [dreg:s10], $0x9FFFF;
	_ =	strace $0x90000046  }
0xb9: {  	s29 =	simm.s32 $0x9;
	_ =	strace $0x80000048  }
0xba: {  	_ =	swait.ge [sflag:s29], $0x1  }
0xbb: {  	[sflag:s29] =	ssyncadd.s32 $0xFFFFFFFF  }
0xbc: {  	_ =	strace $0x90000048  }
0xbd: {  	_ =	sfence  }
0xbe: {  	s30 =	sld [smem:$0x0];
	_ =	sdelay $0x2  }
0xbf: {  	s31 =	sshll.u32 s1, $0xD;
	s1 =	sshrl.u32 s1, $0x2  }
0xc0: {  	s3 =	sand.u32 $0x4000, s31;
	s1 =	sadd.s32 s1, s30  }
0xc1: {  	s0 =	sor.u32 s3, s0;
	s1 =	sshll.u32 s1, $0x11  }
0xc2: {  	s0 =	sor.u32 s1, s0  }
0xc3: {  	s0 =	sadd.s32 $0x8F2B, s0  }
0xc4: {  	[sflag:s0] =	ssyncadd.remote.s32 $0x1  }
0xc5: {  	_ =	sfence.sel $0xFFFF  }
0xc6: {  	[dreg:$0x0] =	wrdreg $0xFFFFFFFF;
	(pc) =	sbr.abs _section_cstart, $3  }
0xc7: {  	[dreg:$0x1] =	wrdreg $0xFFFFFFFF  }
0xc8: {  	_ =	task.clear_ibuf [dreg:s10], $0x2FFFF;
	_ =	strace $0x9FFFFFFF  }
0xc9: {  	(tm) =	ssettm $0x7FFFFFFF  }
tec
execute0_lowered:
.L_overlay_start_1:
0x0: {  	(tag) =	ssettag $0x1  }
0x1: {  	s0 =	rddreg [dreg:$0x0]  }
0x2: {  	s1 =	rddreg [dreg:$0x1]  }
0x3: {  	s2 =	rddreg [dreg:$0x2]  }
0x4: {  	s7 =	rddreg [dreg:$0x3]  }
0x5: {  	s6 =	rddreg [dreg:$0x4]  }
0x6: {  	s3 =	rddreg [dreg:$0x5];
	s4 =	simm.s32 $0x0  }
0x7: {  	s14 =	stileid.u32;
	s5 =	srdreg.scid;
	s18 =	simm.s32 $0x278  }
0x8: {  	s28 =	simm.s32 $0x2;
	s29 =	simm.s32 $0xB200;
	s30 =	simm.s32 $0x3  }
0x9: {  	s31 =	simm.s32 $0xBA00;
	[smem:$0x7FF] =	sst s4;
	s8 =	smul.u32 $0x280, s14  }
0xa: {  	s9 =	sand.u32 $0x1, s5;
	s5 =	sadd.s32 $0x3400, s6;
	s20 =	smul.u32 $0x4E, s14  }
0xb: {  	p2 =	slt.u32 s14, $0x2;
	s13 =	smin.u32 s14, $0x2;
	p3 =	sgt.u32 s14, $0x1  }
0xc: {  	s23 =	smul.u32 $0x190, s14;
	_ =	strace $0x80000047;
	s10 =	ssub.s32 $0x2, s9  }
0xd: {  	p0 =	seq.s32 s9, $0x0;
	s21 =	sshll.u32 s9, $0x9;
	s18 =	simm.s32 @!p2 $0x270  }
0xe: {  	p5 =	sne.s32 s9, $0x0;
	s11 =	sshrl.u32 s8, $0x3;
	s12 =	sshrl.u32 s10, $0x1  }
0xf: {  	s19 =	sadd.s32 s8, s3;
	p1 =	por !p0, !p2;
	s8 =	sadd.s32 s21, s8  }
0x10: {  	[dreg:$0xa] =	wrdreg s18;
	s21 =	sshll.u32 s18, $0x4;
	s11 =	sadd.s32 s11, s6  }
0x11: {  	s12 =	ssub.s32 s10, s12;
	s10 =	sadd.s32 s13, s20;
	p1 =	por !p1, !p1  }
0x12: {  	s13 =	simm.s32 @!p3 $0x0;
	s22 =	smul.u32 $0x5, s8;
	s14 =	sshll.u32 s8, $0x7  }
0x13: {  	s15 =	sor.u32 $0x10, s8;
	s16 =	sor.u32 $0x20, s8;
	s17 =	sor.u32 $0x30, s8  }
0x14: {  	s20 =	simm.s32 $0x0;
	s13 =	simm.s32 @p3 $0x1;
	p3 =	por !p0, !p3  }
0x15: {  	s10 =	sshll.u32 s10, $0x5;
	s24 =	sadd.s32 $0x2800, s11;
	[smem:$0x7FC] =	sst s13  }
0x16: {  	s25 =	sadd.s32 $0x2E00, s11;
	s26 =	smax.u32 s12, $0x1;
	[dreg:$0xd] =	wrdreg s24  }
0x17: {  	p3 =	por !p3, !p3;
	s2 =	sadd.s32 s2, s10;
	[dreg:$0xe] =	wrdreg s25  }
0x18: {  	s7 =	sadd.s32 s7, s10;
	s10 =	simm.s32 $0x20;
	[dreg:$0xf] =	wrdreg s26  }
0x19: {  	s25 =	simm.s32 $0x11900;
	s26 =	simm.s32 $0xAA00;
	[dreg:$0x8] =	wrdreg s2  }
0x1a: {  	s24 =	simm.s32 $0xC200;
	s13 =	simm.s32 @!p3 $0x0;
	[dreg:$0x9] =	wrdreg s7  }
0x1b: {  	s2 =	sshrl.u32 s22, $0x3;
	s10 =	simm.s32 @!p0 $0x8;
	s7 =	sadd.s32 s0, s23  }
0x1c: {  	s23 =	simm.s32 $0xA;
	s22 =	simm.s32 $0x1;
	s13 =	simm.s32 @p3 $0x1  }
0x1d: {  	p3 =	seq.s32 s9, $0x1;
	[dreg:$0xb] =	wrdreg s7;
	s0 =	sadd.s32 s0, s2  }
0x1e: {  	s9 =	smov.u32 s19;
	s19 =	simm.s32 $0x9;
	[smem:$0x7FD] =	sst s13  }
0x1f: {  	p4 =	por !p2, !p3;
	[dreg:$0xc] =	wrdreg s0;
	s13 =	sshrl.u32 s10, $0x2  }
0x20: {  	v0 =	vimm.f32 $0.0e+00;
	v1 =	vimm.f32 $1.000000000e+00;
	vm0 =	vmmov $0xffff;
	s0 =	simm.s32 $0x4;
	[dreg:$0x7] =	wrdreg s9;
	p4 =	por !p4, !p4  }
.LBB2_1:
0x21: {  	[tilespmem:$0x11980] =	vst v0  }
0x22: {  	[tilespmem:$0x11990] =	vst v0  }
0x23: {  	[tilespmem:$0x119A0] =	vst v0  }
0x24: {  	[tilespmem:$0x119B0] =	vst v0  }
0x25: {  	[tilespmem:$0x119C0] =	vst v0  }
0x26: {  	[tilespmem:$0x119D0] =	vst v0  }
0x27: {  	[tilespmem:$0x119E0] =	vst v0  }
0x28: {  	[tilespmem:$0x119F0] =	vst v0  }
0x29: {  	[tilespmem:$0x11A00] =	vst v0  }
0x2a: {  	[tilespmem:$0x11A10] =	vst v0  }
0x2b: {  	[tilespmem:$0x11A20] =	vst v0  }
0x2c: {  	[tilespmem:$0x11A30] =	vst v0  }
0x2d: {  	[tilespmem:$0x11A40] =	vst v0  }
0x2e: {  	[tilespmem:$0x11A50] =	vst v0  }
0x2f: {  	[tilespmem:$0x11A60] =	vst v0  }
0x30: {  	[tilespmem:$0x11A70] =	vst v0  }
0x31: {  	[tilespmem:$0x11A80] =	vst v0  }
0x32: {  	[tilespmem:$0x11A90] =	vst v0  }
0x33: {  	[tilespmem:$0x11AA0] =	vst v0  }
0x34: {  	[tilespmem:$0x11AB0] =	vst v0  }
0x35: {  	[tilespmem:$0x11AC0] =	vst v0  }
0x36: {  	[tilespmem:$0x11AD0] =	vst v0  }
0x37: {  	[tilespmem:$0x11AE0] =	vst v0  }
0x38: {  	[tilespmem:$0x11AF0] =	vst v0  }
0x39: {  	[tilespmem:$0x11B00] =	vst v0  }
0x3a: {  	[tilespmem:$0x11B10] =	vst v0  }
0x3b: {  	[tilespmem:$0x11B20] =	vst v0  }
0x3c: {  	[tilespmem:$0x11B30] =	vst v0  }
0x3d: {  	[tilespmem:$0x11B40] =	vst v0  }
0x3e: {  	[tilespmem:$0x11B50] =	vst v0  }
0x3f: {  	[tilespmem:$0x11B60] =	vst v0  }
0x40: {  	[tilespmem:$0x11B70] =	vst v0  }
0x41: {  	[tilespmem:$0x11B80] =	vst v0  }
0x42: {  	[tilespmem:$0x11B90] =	vst v0  }
0x43: {  	[tilespmem:$0x11BA0] =	vst v0  }
0x44: {  	[tilespmem:$0x11BB0] =	vst v0  }
0x45: {  	[tilespmem:$0x11BC0] =	vst v0  }
0x46: {  	[tilespmem:$0x11BD0] =	vst v0  }
0x47: {  	[tilespmem:$0x11BE0] =	vst v0  }
0x48: {  	[tilespmem:$0x11BF0] =	vst v0  }
.Ltmp0:
0x49: {  	[tilespmem:$0x11900] =	vst v1;
	s2 =	simm.s32 $0x11980;
	(pc) =	sbr.rel @!p1 .LBB2_3-.Ltmp0, $4  }
0x4a: {  	[spmem:s9] =	stream.linear.scatter [tilespmem:s2], [sflag:$0xA], $0x280, $0x38;
	[tilespmem:$0x11E80] =	vst v63  }
0x4b: {  	_ =	swait.ge [sflag:s23], $0x280  }
0x4c: {  	[sflag:s23] =	ssyncset.done $0x0  }
0x4d: {  	[sflag:s23] =	ssyncadd.s32 $0xFFFFFD80  }
.Ltmp1:
0x4e: {  	s2 =	rddreg [dreg:$0x8];
	s6 =	simm.s32 $0xCA00;
	(pc) =	sbr.rel .LBB2_4-.Ltmp1, $4  }
0x4f: {  	[tilespmem:s6], [sflag:$0xA] =	stream.linear.gather [hbm4b:s2+s4], $0x4F00, $0x38;
	[tilespmem:$0x11E80] =	vst v63  }
0x50: {  	_ =	swait.ge [sflag:s23], $0x4F00  }
0x51: {  	[sflag:s23] =	ssyncset.done $0x0  }
0x52: {  	p0 =	por $0x0, $0x0;
	[sflag:s23] =	ssyncadd.s32 $0xFFFFB100  }
.LBB2_3:
0x53: {  	s6 =	sld [smem:$0x7FD];
	_ =	sdelay $0x2  }
0x54: {  	p2 =	seq.s32 s6, $0x1  }
.Ltmp2:
0x55: {  	_ = 	snop;
	(pc) =	sbr.rel @p2 .LBB2_5-.Ltmp2, $2  }
0x56: {  	s2 =	sld [smem:$0x7FC];
	_ =	sdelay $0x2  }
0x57: {  	p6 =	por $0x0, $0x0;
	p0 =	seq.s32 s2, $0x1;
	s2 =	rddreg [dreg:$0x8]  }
.LBB2_4:
0x58: {  	s2 =	simm.s32 @p4 $0x0  }
0x59: {  	s7 =	simm.s32 @p4 $0xCA00;
	s6 =	rddreg [dreg:$0x9];
	p6 =	por @p4 $0x1, $0x1  }
0x5a: {  	[tilespmem:s7], [sflag:$0xA] =	stream.linear.gather @p4 [hbm4b:s6+s2], $0x4F00, $0x38;
	[tilespmem:$0x11E80] =	vst v63  }
0x5b: {  	p6 =	por @!p4 p3, p3  }
0x5c: {  	p0 =	por !p6, !p0  }
0x5d: {  	p0 =	por !p0, !p0  }
.Ltmp3:
0x5e: {  	_ = 	snop;
	(pc) =	sbr.rel @!p0 .LBB2_6-.Ltmp3, $4  }
0x5f: {  	s2 =	simm.s32 @p4 $0xA  }
0x60: {  	_ =	swait.ge @p4 [sflag:s2], $0x4F00  }
0x61: {  	[sflag:s2] =	ssyncset.done @p4 $0x0  }
0x62: {  	[sflag:s2] =	ssyncadd.s32 @p4 $0xFFFFB100;
	s2 =	smov.u32 s6  }
.LBB2_5:
0x63: {  	s6 =	simm.s32 $0xCA00  }
0x64: {  	[tilespmem:s6], [sflag:$0xA] =	stream.linear.gather [hbm4b:s2+s4], $0x4E00, $0x38;
	[tilespmem:$0x11E80] =	vst v63  }
0x65: {  	_ =	swait.ge [sflag:s23], $0x4E00  }
0x66: {  	[sflag:s23] =	ssyncset.done $0x0  }
0x67: {  	[sflag:s23] =	ssyncadd.s32 $0xFFFFB200  }
.LBB2_6:
0x68: {  	s2 =	simm.s32 $0x0  }
0x69: {  	s7 =	sand.u32 $0x70, s2;
	s8 =	sand.u32 $0xFFFFFF00, s2  }
0x6a: {  	[bflag:$0x0] =	sbarrier.arrive $0xFFFF;
	s7 =	sor.u32 s7, s8  }
0x6b: {  	p0 =	sne.s32 s21, $0x10;
	v2 =	vld [tilespmem:s7+$0xCA80]  }
.Ltmp4:
0x6c: {  	_ = 	snop;
	(pc) =	sbr.rel @!p0 .LBB2_8-.Ltmp4, $2  }
0x6d: {  	_ =	sdelay $0x2  }
0x6e: {  	s8 =	simm.s32 $0x20;
	s7 =	simm.s32 $0x10  }
.LBB2_7:
0x6f: {  	s9 =	sand.u32 $0x70, s7;
	s11 =	sand.u32 $0xFFFFFF00, s8  }
0x70: {  	s7 =	sadd.s32 $0x10, s7;
	s9 =	sor.u32 s9, s11  }
0x71: {  	[spmem:s3] =	stream.indirect_vreg.scatter.add.f32 [tilespmem:s25], [sflag:$0x9], $0x1, v2, vm0, $0xb8;
	[tilespmem:$0x11E80] =	vst v63  }
0x72: {  	p0 =	sne.s32 s21, s7;
	v2 =	vld [tilespmem:s9+$0xCA80]  }
.Ltmp5:
0x73: {  	(pc) =	sbr.rel @p0 .LBB2_7-.Ltmp5, $2  }
0x74: {  	_ =	sdelay $0x2  }
0x75: {  	s8 =	sadd.s32 $0x20, s8  }
.LBB2_8:
0x76: {  	_ =	sdelay $0x3  }
0x77: {  	[spmem:s3] =	stream.indirect_vreg.scatter.add.f32 [tilespmem:s25], [sflag:$0x9], $0x1, v2, vm0, $0xb8;
	[tilespmem:$0x11E80] =	vst v63  }
0x78: {  	s7 =	simm.s32 @!p5 $0x0;
	s6 =	rddreg [dreg:$0xb]  }
0x79: {  	[tilespmem:s7], [sflag:$0xA] =	stream.linear.gather @!p5 [hbm4b:s6+s7], $0xA00, $0x38;
	[tilespmem:$0x11E80] =	vst v63  }
0x7a: {  	s7 =	simm.s32 @!p5 $0xA  }
0x7b: {  	_ =	swait.ge @!p5 [sflag:s7], $0xA00  }
0x7c: {  	[sflag:s7] =	ssyncset.done @!p5 $0x0  }
0x7d: {  	s6 =	rddreg [dreg:$0xc];
	[sflag:s7] =	ssyncadd.s32 @!p5 $0xFFFFF600;
	s7 =	simm.s32 @p6 $0x0  }
0x7e: {  	[tilespmem:s7], [sflag:$0xA] =	stream.linear.gather @p6 [hbm4b:s6+s7], $0x280, $0x38;
	[tilespmem:$0x11E80] =	vst v63  }
0x7f: {  	s7 =	simm.s32 @p6 $0xA  }
0x80: {  	_ =	swait.ge @p6 [sflag:s7], $0x280  }
0x81: {  	[sflag:s7] =	ssyncset.done @p6 $0x0  }
0x82: {  	[sflag:s7] =	ssyncadd.s32 @p6 $0xFFFFFD80  }
0x83: {  	v2 =	vld [tilespmem:$0x0];
	_ =	sdelay $0x6  }
0x84: {  	s12 =	simm.s32 $0xA00  }
0x85: {  	[tilespmem:s12], [sflag:$0x1] =	stream.indirect_vreg.gather [hbm4b:s1+s2], $0x80, v2, vm0, $0xb8;
	[tilespmem:$0x11E80] =	vst v63  }
0x86: {  	v2 =	vld [tilespmem:$0x10];
	_ =	sdelay $0x6  }
0x87: {  	s18 =	simm.s32 $0x1200  }
0x88: {  	[tilespmem:s18], [sflag:$0x1] =	stream.indirect_vreg.gather [hbm4b:s1+s2], $0x80, v2, vm0, $0xb8;
	[tilespmem:$0x11E80] =	vst v63  }
0x89: {  	v2 =	vld [tilespmem:$0x20];
	_ =	sdelay $0x6  }
0x8a: {  	s7 =	simm.s32 $0x1A00  }
0x8b: {  	[tilespmem:s7], [sflag:$0x1] =	stream.indirect_vreg.gather [hbm4b:s1+s2], $0x80, v2, vm0, $0xb8;
	[tilespmem:$0x11E80] =	vst v63  }
0x8c: {  	v2 =	vld [tilespmem:$0x30];
	_ =	sdelay $0x6  }
0x8d: {  	s8 =	simm.s32 $0x2200  }
0x8e: {  	[tilespmem:s8], [sflag:$0x1] =	stream.indirect_vreg.gather [hbm4b:s1+s2], $0x80, v2, vm0, $0xb8;
	[tilespmem:$0x11E80] =	vst v63  }
0x8f: {  	v2 =	vld [tilespmem:$0x40];
	_ =	sdelay $0x6  }
0x90: {  	s9 =	simm.s32 $0x2A00  }
0x91: {  	[tilespmem:s9], [sflag:$0x1] =	stream.indirect_vreg.gather [hbm4b:s1+s2], $0x80, v2, vm0, $0xb8;
	[tilespmem:$0x11E80] =	vst v63  }
0x92: {  	v2 =	vld [tilespmem:$0x50];
	_ =	sdelay $0x6  }
0x93: {  	s11 =	simm.s32 $0x3200  }
0x94: {  	[tilespmem:s11], [sflag:$0x2] =	stream.indirect_vreg.gather [hbm4b:s1+s2], $0x80, v2, vm0, $0xb8;
	[tilespmem:$0x11E80] =	vst v63  }
0x95: {  	v2 =	vld [tilespmem:$0x60];
	_ =	sdelay $0x6  }
0x96: {  	s12 =	simm.s32 $0x3A00  }
0x97: {  	[tilespmem:s12], [sflag:$0x2] =	stream.indirect_vreg.gather [hbm4b:s1+s2], $0x80, v2, vm0, $0xb8;
	[tilespmem:$0x11E80] =	vst v63  }
0x98: {  	v2 =	vld [tilespmem:$0x70];
	_ =	sdelay $0x6  }
0x99: {  	s18 =	simm.s32 $0x4200  }
0x9a: {  	[tilespmem:s18], [sflag:$0x2] =	stream.indirect_vreg.gather [hbm4b:s1+s2], $0x80, v2, vm0, $0xb8;
	[tilespmem:$0x11E80] =	vst v63  }
0x9b: {  	v2 =	vld [tilespmem:$0x80];
	_ =	sdelay $0x6  }
0x9c: {  	s7 =	simm.s32 $0x4A00  }
0x9d: {  	[tilespmem:s7], [sflag:$0x2] =	stream.indirect_vreg.gather [hbm4b:s1+s2], $0x80, v2, vm0, $0xb8;
	[tilespmem:$0x11E80] =	vst v63  }
0x9e: {  	v2 =	vld [tilespmem:$0x90];
	_ =	sdelay $0x6  }
0x9f: {  	s8 =	simm.s32 $0x5200  }
0xa0: {  	[tilespmem:s8], [sflag:$0x2] =	stream.indirect_vreg.gather [hbm4b:s1+s2], $0x80, v2, vm0, $0xb8;
	[tilespmem:$0x11E80] =	vst v63  }
0xa1: {  	v2 =	vld [tilespmem:$0xA0];
	_ =	sdelay $0x6  }
0xa2: {  	s9 =	simm.s32 $0x5A00  }
0xa3: {  	[tilespmem:s9], [sflag:$0x3] =	stream.indirect_vreg.gather [hbm4b:s1+s2], $0x80, v2, vm0, $0xb8;
	[tilespmem:$0x11E80] =	vst v63  }
0xa4: {  	v2 =	vld [tilespmem:$0xB0];
	_ =	sdelay $0x6  }
0xa5: {  	s11 =	simm.s32 $0x6200  }
0xa6: {  	[tilespmem:s11], [sflag:$0x3] =	stream.indirect_vreg.gather [hbm4b:s1+s2], $0x80, v2, vm0, $0xb8;
	[tilespmem:$0x11E80] =	vst v63  }
0xa7: {  	v2 =	vld [tilespmem:$0xC0];
	_ =	sdelay $0x6  }
0xa8: {  	s12 =	simm.s32 $0x6A00  }
0xa9: {  	[tilespmem:s12], [sflag:$0x3] =	stream.indirect_vreg.gather [hbm4b:s1+s2], $0x80, v2, vm0, $0xb8;
	[tilespmem:$0x11E80] =	vst v63  }
0xaa: {  	v2 =	vld [tilespmem:$0xD0];
	_ =	sdelay $0x6  }
0xab: {  	s18 =	simm.s32 $0x7200  }
0xac: {  	[tilespmem:s18], [sflag:$0x3] =	stream.indirect_vreg.gather [hbm4b:s1+s2], $0x80, v2, vm0, $0xb8;
	[tilespmem:$0x11E80] =	vst v63  }
0xad: {  	v2 =	vld [tilespmem:$0xE0];
	_ =	sdelay $0x6  }
0xae: {  	s7 =	simm.s32 $0x7A00  }
0xaf: {  	[tilespmem:s7], [sflag:$0x3] =	stream.indirect_vreg.gather [hbm4b:s1+s2], $0x80, v2, vm0, $0xb8;
	[tilespmem:$0x11E80] =	vst v63  }
0xb0: {  	v2 =	vld [tilespmem:$0xF0];
	_ =	sdelay $0x6  }
0xb1: {  	s8 =	simm.s32 $0x8200  }
0xb2: {  	[tilespmem:s8], [sflag:$0x4] =	stream.indirect_vreg.gather [hbm4b:s1+s2], $0x80, v2, vm0, $0xb8;
	[tilespmem:$0x11E80] =	vst v63  }
0xb3: {  	v2 =	vld [tilespmem:$0x100];
	_ =	sdelay $0x6  }
0xb4: {  	s9 =	simm.s32 $0x8A00  }
0xb5: {  	[tilespmem:s9], [sflag:$0x4] =	stream.indirect_vreg.gather [hbm4b:s1+s2], $0x80, v2, vm0, $0xb8;
	[tilespmem:$0x11E80] =	vst v63  }
0xb6: {  	v2 =	vld [tilespmem:$0x110];
	_ =	sdelay $0x6  }
0xb7: {  	s11 =	simm.s32 $0x9200  }
0xb8: {  	[tilespmem:s11], [sflag:$0x4] =	stream.indirect_vreg.gather [hbm4b:s1+s2], $0x80, v2, vm0, $0xb8;
	[tilespmem:$0x11E80] =	vst v63  }
0xb9: {  	v2 =	vld [tilespmem:$0x120];
	_ =	sdelay $0x6  }
0xba: {  	s12 =	simm.s32 $0x9A00  }
0xbb: {  	[tilespmem:s12], [sflag:$0x4] =	stream.indirect_vreg.gather [hbm4b:s1+s2], $0x80, v2, vm0, $0xb8;
	[tilespmem:$0x11E80] =	vst v63  }
0xbc: {  	v2 =	vld [tilespmem:$0x130];
	_ =	sdelay $0x6  }
0xbd: {  	s18 =	simm.s32 $0xA200  }
0xbe: {  	[tilespmem:s18], [sflag:$0x4] =	stream.indirect_vreg.gather [hbm4b:s1+s2], $0x80, v2, vm0, $0xb8;
	[tilespmem:$0x11E80] =	vst v63  }
.LBB2_9:
0xbf: {  	_ =	swait.ge [sflag:s22], $0x800  }
0xc0: {  	[sflag:s22] =	ssyncset.done $0x0  }
0xc1: {  	[sflag:s22] =	ssyncadd.s32 $0xFFFFF800  }
0xc2: {  	_ =	swait.ge [sflag:s22], $0x800  }
0xc3: {  	[sflag:s22] =	ssyncset.done $0x0  }
0xc4: {  	[sflag:s22] =	ssyncadd.s32 $0xFFFFF800  }
0xc5: {  	_ =	swait.ge [sflag:s22], $0x800  }
0xc6: {  	[sflag:s22] =	ssyncset.done $0x0  }
0xc7: {  	[sflag:s22] =	ssyncadd.s32 $0xFFFFF800  }
0xc8: {  	_ =	swait.ge [sflag:s22], $0x800  }
0xc9: {  	[sflag:s22] =	ssyncset.done $0x0  }
0xca: {  	[sflag:s22] =	ssyncadd.s32 $0xFFFFF800  }
0xcb: {  	_ =	swait.ge [sflag:s22], $0x800  }
0xcc: {  	p2 =	seq.s32 s2, $0x0;
	[sflag:s22] =	ssyncset.done $0x0  }
0xcd: {  	s7 =	simm.s32 @!p2 $0x5;
	[sflag:s22] =	ssyncadd.s32 $0xFFFFF800  }
0xce: {  	_ =	swait.ge @!p2 [sflag:s7], $0x800  }
0xcf: {  	[sflag:s7] =	ssyncset.done @!p2 $0x0  }
0xd0: {  	s11 =	simm.s32 $0xB40;
	[sflag:s7] =	ssyncadd.s32 @!p2 $0xFFFFF800  }
0xd1: {  	v2 =	vld [tilespmem:s11+$0xFFFFFF40]  }
0xd2: {  	v3 =	vld [tilespmem:s11+$0xFFFFFEC0];
	_ =	sdelay $0x1  }
0xd3: {  	v4 =	vld [tilespmem:s11+$0xFFFFFFC0];
	_ =	sdelay $0x1  }
0xd4: {  	v5 =	vld [tilespmem:s11+$0x40]  }
0xd5: {  	v2 =	vadd.f32 v2, v3  }
0xd6: {  	v3 =	vld [tilespmem:s11+$0xC0]  }
0xd7: {  	v2 =	vadd.f32 v4, v2;
	_ =	sdelay $0x1  }
0xd8: {  	v2 =	vadd.f32 v5, v2;
	_ =	sdelay $0x1  }
0xd9: {  	v2 =	vadd.f32 v3, v2  }
0xda: {  	s12 =	simm.s32 $0x0  }
0xdb: {  	[tilespmem:s12+$0xAA00] =	vst v2  }
0xdc: {  	v2 =	vld [tilespmem:s11+$0xFFFFFED0]  }
0xdd: {  	v3 =	vld [tilespmem:s11+$0xFFFFFF50];
	_ =	sdelay $0x1  }
0xde: {  	v4 =	vld [tilespmem:s11+$0xFFFFFFD0];
	_ =	sdelay $0x1  }
0xdf: {  	v5 =	vld [tilespmem:s11+$0x50]  }
0xe0: {  	v2 =	vadd.f32 v3, v2  }
0xe1: {  	v3 =	vld [tilespmem:s11+$0xD0]  }
0xe2: {  	v2 =	vadd.f32 v4, v2;
	_ =	sdelay $0x1  }
0xe3: {  	v2 =	vadd.f32 v5, v2;
	_ =	sdelay $0x1  }
0xe4: {  	v2 =	vadd.f32 v3, v2;
	_ =	sdelay $0x1  }
0xe5: {  	[tilespmem:s12+$0xAA10] =	vst v2  }
0xe6: {  	v2 =	vld [tilespmem:s11+$0xFFFFFEE0]  }
0xe7: {  	v3 =	vld [tilespmem:s11+$0xFFFFFF60];
	_ =	sdelay $0x1  }
0xe8: {  	v4 =	vld [tilespmem:s11+$0xFFFFFFE0];
	_ =	sdelay $0x1  }
0xe9: {  	v5 =	vld [tilespmem:s11+$0x60]  }
0xea: {  	v2 =	vadd.f32 v3, v2  }
0xeb: {  	v3 =	vld [tilespmem:s11+$0xE0]  }
0xec: {  	v2 =	vadd.f32 v4, v2;
	_ =	sdelay $0x1  }
0xed: {  	v2 =	vadd.f32 v5, v2;
	_ =	sdelay $0x1  }
0xee: {  	v2 =	vadd.f32 v3, v2;
	_ =	sdelay $0x1  }
0xef: {  	[tilespmem:s12+$0xAA20] =	vst v2  }
0xf0: {  	v2 =	vld [tilespmem:s11+$0xFFFFFEF0]  }
0xf1: {  	v3 =	vld [tilespmem:s11+$0xFFFFFF70];
	_ =	sdelay $0x1  }
0xf2: {  	v4 =	vld [tilespmem:s11+$0xFFFFFFF0];
	_ =	sdelay $0x1  }
0xf3: {  	v5 =	vld [tilespmem:s11+$0x70]  }
0xf4: {  	v2 =	vadd.f32 v3, v2  }
0xf5: {  	v3 =	vld [tilespmem:s11+$0xF0]  }
0xf6: {  	v2 =	vadd.f32 v4, v2;
	_ =	sdelay $0x1  }
0xf7: {  	v2 =	vadd.f32 v5, v2;
	_ =	sdelay $0x1  }
0xf8: {  	v2 =	vadd.f32 v3, v2;
	_ =	sdelay $0x1  }
0xf9: {  	[tilespmem:s12+$0xAA30] =	vst v2  }
0xfa: {  	v2 =	vld [tilespmem:s11+$0xFFFFFF00]  }
0xfb: {  	v3 =	vld [tilespmem:s11+$0xFFFFFF80];
	_ =	sdelay $0x1  }
0xfc: {  	v4 =	vld [tilespmem:s11+$0x0];
	_ =	sdelay $0x1  }
0xfd: {  	v5 =	vld [tilespmem:s11+$0x80]  }
0xfe: {  	v2 =	vadd.f32 v3, v2  }
0xff: {  	v3 =	vld [tilespmem:s11+$0x100]  }
0x100: {  	v2 =	vadd.f32 v4, v2;
	_ =	sdelay $0x1  }
0x101: {  	v2 =	vadd.f32 v5, v2;
	_ =	sdelay $0x1  }
0x102: {  	v2 =	vadd.f32 v3, v2;
	_ =	sdelay $0x1  }
0x103: {  	[tilespmem:s12+$0xAA40] =	vst v2  }
0x104: {  	v2 =	vld [tilespmem:s11+$0xFFFFFF10]  }
0x105: {  	v3 =	vld [tilespmem:s11+$0xFFFFFF90];
	_ =	sdelay $0x1  }
0x106: {  	v4 =	vld [tilespmem:s11+$0x10];
	_ =	sdelay $0x1  }
0x107: {  	v5 =	vld [tilespmem:s11+$0x90]  }
0x108: {  	v2 =	vadd.f32 v3, v2  }
0x109: {  	v3 =	vld [tilespmem:s11+$0x110]  }
0x10a: {  	v2 =	vadd.f32 v4, v2;
	_ =	sdelay $0x1  }
0x10b: {  	v2 =	vadd.f32 v5, v2;
	_ =	sdelay $0x1  }
0x10c: {  	v2 =	vadd.f32 v3, v2;
	_ =	sdelay $0x1  }
0x10d: {  	[tilespmem:s12+$0xAA50] =	vst v2  }
0x10e: {  	v2 =	vld [tilespmem:s11+$0xFFFFFF20]  }
0x10f: {  	v3 =	vld [tilespmem:s11+$0xFFFFFFA0];
	_ =	sdelay $0x1  }
0x110: {  	v4 =	vld [tilespmem:s11+$0x20];
	_ =	sdelay $0x1  }
0x111: {  	v5 =	vld [tilespmem:s11+$0xA0]  }
0x112: {  	v2 =	vadd.f32 v3, v2  }
0x113: {  	v3 =	vld [tilespmem:s11+$0x120]  }
0x114: {  	v2 =	vadd.f32 v4, v2;
	_ =	sdelay $0x1  }
0x115: {  	v2 =	vadd.f32 v5, v2;
	_ =	sdelay $0x1  }
0x116: {  	v2 =	vadd.f32 v3, v2;
	_ =	sdelay $0x1  }
0x117: {  	[tilespmem:s12+$0xAA60] =	vst v2  }
0x118: {  	v5 =	vld [tilespmem:s11+$0xFFFFFF30]  }
0x119: {  	v6 =	vld [tilespmem:s11+$0xFFFFFFB0]  }
0x11a: {  	v4 =	vld [tilespmem:s11+$0x30]  }
0x11b: {  	v2 =	vld [tilespmem:s11+$0xB0]  }
0x11c: {  	s8 =	sshll.u32 s2, $0x2;
	s7 =	simm.s32 $0x200;
	v3 =	vld [tilespmem:s11+$0x130]  }
.LBB2_10:
0x11d: {  	p0 =	sne.s32 s7, $0x1E00  }
0x11e: {  	s11 =	sadd.s32 $0x280, s11;
	s9 =	smov.u32 s7;
	s7 =	sadd.s32 $0x200, s7;
	v5 =	vadd.f32 v6, v5  }
0x11f: {  	_ = 	snop  }
0x120: {  	v4 =	vadd.f32 v4, v5;
	_ =	sdelay $0x1  }
0x121: {  	v2 =	vadd.f32 v2, v4;
	_ =	sdelay $0x1  }
0x122: {  	v2 =	vadd.f32 v3, v2;
	_ =	sdelay $0x1  }
0x123: {  	[tilespmem:s12+$0xAA70] =	vst v2  }
0x124: {  	v2 =	vld [tilespmem:s11+$0xFFFFFF40]  }
0x125: {  	v3 =	vld [tilespmem:s11+$0xFFFFFEC0]  }
0x126: {  	v4 =	vld [tilespmem:s11+$0xFFFFFFC0];
	_ =	sdelay $0x2  }
0x127: {  	v5 =	vld [tilespmem:s11+$0x40]  }
0x128: {  	v2 =	vadd.f32 v2, v3  }
0x129: {  	v3 =	vld [tilespmem:s11+$0xC0]  }
0x12a: {  	v2 =	vadd.f32 v4, v2;
	_ =	sdelay $0x1  }
0x12b: {  	v2 =	vadd.f32 v5, v2;
	_ =	sdelay $0x1  }
0x12c: {  	v2 =	vadd.f32 v3, v2  }
0x12d: {  	s12 =	sshra.s32 s9, $0x2  }
0x12e: {  	[tilespmem:s12+$0xAA00] =	vst v2  }
0x12f: {  	v2 =	vld [tilespmem:s11+$0xFFFFFED0]  }
0x130: {  	v3 =	vld [tilespmem:s11+$0xFFFFFF50];
	_ =	sdelay $0x1  }
0x131: {  	v4 =	vld [tilespmem:s11+$0xFFFFFFD0];
	_ =	sdelay $0x1  }
0x132: {  	v5 =	vld [tilespmem:s11+$0x50]  }
0x133: {  	v2 =	vadd.f32 v3, v2  }
0x134: {  	v3 =	vld [tilespmem:s11+$0xD0]  }
0x135: {  	v2 =	vadd.f32 v4, v2;
	_ =	sdelay $0x1  }
0x136: {  	v2 =	vadd.f32 v5, v2;
	_ =	sdelay $0x1  }
0x137: {  	v2 =	vadd.f32 v3, v2;
	_ =	sdelay $0x1  }
0x138: {  	[tilespmem:s12+$0xAA10] =	vst v2  }
0x139: {  	v2 =	vld [tilespmem:s11+$0xFFFFFEE0]  }
0x13a: {  	v3 =	vld [tilespmem:s11+$0xFFFFFF60];
	_ =	sdelay $0x1  }
0x13b: {  	v4 =	vld [tilespmem:s11+$0xFFFFFFE0];
	_ =	sdelay $0x1  }
0x13c: {  	v5 =	vld [tilespmem:s11+$0x60]  }
0x13d: {  	v2 =	vadd.f32 v3, v2  }
0x13e: {  	v3 =	vld [tilespmem:s11+$0xE0]  }
0x13f: {  	v2 =	vadd.f32 v4, v2;
	_ =	sdelay $0x1  }
0x140: {  	v2 =	vadd.f32 v5, v2;
	_ =	sdelay $0x1  }
0x141: {  	v2 =	vadd.f32 v3, v2;
	_ =	sdelay $0x1  }
0x142: {  	[tilespmem:s12+$0xAA20] =	vst v2  }
0x143: {  	v2 =	vld [tilespmem:s11+$0xFFFFFEF0]  }
0x144: {  	v3 =	vld [tilespmem:s11+$0xFFFFFF70];
	_ =	sdelay $0x1  }
0x145: {  	v4 =	vld [tilespmem:s11+$0xFFFFFFF0];
	_ =	sdelay $0x1  }
0x146: {  	v5 =	vld [tilespmem:s11+$0x70]  }
0x147: {  	v2 =	vadd.f32 v3, v2  }
0x148: {  	v3 =	vld [tilespmem:s11+$0xF0]  }
0x149: {  	v2 =	vadd.f32 v4, v2;
	_ =	sdelay $0x1  }
0x14a: {  	v2 =	vadd.f32 v5, v2;
	_ =	sdelay $0x1  }
0x14b: {  	v2 =	vadd.f32 v3, v2;
	_ =	sdelay $0x1  }
0x14c: {  	[tilespmem:s12+$0xAA30] =	vst v2  }
0x14d: {  	v2 =	vld [tilespmem:s11+$0xFFFFFF00]  }
0x14e: {  	v3 =	vld [tilespmem:s11+$0xFFFFFF80];
	_ =	sdelay $0x1  }
0x14f: {  	v4 =	vld [tilespmem:s11+$0x0];
	_ =	sdelay $0x1  }
0x150: {  	v5 =	vld [tilespmem:s11+$0x80]  }
0x151: {  	v2 =	vadd.f32 v3, v2  }
0x152: {  	v3 =	vld [tilespmem:s11+$0x100]  }
0x153: {  	v2 =	vadd.f32 v4, v2;
	_ =	sdelay $0x1  }
0x154: {  	v2 =	vadd.f32 v5, v2;
	_ =	sdelay $0x1  }
0x155: {  	v2 =	vadd.f32 v3, v2;
	_ =	sdelay $0x1  }
0x156: {  	[tilespmem:s12+$0xAA40] =	vst v2  }
0x157: {  	v2 =	vld [tilespmem:s11+$0xFFFFFF10]  }
0x158: {  	v3 =	vld [tilespmem:s11+$0xFFFFFF90]  }
0x159: {  	v4 =	vld [tilespmem:s11+$0x10]  }
0x15a: {  	v5 =	vld [tilespmem:s11+$0x90]  }
0x15b: {  	v6 =	vld [tilespmem:s11+$0x110];
	_ =	sdelay $0x1  }
0x15c: {  	v2 =	vadd.f32 v3, v2;
	_ =	sdelay $0x1  }
0x15d: {  	v2 =	vadd.f32 v4, v2;
	_ =	sdelay $0x1  }
0x15e: {  	v2 =	vadd.f32 v5, v2;
	_ =	sdelay $0x1  }
0x15f: {  	v2 =	vadd.f32 v6, v2;
	_ =	sdelay $0x1  }
0x160: {  	[tilespmem:s12+$0xAA50] =	vst v2  }
0x161: {  	v2 =	vld [tilespmem:s11+$0xFFFFFF20]  }
0x162: {  	v3 =	vld [tilespmem:s11+$0xFFFFFFA0]  }
0x163: {  	v4 =	vld [tilespmem:s11+$0x20]  }
0x164: {  	v5 =	vld [tilespmem:s11+$0xA0]  }
0x165: {  	v6 =	vld [tilespmem:s11+$0x120];
	_ =	sdelay $0x1  }
0x166: {  	v2 =	vadd.f32 v3, v2;
	_ =	sdelay $0x1  }
0x167: {  	v2 =	vadd.f32 v4, v2;
	_ =	sdelay $0x1  }
0x168: {  	v2 =	vadd.f32 v5, v2;
	_ =	sdelay $0x1  }
0x169: {  	v2 =	vadd.f32 v6, v2;
	_ =	sdelay $0x1  }
0x16a: {  	[tilespmem:s12+$0xAA60] =	vst v2  }
.Ltmp6:
0x16b: {  	v5 =	vld [tilespmem:s11+$0xFFFFFF30];
	(pc) =	sbr.rel @p0 .LBB2_10-.Ltmp6, $4  }
0x16c: {  	v6 =	vld [tilespmem:s11+$0xFFFFFFB0]  }
0x16d: {  	v4 =	vld [tilespmem:s11+$0x30]  }
0x16e: {  	v2 =	vld [tilespmem:s11+$0xB0]  }
0x16f: {  	v3 =	vld [tilespmem:s11+$0x130]  }
0x170: {  	_ = 	snop  }
0x171: {  	v5 =	vadd.f32 v6, v5;
	_ =	sdelay $0x1  }
0x172: {  	v4 =	vadd.f32 v4, v5;
	_ =	sdelay $0x1  }
0x173: {  	v2 =	vadd.f32 v2, v4  }
0x174: {  	s7 =	sshll.u32 s2, $0xD  }
0x175: {  	s9 =	sadd.s32 $0x4, s8;
	s7 =	sadd.s32 s14, s7;
	v2 =	vadd.f32 v3, v2  }
0x176: {  	p0 =	sge.u32 s9, s10;
	s7 =	sshrl.u32 s7, $0x3  }
0x177: {  	s9 =	smul.u32 @!p0 $0x140, s9;
	s7 =	sadd.s32 s5, s7;
	[tilespmem:s12+$0xAA70] =	vst v2  }
0x178: {  	[hbm4b:s7+s4] =	stream.linear.scatter [tilespmem:s26], [sflag:$0x5], $0x800, $0x38;
	[tilespmem:$0x11E80] =	vst v63  }
0x179: {  	s7 =	sshra.s32 @!p0 s9, $0x2  }
0x17a: {  	v2 =	vld @!p0 [tilespmem:s7+$0x0];
	_ =	sdelay $0x6  }
0x17b: {  	vm1 =	vmmov @!p0 $0xffff;
	s11 =	simm.s32 @!p0 $0xA00;
	s9 =	simm.s32 @!p0 $0x0  }
0x17c: {  	[tilespmem:s11], [sflag:$0x1] =	stream.indirect_vreg.gather @!p0 [hbm4b:s1+s9], $0x80, v2, vm1, $0xb8;
	[tilespmem:$0x11E80] =	vst v63  }
0x17d: {  	v2 =	vld @!p0 [tilespmem:s7+$0x10];
	_ =	sdelay $0x6  }
0x17e: {  	s11 =	simm.s32 @!p0 $0x1200  }
0x17f: {  	[tilespmem:s11], [sflag:$0x1] =	stream.indirect_vreg.gather @!p0 [hbm4b:s1+s9], $0x80, v2, vm1, $0xb8;
	[tilespmem:$0x11E80] =	vst v63  }
0x180: {  	v2 =	vld @!p0 [tilespmem:s7+$0x20];
	_ =	sdelay $0x6  }
0x181: {  	s11 =	simm.s32 @!p0 $0x1A00  }
0x182: {  	[tilespmem:s11], [sflag:$0x1] =	stream.indirect_vreg.gather @!p0 [hbm4b:s1+s9], $0x80, v2, vm1, $0xb8;
	[tilespmem:$0x11E80] =	vst v63  }
0x183: {  	v2 =	vld @!p0 [tilespmem:s7+$0x30];
	_ =	sdelay $0x6  }
0x184: {  	s11 =	simm.s32 @!p0 $0x2200  }
0x185: {  	[tilespmem:s11], [sflag:$0x1] =	stream.indirect_vreg.gather @!p0 [hbm4b:s1+s9], $0x80, v2, vm1, $0xb8;
	[tilespmem:$0x11E80] =	vst v63  }
0x186: {  	v2 =	vld @!p0 [tilespmem:s7+$0x40];
	_ =	sdelay $0x6  }
0x187: {  	s7 =	simm.s32 @!p0 $0x2A00  }
0x188: {  	[tilespmem:s7], [sflag:$0x1] =	stream.indirect_vreg.gather @!p0 [hbm4b:s1+s9], $0x80, v2, vm1, $0xb8;
	[tilespmem:$0x11E80] =	vst v63  }
0x189: {  	_ =	swait.ge [sflag:s28], $0x800  }
0x18a: {  	[sflag:s28] =	ssyncset.done $0x0  }
0x18b: {  	[sflag:s28] =	ssyncadd.s32 $0xFFFFF800  }
0x18c: {  	_ =	swait.ge [sflag:s28], $0x800  }
0x18d: {  	[sflag:s28] =	ssyncset.done $0x0  }
0x18e: {  	[sflag:s28] =	ssyncadd.s32 $0xFFFFF800  }
0x18f: {  	_ =	swait.ge [sflag:s28], $0x800  }
0x190: {  	[sflag:s28] =	ssyncset.done $0x0  }
0x191: {  	[sflag:s28] =	ssyncadd.s32 $0xFFFFF800  }
0x192: {  	_ =	swait.ge [sflag:s28], $0x800  }
0x193: {  	[sflag:s28] =	ssyncset.done $0x0  }
0x194: {  	[sflag:s28] =	ssyncadd.s32 $0xFFFFF800  }
0x195: {  	_ =	swait.ge [sflag:s28], $0x800  }
0x196: {  	[sflag:s28] =	ssyncset.done $0x0  }
0x197: {  	s7 =	simm.s32 @!p2 $0x6;
	[sflag:s28] =	ssyncadd.s32 $0xFFFFF800  }
0x198: {  	_ =	swait.ge @!p2 [sflag:s7], $0x800  }
0x199: {  	[sflag:s7] =	ssyncset.done @!p2 $0x0  }
0x19a: {  	s12 =	simm.s32 $0x3340;
	[sflag:s7] =	ssyncadd.s32 @!p2 $0xFFFFF800  }
0x19b: {  	v2 =	vld [tilespmem:s12+$0xFFFFFF40]  }
0x19c: {  	v3 =	vld [tilespmem:s12+$0xFFFFFEC0];
	_ =	sdelay $0x1  }
0x19d: {  	v4 =	vld [tilespmem:s12+$0xFFFFFFC0];
	_ =	sdelay $0x1  }
0x19e: {  	v5 =	vld [tilespmem:s12+$0x40]  }
0x19f: {  	v2 =	vadd.f32 v2, v3  }
0x1a0: {  	v3 =	vld [tilespmem:s12+$0xC0]  }
0x1a1: {  	v2 =	vadd.f32 v4, v2;
	_ =	sdelay $0x1  }
0x1a2: {  	v2 =	vadd.f32 v5, v2;
	_ =	sdelay $0x1  }
0x1a3: {  	v2 =	vadd.f32 v3, v2  }
0x1a4: {  	s7 =	simm.s32 $0x0  }
0x1a5: {  	[tilespmem:s7+$0xB200] =	vst v2  }
0x1a6: {  	v2 =	vld [tilespmem:s12+$0xFFFFFED0]  }
0x1a7: {  	v3 =	vld [tilespmem:s12+$0xFFFFFF50];
	_ =	sdelay $0x1  }
0x1a8: {  	v4 =	vld [tilespmem:s12+$0xFFFFFFD0];
	_ =	sdelay $0x1  }
0x1a9: {  	v5 =	vld [tilespmem:s12+$0x50]  }
0x1aa: {  	v2 =	vadd.f32 v3, v2  }
0x1ab: {  	v3 =	vld [tilespmem:s12+$0xD0]  }
0x1ac: {  	v2 =	vadd.f32 v4, v2;
	_ =	sdelay $0x1  }
0x1ad: {  	v2 =	vadd.f32 v5, v2;
	_ =	sdelay $0x1  }
0x1ae: {  	v2 =	vadd.f32 v3, v2;
	_ =	sdelay $0x1  }
0x1af: {  	[tilespmem:s7+$0xB210] =	vst v2  }
0x1b0: {  	v2 =	vld [tilespmem:s12+$0xFFFFFEE0]  }
0x1b1: {  	v3 =	vld [tilespmem:s12+$0xFFFFFF60];
	_ =	sdelay $0x1  }
0x1b2: {  	v4 =	vld [tilespmem:s12+$0xFFFFFFE0];
	_ =	sdelay $0x1  }
0x1b3: {  	v5 =	vld [tilespmem:s12+$0x60]  }
0x1b4: {  	v2 =	vadd.f32 v3, v2  }
0x1b5: {  	v3 =	vld [tilespmem:s12+$0xE0]  }
0x1b6: {  	v2 =	vadd.f32 v4, v2;
	_ =	sdelay $0x1  }
0x1b7: {  	v2 =	vadd.f32 v5, v2;
	_ =	sdelay $0x1  }
0x1b8: {  	v2 =	vadd.f32 v3, v2;
	_ =	sdelay $0x1  }
0x1b9: {  	[tilespmem:s7+$0xB220] =	vst v2  }
0x1ba: {  	v2 =	vld [tilespmem:s12+$0xFFFFFEF0]  }
0x1bb: {  	v3 =	vld [tilespmem:s12+$0xFFFFFF70];
	_ =	sdelay $0x1  }
0x1bc: {  	v4 =	vld [tilespmem:s12+$0xFFFFFFF0];
	_ =	sdelay $0x1  }
0x1bd: {  	v5 =	vld [tilespmem:s12+$0x70]  }
0x1be: {  	v2 =	vadd.f32 v3, v2  }
0x1bf: {  	v3 =	vld [tilespmem:s12+$0xF0]  }
0x1c0: {  	v2 =	vadd.f32 v4, v2;
	_ =	sdelay $0x1  }
0x1c1: {  	v2 =	vadd.f32 v5, v2;
	_ =	sdelay $0x1  }
0x1c2: {  	v2 =	vadd.f32 v3, v2;
	_ =	sdelay $0x1  }
0x1c3: {  	[tilespmem:s7+$0xB230] =	vst v2  }
0x1c4: {  	v2 =	vld [tilespmem:s12+$0xFFFFFF00]  }
0x1c5: {  	v3 =	vld [tilespmem:s12+$0xFFFFFF80];
	_ =	sdelay $0x1  }
0x1c6: {  	v4 =	vld [tilespmem:s12+$0x0];
	_ =	sdelay $0x1  }
0x1c7: {  	v5 =	vld [tilespmem:s12+$0x80]  }
0x1c8: {  	v2 =	vadd.f32 v3, v2  }
0x1c9: {  	v3 =	vld [tilespmem:s12+$0x100]  }
0x1ca: {  	v2 =	vadd.f32 v4, v2;
	_ =	sdelay $0x1  }
0x1cb: {  	v2 =	vadd.f32 v5, v2;
	_ =	sdelay $0x1  }
0x1cc: {  	v2 =	vadd.f32 v3, v2;
	_ =	sdelay $0x1  }
0x1cd: {  	[tilespmem:s7+$0xB240] =	vst v2  }
0x1ce: {  	v2 =	vld [tilespmem:s12+$0xFFFFFF10]  }
0x1cf: {  	v3 =	vld [tilespmem:s12+$0xFFFFFF90];
	_ =	sdelay $0x1  }
0x1d0: {  	v4 =	vld [tilespmem:s12+$0x10];
	_ =	sdelay $0x1  }
0x1d1: {  	v5 =	vld [tilespmem:s12+$0x90]  }
0x1d2: {  	v2 =	vadd.f32 v3, v2  }
0x1d3: {  	v3 =	vld [tilespmem:s12+$0x110]  }
0x1d4: {  	v2 =	vadd.f32 v4, v2;
	_ =	sdelay $0x1  }
0x1d5: {  	v2 =	vadd.f32 v5, v2;
	_ =	sdelay $0x1  }
0x1d6: {  	v2 =	vadd.f32 v3, v2;
	_ =	sdelay $0x1  }
0x1d7: {  	[tilespmem:s7+$0xB250] =	vst v2  }
0x1d8: {  	v2 =	vld [tilespmem:s12+$0xFFFFFF20]  }
0x1d9: {  	v3 =	vld [tilespmem:s12+$0xFFFFFFA0];
	_ =	sdelay $0x1  }
0x1da: {  	v4 =	vld [tilespmem:s12+$0x20];
	_ =	sdelay $0x1  }
0x1db: {  	v5 =	vld [tilespmem:s12+$0xA0]  }
0x1dc: {  	v2 =	vadd.f32 v3, v2  }
0x1dd: {  	v3 =	vld [tilespmem:s12+$0x120]  }
0x1de: {  	v2 =	vadd.f32 v4, v2;
	_ =	sdelay $0x1  }
0x1df: {  	v2 =	vadd.f32 v5, v2;
	_ =	sdelay $0x1  }
0x1e0: {  	v2 =	vadd.f32 v3, v2;
	_ =	sdelay $0x1  }
0x1e1: {  	[tilespmem:s7+$0xB260] =	vst v2  }
0x1e2: {  	v4 =	vld [tilespmem:s12+$0xFFFFFF30]  }
0x1e3: {  	v6 =	vld [tilespmem:s12+$0xFFFFFFB0]  }
0x1e4: {  	v2 =	vld [tilespmem:s12+$0x30]  }
0x1e5: {  	s11 =	sshll.u32 s2, $0x6;
	v3 =	vld [tilespmem:s12+$0xB0]  }
0x1e6: {  	s18 =	sadd.s32 s11, s15;
	s9 =	simm.s32 $0x200;
	v5 =	vld [tilespmem:s12+$0x130]  }
.LBB2_12:
0x1e7: {  	p0 =	sne.s32 s9, $0x1E00  }
0x1e8: {  	s12 =	sadd.s32 $0x280, s12;
	s6 =	smov.u32 s9;
	s9 =	sadd.s32 $0x200, s9;
	v4 =	vadd.f32 v6, v4  }
0x1e9: {  	_ = 	snop  }
0x1ea: {  	v2 =	vadd.f32 v2, v4;
	_ =	sdelay $0x1  }
0x1eb: {  	v2 =	vadd.f32 v3, v2;
	_ =	sdelay $0x1  }
0x1ec: {  	v2 =	vadd.f32 v5, v2;
	_ =	sdelay $0x1  }
0x1ed: {  	[tilespmem:s7+$0xB270] =	vst v2  }
0x1ee: {  	v2 =	vld [tilespmem:s12+$0xFFFFFF40]  }
0x1ef: {  	v3 =	vld [tilespmem:s12+$0xFFFFFEC0]  }
0x1f0: {  	v4 =	vld [tilespmem:s12+$0xFFFFFFC0];
	_ =	sdelay $0x2  }
0x1f1: {  	v5 =	vld [tilespmem:s12+$0x40]  }
0x1f2: {  	v2 =	vadd.f32 v2, v3  }
0x1f3: {  	v3 =	vld [tilespmem:s12+$0xC0]  }
0x1f4: {  	v2 =	vadd.f32 v4, v2;
	_ =	sdelay $0x1  }
0x1f5: {  	v2 =	vadd.f32 v5, v2;
	_ =	sdelay $0x1  }
0x1f6: {  	v2 =	vadd.f32 v3, v2  }
0x1f7: {  	s7 =	sshra.s32 s6, $0x2  }
0x1f8: {  	[tilespmem:s7+$0xB200] =	vst v2  }
0x1f9: {  	v2 =	vld [tilespmem:s12+$0xFFFFFED0]  }
0x1fa: {  	v3 =	vld [tilespmem:s12+$0xFFFFFF50];
	_ =	sdelay $0x1  }
0x1fb: {  	v4 =	vld [tilespmem:s12+$0xFFFFFFD0];
	_ =	sdelay $0x1  }
0x1fc: {  	v5 =	vld [tilespmem:s12+$0x50]  }
0x1fd: {  	v2 =	vadd.f32 v3, v2  }
0x1fe: {  	v3 =	vld [tilespmem:s12+$0xD0]  }
0x1ff: {  	v2 =	vadd.f32 v4, v2;
	_ =	sdelay $0x1  }
0x200: {  	v2 =	vadd.f32 v5, v2;
	_ =	sdelay $0x1  }
0x201: {  	v2 =	vadd.f32 v3, v2;
	_ =	sdelay $0x1  }
0x202: {  	[tilespmem:s7+$0xB210] =	vst v2  }
0x203: {  	v2 =	vld [tilespmem:s12+$0xFFFFFEE0]  }
0x204: {  	v3 =	vld [tilespmem:s12+$0xFFFFFF60];
	_ =	sdelay $0x1  }
0x205: {  	v4 =	vld [tilespmem:s12+$0xFFFFFFE0];
	_ =	sdelay $0x1  }
0x206: {  	v5 =	vld [tilespmem:s12+$0x60]  }
0x207: {  	v2 =	vadd.f32 v3, v2  }
0x208: {  	v3 =	vld [tilespmem:s12+$0xE0]  }
0x209: {  	v2 =	vadd.f32 v4, v2;
	_ =	sdelay $0x1  }
0x20a: {  	v2 =	vadd.f32 v5, v2;
	_ =	sdelay $0x1  }
0x20b: {  	v2 =	vadd.f32 v3, v2;
	_ =	sdelay $0x1  }
0x20c: {  	[tilespmem:s7+$0xB220] =	vst v2  }
0x20d: {  	v2 =	vld [tilespmem:s12+$0xFFFFFEF0]  }
0x20e: {  	v3 =	vld [tilespmem:s12+$0xFFFFFF70];
	_ =	sdelay $0x1  }
0x20f: {  	v4 =	vld [tilespmem:s12+$0xFFFFFFF0];
	_ =	sdelay $0x1  }
0x210: {  	v5 =	vld [tilespmem:s12+$0x70]  }
0x211: {  	v2 =	vadd.f32 v3, v2  }
0x212: {  	v3 =	vld [tilespmem:s12+$0xF0]  }
0x213: {  	v2 =	vadd.f32 v4, v2;
	_ =	sdelay $0x1  }
0x214: {  	v2 =	vadd.f32 v5, v2;
	_ =	sdelay $0x1  }
0x215: {  	v2 =	vadd.f32 v3, v2;
	_ =	sdelay $0x1  }
0x216: {  	[tilespmem:s7+$0xB230] =	vst v2  }
0x217: {  	v2 =	vld [tilespmem:s12+$0xFFFFFF00]  }
0x218: {  	v3 =	vld [tilespmem:s12+$0xFFFFFF80];
	_ =	sdelay $0x1  }
0x219: {  	v4 =	vld [tilespmem:s12+$0x0];
	_ =	sdelay $0x1  }
0x21a: {  	v5 =	vld [tilespmem:s12+$0x80]  }
0x21b: {  	v2 =	vadd.f32 v3, v2  }
0x21c: {  	v3 =	vld [tilespmem:s12+$0x100]  }
0x21d: {  	v2 =	vadd.f32 v4, v2;
	_ =	sdelay $0x1  }
0x21e: {  	v2 =	vadd.f32 v5, v2;
	_ =	sdelay $0x1  }
0x21f: {  	v2 =	vadd.f32 v3, v2;
	_ =	sdelay $0x1  }
0x220: {  	[tilespmem:s7+$0xB240] =	vst v2  }
0x221: {  	v2 =	vld [tilespmem:s12+$0xFFFFFF10]  }
0x222: {  	v3 =	vld [tilespmem:s12+$0xFFFFFF90]  }
0x223: {  	v4 =	vld [tilespmem:s12+$0x10]  }
0x224: {  	v5 =	vld [tilespmem:s12+$0x90]  }
0x225: {  	v6 =	vld [tilespmem:s12+$0x110];
	_ =	sdelay $0x1  }
0x226: {  	v2 =	vadd.f32 v3, v2;
	_ =	sdelay $0x1  }
0x227: {  	v2 =	vadd.f32 v4, v2;
	_ =	sdelay $0x1  }
0x228: {  	v2 =	vadd.f32 v5, v2;
	_ =	sdelay $0x1  }
0x229: {  	v2 =	vadd.f32 v6, v2;
	_ =	sdelay $0x1  }
0x22a: {  	[tilespmem:s7+$0xB250] =	vst v2  }
0x22b: {  	v2 =	vld [tilespmem:s12+$0xFFFFFF20]  }
0x22c: {  	v3 =	vld [tilespmem:s12+$0xFFFFFFA0]  }
0x22d: {  	v4 =	vld [tilespmem:s12+$0x20]  }
0x22e: {  	v5 =	vld [tilespmem:s12+$0xA0]  }
0x22f: {  	v6 =	vld [tilespmem:s12+$0x120];
	_ =	sdelay $0x1  }
0x230: {  	v2 =	vadd.f32 v3, v2;
	_ =	sdelay $0x1  }
0x231: {  	v2 =	vadd.f32 v4, v2;
	_ =	sdelay $0x1  }
0x232: {  	v2 =	vadd.f32 v5, v2;
	_ =	sdelay $0x1  }
0x233: {  	v2 =	vadd.f32 v6, v2;
	_ =	sdelay $0x1  }
0x234: {  	[tilespmem:s7+$0xB260] =	vst v2  }
.Ltmp7:
0x235: {  	v4 =	vld [tilespmem:s12+$0xFFFFFF30];
	(pc) =	sbr.rel @p0 .LBB2_12-.Ltmp7, $4  }
0x236: {  	v6 =	vld [tilespmem:s12+$0xFFFFFFB0]  }
0x237: {  	v2 =	vld [tilespmem:s12+$0x30]  }
0x238: {  	v3 =	vld [tilespmem:s12+$0xB0]  }
0x239: {  	v5 =	vld [tilespmem:s12+$0x130]  }
0x23a: {  	_ = 	snop  }
0x23b: {  	v4 =	vadd.f32 v6, v4;
	_ =	sdelay $0x1  }
0x23c: {  	v2 =	vadd.f32 v2, v4;
	_ =	sdelay $0x1  }
0x23d: {  	s6 =	sadd.s32 $0x5, s8;
	v2 =	vadd.f32 v3, v2  }
0x23e: {  	p0 =	sge.u32 s6, s10  }
0x23f: {  	s6 =	smul.u32 @!p0 $0x140, s6;
	v2 =	vadd.f32 v5, v2  }
0x240: {  	s9 =	sshll.u32 s18, $0x4  }
0x241: {  	s18 =	sadd.s32 s5, s9;
	s6 =	sshra.s32 @!p0 s6, $0x2;
	[tilespmem:s7+$0xB270] =	vst v2  }
0x242: {  	[hbm4b:s18+s4] =	stream.linear.scatter [tilespmem:s29], [sflag:$0x6], $0x800, $0x38;
	[tilespmem:$0x11E80] =	vst v63  }
0x243: {  	v2 =	vld @!p0 [tilespmem:s6+$0x0];
	_ =	sdelay $0x6  }
0x244: {  	vm1 =	vmmov @!p0 $0xffff;
	s9 =	simm.s32 @!p0 $0x3200;
	s7 =	simm.s32 @!p0 $0x0  }
0x245: {  	[tilespmem:s9], [sflag:$0x2] =	stream.indirect_vreg.gather @!p0 [hbm4b:s1+s7], $0x80, v2, vm1, $0xb8;
	[tilespmem:$0x11E80] =	vst v63  }
0x246: {  	v2 =	vld @!p0 [tilespmem:s6+$0x10];
	_ =	sdelay $0x6  }
0x247: {  	s9 =	simm.s32 @!p0 $0x3A00  }
0x248: {  	[tilespmem:s9], [sflag:$0x2] =	stream.indirect_vreg.gather @!p0 [hbm4b:s1+s7], $0x80, v2, vm1, $0xb8;
	[tilespmem:$0x11E80] =	vst v63  }
0x249: {  	v2 =	vld @!p0 [tilespmem:s6+$0x20];
	_ =	sdelay $0x6  }
0x24a: {  	s9 =	simm.s32 @!p0 $0x4200  }
0x24b: {  	[tilespmem:s9], [sflag:$0x2] =	stream.indirect_vreg.gather @!p0 [hbm4b:s1+s7], $0x80, v2, vm1, $0xb8;
	[tilespmem:$0x11E80] =	vst v63  }
0x24c: {  	v2 =	vld @!p0 [tilespmem:s6+$0x30];
	_ =	sdelay $0x6  }
0x24d: {  	s9 =	simm.s32 @!p0 $0x4A00  }
0x24e: {  	[tilespmem:s9], [sflag:$0x2] =	stream.indirect_vreg.gather @!p0 [hbm4b:s1+s7], $0x80, v2, vm1, $0xb8;
	[tilespmem:$0x11E80] =	vst v63  }
0x24f: {  	v2 =	vld @!p0 [tilespmem:s6+$0x40];
	_ =	sdelay $0x6  }
0x250: {  	s6 =	simm.s32 @!p0 $0x5200  }
0x251: {  	[tilespmem:s6], [sflag:$0x2] =	stream.indirect_vreg.gather @!p0 [hbm4b:s1+s7], $0x80, v2, vm1, $0xb8;
	[tilespmem:$0x11E80] =	vst v63  }
0x252: {  	_ =	swait.ge [sflag:s30], $0x800  }
0x253: {  	[sflag:s30] =	ssyncset.done $0x0  }
0x254: {  	[sflag:s30] =	ssyncadd.s32 $0xFFFFF800  }
0x255: {  	_ =	swait.ge [sflag:s30], $0x800  }
0x256: {  	[sflag:s30] =	ssyncset.done $0x0  }
0x257: {  	[sflag:s30] =	ssyncadd.s32 $0xFFFFF800  }
0x258: {  	_ =	swait.ge [sflag:s30], $0x800  }
0x259: {  	[sflag:s30] =	ssyncset.done $0x0  }
0x25a: {  	[sflag:s30] =	ssyncadd.s32 $0xFFFFF800  }
0x25b: {  	_ =	swait.ge [sflag:s30], $0x800  }
0x25c: {  	[sflag:s30] =	ssyncset.done $0x0  }
0x25d: {  	[sflag:s30] =	ssyncadd.s32 $0xFFFFF800  }
0x25e: {  	_ =	swait.ge [sflag:s30], $0x800  }
0x25f: {  	[sflag:s30] =	ssyncset.done $0x0  }
0x260: {  	s6 =	simm.s32 @!p2 $0x7;
	[sflag:s30] =	ssyncadd.s32 $0xFFFFF800  }
0x261: {  	_ =	swait.ge @!p2 [sflag:s6], $0x800  }
0x262: {  	[sflag:s6] =	ssyncset.done @!p2 $0x0  }
0x263: {  	s12 =	simm.s32 $0x5B40;
	[sflag:s6] =	ssyncadd.s32 @!p2 $0xFFFFF800  }
0x264: {  	v2 =	vld [tilespmem:s12+$0xFFFFFF40]  }
0x265: {  	v3 =	vld [tilespmem:s12+$0xFFFFFEC0];
	_ =	sdelay $0x1  }
0x266: {  	v4 =	vld [tilespmem:s12+$0xFFFFFFC0];
	_ =	sdelay $0x1  }
0x267: {  	v5 =	vld [tilespmem:s12+$0x40]  }
0x268: {  	v2 =	vadd.f32 v2, v3  }
0x269: {  	v3 =	vld [tilespmem:s12+$0xC0]  }
0x26a: {  	v2 =	vadd.f32 v4, v2;
	_ =	sdelay $0x1  }
0x26b: {  	v2 =	vadd.f32 v5, v2;
	_ =	sdelay $0x1  }
0x26c: {  	v2 =	vadd.f32 v3, v2  }
0x26d: {  	s7 =	simm.s32 $0x0  }
0x26e: {  	[tilespmem:s7+$0xBA00] =	vst v2  }
0x26f: {  	v2 =	vld [tilespmem:s12+$0xFFFFFED0]  }
0x270: {  	v3 =	vld [tilespmem:s12+$0xFFFFFF50];
	_ =	sdelay $0x1  }
0x271: {  	v4 =	vld [tilespmem:s12+$0xFFFFFFD0];
	_ =	sdelay $0x1  }
0x272: {  	v5 =	vld [tilespmem:s12+$0x50]  }
0x273: {  	v2 =	vadd.f32 v3, v2  }
0x274: {  	v3 =	vld [tilespmem:s12+$0xD0]  }
0x275: {  	v2 =	vadd.f32 v4, v2;
	_ =	sdelay $0x1  }
0x276: {  	v2 =	vadd.f32 v5, v2;
	_ =	sdelay $0x1  }
0x277: {  	v2 =	vadd.f32 v3, v2;
	_ =	sdelay $0x1  }
0x278: {  	[tilespmem:s7+$0xBA10] =	vst v2  }
0x279: {  	v2 =	vld [tilespmem:s12+$0xFFFFFEE0]  }
0x27a: {  	v3 =	vld [tilespmem:s12+$0xFFFFFF60];
	_ =	sdelay $0x1  }
0x27b: {  	v4 =	vld [tilespmem:s12+$0xFFFFFFE0];
	_ =	sdelay $0x1  }
0x27c: {  	v5 =	vld [tilespmem:s12+$0x60]  }
0x27d: {  	v2 =	vadd.f32 v3, v2  }
0x27e: {  	v3 =	vld [tilespmem:s12+$0xE0]  }
0x27f: {  	v2 =	vadd.f32 v4, v2;
	_ =	sdelay $0x1  }
0x280: {  	v2 =	vadd.f32 v5, v2;
	_ =	sdelay $0x1  }
0x281: {  	v2 =	vadd.f32 v3, v2;
	_ =	sdelay $0x1  }
0x282: {  	[tilespmem:s7+$0xBA20] =	vst v2  }
0x283: {  	v2 =	vld [tilespmem:s12+$0xFFFFFEF0]  }
0x284: {  	v3 =	vld [tilespmem:s12+$0xFFFFFF70];
	_ =	sdelay $0x1  }
0x285: {  	v4 =	vld [tilespmem:s12+$0xFFFFFFF0];
	_ =	sdelay $0x1  }
0x286: {  	v5 =	vld [tilespmem:s12+$0x70]  }
0x287: {  	v2 =	vadd.f32 v3, v2  }
0x288: {  	v3 =	vld [tilespmem:s12+$0xF0]  }
0x289: {  	v2 =	vadd.f32 v4, v2;
	_ =	sdelay $0x1  }
0x28a: {  	v2 =	vadd.f32 v5, v2;
	_ =	sdelay $0x1  }
0x28b: {  	v2 =	vadd.f32 v3, v2;
	_ =	sdelay $0x1  }
0x28c: {  	[tilespmem:s7+$0xBA30] =	vst v2  }
0x28d: {  	v2 =	vld [tilespmem:s12+$0xFFFFFF00]  }
0x28e: {  	v3 =	vld [tilespmem:s12+$0xFFFFFF80];
	_ =	sdelay $0x1  }
0x28f: {  	v4 =	vld [tilespmem:s12+$0x0];
	_ =	sdelay $0x1  }
0x290: {  	v5 =	vld [tilespmem:s12+$0x80]  }
0x291: {  	v2 =	vadd.f32 v3, v2  }
0x292: {  	v3 =	vld [tilespmem:s12+$0x100]  }
0x293: {  	v2 =	vadd.f32 v4, v2;
	_ =	sdelay $0x1  }
0x294: {  	v2 =	vadd.f32 v5, v2;
	_ =	sdelay $0x1  }
0x295: {  	v2 =	vadd.f32 v3, v2;
	_ =	sdelay $0x1  }
0x296: {  	[tilespmem:s7+$0xBA40] =	vst v2  }
0x297: {  	v2 =	vld [tilespmem:s12+$0xFFFFFF10]  }
0x298: {  	v3 =	vld [tilespmem:s12+$0xFFFFFF90];
	_ =	sdelay $0x1  }
0x299: {  	v4 =	vld [tilespmem:s12+$0x10];
	_ =	sdelay $0x1  }
0x29a: {  	v5 =	vld [tilespmem:s12+$0x90]  }
0x29b: {  	v2 =	vadd.f32 v3, v2  }
0x29c: {  	v3 =	vld [tilespmem:s12+$0x110]  }
0x29d: {  	v2 =	vadd.f32 v4, v2;
	_ =	sdelay $0x1  }
0x29e: {  	v2 =	vadd.f32 v5, v2;
	_ =	sdelay $0x1  }
0x29f: {  	v2 =	vadd.f32 v3, v2;
	_ =	sdelay $0x1  }
0x2a0: {  	[tilespmem:s7+$0xBA50] =	vst v2  }
0x2a1: {  	v2 =	vld [tilespmem:s12+$0xFFFFFF20]  }
0x2a2: {  	v3 =	vld [tilespmem:s12+$0xFFFFFFA0];
	_ =	sdelay $0x1  }
0x2a3: {  	v4 =	vld [tilespmem:s12+$0x20];
	_ =	sdelay $0x1  }
0x2a4: {  	v5 =	vld [tilespmem:s12+$0xA0]  }
0x2a5: {  	v2 =	vadd.f32 v3, v2  }
0x2a6: {  	v3 =	vld [tilespmem:s12+$0x120]  }
0x2a7: {  	v2 =	vadd.f32 v4, v2;
	_ =	sdelay $0x1  }
0x2a8: {  	v2 =	vadd.f32 v5, v2;
	_ =	sdelay $0x1  }
0x2a9: {  	v2 =	vadd.f32 v3, v2;
	_ =	sdelay $0x1  }
0x2aa: {  	[tilespmem:s7+$0xBA60] =	vst v2  }
0x2ab: {  	v5 =	vld [tilespmem:s12+$0xFFFFFF30]  }
0x2ac: {  	v6 =	vld [tilespmem:s12+$0xFFFFFFB0]  }
0x2ad: {  	v3 =	vld [tilespmem:s12+$0x30]  }
0x2ae: {  	v2 =	vld [tilespmem:s12+$0xB0]  }
0x2af: {  	s18 =	sadd.s32 s11, s16;
	s9 =	simm.s32 $0x200;
	v4 =	vld [tilespmem:s12+$0x130]  }
.LBB2_14:
0x2b0: {  	p0 =	sne.s32 s9, $0x1E00  }
0x2b1: {  	s12 =	sadd.s32 $0x280, s12;
	s6 =	smov.u32 s9;
	s9 =	sadd.s32 $0x200, s9;
	v5 =	vadd.f32 v6, v5  }
0x2b2: {  	_ = 	snop  }
0x2b3: {  	v3 =	vadd.f32 v3, v5;
	_ =	sdelay $0x1  }
0x2b4: {  	v2 =	vadd.f32 v2, v3;
	_ =	sdelay $0x1  }
0x2b5: {  	v2 =	vadd.f32 v4, v2;
	_ =	sdelay $0x1  }
0x2b6: {  	[tilespmem:s7+$0xBA70] =	vst v2  }
0x2b7: {  	v2 =	vld [tilespmem:s12+$0xFFFFFF40]  }
0x2b8: {  	v3 =	vld [tilespmem:s12+$0xFFFFFEC0]  }
0x2b9: {  	v4 =	vld [tilespmem:s12+$0xFFFFFFC0];
	_ =	sdelay $0x2  }
0x2ba: {  	v5 =	vld [tilespmem:s12+$0x40]  }
0x2bb: {  	v2 =	vadd.f32 v2, v3  }
0x2bc: {  	v3 =	vld [tilespmem:s12+$0xC0]  }
0x2bd: {  	v2 =	vadd.f32 v4, v2;
	_ =	sdelay $0x1  }
0x2be: {  	v2 =	vadd.f32 v5, v2;
	_ =	sdelay $0x1  }
0x2bf: {  	v2 =	vadd.f32 v3, v2  }
0x2c0: {  	s7 =	sshra.s32 s6, $0x2  }
0x2c1: {  	[tilespmem:s7+$0xBA00] =	vst v2  }
0x2c2: {  	v2 =	vld [tilespmem:s12+$0xFFFFFED0]  }
0x2c3: {  	v3 =	vld [tilespmem:s12+$0xFFFFFF50];
	_ =	sdelay $0x1  }
0x2c4: {  	v4 =	vld [tilespmem:s12+$0xFFFFFFD0];
	_ =	sdelay $0x1  }
0x2c5: {  	v5 =	vld [tilespmem:s12+$0x50]  }
0x2c6: {  	v2 =	vadd.f32 v3, v2  }
0x2c7: {  	v3 =	vld [tilespmem:s12+$0xD0]  }
0x2c8: {  	v2 =	vadd.f32 v4, v2;
	_ =	sdelay $0x1  }
0x2c9: {  	v2 =	vadd.f32 v5, v2;
	_ =	sdelay $0x1  }
0x2ca: {  	v2 =	vadd.f32 v3, v2;
	_ =	sdelay $0x1  }
0x2cb: {  	[tilespmem:s7+$0xBA10] =	vst v2  }
0x2cc: {  	v2 =	vld [tilespmem:s12+$0xFFFFFEE0]  }
0x2cd: {  	v3 =	vld [tilespmem:s12+$0xFFFFFF60];
	_ =	sdelay $0x1  }
0x2ce: {  	v4 =	vld [tilespmem:s12+$0xFFFFFFE0];
	_ =	sdelay $0x1  }
0x2cf: {  	v5 =	vld [tilespmem:s12+$0x60]  }
0x2d0: {  	v2 =	vadd.f32 v3, v2  }
0x2d1: {  	v3 =	vld [tilespmem:s12+$0xE0]  }
0x2d2: {  	v2 =	vadd.f32 v4, v2;
	_ =	sdelay $0x1  }
0x2d3: {  	v2 =	vadd.f32 v5, v2;
	_ =	sdelay $0x1  }
0x2d4: {  	v2 =	vadd.f32 v3, v2;
	_ =	sdelay $0x1  }
0x2d5: {  	[tilespmem:s7+$0xBA20] =	vst v2  }
0x2d6: {  	v2 =	vld [tilespmem:s12+$0xFFFFFEF0]  }
0x2d7: {  	v3 =	vld [tilespmem:s12+$0xFFFFFF70];
	_ =	sdelay $0x1  }
0x2d8: {  	v4 =	vld [tilespmem:s12+$0xFFFFFFF0];
	_ =	sdelay $0x1  }
0x2d9: {  	v5 =	vld [tilespmem:s12+$0x70]  }
0x2da: {  	v2 =	vadd.f32 v3, v2  }
0x2db: {  	v3 =	vld [tilespmem:s12+$0xF0]  }
0x2dc: {  	v2 =	vadd.f32 v4, v2;
	_ =	sdelay $0x1  }
0x2dd: {  	v2 =	vadd.f32 v5, v2;
	_ =	sdelay $0x1  }
0x2de: {  	v2 =	vadd.f32 v3, v2;
	_ =	sdelay $0x1  }
0x2df: {  	[tilespmem:s7+$0xBA30] =	vst v2  }
0x2e0: {  	v2 =	vld [tilespmem:s12+$0xFFFFFF00]  }
0x2e1: {  	v3 =	vld [tilespmem:s12+$0xFFFFFF80];
	_ =	sdelay $0x1  }
0x2e2: {  	v4 =	vld [tilespmem:s12+$0x0];
	_ =	sdelay $0x1  }
0x2e3: {  	v5 =	vld [tilespmem:s12+$0x80]  }
0x2e4: {  	v2 =	vadd.f32 v3, v2  }
0x2e5: {  	v3 =	vld [tilespmem:s12+$0x100]  }
0x2e6: {  	v2 =	vadd.f32 v4, v2;
	_ =	sdelay $0x1  }
0x2e7: {  	v2 =	vadd.f32 v5, v2;
	_ =	sdelay $0x1  }
0x2e8: {  	v2 =	vadd.f32 v3, v2;
	_ =	sdelay $0x1  }
0x2e9: {  	[tilespmem:s7+$0xBA40] =	vst v2  }
0x2ea: {  	v2 =	vld [tilespmem:s12+$0xFFFFFF10]  }
0x2eb: {  	v3 =	vld [tilespmem:s12+$0xFFFFFF90]  }
0x2ec: {  	v4 =	vld [tilespmem:s12+$0x10]  }
0x2ed: {  	v5 =	vld [tilespmem:s12+$0x90]  }
0x2ee: {  	v6 =	vld [tilespmem:s12+$0x110];
	_ =	sdelay $0x1  }
0x2ef: {  	v2 =	vadd.f32 v3, v2;
	_ =	sdelay $0x1  }
0x2f0: {  	v2 =	vadd.f32 v4, v2;
	_ =	sdelay $0x1  }
0x2f1: {  	v2 =	vadd.f32 v5, v2;
	_ =	sdelay $0x1  }
0x2f2: {  	v2 =	vadd.f32 v6, v2;
	_ =	sdelay $0x1  }
0x2f3: {  	[tilespmem:s7+$0xBA50] =	vst v2  }
0x2f4: {  	v2 =	vld [tilespmem:s12+$0xFFFFFF20]  }
0x2f5: {  	v3 =	vld [tilespmem:s12+$0xFFFFFFA0]  }
0x2f6: {  	v4 =	vld [tilespmem:s12+$0x20]  }
0x2f7: {  	v5 =	vld [tilespmem:s12+$0xA0]  }
0x2f8: {  	v6 =	vld [tilespmem:s12+$0x120];
	_ =	sdelay $0x1  }
0x2f9: {  	v2 =	vadd.f32 v3, v2;
	_ =	sdelay $0x1  }
0x2fa: {  	v2 =	vadd.f32 v4, v2;
	_ =	sdelay $0x1  }
0x2fb: {  	v2 =	vadd.f32 v5, v2;
	_ =	sdelay $0x1  }
0x2fc: {  	v2 =	vadd.f32 v6, v2;
	_ =	sdelay $0x1  }
0x2fd: {  	[tilespmem:s7+$0xBA60] =	vst v2  }
.Ltmp8:
0x2fe: {  	v5 =	vld [tilespmem:s12+$0xFFFFFF30];
	(pc) =	sbr.rel @p0 .LBB2_14-.Ltmp8, $4  }
0x2ff: {  	v6 =	vld [tilespmem:s12+$0xFFFFFFB0]  }
0x300: {  	v3 =	vld [tilespmem:s12+$0x30]  }
0x301: {  	v2 =	vld [tilespmem:s12+$0xB0]  }
0x302: {  	v4 =	vld [tilespmem:s12+$0x130]  }
0x303: {  	_ = 	snop  }
0x304: {  	v5 =	vadd.f32 v6, v5;
	_ =	sdelay $0x1  }
0x305: {  	v3 =	vadd.f32 v3, v5;
	_ =	sdelay $0x1  }
0x306: {  	s6 =	sadd.s32 $0x6, s8;
	v2 =	vadd.f32 v2, v3  }
0x307: {  	p0 =	sge.u32 s6, s10  }
0x308: {  	s6 =	smul.u32 @!p0 $0x140, s6;
	v2 =	vadd.f32 v4, v2  }
0x309: {  	s9 =	sshll.u32 s18, $0x4  }
0x30a: {  	s18 =	sadd.s32 s5, s9;
	s6 =	sshra.s32 @!p0 s6, $0x2;
	[tilespmem:s7+$0xBA70] =	vst v2  }
0x30b: {  	[hbm4b:s18+s4] =	stream.linear.scatter [tilespmem:s31], [sflag:$0x7], $0x800, $0x38;
	[tilespmem:$0x11E80] =	vst v63  }
0x30c: {  	v2 =	vld @!p0 [tilespmem:s6+$0x0];
	_ =	sdelay $0x6  }
0x30d: {  	vm1 =	vmmov @!p0 $0xffff;
	s9 =	simm.s32 @!p0 $0x5A00;
	s7 =	simm.s32 @!p0 $0x0  }
0x30e: {  	[tilespmem:s9], [sflag:$0x3] =	stream.indirect_vreg.gather @!p0 [hbm4b:s1+s7], $0x80, v2, vm1, $0xb8;
	[tilespmem:$0x11E80] =	vst v63  }
0x30f: {  	v2 =	vld @!p0 [tilespmem:s6+$0x10];
	_ =	sdelay $0x6  }
0x310: {  	s9 =	simm.s32 @!p0 $0x6200  }
0x311: {  	[tilespmem:s9], [sflag:$0x3] =	stream.indirect_vreg.gather @!p0 [hbm4b:s1+s7], $0x80, v2, vm1, $0xb8;
	[tilespmem:$0x11E80] =	vst v63  }
0x312: {  	v2 =	vld @!p0 [tilespmem:s6+$0x20];
	_ =	sdelay $0x6  }
0x313: {  	s9 =	simm.s32 @!p0 $0x6A00  }
0x314: {  	[tilespmem:s9], [sflag:$0x3] =	stream.indirect_vreg.gather @!p0 [hbm4b:s1+s7], $0x80, v2, vm1, $0xb8;
	[tilespmem:$0x11E80] =	vst v63  }
0x315: {  	v2 =	vld @!p0 [tilespmem:s6+$0x30];
	_ =	sdelay $0x6  }
0x316: {  	s9 =	simm.s32 @!p0 $0x7200  }
0x317: {  	[tilespmem:s9], [sflag:$0x3] =	stream.indirect_vreg.gather @!p0 [hbm4b:s1+s7], $0x80, v2, vm1, $0xb8;
	[tilespmem:$0x11E80] =	vst v63  }
0x318: {  	v2 =	vld @!p0 [tilespmem:s6+$0x40];
	_ =	sdelay $0x6  }
0x319: {  	s6 =	simm.s32 @!p0 $0x7A00  }
0x31a: {  	[tilespmem:s6], [sflag:$0x3] =	stream.indirect_vreg.gather @!p0 [hbm4b:s1+s7], $0x80, v2, vm1, $0xb8;
	[tilespmem:$0x11E80] =	vst v63  }
0x31b: {  	_ =	swait.ge [sflag:s0], $0x800  }
0x31c: {  	[sflag:s0] =	ssyncset.done $0x0  }
0x31d: {  	[sflag:s0] =	ssyncadd.s32 $0xFFFFF800  }
0x31e: {  	_ =	swait.ge [sflag:s0], $0x800  }
0x31f: {  	[sflag:s0] =	ssyncset.done $0x0  }
0x320: {  	[sflag:s0] =	ssyncadd.s32 $0xFFFFF800  }
0x321: {  	_ =	swait.ge [sflag:s0], $0x800  }
0x322: {  	[sflag:s0] =	ssyncset.done $0x0  }
0x323: {  	[sflag:s0] =	ssyncadd.s32 $0xFFFFF800  }
0x324: {  	_ =	swait.ge [sflag:s0], $0x800  }
0x325: {  	[sflag:s0] =	ssyncset.done $0x0  }
0x326: {  	[sflag:s0] =	ssyncadd.s32 $0xFFFFF800  }
0x327: {  	_ =	swait.ge [sflag:s0], $0x800  }
0x328: {  	[sflag:s0] =	ssyncset.done $0x0  }
0x329: {  	s6 =	simm.s32 @!p2 $0x8;
	[sflag:s0] =	ssyncadd.s32 $0xFFFFF800  }
0x32a: {  	_ =	swait.ge @!p2 [sflag:s6], $0x800  }
0x32b: {  	[sflag:s6] =	ssyncset.done @!p2 $0x0  }
0x32c: {  	s12 =	simm.s32 $0x8340;
	[sflag:s6] =	ssyncadd.s32 @!p2 $0xFFFFF800  }
0x32d: {  	v2 =	vld [tilespmem:s12+$0xFFFFFF40]  }
0x32e: {  	v3 =	vld [tilespmem:s12+$0xFFFFFEC0];
	_ =	sdelay $0x1  }
0x32f: {  	v4 =	vld [tilespmem:s12+$0xFFFFFFC0];
	_ =	sdelay $0x1  }
0x330: {  	v5 =	vld [tilespmem:s12+$0x40]  }
0x331: {  	v2 =	vadd.f32 v2, v3  }
0x332: {  	v3 =	vld [tilespmem:s12+$0xC0]  }
0x333: {  	v2 =	vadd.f32 v4, v2;
	_ =	sdelay $0x1  }
0x334: {  	v2 =	vadd.f32 v5, v2;
	_ =	sdelay $0x1  }
0x335: {  	v2 =	vadd.f32 v3, v2  }
0x336: {  	s7 =	simm.s32 $0x0  }
0x337: {  	[tilespmem:s7+$0xC200] =	vst v2  }
0x338: {  	v2 =	vld [tilespmem:s12+$0xFFFFFED0]  }
0x339: {  	v3 =	vld [tilespmem:s12+$0xFFFFFF50];
	_ =	sdelay $0x1  }
0x33a: {  	v4 =	vld [tilespmem:s12+$0xFFFFFFD0];
	_ =	sdelay $0x1  }
0x33b: {  	v5 =	vld [tilespmem:s12+$0x50]  }
0x33c: {  	v2 =	vadd.f32 v3, v2  }
0x33d: {  	v3 =	vld [tilespmem:s12+$0xD0]  }
0x33e: {  	v2 =	vadd.f32 v4, v2;
	_ =	sdelay $0x1  }
0x33f: {  	v2 =	vadd.f32 v5, v2;
	_ =	sdelay $0x1  }
0x340: {  	v2 =	vadd.f32 v3, v2;
	_ =	sdelay $0x1  }
0x341: {  	[tilespmem:s7+$0xC210] =	vst v2  }
0x342: {  	v2 =	vld [tilespmem:s12+$0xFFFFFEE0]  }
0x343: {  	v3 =	vld [tilespmem:s12+$0xFFFFFF60];
	_ =	sdelay $0x1  }
0x344: {  	v4 =	vld [tilespmem:s12+$0xFFFFFFE0];
	_ =	sdelay $0x1  }
0x345: {  	v5 =	vld [tilespmem:s12+$0x60]  }
0x346: {  	v2 =	vadd.f32 v3, v2  }
0x347: {  	v3 =	vld [tilespmem:s12+$0xE0]  }
0x348: {  	v2 =	vadd.f32 v4, v2;
	_ =	sdelay $0x1  }
0x349: {  	v2 =	vadd.f32 v5, v2;
	_ =	sdelay $0x1  }
0x34a: {  	v2 =	vadd.f32 v3, v2;
	_ =	sdelay $0x1  }
0x34b: {  	[tilespmem:s7+$0xC220] =	vst v2  }
0x34c: {  	v2 =	vld [tilespmem:s12+$0xFFFFFEF0]  }
0x34d: {  	v3 =	vld [tilespmem:s12+$0xFFFFFF70];
	_ =	sdelay $0x1  }
0x34e: {  	v4 =	vld [tilespmem:s12+$0xFFFFFFF0];
	_ =	sdelay $0x1  }
0x34f: {  	v5 =	vld [tilespmem:s12+$0x70]  }
0x350: {  	v2 =	vadd.f32 v3, v2  }
0x351: {  	v3 =	vld [tilespmem:s12+$0xF0]  }
0x352: {  	v2 =	vadd.f32 v4, v2;
	_ =	sdelay $0x1  }
0x353: {  	v2 =	vadd.f32 v5, v2;
	_ =	sdelay $0x1  }
0x354: {  	v2 =	vadd.f32 v3, v2;
	_ =	sdelay $0x1  }
0x355: {  	[tilespmem:s7+$0xC230] =	vst v2  }
0x356: {  	v2 =	vld [tilespmem:s12+$0xFFFFFF00]  }
0x357: {  	v3 =	vld [tilespmem:s12+$0xFFFFFF80];
	_ =	sdelay $0x1  }
0x358: {  	v4 =	vld [tilespmem:s12+$0x0];
	_ =	sdelay $0x1  }
0x359: {  	v5 =	vld [tilespmem:s12+$0x80]  }
0x35a: {  	v2 =	vadd.f32 v3, v2  }
0x35b: {  	v3 =	vld [tilespmem:s12+$0x100]  }
0x35c: {  	v2 =	vadd.f32 v4, v2;
	_ =	sdelay $0x1  }
0x35d: {  	v2 =	vadd.f32 v5, v2;
	_ =	sdelay $0x1  }
0x35e: {  	v2 =	vadd.f32 v3, v2;
	_ =	sdelay $0x1  }
0x35f: {  	[tilespmem:s7+$0xC240] =	vst v2  }
0x360: {  	v2 =	vld [tilespmem:s12+$0xFFFFFF10]  }
0x361: {  	v3 =	vld [tilespmem:s12+$0xFFFFFF90];
	_ =	sdelay $0x1  }
0x362: {  	v4 =	vld [tilespmem:s12+$0x10];
	_ =	sdelay $0x1  }
0x363: {  	v5 =	vld [tilespmem:s12+$0x90]  }
0x364: {  	v2 =	vadd.f32 v3, v2  }
0x365: {  	v3 =	vld [tilespmem:s12+$0x110]  }
0x366: {  	v2 =	vadd.f32 v4, v2;
	_ =	sdelay $0x1  }
0x367: {  	v2 =	vadd.f32 v5, v2;
	_ =	sdelay $0x1  }
0x368: {  	v2 =	vadd.f32 v3, v2;
	_ =	sdelay $0x1  }
0x369: {  	[tilespmem:s7+$0xC250] =	vst v2  }
0x36a: {  	v2 =	vld [tilespmem:s12+$0xFFFFFF20]  }
0x36b: {  	v3 =	vld [tilespmem:s12+$0xFFFFFFA0];
	_ =	sdelay $0x1  }
0x36c: {  	v4 =	vld [tilespmem:s12+$0x20];
	_ =	sdelay $0x1  }
0x36d: {  	v5 =	vld [tilespmem:s12+$0xA0]  }
0x36e: {  	v2 =	vadd.f32 v3, v2  }
0x36f: {  	v3 =	vld [tilespmem:s12+$0x120]  }
0x370: {  	v2 =	vadd.f32 v4, v2;
	_ =	sdelay $0x1  }
0x371: {  	v2 =	vadd.f32 v5, v2;
	_ =	sdelay $0x1  }
0x372: {  	v2 =	vadd.f32 v3, v2;
	_ =	sdelay $0x1  }
0x373: {  	[tilespmem:s7+$0xC260] =	vst v2  }
0x374: {  	v5 =	vld [tilespmem:s12+$0xFFFFFF30]  }
0x375: {  	v6 =	vld [tilespmem:s12+$0xFFFFFFB0]  }
0x376: {  	v3 =	vld [tilespmem:s12+$0x30]  }
0x377: {  	v2 =	vld [tilespmem:s12+$0xB0]  }
0x378: {  	s11 =	sadd.s32 s11, s17;
	s9 =	simm.s32 $0x200;
	v4 =	vld [tilespmem:s12+$0x130]  }
.LBB2_16:
0x379: {  	p0 =	sne.s32 s9, $0x1E00  }
0x37a: {  	s12 =	sadd.s32 $0x280, s12;
	s6 =	smov.u32 s9;
	s9 =	sadd.s32 $0x200, s9;
	v5 =	vadd.f32 v6, v5  }
0x37b: {  	_ = 	snop  }
0x37c: {  	v3 =	vadd.f32 v3, v5;
	_ =	sdelay $0x1  }
0x37d: {  	v2 =	vadd.f32 v2, v3;
	_ =	sdelay $0x1  }
0x37e: {  	v2 =	vadd.f32 v4, v2;
	_ =	sdelay $0x1  }
0x37f: {  	[tilespmem:s7+$0xC270] =	vst v2  }
0x380: {  	v2 =	vld [tilespmem:s12+$0xFFFFFF40]  }
0x381: {  	v3 =	vld [tilespmem:s12+$0xFFFFFEC0]  }
0x382: {  	v4 =	vld [tilespmem:s12+$0xFFFFFFC0];
	_ =	sdelay $0x2  }
0x383: {  	v5 =	vld [tilespmem:s12+$0x40]  }
0x384: {  	v2 =	vadd.f32 v2, v3  }
0x385: {  	v3 =	vld [tilespmem:s12+$0xC0]  }
0x386: {  	v2 =	vadd.f32 v4, v2;
	_ =	sdelay $0x1  }
0x387: {  	v2 =	vadd.f32 v5, v2;
	_ =	sdelay $0x1  }
0x388: {  	v2 =	vadd.f32 v3, v2  }
0x389: {  	s7 =	sshra.s32 s6, $0x2  }
0x38a: {  	[tilespmem:s7+$0xC200] =	vst v2  }
0x38b: {  	v2 =	vld [tilespmem:s12+$0xFFFFFED0]  }
0x38c: {  	v3 =	vld [tilespmem:s12+$0xFFFFFF50];
	_ =	sdelay $0x1  }
0x38d: {  	v4 =	vld [tilespmem:s12+$0xFFFFFFD0];
	_ =	sdelay $0x1  }
0x38e: {  	v5 =	vld [tilespmem:s12+$0x50]  }
0x38f: {  	v2 =	vadd.f32 v3, v2  }
0x390: {  	v3 =	vld [tilespmem:s12+$0xD0]  }
0x391: {  	v2 =	vadd.f32 v4, v2;
	_ =	sdelay $0x1  }
0x392: {  	v2 =	vadd.f32 v5, v2;
	_ =	sdelay $0x1  }
0x393: {  	v2 =	vadd.f32 v3, v2;
	_ =	sdelay $0x1  }
0x394: {  	[tilespmem:s7+$0xC210] =	vst v2  }
0x395: {  	v2 =	vld [tilespmem:s12+$0xFFFFFEE0]  }
0x396: {  	v3 =	vld [tilespmem:s12+$0xFFFFFF60];
	_ =	sdelay $0x1  }
0x397: {  	v4 =	vld [tilespmem:s12+$0xFFFFFFE0];
	_ =	sdelay $0x1  }
0x398: {  	v5 =	vld [tilespmem:s12+$0x60]  }
0x399: {  	v2 =	vadd.f32 v3, v2  }
0x39a: {  	v3 =	vld [tilespmem:s12+$0xE0]  }
0x39b: {  	v2 =	vadd.f32 v4, v2;
	_ =	sdelay $0x1  }
0x39c: {  	v2 =	vadd.f32 v5, v2;
	_ =	sdelay $0x1  }
0x39d: {  	v2 =	vadd.f32 v3, v2;
	_ =	sdelay $0x1  }
0x39e: {  	[tilespmem:s7+$0xC220] =	vst v2  }
0x39f: {  	v2 =	vld [tilespmem:s12+$0xFFFFFEF0]  }
0x3a0: {  	v3 =	vld [tilespmem:s12+$0xFFFFFF70];
	_ =	sdelay $0x1  }
0x3a1: {  	v4 =	vld [tilespmem:s12+$0xFFFFFFF0];
	_ =	sdelay $0x1  }
0x3a2: {  	v5 =	vld [tilespmem:s12+$0x70]  }
0x3a3: {  	v2 =	vadd.f32 v3, v2  }
0x3a4: {  	v3 =	vld [tilespmem:s12+$0xF0]  }
0x3a5: {  	v2 =	vadd.f32 v4, v2;
	_ =	sdelay $0x1  }
0x3a6: {  	v2 =	vadd.f32 v5, v2;
	_ =	sdelay $0x1  }
0x3a7: {  	v2 =	vadd.f32 v3, v2;
	_ =	sdelay $0x1  }
0x3a8: {  	[tilespmem:s7+$0xC230] =	vst v2  }
0x3a9: {  	v2 =	vld [tilespmem:s12+$0xFFFFFF00]  }
0x3aa: {  	v3 =	vld [tilespmem:s12+$0xFFFFFF80];
	_ =	sdelay $0x1  }
0x3ab: {  	v4 =	vld [tilespmem:s12+$0x0];
	_ =	sdelay $0x1  }
0x3ac: {  	v5 =	vld [tilespmem:s12+$0x80]  }
0x3ad: {  	v2 =	vadd.f32 v3, v2  }
0x3ae: {  	v3 =	vld [tilespmem:s12+$0x100]  }
0x3af: {  	v2 =	vadd.f32 v4, v2;
	_ =	sdelay $0x1  }
0x3b0: {  	v2 =	vadd.f32 v5, v2;
	_ =	sdelay $0x1  }
0x3b1: {  	v2 =	vadd.f32 v3, v2;
	_ =	sdelay $0x1  }
0x3b2: {  	[tilespmem:s7+$0xC240] =	vst v2  }
0x3b3: {  	v2 =	vld [tilespmem:s12+$0xFFFFFF10]  }
0x3b4: {  	v3 =	vld [tilespmem:s12+$0xFFFFFF90]  }
0x3b5: {  	v4 =	vld [tilespmem:s12+$0x10]  }
0x3b6: {  	v5 =	vld [tilespmem:s12+$0x90]  }
0x3b7: {  	v6 =	vld [tilespmem:s12+$0x110];
	_ =	sdelay $0x1  }
0x3b8: {  	v2 =	vadd.f32 v3, v2;
	_ =	sdelay $0x1  }
0x3b9: {  	v2 =	vadd.f32 v4, v2;
	_ =	sdelay $0x1  }
0x3ba: {  	v2 =	vadd.f32 v5, v2;
	_ =	sdelay $0x1  }
0x3bb: {  	v2 =	vadd.f32 v6, v2;
	_ =	sdelay $0x1  }
0x3bc: {  	[tilespmem:s7+$0xC250] =	vst v2  }
0x3bd: {  	v2 =	vld [tilespmem:s12+$0xFFFFFF20]  }
0x3be: {  	v3 =	vld [tilespmem:s12+$0xFFFFFFA0]  }
0x3bf: {  	v4 =	vld [tilespmem:s12+$0x20]  }
0x3c0: {  	v5 =	vld [tilespmem:s12+$0xA0]  }
0x3c1: {  	v6 =	vld [tilespmem:s12+$0x120];
	_ =	sdelay $0x1  }
0x3c2: {  	v2 =	vadd.f32 v3, v2;
	_ =	sdelay $0x1  }
0x3c3: {  	v2 =	vadd.f32 v4, v2;
	_ =	sdelay $0x1  }
0x3c4: {  	v2 =	vadd.f32 v5, v2;
	_ =	sdelay $0x1  }
0x3c5: {  	v2 =	vadd.f32 v6, v2;
	_ =	sdelay $0x1  }
0x3c6: {  	[tilespmem:s7+$0xC260] =	vst v2  }
.Ltmp9:
0x3c7: {  	v5 =	vld [tilespmem:s12+$0xFFFFFF30];
	(pc) =	sbr.rel @p0 .LBB2_16-.Ltmp9, $4  }
0x3c8: {  	v6 =	vld [tilespmem:s12+$0xFFFFFFB0]  }
0x3c9: {  	v3 =	vld [tilespmem:s12+$0x30]  }
0x3ca: {  	v2 =	vld [tilespmem:s12+$0xB0]  }
0x3cb: {  	v4 =	vld [tilespmem:s12+$0x130]  }
0x3cc: {  	_ = 	snop  }
0x3cd: {  	v5 =	vadd.f32 v6, v5;
	_ =	sdelay $0x1  }
0x3ce: {  	v3 =	vadd.f32 v3, v5;
	_ =	sdelay $0x1  }
0x3cf: {  	s6 =	sadd.s32 $0x7, s8;
	v2 =	vadd.f32 v2, v3  }
0x3d0: {  	p0 =	sge.u32 s6, s10  }
0x3d1: {  	s6 =	smul.u32 @!p0 $0x140, s6;
	v2 =	vadd.f32 v4, v2  }
0x3d2: {  	s12 =	sshll.u32 s11, $0x4  }
0x3d3: {  	s18 =	sadd.s32 s5, s12;
	s6 =	sshra.s32 @!p0 s6, $0x2;
	[tilespmem:s7+$0xC270] =	vst v2  }
0x3d4: {  	[hbm4b:s18+s4] =	stream.linear.scatter [tilespmem:s24], [sflag:$0x8], $0x800, $0x38;
	[tilespmem:$0x11E80] =	vst v63  }
0x3d5: {  	v2 =	vld @!p0 [tilespmem:s6+$0x0];
	_ =	sdelay $0x6  }
0x3d6: {  	vm1 =	vmmov @!p0 $0xffff;
	s8 =	simm.s32 @!p0 $0x8200;
	s7 =	simm.s32 @!p0 $0x0  }
0x3d7: {  	[tilespmem:s8], [sflag:$0x4] =	stream.indirect_vreg.gather @!p0 [hbm4b:s1+s7], $0x80, v2, vm1, $0xb8;
	[tilespmem:$0x11E80] =	vst v63  }
0x3d8: {  	v2 =	vld @!p0 [tilespmem:s6+$0x10];
	_ =	sdelay $0x6  }
0x3d9: {  	s8 =	simm.s32 @!p0 $0x8A00  }
0x3da: {  	[tilespmem:s8], [sflag:$0x4] =	stream.indirect_vreg.gather @!p0 [hbm4b:s1+s7], $0x80, v2, vm1, $0xb8;
	[tilespmem:$0x11E80] =	vst v63  }
0x3db: {  	v2 =	vld @!p0 [tilespmem:s6+$0x20];
	_ =	sdelay $0x6  }
0x3dc: {  	s8 =	simm.s32 @!p0 $0x9200  }
0x3dd: {  	[tilespmem:s8], [sflag:$0x4] =	stream.indirect_vreg.gather @!p0 [hbm4b:s1+s7], $0x80, v2, vm1, $0xb8;
	[tilespmem:$0x11E80] =	vst v63  }
0x3de: {  	v2 =	vld @!p0 [tilespmem:s6+$0x30];
	_ =	sdelay $0x6  }
0x3df: {  	s8 =	simm.s32 @!p0 $0x9A00  }
0x3e0: {  	[tilespmem:s8], [sflag:$0x4] =	stream.indirect_vreg.gather @!p0 [hbm4b:s1+s7], $0x80, v2, vm1, $0xb8;
	[tilespmem:$0x11E80] =	vst v63  }
0x3e1: {  	v2 =	vld @!p0 [tilespmem:s6+$0x40];
	_ =	sdelay $0x6  }
0x3e2: {  	s2 =	sadd.s32 $0x1, s2;
	s6 =	simm.s32 @!p0 $0xA200  }
0x3e3: {  	[tilespmem:s6], [sflag:$0x4] =	stream.indirect_vreg.gather @!p0 [hbm4b:s1+s7], $0x80, v2, vm1, $0xb8;
	[tilespmem:$0x11E80] =	vst v63  }
0x3e4: {  	p0 =	sne.s32 s2, s13  }
.Ltmp10:
0x3e5: {  	_ = 	snop;
	(pc) =	sbr.rel @p0 .LBB2_9-.Ltmp10, $1  }
0x3e6: {  	_ =	sdelay $0x3  }
0x3e7: {  	s2 =	simm.s32 $0x5  }
0x3e8: {  	_ =	swait.ge [sflag:s2], $0x800  }
0x3e9: {  	[sflag:s2] =	ssyncset.done $0x0  }
0x3ea: {  	s9 =	simm.s32 $0x6;
	[sflag:s2] =	ssyncadd.s32 $0xFFFFF800  }
0x3eb: {  	_ =	swait.ge [sflag:s9], $0x800  }
0x3ec: {  	[sflag:s9] =	ssyncset.done $0x0  }
0x3ed: {  	s11 =	simm.s32 $0x7;
	[sflag:s9] =	ssyncadd.s32 $0xFFFFF800  }
0x3ee: {  	_ =	swait.ge [sflag:s11], $0x800  }
0x3ef: {  	[sflag:s11] =	ssyncset.done $0x0  }
0x3f0: {  	s12 =	simm.s32 $0x8;
	[sflag:s11] =	ssyncadd.s32 $0xFFFFF800  }
0x3f1: {  	_ =	swait.ge [sflag:s12], $0x800  }
0x3f2: {  	s18 =	rddreg [dreg:$0xa]  }
0x3f3: {  	p0 =	sne.s32 s18, $0x1  }
.Ltmp11:
0x3f4: {  	_ = 	snop;
	(pc) =	sbr.rel @!p0 .LBB2_20-.Ltmp11, $4  }
0x3f5: {  	[sflag:s12] =	ssyncset.done $0x0  }
0x3f6: {  	[sflag:s12] =	ssyncadd.s32 $0xFFFFF800  }
0x3f7: {  	_ =	swait.ge [sflag:s19], $0x10  }
0x3f8: {  	s2 =	sadd.s32 $0xFFFFFFFF, s18;
	[sflag:s19] =	ssyncset.done $0x0;
	s9 =	rddreg [dreg:$0x7]  }
.LBB2_19:
0x3f9: {  	p0 =	sne.s32 s2, $0x1;
	s2 =	sadd.s32 $0xFFFFFFFF, s2;
	[sflag:s19] =	ssyncadd.s32 $0xFFFFFFF0  }
.Ltmp12:
0x3fa: {  	(pc) =	sbr.rel @p0 .LBB2_19-.Ltmp12, $3  }
0x3fb: {  	_ =	sdelay $0x1  }
0x3fc: {  	_ =	swait.ge [sflag:s19], $0x10  }
0x3fd: {  	[sflag:s19] =	ssyncset.done $0x0  }
.LBB2_20:
0x3fe: {  	[sflag:s19] =	ssyncadd.s32 $0xFFFFFFF0;
	s8 =	stileid.u32  }
0x3ff: {  	s2 =	sshll.u32 @!p5 s8, $0x6;
	[bflag:$0x0] =	sbarrier.arrive $0xFFFF  }
0x400: {  	s6 =	sshrl.u32 @!p5 s9, $0x3;
	s2 =	sor.u32 @!p5 $0x1C0A, s2;
	s7 =	rddreg [dreg:$0xd]  }
0x401: {  	[hbm:s7], [sflag:s2] =	dma.local @!p5 [spmem:s6], $0x50  }
0x402: {  	s2 =	simm.s32 @!p5 $0xA  }
0x403: {  	_ =	swait.ge @!p5 [sflag:s2], $0x50  }
0x404: {  	s6 =	sshll.u32 @p6 s8, $0x6;
	[sflag:s2] =	ssyncset.done @!p5 $0x0;
	s8 =	rddreg [dreg:$0xe]  }
0x405: {  	[sflag:s2] =	ssyncadd.s32 @!p5 $0xFFFFFFB0;
	s2 =	sor.u32 @p6 $0x1C0A, s6;
	s6 =	sshrl.u32 @p6 s9, $0x3  }
0x406: {  	[hbm:s8], [sflag:s2] =	dma.local @p6 [spmem:s6], $0x50  }
0x407: {  	s2 =	simm.s32 @p6 $0xA  }
0x408: {  	_ =	swait.ge @p6 [sflag:s2], $0x50  }
0x409: {  	s20 =	sadd.s32 $0x1, s20;
	s18 =	rddreg [dreg:$0xf]  }
0x40a: {  	p0 =	sne.s32 s20, s18  }
.Ltmp13:
0x40b: {  	_ = 	snop;
	(pc) =	sbr.rel @p0 .LBB2_1-.Ltmp13, $3  }
0x40c: {  	_ =	sdelay $0x1  }
0x40d: {  	[sflag:s2] =	ssyncset.done @p6 $0x0  }
0x40e: {  	s7 =	stileid.u32;
	[sflag:s2] =	ssyncadd.s32 @p6 $0xFFFFFFB0  }
0x40f: {  	_ =	sfence.sel $0x180000  }
0x410: {  	[bflag:$0x0] =	sbarrier.arrive $0xFFFF  }
0x411: {  	_ =	strace $0x90000047  }
0x412: {  	[bflag:$0x2] =	sbarrier.arrive $0xFFFF  }
0x413: {  	p0 =	sne.s32 s7, $0x0;
	s0 =	rddreg [dreg:$0x6]  }
0x414: {  	s0 =	sadd.s32 @!p0 $0x100000, s0  }
0x415: {  	[sflag:s0] =	ssyncadd.tile.s32 @!p0 $0x1;
	_ =	shalt  }
.Lfunc_end2:
_tile_overlayer_lowered:
.L_overlay_start_2:
0x416: {  	(tag) =	ssettag $0x2  }
0x417: {  	s0 =	rddreg [dreg:$0x0];
	s2 =	stileid.u32  }
0x418: {  	s1 =	rddreg [dreg:$0x1];
	p0 =	sne.s32 s2, $0x0  }
0x419: {  	s3 =	rddreg [dreg:$0x2];
	[bflag:$0x3] =	sbarrier.arrive $0xFFFF;
	s2 =	simm.s32 @!p0 $0x1C0A  }
0x41a: {  	[timem:s3], [sflag:s2] =	dma.local @!p0 [hbm:s0], s1  }
0x41b: {  	s0 =	simm.s32 @!p0 $0xA  }
0x41c: {  	_ =	swait.ge @!p0 [sflag:s0], s1  }
0x41d: {  	s1 =	ssub.s32 @!p0 $0x0, s1;
	[sflag:s0] =	ssyncset.done @!p0 $0x0  }
0x41e: {  	[sflag:s0] =	ssyncadd.s32 @!p0 s1  }
0x41f: {  	[bflag:$0x3] =	sbarrier.arrive $0xFFFF  }
0x420: {  	_ =	shalt  }

</sc_bundles>
